<compile_context>
chip_gen: v7x
topology: tpu7x:2x2x1
jax: 0.10.2.dev20260603
libtpu: 0.0.44.dev20260713+nightly
codegen_flags: <defaults>
</compile_context>

<pallas_src>
import functools

import jax
import jax.numpy as jnp
from jax import lax
from jax.experimental import pallas as pl
from jax.experimental.pallas import tpu as pltpu
from jax.experimental.pallas import tpu_sc as plsc

B = 4096
VOCAB = 100000
DIM = 64
NUM_TABLES = 8
NUM_WEIGHTED = 2
NUM_ALL = NUM_TABLES + NUM_WEIGHTED
POOL = 20

CH = 4096
NRI = VOCAB // CH
TAIL = VOCAB - NRI * CH
VP = (NRI + 1) * CH
NBUF = 6
BPC = B // 2
CHUNK = 512
NCHUNK = BPC // CHUNK
L = 16


def _make_proj_body(t):
    nst = t * NRI

    def body(e_hbm, w_ref, o_ref, *rest):
        bufs = rest[:NBUF]
        tbufs = rest[NBUF:NBUF + t]
        sems, tsem = rest[NBUF + t], rest[NBUF + t + 1]

        def _copy(c, b):
            tt = c // NRI
            jj = c % NRI
            return pltpu.make_async_copy(
                e_hbm.at[tt, pl.ds(jj * CH, CH), :], bufs[b], sems.at[b])

        for b in range(NBUF):
            _copy(b, b).start(priority=b % 2)

        def step(i, _):
            c0 = i * NBUF
            for b in range(NBUF):
                c = c0 + b
                _copy(c, b).wait()
                tt = c // NRI
                jj = c % NRI
                e = bufs[b][...]
                w = w_ref[pl.ds(tt, 1)]
                r = lax.dot_general(
                    w, e, (((1,), (1,)), ((), ())),
                    preferred_element_type=jnp.float32)
                o_ref[pl.ds(tt, 1), pl.ds(jj * CH, CH)] = r
                cn = c + NBUF

                @pl.when(cn < nst)
                def _next():
                    _copy(cn, b).start(priority=b % 2)
            return 0

        lax.fori_loop(0, nst // NBUF, step, 0)

        def _tcopy(tt):
            return pltpu.make_async_copy(
                e_hbm.at[tt, pl.ds(NRI * CH, TAIL), :], tbufs[tt], tsem)

        for tt in range(t):
            _tcopy(tt).start()
        for tt in range(t):
            _tcopy(tt).wait()
            r = lax.dot_general(
                w_ref[pl.ds(tt, 1)], tbufs[tt][...], (((1,), (1,)), ((), ())),
                preferred_element_type=jnp.float32)
            o_ref[pl.ds(tt, 1), pl.ds(NRI * CH, TAIL)] = r

    return body


def _project(tables, w_rows):
    t = tables.shape[0]
    return pl.pallas_call(
        _make_proj_body(t),
        in_specs=[
            pl.BlockSpec(memory_space=pltpu.HBM),
            pl.BlockSpec((t, DIM), lambda: (0, 0)),
        ],
        out_specs=pl.BlockSpec((t, VP), lambda: (0, 0)),
        out_shape=jax.ShapeDtypeStruct((t, VP), jnp.float32),
        scratch_shapes=(
            [pltpu.VMEM((CH, DIM), jnp.float32) for _ in range(NBUF)]
            + [pltpu.VMEM((TAIL, DIM), jnp.float32) for _ in range(t)]
            + [pltpu.SemaphoreType.DMA((NBUF,)), pltpu.SemaphoreType.DMA]),
    )(tables, w_rows)


def _combine_body(c_ref, v_ref, x_ref, p_ref, o_ref):
    d = lax.dot_general(
        v_ref[...], x_ref[...], (((1,), (1,)), ((), ())),
        preferred_element_type=jnp.float32)
    s = jnp.sum(p_ref[...], axis=0, keepdims=True)
    z = d + s + c_ref[0]
    o_ref[...] = 1.0 / (1.0 + jnp.exp(-z))


def _combine(x, v_row, parts, const):
    nf = x.shape[1]
    return pl.pallas_call(
        _combine_body,
        in_specs=[
            pl.BlockSpec(memory_space=pltpu.SMEM),
            pl.BlockSpec((1, nf), lambda: (0, 0)),
            pl.BlockSpec((B, nf), lambda: (0, 0)),
            pl.BlockSpec((NUM_ALL, B), lambda: (0, 0)),
        ],
        out_specs=pl.BlockSpec((1, B), lambda: (0, 0)),
        out_shape=jax.ShapeDtypeStruct((1, B), jnp.float32),
    )(const.reshape(1), v_row, x, parts)


def _make_sc_kernel():
    mesh = plsc.VectorSubcoreMesh(core_axis_name="c", subcore_axis_name="s")

    @functools.partial(
        pl.kernel,
        mesh=mesh,
        out_type=jax.ShapeDtypeStruct((NUM_ALL, B), jnp.float32),
        compiler_params=pltpu.CompilerParams(needs_layout_passes=False),
        scratch_types=[
            pltpu.VMEM((VP,), jnp.float32),
            pltpu.VMEM((POOL, CHUNK), jnp.int32),
            pltpu.VMEM((POOL, CHUNK), jnp.float32),
            pltpu.VMEM((BPC,), jnp.float32),
        ],
    )
    def sc_kernel(proj_a, proj_b, idx_a, idx_b, wts, out,
                  table_v, idx_v, wts_v, partial_v):
        c = lax.axis_index("c")
        s = lax.axis_index("s")
        sc_base = c * BPC

        @pl.when(s < NUM_TABLES)
        def _stage_a():
            pltpu.sync_copy(proj_a.at[s], table_v)

        @pl.when(jnp.logical_and(s >= NUM_TABLES, s < NUM_ALL))
        def _stage_b():
            pltpu.sync_copy(proj_b.at[s - NUM_TABLES], table_v)

        def _pooled(ci, weighted):
            def group(g, _):
                acc = jnp.zeros((L,), jnp.float32)
                for p in range(POOL):
                    iv = idx_v[p, pl.ds(g * L, L)]
                    val = plsc.load_gather(table_v, [iv])
                    if weighted:
                        val = val * wts_v[p, pl.ds(g * L, L)]
                    acc = acc + val
                partial_v[pl.ds(ci * CHUNK + g * L, L)] = acc
                return 0
            lax.fori_loop(0, CHUNK // L, group, 0)

        @pl.when(s < NUM_TABLES)
        def _gather_plain():
            for ci in range(NCHUNK):
                pltpu.sync_copy(
                    idx_a.at[s, :, pl.ds(sc_base + ci * CHUNK, CHUNK)], idx_v)
                _pooled(ci, weighted=False)
            pltpu.sync_copy(partial_v, out.at[s, pl.ds(sc_base, BPC)])

        @pl.when(jnp.logical_and(s >= NUM_TABLES, s < NUM_ALL))
        def _gather_weighted():
            t = s - NUM_TABLES
            for ci in range(NCHUNK):
                off = sc_base + ci * CHUNK
                pltpu.sync_copy(idx_b.at[t, :, pl.ds(off, CHUNK)], idx_v)
                pltpu.sync_copy(wts.at[t, :, pl.ds(off, CHUNK)], wts_v)
                _pooled(ci, weighted=True)
            pltpu.sync_copy(partial_v, out.at[s, pl.ds(sc_base, BPC)])

    return sc_kernel


_SC_KERNEL = _make_sc_kernel()


def kernel(float_features, idlist_indices, idscore_indices, idscore_weights,
           emb_tables, w_emb_tables, dense_w, dense_b, over_w, over_b):
    w_bar = jnp.mean(over_w, axis=1)
    b_bar = jnp.mean(over_b)
    w_d = w_bar[:8]
    w_rows_a = w_bar[8:8 + NUM_TABLES * DIM].reshape(NUM_TABLES, DIM)
    w_rows_b = w_bar[8 + NUM_TABLES * DIM:].reshape(NUM_WEIGHTED, DIM)

    proj_a = _project(emb_tables, w_rows_a)
    proj_b = _project(w_emb_tables, w_rows_b)

    idx_a = idlist_indices.transpose(1, 2, 0).astype(jnp.int32)
    idx_b = idscore_indices.transpose(1, 2, 0).astype(jnp.int32)
    wts = idscore_weights.transpose(1, 2, 0)

    parts = _SC_KERNEL(proj_a, proj_b, idx_a, idx_b, wts)

    v_dense = (dense_w @ w_d)[None, :]
    const = jnp.dot(dense_b, w_d) + b_bar
    return _combine(float_features, v_dense, parts, const)[0]

# --- scband reference (transcript-rebuilt; emitter-appended) ---
"""Pipeline reference for scband-test-sparse-nn-22746146799981 (READ-ONLY COPY).

The authoritative reference and input builder live on the scoring server;
editing this copy changes nothing except your own understanding.
"""

import jax, jax.numpy as jnp
import numpy as np

B = 4096
NUM_FLOAT = 128
VOCAB = 100000
DIM = 64
NUM_TABLES = 8
NUM_WEIGHTED = 2
POOL = 20
DENSE_OUT = 8
OVER_OUT = 16


def setup_inputs(seed: int = 0) -> dict:
    key = jax.random.key(seed)
    ks = jax.random.split(key, 12)
    sparse_dim = (NUM_TABLES + NUM_WEIGHTED) * DIM
    return {
        "float_features": jax.random.normal(ks[0], (B, NUM_FLOAT), dtype=jnp.float32),
        "idlist_indices": jax.random.randint(ks[1], (B, NUM_TABLES, POOL), 0, VOCAB, dtype=jnp.int64),
        "idscore_indices": jax.random.randint(ks[2], (B, NUM_WEIGHTED, POOL), 0, VOCAB, dtype=jnp.int64),
        "idscore_weights": jax.random.uniform(ks[3], (B, NUM_WEIGHTED, POOL), dtype=jnp.float32),
        "emb_tables": jax.random.normal(ks[4], (NUM_TABLES, VOCAB, DIM), dtype=jnp.float32) * 0.01,
        "w_emb_tables": jax.random.normal(ks[5], (NUM_WEIGHTED, VOCAB, DIM), dtype=jnp.float32) * 0.01,
        "dense_w": jax.random.normal(ks[6], (NUM_FLOAT, DENSE_OUT), dtype=jnp.float32) * (1.0 / np.sqrt(NUM_FLOAT)),
        "dense_b": jnp.zeros((DENSE_OUT,), dtype=jnp.float32),
        "over_w": jax.random.normal(ks[7], (DENSE_OUT + sparse_dim, OVER_OUT), dtype=jnp.float32) * (1.0 / np.sqrt(DENSE_OUT + sparse_dim)),
        "over_b": jnp.zeros((OVER_OUT,), dtype=jnp.float32),
    }


def reference(float_features, idlist_indices, idscore_indices, idscore_weights,
              emb_tables, w_emb_tables, dense_w, dense_b, over_w, over_b):
    # TestDenseArch: single linear on float features -> [B, 8]
    dense_r = float_features @ dense_w + dense_b

    # TestSparseArch (EmbeddingBagCollection, sum pooling): per-feature gather + pooled sum
    pooled = []
    for f in range(NUM_TABLES):
        emb = jnp.take(emb_tables[f], idlist_indices[:, f, :], axis=0)  # [B, POOL, DIM]
        pooled.append(jnp.sum(emb, axis=1))
    # weighted EBC: per-sample weights applied before pooled sum
    for f in range(NUM_WEIGHTED):
        emb = jnp.take(w_emb_tables[f], idscore_indices[:, f, :], axis=0)  # [B, POOL, DIM]
        pooled.append(jnp.sum(emb * idscore_weights[:, f, :, None], axis=1))
    sparse_r = jnp.concatenate(pooled, axis=1)  # [B, (F+WF)*DIM]

    # TestOverArch: linear on concat(dense, sparse) -> [B, 16]
    over_in = jnp.concatenate([dense_r, sparse_r], axis=1)
    over_r = over_in @ over_w + over_b

    # prediction head: sigmoid(mean over out dim)
    pred = jax.nn.sigmoid(jnp.mean(over_r, axis=1))
    return pred

if __name__ == "__main__":
    import jax
    _d = setup_inputs()
    print(jax.jit(kernel)(*tuple(_d.values())))

</pallas_src>

<mosaic_0001>
#map = affine_map<(d0, d1) -> (0, 0)>
#map1 = affine_map<(d0, d1) -> (0, 0, 0)>
module attributes {stable_mosaic.version = 14 : i64} {
  func.func @sc_kernel(%arg0: i32, %arg1: i32, %arg2: memref<8x102400xf32, #tpu.memory_space<hbm>>, %arg3: memref<2x102400xf32, #tpu.memory_space<hbm>>, %arg4: memref<8x20x4096xi32, #tpu.memory_space<hbm>>, %arg5: memref<2x20x4096xi32, #tpu.memory_space<hbm>>, %arg6: memref<2x20x4096xf32, #tpu.memory_space<hbm>>, %arg7: memref<10x4096xf32, #tpu.memory_space<hbm>>, %arg8: memref<102400xf32, #tpu.memory_space<vmem>>, %arg9: memref<20x512xi32, #tpu.memory_space<vmem>>, %arg10: memref<20x512xf32, #tpu.memory_space<vmem>>, %arg11: memref<2048xf32, #tpu.memory_space<vmem>>) attributes {dimension_semantics = [#tpu.dimension_semantics<core_parallel>, #tpu.dimension_semantics<subcore_parallel>], iteration_bounds = array<i64: 2, 16>, scalar_prefetch = 0 : i64, scratch_operands = 4 : i64, tpu.core_type = #tpu.core_type<sc_vector_subcore>, window_params = [{transform_indices = #map}, {transform_indices = #map}, {transform_indices = #map1}, {transform_indices = #map1}, {transform_indices = #map1}, {transform_indices = #map}]} {
    %mul3A = arith.constant 2048 : i32
    %mul3A_0 = arith.muli %arg0, %mul3A : i32
    %lt3A = arith.constant 8 : i32
    %lt3A_1 = arith.cmpi slt, %arg1, %lt3A : i32
    %convert_element_type3A = arith.extui %lt3A_1 : i1 to i32
    %cond3A = arith.constant 0 : i32
    %cond3A_2 = arith.cmpi ne, %convert_element_type3A, %cond3A : i32
    scf.if %cond3A_2 {
      "tpu.region"() ({
        %run_scoped3A = tpu.sem_alloc : memref<!tpu.dma_semaphore, #tpu.memory_space<semaphore_mem>>
        %dma_start3A = arith.constant 0 : i32
        %dma_start3A_22 = tpu.memref_slice %arg2[%arg1, %dma_start3A] : memref<8x102400xf32, #tpu.memory_space<hbm>> -> memref<1x102400xf32, #tpu.memory_space<hbm>>
        %dma_start3A_23 = tpu.memref_squeeze %dma_start3A_22 : memref<1x102400xf32, #tpu.memory_space<hbm>> -> memref<102400xf32, #tpu.memory_space<hbm>>
        %dma_start3A_24 = arith.constant 0 : i32
        %dma_start3A_25 = tpu.memref_slice %arg2[%arg1, %dma_start3A_24] : memref<8x102400xf32, #tpu.memory_space<hbm>> -> memref<1x102400xf32, #tpu.memory_space<hbm>>
        %dma_start3A_26 = tpu.memref_squeeze %dma_start3A_25 : memref<1x102400xf32, #tpu.memory_space<hbm>> -> memref<102400xf32, #tpu.memory_space<hbm>>
        tpu.enqueue_dma source(%dma_start3A_26 : memref<102400xf32, #tpu.memory_space<hbm>>) target(%arg8 : memref<102400xf32, #tpu.memory_space<vmem>>) target_semaphore(%run_scoped3A : memref<!tpu.dma_semaphore, #tpu.memory_space<semaphore_mem>>)
        %dma_wait3A = arith.constant 0 : i32
        %dma_wait3A_27 = tpu.memref_slice %arg2[%arg1, %dma_wait3A] : memref<8x102400xf32, #tpu.memory_space<hbm>> -> memref<1x102400xf32, #tpu.memory_space<hbm>>
        %dma_wait3A_28 = tpu.memref_squeeze %dma_wait3A_27 : memref<1x102400xf32, #tpu.memory_space<hbm>> -> memref<102400xf32, #tpu.memory_space<hbm>>
        %dma_wait3A_29 = arith.constant 0 : i32
        %dma_wait3A_30 = tpu.memref_slice %arg2[%arg1, %dma_wait3A_29] : memref<8x102400xf32, #tpu.memory_space<hbm>> -> memref<1x102400xf32, #tpu.memory_space<hbm>>
        %dma_wait3A_31 = tpu.memref_squeeze %dma_wait3A_30 : memref<1x102400xf32, #tpu.memory_space<hbm>> -> memref<102400xf32, #tpu.memory_space<hbm>>
        tpu.wait_dma2 semaphore(%run_scoped3A : memref<!tpu.dma_semaphore, #tpu.memory_space<semaphore_mem>>) src(%dma_wait3A_31 : memref<102400xf32, #tpu.memory_space<hbm>>) dst(%arg8 : memref<102400xf32, #tpu.memory_space<vmem>>)
        tpu.yield
      }) : () -> ()
    } else {
    }
    %ge3A = arith.constant 8 : i32
    %ge3A_3 = arith.cmpi sge, %arg1, %ge3A : i32
    %lt3A_4 = arith.constant 10 : i32
    %lt3A_5 = arith.cmpi slt, %arg1, %lt3A_4 : i32
    %and3A = arith.andi %ge3A_3, %lt3A_5 : i1
    %convert_element_type3A_6 = arith.extui %and3A : i1 to i32
    %cond3A_7 = arith.constant 0 : i32
    %cond3A_8 = arith.cmpi ne, %convert_element_type3A_6, %cond3A_7 : i32
    scf.if %cond3A_8 {
      %sub3A = arith.constant 8 : i32
      %sub3A_22 = arith.subi %arg1, %sub3A : i32
      "tpu.region"() ({
        %run_scoped3A = tpu.sem_alloc : memref<!tpu.dma_semaphore, #tpu.memory_space<semaphore_mem>>
        %dma_start3A = arith.constant 0 : i32
        %dma_start3A_23 = tpu.memref_slice %arg3[%sub3A_22, %dma_start3A] : memref<2x102400xf32, #tpu.memory_space<hbm>> -> memref<1x102400xf32, #tpu.memory_space<hbm>>
        %dma_start3A_24 = tpu.memref_squeeze %dma_start3A_23 : memref<1x102400xf32, #tpu.memory_space<hbm>> -> memref<102400xf32, #tpu.memory_space<hbm>>
        %dma_start3A_25 = arith.constant 0 : i32
        %dma_start3A_26 = tpu.memref_slice %arg3[%sub3A_22, %dma_start3A_25] : memref<2x102400xf32, #tpu.memory_space<hbm>> -> memref<1x102400xf32, #tpu.memory_space<hbm>>
        %dma_start3A_27 = tpu.memref_squeeze %dma_start3A_26 : memref<1x102400xf32, #tpu.memory_space<hbm>> -> memref<102400xf32, #tpu.memory_space<hbm>>
        tpu.enqueue_dma source(%dma_start3A_27 : memref<102400xf32, #tpu.memory_space<hbm>>) target(%arg8 : memref<102400xf32, #tpu.memory_space<vmem>>) target_semaphore(%run_scoped3A : memref<!tpu.dma_semaphore, #tpu.memory_space<semaphore_mem>>)
        %dma_wait3A = arith.constant 0 : i32
        %dma_wait3A_28 = tpu.memref_slice %arg3[%sub3A_22, %dma_wait3A] : memref<2x102400xf32, #tpu.memory_space<hbm>> -> memref<1x102400xf32, #tpu.memory_space<hbm>>
        %dma_wait3A_29 = tpu.memref_squeeze %dma_wait3A_28 : memref<1x102400xf32, #tpu.memory_space<hbm>> -> memref<102400xf32, #tpu.memory_space<hbm>>
        %dma_wait3A_30 = arith.constant 0 : i32
        %dma_wait3A_31 = tpu.memref_slice %arg3[%sub3A_22, %dma_wait3A_30] : memref<2x102400xf32, #tpu.memory_space<hbm>> -> memref<1x102400xf32, #tpu.memory_space<hbm>>
        %dma_wait3A_32 = tpu.memref_squeeze %dma_wait3A_31 : memref<1x102400xf32, #tpu.memory_space<hbm>> -> memref<102400xf32, #tpu.memory_space<hbm>>
        tpu.wait_dma2 semaphore(%run_scoped3A : memref<!tpu.dma_semaphore, #tpu.memory_space<semaphore_mem>>) src(%dma_wait3A_32 : memref<102400xf32, #tpu.memory_space<hbm>>) dst(%arg8 : memref<102400xf32, #tpu.memory_space<vmem>>)
        tpu.yield
      }) : () -> ()
    } else {
    }
    %lt3A_9 = arith.constant 8 : i32
    %lt3A_10 = arith.cmpi slt, %arg1, %lt3A_9 : i32
    %convert_element_type3A_11 = arith.extui %lt3A_10 : i1 to i32
    %cond3A_12 = arith.constant 0 : i32
    %cond3A_13 = arith.cmpi ne, %convert_element_type3A_11, %cond3A_12 : i32
    scf.if %cond3A_13 {
      %add3A = arith.constant 0 : i32
      %add3A_22 = arith.addi %mul3A_0, %add3A : i32
      "tpu.region"() ({
        %run_scoped3A = tpu.sem_alloc : memref<!tpu.dma_semaphore, #tpu.memory_space<semaphore_mem>>
        %dma_start3A = arith.constant 0 : i32
        %dma_start3A_56 = tpu.memref_slice %arg4[%arg1, %dma_start3A, %add3A_22] : memref<8x20x4096xi32, #tpu.memory_space<hbm>> -> memref<1x20x512xi32, #tpu.memory_space<hbm>>
        %dma_start3A_57 = tpu.memref_squeeze %dma_start3A_56 : memref<1x20x512xi32, #tpu.memory_space<hbm>> -> memref<20x512xi32, #tpu.memory_space<hbm>>
        %dma_start3A_58 = arith.constant 0 : i32
        %dma_start3A_59 = tpu.memref_slice %arg4[%arg1, %dma_start3A_58, %add3A_22] : memref<8x20x4096xi32, #tpu.memory_space<hbm>> -> memref<1x20x512xi32, #tpu.memory_space<hbm>>
        %dma_start3A_60 = tpu.memref_squeeze %dma_start3A_59 : memref<1x20x512xi32, #tpu.memory_space<hbm>> -> memref<20x512xi32, #tpu.memory_space<hbm>>
        tpu.enqueue_dma source(%dma_start3A_60 : memref<20x512xi32, #tpu.memory_space<hbm>>) target(%arg9 : memref<20x512xi32, #tpu.memory_space<vmem>>) target_semaphore(%run_scoped3A : memref<!tpu.dma_semaphore, #tpu.memory_space<semaphore_mem>>)
        %dma_wait3A = arith.constant 0 : i32
        %dma_wait3A_61 = tpu.memref_slice %arg4[%arg1, %dma_wait3A, %add3A_22] : memref<8x20x4096xi32, #tpu.memory_space<hbm>> -> memref<1x20x512xi32, #tpu.memory_space<hbm>>
        %dma_wait3A_62 = tpu.memref_squeeze %dma_wait3A_61 : memref<1x20x512xi32, #tpu.memory_space<hbm>> -> memref<20x512xi32, #tpu.memory_space<hbm>>
        %dma_wait3A_63 = arith.constant 0 : i32
        %dma_wait3A_64 = tpu.memref_slice %arg4[%arg1, %dma_wait3A_63, %add3A_22] : memref<8x20x4096xi32, #tpu.memory_space<hbm>> -> memref<1x20x512xi32, #tpu.memory_space<hbm>>
        %dma_wait3A_65 = tpu.memref_squeeze %dma_wait3A_64 : memref<1x20x512xi32, #tpu.memory_space<hbm>> -> memref<20x512xi32, #tpu.memory_space<hbm>>
        tpu.wait_dma2 semaphore(%run_scoped3A : memref<!tpu.dma_semaphore, #tpu.memory_space<semaphore_mem>>) src(%dma_wait3A_65 : memref<20x512xi32, #tpu.memory_space<hbm>>) dst(%arg9 : memref<20x512xi32, #tpu.memory_space<vmem>>)
        tpu.yield
      }) : () -> ()
      %scan3A = arith.constant 0 : i32
      %scan3A_23 = arith.constant 0 : i32
      %scan3A_24 = arith.constant 32 : i32
      %scan3A_25 = arith.addi %scan3A_23, %scan3A_24 : i32
      %scan3A_26 = arith.constant 1 : i32
      %scan3A_27 = scf.for %scan3A_56 = %scan3A_23 to %scan3A_25 step %scan3A_26 iter_args(%scan3A_57 = %scan3A) -> (i32)  : i32 {
        %broadcast_in_dim3A = arith.constant 0.000000e+00 : f32
        %broadcast_in_dim3A_58 = vector.broadcast %broadcast_in_dim3A : f32 to vector<16xf32>
        %mul3A_59 = arith.constant 16 : i32
        %mul3A_60 = arith.muli %scan3A_56, %mul3A_59 : i32
        %get3A = arith.constant 0 : i32
        %get3A_61 = arith.index_cast %get3A : i32 to index
        %get3A_62 = arith.index_cast %mul3A_60 : i32 to index
        %get3A_63 = tpu.vector_load %arg9[%get3A_61, %get3A_62] {strides = array<i32>} : memref<20x512xi32, #tpu.memory_space<vmem>>, vector<16xi32>,
        %gather3A = tpu.vector_load_idx %arg8[%get3A_63] : memref<102400xf32, #tpu.memory_space<vmem>>[vector<16xi32>], vector<16xf32>,
        %add3A_64 = arith.addf %broadcast_in_dim3A_58, %gather3A : vector<16xf32>
        %mul3A_65 = arith.constant 16 : i32
        %mul3A_66 = arith.muli %scan3A_56, %mul3A_65 : i32
        %get3A_67 = arith.constant 1 : i32
        %get3A_68 = arith.index_cast %get3A_67 : i32 to index
        %get3A_69 = arith.index_cast %mul3A_66 : i32 to index
        %get3A_70 = tpu.vector_load %arg9[%get3A_68, %get3A_69] {strides = array<i32>} : memref<20x512xi32, #tpu.memory_space<vmem>>, vector<16xi32>,
        %gather3A_71 = tpu.vector_load_idx %arg8[%get3A_70] : memref<102400xf32, #tpu.memory_space<vmem>>[vector<16xi32>], vector<16xf32>,
        %add3A_72 = arith.addf %add3A_64, %gather3A_71 : vector<16xf32>
        %mul3A_73 = arith.constant 16 : i32
        %mul3A_74 = arith.muli %scan3A_56, %mul3A_73 : i32
        %get3A_75 = arith.constant 2 : i32
        %get3A_76 = arith.index_cast %get3A_75 : i32 to index
        %get3A_77 = arith.index_cast %mul3A_74 : i32 to index
        %get3A_78 = tpu.vector_load %arg9[%get3A_76, %get3A_77] {strides = array<i32>} : memref<20x512xi32, #tpu.memory_space<vmem>>, vector<16xi32>,
        %gather3A_79 = tpu.vector_load_idx %arg8[%get3A_78] : memref<102400xf32, #tpu.memory_space<vmem>>[vector<16xi32>], vector<16xf32>,
        %add3A_80 = arith.addf %add3A_72, %gather3A_79 : vector<16xf32>
        %mul3A_81 = arith.constant 16 : i32
        %mul3A_82 = arith.muli %scan3A_56, %mul3A_81 : i32
        %get3A_83 = arith.constant 3 : i32
        %get3A_84 = arith.index_cast %get3A_83 : i32 to index
        %get3A_85 = arith.index_cast %mul3A_82 : i32 to index
        %get3A_86 = tpu.vector_load %arg9[%get3A_84, %get3A_85] {strides = array<i32>} : memref<20x512xi32, #tpu.memory_space<vmem>>, vector<16xi32>,
        %gather3A_87 = tpu.vector_load_idx %arg8[%get3A_86] : memref<102400xf32, #tpu.memory_space<vmem>>[vector<16xi32>], vector<16xf32>,
        %add3A_88 = arith.addf %add3A_80, %gather3A_87 : vector<16xf32>
        %mul3A_89 = arith.constant 16 : i32
        %mul3A_90 = arith.muli %scan3A_56, %mul3A_89 : i32
        %get3A_91 = arith.constant 4 : i32
        %get3A_92 = arith.index_cast %get3A_91 : i32 to index
        %get3A_93 = arith.index_cast %mul3A_90 : i32 to index
        %get3A_94 = tpu.vector_load %arg9[%get3A_92, %get3A_93] {strides = array<i32>} : memref<20x512xi32, #tpu.memory_space<vmem>>, vector<16xi32>,
        %gather3A_95 = tpu.vector_load_idx %arg8[%get3A_94] : memref<102400xf32, #tpu.memory_space<vmem>>[vector<16xi32>], vector<16xf32>,
        %add3A_96 = arith.addf %add3A_88, %gather3A_95 : vector<16xf32>
        %mul3A_97 = arith.constant 16 : i32
        %mul3A_98 = arith.muli %scan3A_56, %mul3A_97 : i32
        %get3A_99 = arith.constant 5 : i32
        %get3A_100 = arith.index_cast %get3A_99 : i32 to index
        %get3A_101 = arith.index_cast %mul3A_98 : i32 to index
        %get3A_102 = tpu.vector_load %arg9[%get3A_100, %get3A_101] {strides = array<i32>} : memref<20x512xi32, #tpu.memory_space<vmem>>, vector<16xi32>,
        %gather3A_103 = tpu.vector_load_idx %arg8[%get3A_102] : memref<102400xf32, #tpu.memory_space<vmem>>[vector<16xi32>], vector<16xf32>,
        %add3A_104 = arith.addf %add3A_96, %gather3A_103 : vector<16xf32>
        %mul3A_105 = arith.constant 16 : i32
        %mul3A_106 = arith.muli %scan3A_56, %mul3A_105 : i32
        %get3A_107 = arith.constant 6 : i32
        %get3A_108 = arith.index_cast %get3A_107 : i32 to index
        %get3A_109 = arith.index_cast %mul3A_106 : i32 to index
        %get3A_110 = tpu.vector_load %arg9[%get3A_108, %get3A_109] {strides = array<i32>} : memref<20x512xi32, #tpu.memory_space<vmem>>, vector<16xi32>,
        %gather3A_111 = tpu.vector_load_idx %arg8[%get3A_110] : memref<102400xf32, #tpu.memory_space<vmem>>[vector<16xi32>], vector<16xf32>,
        %add3A_112 = arith.addf %add3A_104, %gather3A_111 : vector<16xf32>
        %mul3A_113 = arith.constant 16 : i32
        %mul3A_114 = arith.muli %scan3A_56, %mul3A_113 : i32
        %get3A_115 = arith.constant 7 : i32
        %get3A_116 = arith.index_cast %get3A_115 : i32 to index
        %get3A_117 = arith.index_cast %mul3A_114 : i32 to index
        %get3A_118 = tpu.vector_load %arg9[%get3A_116, %get3A_117] {strides = array<i32>} : memref<20x512xi32, #tpu.memory_space<vmem>>, vector<16xi32>,
        %gather3A_119 = tpu.vector_load_idx %arg8[%get3A_118] : memref<102400xf32, #tpu.memory_space<vmem>>[vector<16xi32>], vector<16xf32>,
        %add3A_120 = arith.addf %add3A_112, %gather3A_119 : vector<16xf32>
        %mul3A_121 = arith.constant 16 : i32
        %mul3A_122 = arith.muli %scan3A_56, %mul3A_121 : i32
        %get3A_123 = arith.constant 8 : i32
        %get3A_124 = arith.index_cast %get3A_123 : i32 to index
        %get3A_125 = arith.index_cast %mul3A_122 : i32 to index
        %get3A_126 = tpu.vector_load %arg9[%get3A_124, %get3A_125] {strides = array<i32>} : memref<20x512xi32, #tpu.memory_space<vmem>>, vector<16xi32>,
        %gather3A_127 = tpu.vector_load_idx %arg8[%get3A_126] : memref<102400xf32, #tpu.memory_space<vmem>>[vector<16xi32>], vector<16xf32>,
        %add3A_128 = arith.addf %add3A_120, %gather3A_127 : vector<16xf32>
        %mul3A_129 = arith.constant 16 : i32
        %mul3A_130 = arith.muli %scan3A_56, %mul3A_129 : i32
        %get3A_131 = arith.constant 9 : i32
        %get3A_132 = arith.index_cast %get3A_131 : i32 to index
        %get3A_133 = arith.index_cast %mul3A_130 : i32 to index
        %get3A_134 = tpu.vector_load %arg9[%get3A_132, %get3A_133] {strides = array<i32>} : memref<20x512xi32, #tpu.memory_space<vmem>>, vector<16xi32>,
        %gather3A_135 = tpu.vector_load_idx %arg8[%get3A_134] : memref<102400xf32, #tpu.memory_space<vmem>>[vector<16xi32>], vector<16xf32>,
        %add3A_136 = arith.addf %add3A_128, %gather3A_135 : vector<16xf32>
        %mul3A_137 = arith.constant 16 : i32
        %mul3A_138 = arith.muli %scan3A_56, %mul3A_137 : i32
        %get3A_139 = arith.constant 10 : i32
        %get3A_140 = arith.index_cast %get3A_139 : i32 to index
        %get3A_141 = arith.index_cast %mul3A_138 : i32 to index
        %get3A_142 = tpu.vector_load %arg9[%get3A_140, %get3A_141] {strides = array<i32>} : memref<20x512xi32, #tpu.memory_space<vmem>>, vector<16xi32>,
        %gather3A_143 = tpu.vector_load_idx %arg8[%get3A_142] : memref<102400xf32, #tpu.memory_space<vmem>>[vector<16xi32>], vector<16xf32>,
        %add3A_144 = arith.addf %add3A_136, %gather3A_143 : vector<16xf32>
        %mul3A_145 = arith.constant 16 : i32
        %mul3A_146 = arith.muli %scan3A_56, %mul3A_145 : i32
        %get3A_147 = arith.constant 11 : i32
        %get3A_148 = arith.index_cast %get3A_147 : i32 to index
        %get3A_149 = arith.index_cast %mul3A_146 : i32 to index
        %get3A_150 = tpu.vector_load %arg9[%get3A_148, %get3A_149] {strides = array<i32>} : memref<20x512xi32, #tpu.memory_space<vmem>>, vector<16xi32>,
        %gather3A_151 = tpu.vector_load_idx %arg8[%get3A_150] : memref<102400xf32, #tpu.memory_space<vmem>>[vector<16xi32>], vector<16xf32>,
        %add3A_152 = arith.addf %add3A_144, %gather3A_151 : vector<16xf32>
        %mul3A_153 = arith.constant 16 : i32
        %mul3A_154 = arith.muli %scan3A_56, %mul3A_153 : i32
        %get3A_155 = arith.constant 12 : i32
        %get3A_156 = arith.index_cast %get3A_155 : i32 to index
        %get3A_157 = arith.index_cast %mul3A_154 : i32 to index
        %get3A_158 = tpu.vector_load %arg9[%get3A_156, %get3A_157] {strides = array<i32>} : memref<20x512xi32, #tpu.memory_space<vmem>>, vector<16xi32>,
        %gather3A_159 = tpu.vector_load_idx %arg8[%get3A_158] : memref<102400xf32, #tpu.memory_space<vmem>>[vector<16xi32>], vector<16xf32>,
        %add3A_160 = arith.addf %add3A_152, %gather3A_159 : vector<16xf32>
        %mul3A_161 = arith.constant 16 : i32
        %mul3A_162 = arith.muli %scan3A_56, %mul3A_161 : i32
        %get3A_163 = arith.constant 13 : i32
        %get3A_164 = arith.index_cast %get3A_163 : i32 to index
        %get3A_165 = arith.index_cast %mul3A_162 : i32 to index
        %get3A_166 = tpu.vector_load %arg9[%get3A_164, %get3A_165] {strides = array<i32>} : memref<20x512xi32, #tpu.memory_space<vmem>>, vector<16xi32>,
        %gather3A_167 = tpu.vector_load_idx %arg8[%get3A_166] : memref<102400xf32, #tpu.memory_space<vmem>>[vector<16xi32>], vector<16xf32>,
        %add3A_168 = arith.addf %add3A_160, %gather3A_167 : vector<16xf32>
        %mul3A_169 = arith.constant 16 : i32
        %mul3A_170 = arith.muli %scan3A_56, %mul3A_169 : i32
        %get3A_171 = arith.constant 14 : i32
        %get3A_172 = arith.index_cast %get3A_171 : i32 to index
        %get3A_173 = arith.index_cast %mul3A_170 : i32 to index
        %get3A_174 = tpu.vector_load %arg9[%get3A_172, %get3A_173] {strides = array<i32>} : memref<20x512xi32, #tpu.memory_space<vmem>>, vector<16xi32>,
        %gather3A_175 = tpu.vector_load_idx %arg8[%get3A_174] : memref<102400xf32, #tpu.memory_space<vmem>>[vector<16xi32>], vector<16xf32>,
        %add3A_176 = arith.addf %add3A_168, %gather3A_175 : vector<16xf32>
        %mul3A_177 = arith.constant 16 : i32
        %mul3A_178 = arith.muli %scan3A_56, %mul3A_177 : i32
        %get3A_179 = arith.constant 15 : i32
        %get3A_180 = arith.index_cast %get3A_179 : i32 to index
        %get3A_181 = arith.index_cast %mul3A_178 : i32 to index
        %get3A_182 = tpu.vector_load %arg9[%get3A_180, %get3A_181] {strides = array<i32>} : memref<20x512xi32, #tpu.memory_space<vmem>>, vector<16xi32>,
        %gather3A_183 = tpu.vector_load_idx %arg8[%get3A_182] : memref<102400xf32, #tpu.memory_space<vmem>>[vector<16xi32>], vector<16xf32>,
        %add3A_184 = arith.addf %add3A_176, %gather3A_183 : vector<16xf32>
        %mul3A_185 = arith.constant 16 : i32
        %mul3A_186 = arith.muli %scan3A_56, %mul3A_185 : i32
        %get3A_187 = arith.constant 16 : i32
        %get3A_188 = arith.index_cast %get3A_187 : i32 to index
        %get3A_189 = arith.index_cast %mul3A_186 : i32 to index
        %get3A_190 = tpu.vector_load %arg9[%get3A_188, %get3A_189] {strides = array<i32>} : memref<20x512xi32, #tpu.memory_space<vmem>>, vector<16xi32>,
        %gather3A_191 = tpu.vector_load_idx %arg8[%get3A_190] : memref<102400xf32, #tpu.memory_space<vmem>>[vector<16xi32>], vector<16xf32>,
        %add3A_192 = arith.addf %add3A_184, %gather3A_191 : vector<16xf32>
        %mul3A_193 = arith.constant 16 : i32
        %mul3A_194 = arith.muli %scan3A_56, %mul3A_193 : i32
        %get3A_195 = arith.constant 17 : i32
        %get3A_196 = arith.index_cast %get3A_195 : i32 to index
        %get3A_197 = arith.index_cast %mul3A_194 : i32 to index
        %get3A_198 = tpu.vector_load %arg9[%get3A_196, %get3A_197] {strides = array<i32>} : memref<20x512xi32, #tpu.memory_space<vmem>>, vector<16xi32>,
        %gather3A_199 = tpu.vector_load_idx %arg8[%get3A_198] : memref<102400xf32, #tpu.memory_space<vmem>>[vector<16xi32>], vector<16xf32>,
        %add3A_200 = arith.addf %add3A_192, %gather3A_199 : vector<16xf32>
        %mul3A_201 = arith.constant 16 : i32
        %mul3A_202 = arith.muli %scan3A_56, %mul3A_201 : i32
        %get3A_203 = arith.constant 18 : i32
        %get3A_204 = arith.index_cast %get3A_203 : i32 to index
        %get3A_205 = arith.index_cast %mul3A_202 : i32 to index
        %get3A_206 = tpu.vector_load %arg9[%get3A_204, %get3A_205] {strides = array<i32>} : memref<20x512xi32, #tpu.memory_space<vmem>>, vector<16xi32>,
        %gather3A_207 = tpu.vector_load_idx %arg8[%get3A_206] : memref<102400xf32, #tpu.memory_space<vmem>>[vector<16xi32>], vector<16xf32>,
        %add3A_208 = arith.addf %add3A_200, %gather3A_207 : vector<16xf32>
        %mul3A_209 = arith.constant 16 : i32
        %mul3A_210 = arith.muli %scan3A_56, %mul3A_209 : i32
        %get3A_211 = arith.constant 19 : i32
        %get3A_212 = arith.index_cast %get3A_211 : i32 to index
        %get3A_213 = arith.index_cast %mul3A_210 : i32 to index
        %get3A_214 = tpu.vector_load %arg9[%get3A_212, %get3A_213] {strides = array<i32>} : memref<20x512xi32, #tpu.memory_space<vmem>>, vector<16xi32>,
        %gather3A_215 = tpu.vector_load_idx %arg8[%get3A_214] : memref<102400xf32, #tpu.memory_space<vmem>>[vector<16xi32>], vector<16xf32>,
        %add3A_216 = arith.addf %add3A_208, %gather3A_215 : vector<16xf32>
        %mul3A_217 = arith.constant 16 : i32
        %mul3A_218 = arith.muli %scan3A_56, %mul3A_217 : i32
        %add3A_219 = arith.constant 0 : i32
        %add3A_220 = arith.addi %add3A_219, %mul3A_218 : i32
        %swap3A = arith.index_cast %add3A_220 : i32 to index
        %swap3A_221 = tpu.vector_load %arg11[%swap3A] {strides = array<i32>} : memref<2048xf32, #tpu.memory_space<vmem>>, vector<16xf32>,
        tpu.vector_store %arg11[%swap3A], %add3A_216 {strides = array<i32>} : memref<2048xf32, #tpu.memory_space<vmem>>, vector<16xf32>,
        %scan3A_222 = arith.constant 0 : i32
        scf.yield %scan3A_222 : i32
      }
      %scan3A_28 = arith.constant 32 : i32
      %add3A_29 = arith.constant 512 : i32
      %add3A_30 = arith.addi %mul3A_0, %add3A_29 : i32
      "tpu.region"() ({
        %run_scoped3A = tpu.sem_alloc : memref<!tpu.dma_semaphore, #tpu.memory_space<semaphore_mem>>
        %dma_start3A = arith.constant 0 : i32
        %dma_start3A_56 = tpu.memref_slice %arg4[%arg1, %dma_start3A, %add3A_30] : memref<8x20x4096xi32, #tpu.memory_space<hbm>> -> memref<1x20x512xi32, #tpu.memory_space<hbm>>
        %dma_start3A_57 = tpu.memref_squeeze %dma_start3A_56 : memref<1x20x512xi32, #tpu.memory_space<hbm>> -> memref<20x512xi32, #tpu.memory_space<hbm>>
        %dma_start3A_58 = arith.constant 0 : i32
        %dma_start3A_59 = tpu.memref_slice %arg4[%arg1, %dma_start3A_58, %add3A_30] : memref<8x20x4096xi32, #tpu.memory_space<hbm>> -> memref<1x20x512xi32, #tpu.memory_space<hbm>>
        %dma_start3A_60 = tpu.memref_squeeze %dma_start3A_59 : memref<1x20x512xi32, #tpu.memory_space<hbm>> -> memref<20x512xi32, #tpu.memory_space<hbm>>
        tpu.enqueue_dma source(%dma_start3A_60 : memref<20x512xi32, #tpu.memory_space<hbm>>) target(%arg9 : memref<20x512xi32, #tpu.memory_space<vmem>>) target_semaphore(%run_scoped3A : memref<!tpu.dma_semaphore, #tpu.memory_space<semaphore_mem>>)
        %dma_wait3A = arith.constant 0 : i32
        %dma_wait3A_61 = tpu.memref_slice %arg4[%arg1, %dma_wait3A, %add3A_30] : memref<8x20x4096xi32, #tpu.memory_space<hbm>> -> memref<1x20x512xi32, #tpu.memory_space<hbm>>
        %dma_wait3A_62 = tpu.memref_squeeze %dma_wait3A_61 : memref<1x20x512xi32, #tpu.memory_space<hbm>> -> memref<20x512xi32, #tpu.memory_space<hbm>>
        %dma_wait3A_63 = arith.constant 0 : i32
        %dma_wait3A_64 = tpu.memref_slice %arg4[%arg1, %dma_wait3A_63, %add3A_30] : memref<8x20x4096xi32, #tpu.memory_space<hbm>> -> memref<1x20x512xi32, #tpu.memory_space<hbm>>
        %dma_wait3A_65 = tpu.memref_squeeze %dma_wait3A_64 : memref<1x20x512xi32, #tpu.memory_space<hbm>> -> memref<20x512xi32, #tpu.memory_space<hbm>>
        tpu.wait_dma2 semaphore(%run_scoped3A : memref<!tpu.dma_semaphore, #tpu.memory_space<semaphore_mem>>) src(%dma_wait3A_65 : memref<20x512xi32, #tpu.memory_space<hbm>>) dst(%arg9 : memref<20x512xi32, #tpu.memory_space<vmem>>)
        tpu.yield
      }) : () -> ()
      %scan3A_31 = arith.constant 0 : i32
      %scan3A_32 = arith.constant 0 : i32
      %scan3A_33 = arith.constant 32 : i32
      %scan3A_34 = arith.addi %scan3A_32, %scan3A_33 : i32
      %scan3A_35 = arith.constant 1 : i32
      %scan3A_36 = scf.for %scan3A_56 = %scan3A_32 to %scan3A_34 step %scan3A_35 iter_args(%scan3A_57 = %scan3A_31) -> (i32)  : i32 {
        %broadcast_in_dim3A = arith.constant 0.000000e+00 : f32
        %broadcast_in_dim3A_58 = vector.broadcast %broadcast_in_dim3A : f32 to vector<16xf32>
        %mul3A_59 = arith.constant 16 : i32
        %mul3A_60 = arith.muli %scan3A_56, %mul3A_59 : i32
        %get3A = arith.constant 0 : i32
        %get3A_61 = arith.index_cast %get3A : i32 to index
        %get3A_62 = arith.index_cast %mul3A_60 : i32 to index
        %get3A_63 = tpu.vector_load %arg9[%get3A_61, %get3A_62] {strides = array<i32>} : memref<20x512xi32, #tpu.memory_space<vmem>>, vector<16xi32>,
        %gather3A = tpu.vector_load_idx %arg8[%get3A_63] : memref<102400xf32, #tpu.memory_space<vmem>>[vector<16xi32>], vector<16xf32>,
        %add3A_64 = arith.addf %broadcast_in_dim3A_58, %gather3A : vector<16xf32>
        %mul3A_65 = arith.constant 16 : i32
        %mul3A_66 = arith.muli %scan3A_56, %mul3A_65 : i32
        %get3A_67 = arith.constant 1 : i32
        %get3A_68 = arith.index_cast %get3A_67 : i32 to index
        %get3A_69 = arith.index_cast %mul3A_66 : i32 to index
        %get3A_70 = tpu.vector_load %arg9[%get3A_68, %get3A_69] {strides = array<i32>} : memref<20x512xi32, #tpu.memory_space<vmem>>, vector<16xi32>,
        %gather3A_71 = tpu.vector_load_idx %arg8[%get3A_70] : memref<102400xf32, #tpu.memory_space<vmem>>[vector<16xi32>], vector<16xf32>,
        %add3A_72 = arith.addf %add3A_64, %gather3A_71 : vector<16xf32>
        %mul3A_73 = arith.constant 16 : i32
        %mul3A_74 = arith.muli %scan3A_56, %mul3A_73 : i32
        %get3A_75 = arith.constant 2 : i32
        %get3A_76 = arith.index_cast %get3A_75 : i32 to index
        %get3A_77 = arith.index_cast %mul3A_74 : i32 to index
        %get3A_78 = tpu.vector_load %arg9[%get3A_76, %get3A_77] {strides = array<i32>} : memref<20x512xi32, #tpu.memory_space<vmem>>, vector<16xi32>,
        %gather3A_79 = tpu.vector_load_idx %arg8[%get3A_78] : memref<102400xf32, #tpu.memory_space<vmem>>[vector<16xi32>], vector<16xf32>,
        %add3A_80 = arith.addf %add3A_72, %gather3A_79 : vector<16xf32>
        %mul3A_81 = arith.constant 16 : i32
        %mul3A_82 = arith.muli %scan3A_56, %mul3A_81 : i32
        %get3A_83 = arith.constant 3 : i32
        %get3A_84 = arith.index_cast %get3A_83 : i32 to index
        %get3A_85 = arith.index_cast %mul3A_82 : i32 to index
        %get3A_86 = tpu.vector_load %arg9[%get3A_84, %get3A_85] {strides = array<i32>} : memref<20x512xi32, #tpu.memory_space<vmem>>, vector<16xi32>,
        %gather3A_87 = tpu.vector_load_idx %arg8[%get3A_86] : memref<102400xf32, #tpu.memory_space<vmem>>[vector<16xi32>], vector<16xf32>,
        %add3A_88 = arith.addf %add3A_80, %gather3A_87 : vector<16xf32>
        %mul3A_89 = arith.constant 16 : i32
        %mul3A_90 = arith.muli %scan3A_56, %mul3A_89 : i32
        %get3A_91 = arith.constant 4 : i32
        %get3A_92 = arith.index_cast %get3A_91 : i32 to index
        %get3A_93 = arith.index_cast %mul3A_90 : i32 to index
        %get3A_94 = tpu.vector_load %arg9[%get3A_92, %get3A_93] {strides = array<i32>} : memref<20x512xi32, #tpu.memory_space<vmem>>, vector<16xi32>,
        %gather3A_95 = tpu.vector_load_idx %arg8[%get3A_94] : memref<102400xf32, #tpu.memory_space<vmem>>[vector<16xi32>], vector<16xf32>,
        %add3A_96 = arith.addf %add3A_88, %gather3A_95 : vector<16xf32>
        %mul3A_97 = arith.constant 16 : i32
        %mul3A_98 = arith.muli %scan3A_56, %mul3A_97 : i32
        %get3A_99 = arith.constant 5 : i32
        %get3A_100 = arith.index_cast %get3A_99 : i32 to index
        %get3A_101 = arith.index_cast %mul3A_98 : i32 to index
        %get3A_102 = tpu.vector_load %arg9[%get3A_100, %get3A_101] {strides = array<i32>} : memref<20x512xi32, #tpu.memory_space<vmem>>, vector<16xi32>,
        %gather3A_103 = tpu.vector_load_idx %arg8[%get3A_102] : memref<102400xf32, #tpu.memory_space<vmem>>[vector<16xi32>], vector<16xf32>,
        %add3A_104 = arith.addf %add3A_96, %gather3A_103 : vector<16xf32>
        %mul3A_105 = arith.constant 16 : i32
        %mul3A_106 = arith.muli %scan3A_56, %mul3A_105 : i32
        %get3A_107 = arith.constant 6 : i32
        %get3A_108 = arith.index_cast %get3A_107 : i32 to index
        %get3A_109 = arith.index_cast %mul3A_106 : i32 to index
        %get3A_110 = tpu.vector_load %arg9[%get3A_108, %get3A_109] {strides = array<i32>} : memref<20x512xi32, #tpu.memory_space<vmem>>, vector<16xi32>,
        %gather3A_111 = tpu.vector_load_idx %arg8[%get3A_110] : memref<102400xf32, #tpu.memory_space<vmem>>[vector<16xi32>], vector<16xf32>,
        %add3A_112 = arith.addf %add3A_104, %gather3A_111 : vector<16xf32>
        %mul3A_113 = arith.constant 16 : i32
        %mul3A_114 = arith.muli %scan3A_56, %mul3A_113 : i32
        %get3A_115 = arith.constant 7 : i32
        %get3A_116 = arith.index_cast %get3A_115 : i32 to index
        %get3A_117 = arith.index_cast %mul3A_114 : i32 to index
        %get3A_118 = tpu.vector_load %arg9[%get3A_116, %get3A_117] {strides = array<i32>} : memref<20x512xi32, #tpu.memory_space<vmem>>, vector<16xi32>,
        %gather3A_119 = tpu.vector_load_idx %arg8[%get3A_118] : memref<102400xf32, #tpu.memory_space<vmem>>[vector<16xi32>], vector<16xf32>,
        %add3A_120 = arith.addf %add3A_112, %gather3A_119 : vector<16xf32>
        %mul3A_121 = arith.constant 16 : i32
        %mul3A_122 = arith.muli %scan3A_56, %mul3A_121 : i32
        %get3A_123 = arith.constant 8 : i32
        %get3A_124 = arith.index_cast %get3A_123 : i32 to index
        %get3A_125 = arith.index_cast %mul3A_122 : i32 to index
        %get3A_126 = tpu.vector_load %arg9[%get3A_124, %get3A_125] {strides = array<i32>} : memref<20x512xi32, #tpu.memory_space<vmem>>, vector<16xi32>,
        %gather3A_127 = tpu.vector_load_idx %arg8[%get3A_126] : memref<102400xf32, #tpu.memory_space<vmem>>[vector<16xi32>], vector<16xf32>,
        %add3A_128 = arith.addf %add3A_120, %gather3A_127 : vector<16xf32>
        %mul3A_129 = arith.constant 16 : i32
        %mul3A_130 = arith.muli %scan3A_56, %mul3A_129 : i32
        %get3A_131 = arith.constant 9 : i32
        %get3A_132 = arith.index_cast %get3A_131 : i32 to index
        %get3A_133 = arith.index_cast %mul3A_130 : i32 to index
        %get3A_134 = tpu.vector_load %arg9[%get3A_132, %get3A_133] {strides = array<i32>} : memref<20x512xi32, #tpu.memory_space<vmem>>, vector<16xi32>,
        %gather3A_135 = tpu.vector_load_idx %arg8[%get3A_134] : memref<102400xf32, #tpu.memory_space<vmem>>[vector<16xi32>], vector<16xf32>,
        %add3A_136 = arith.addf %add3A_128, %gather3A_135 : vector<16xf32>
        %mul3A_137 = arith.constant 16 : i32
        %mul3A_138 = arith.muli %scan3A_56, %mul3A_137 : i32
        %get3A_139 = arith.constant 10 : i32
        %get3A_140 = arith.index_cast %get3A_139 : i32 to index
        %get3A_141 = arith.index_cast %mul3A_138 : i32 to index
        %get3A_142 = tpu.vector_load %arg9[%get3A_140, %get3A_141] {strides = array<i32>} : memref<20x512xi32, #tpu.memory_space<vmem>>, vector<16xi32>,
        %gather3A_143 = tpu.vector_load_idx %arg8[%get3A_142] : memref<102400xf32, #tpu.memory_space<vmem>>[vector<16xi32>], vector<16xf32>,
        %add3A_144 = arith.addf %add3A_136, %gather3A_143 : vector<16xf32>
        %mul3A_145 = arith.constant 16 : i32
        %mul3A_146 = arith.muli %scan3A_56, %mul3A_145 : i32
        %get3A_147 = arith.constant 11 : i32
        %get3A_148 = arith.index_cast %get3A_147 : i32 to index
        %get3A_149 = arith.index_cast %mul3A_146 : i32 to index
        %get3A_150 = tpu.vector_load %arg9[%get3A_148, %get3A_149] {strides = array<i32>} : memref<20x512xi32, #tpu.memory_space<vmem>>, vector<16xi32>,
        %gather3A_151 = tpu.vector_load_idx %arg8[%get3A_150] : memref<102400xf32, #tpu.memory_space<vmem>>[vector<16xi32>], vector<16xf32>,
        %add3A_152 = arith.addf %add3A_144, %gather3A_151 : vector<16xf32>
        %mul3A_153 = arith.constant 16 : i32
        %mul3A_154 = arith.muli %scan3A_56, %mul3A_153 : i32
        %get3A_155 = arith.constant 12 : i32
        %get3A_156 = arith.index_cast %get3A_155 : i32 to index
        %get3A_157 = arith.index_cast %mul3A_154 : i32 to index
        %get3A_158 = tpu.vector_load %arg9[%get3A_156, %get3A_157] {strides = array<i32>} : memref<20x512xi32, #tpu.memory_space<vmem>>, vector<16xi32>,
        %gather3A_159 = tpu.vector_load_idx %arg8[%get3A_158] : memref<102400xf32, #tpu.memory_space<vmem>>[vector<16xi32>], vector<16xf32>,
        %add3A_160 = arith.addf %add3A_152, %gather3A_159 : vector<16xf32>
        %mul3A_161 = arith.constant 16 : i32
        %mul3A_162 = arith.muli %scan3A_56, %mul3A_161 : i32
        %get3A_163 = arith.constant 13 : i32
        %get3A_164 = arith.index_cast %get3A_163 : i32 to index
        %get3A_165 = arith.index_cast %mul3A_162 : i32 to index
        %get3A_166 = tpu.vector_load %arg9[%get3A_164, %get3A_165] {strides = array<i32>} : memref<20x512xi32, #tpu.memory_space<vmem>>, vector<16xi32>,
        %gather3A_167 = tpu.vector_load_idx %arg8[%get3A_166] : memref<102400xf32, #tpu.memory_space<vmem>>[vector<16xi32>], vector<16xf32>,
        %add3A_168 = arith.addf %add3A_160, %gather3A_167 : vector<16xf32>
        %mul3A_169 = arith.constant 16 : i32
        %mul3A_170 = arith.muli %scan3A_56, %mul3A_169 : i32
        %get3A_171 = arith.constant 14 : i32
        %get3A_172 = arith.index_cast %get3A_171 : i32 to index
        %get3A_173 = arith.index_cast %mul3A_170 : i32 to index
        %get3A_174 = tpu.vector_load %arg9[%get3A_172, %get3A_173] {strides = array<i32>} : memref<20x512xi32, #tpu.memory_space<vmem>>, vector<16xi32>,
        %gather3A_175 = tpu.vector_load_idx %arg8[%get3A_174] : memref<102400xf32, #tpu.memory_space<vmem>>[vector<16xi32>], vector<16xf32>,
        %add3A_176 = arith.addf %add3A_168, %gather3A_175 : vector<16xf32>
        %mul3A_177 = arith.constant 16 : i32
        %mul3A_178 = arith.muli %scan3A_56, %mul3A_177 : i32
        %get3A_179 = arith.constant 15 : i32
        %get3A_180 = arith.index_cast %get3A_179 : i32 to index
        %get3A_181 = arith.index_cast %mul3A_178 : i32 to index
        %get3A_182 = tpu.vector_load %arg9[%get3A_180, %get3A_181] {strides = array<i32>} : memref<20x512xi32, #tpu.memory_space<vmem>>, vector<16xi32>,
        %gather3A_183 = tpu.vector_load_idx %arg8[%get3A_182] : memref<102400xf32, #tpu.memory_space<vmem>>[vector<16xi32>], vector<16xf32>,
        %add3A_184 = arith.addf %add3A_176, %gather3A_183 : vector<16xf32>
        %mul3A_185 = arith.constant 16 : i32
        %mul3A_186 = arith.muli %scan3A_56, %mul3A_185 : i32
        %get3A_187 = arith.constant 16 : i32
        %get3A_188 = arith.index_cast %get3A_187 : i32 to index
        %get3A_189 = arith.index_cast %mul3A_186 : i32 to index
        %get3A_190 = tpu.vector_load %arg9[%get3A_188, %get3A_189] {strides = array<i32>} : memref<20x512xi32, #tpu.memory_space<vmem>>, vector<16xi32>,
        %gather3A_191 = tpu.vector_load_idx %arg8[%get3A_190] : memref<102400xf32, #tpu.memory_space<vmem>>[vector<16xi32>], vector<16xf32>,
        %add3A_192 = arith.addf %add3A_184, %gather3A_191 : vector<16xf32>
        %mul3A_193 = arith.constant 16 : i32
        %mul3A_194 = arith.muli %scan3A_56, %mul3A_193 : i32
        %get3A_195 = arith.constant 17 : i32
        %get3A_196 = arith.index_cast %get3A_195 : i32 to index
        %get3A_197 = arith.index_cast %mul3A_194 : i32 to index
        %get3A_198 = tpu.vector_load %arg9[%get3A_196, %get3A_197] {strides = array<i32>} : memref<20x512xi32, #tpu.memory_space<vmem>>, vector<16xi32>,
        %gather3A_199 = tpu.vector_load_idx %arg8[%get3A_198] : memref<102400xf32, #tpu.memory_space<vmem>>[vector<16xi32>], vector<16xf32>,
        %add3A_200 = arith.addf %add3A_192, %gather3A_199 : vector<16xf32>
        %mul3A_201 = arith.constant 16 : i32
        %mul3A_202 = arith.muli %scan3A_56, %mul3A_201 : i32
        %get3A_203 = arith.constant 18 : i32
        %get3A_204 = arith.index_cast %get3A_203 : i32 to index
        %get3A_205 = arith.index_cast %mul3A_202 : i32 to index
        %get3A_206 = tpu.vector_load %arg9[%get3A_204, %get3A_205] {strides = array<i32>} : memref<20x512xi32, #tpu.memory_space<vmem>>, vector<16xi32>,
        %gather3A_207 = tpu.vector_load_idx %arg8[%get3A_206] : memref<102400xf32, #tpu.memory_space<vmem>>[vector<16xi32>], vector<16xf32>,
        %add3A_208 = arith.addf %add3A_200, %gather3A_207 : vector<16xf32>
        %mul3A_209 = arith.constant 16 : i32
        %mul3A_210 = arith.muli %scan3A_56, %mul3A_209 : i32
        %get3A_211 = arith.constant 19 : i32
        %get3A_212 = arith.index_cast %get3A_211 : i32 to index
        %get3A_213 = arith.index_cast %mul3A_210 : i32 to index
        %get3A_214 = tpu.vector_load %arg9[%get3A_212, %get3A_213] {strides = array<i32>} : memref<20x512xi32, #tpu.memory_space<vmem>>, vector<16xi32>,
        %gather3A_215 = tpu.vector_load_idx %arg8[%get3A_214] : memref<102400xf32, #tpu.memory_space<vmem>>[vector<16xi32>], vector<16xf32>,
        %add3A_216 = arith.addf %add3A_208, %gather3A_215 : vector<16xf32>
        %mul3A_217 = arith.constant 16 : i32
        %mul3A_218 = arith.muli %scan3A_56, %mul3A_217 : i32
        %add3A_219 = arith.constant 512 : i32
        %add3A_220 = arith.addi %add3A_219, %mul3A_218 : i32
        %swap3A = arith.index_cast %add3A_220 : i32 to index
        %swap3A_221 = tpu.vector_load %arg11[%swap3A] {strides = array<i32>} : memref<2048xf32, #tpu.memory_space<vmem>>, vector<16xf32>,
        tpu.vector_store %arg11[%swap3A], %add3A_216 {strides = array<i32>} : memref<2048xf32, #tpu.memory_space<vmem>>, vector<16xf32>,
        %scan3A_222 = arith.constant 0 : i32
        scf.yield %scan3A_222 : i32
      }
      %scan3A_37 = arith.constant 32 : i32
      %add3A_38 = arith.constant 1024 : i32
      %add3A_39 = arith.addi %mul3A_0, %add3A_38 : i32
      "tpu.region"() ({
        %run_scoped3A = tpu.sem_alloc : memref<!tpu.dma_semaphore, #tpu.memory_space<semaphore_mem>>
        %dma_start3A = arith.constant 0 : i32
        %dma_start3A_56 = tpu.memref_slice %arg4[%arg1, %dma_start3A, %add3A_39] : memref<8x20x4096xi32, #tpu.memory_space<hbm>> -> memref<1x20x512xi32, #tpu.memory_space<hbm>>
        %dma_start3A_57 = tpu.memref_squeeze %dma_start3A_56 : memref<1x20x512xi32, #tpu.memory_space<hbm>> -> memref<20x512xi32, #tpu.memory_space<hbm>>
        %dma_start3A_58 = arith.constant 0 : i32
        %dma_start3A_59 = tpu.memref_slice %arg4[%arg1, %dma_start3A_58, %add3A_39] : memref<8x20x4096xi32, #tpu.memory_space<hbm>> -> memref<1x20x512xi32, #tpu.memory_space<hbm>>
        %dma_start3A_60 = tpu.memref_squeeze %dma_start3A_59 : memref<1x20x512xi32, #tpu.memory_space<hbm>> -> memref<20x512xi32, #tpu.memory_space<hbm>>
        tpu.enqueue_dma source(%dma_start3A_60 : memref<20x512xi32, #tpu.memory_space<hbm>>) target(%arg9 : memref<20x512xi32, #tpu.memory_space<vmem>>) target_semaphore(%run_scoped3A : memref<!tpu.dma_semaphore, #tpu.memory_space<semaphore_mem>>)
        %dma_wait3A = arith.constant 0 : i32
        %dma_wait3A_61 = tpu.memref_slice %arg4[%arg1, %dma_wait3A, %add3A_39] : memref<8x20x4096xi32, #tpu.memory_space<hbm>> -> memref<1x20x512xi32, #tpu.memory_space<hbm>>
        %dma_wait3A_62 = tpu.memref_squeeze %dma_wait3A_61 : memref<1x20x512xi32, #tpu.memory_space<hbm>> -> memref<20x512xi32, #tpu.memory_space<hbm>>
        %dma_wait3A_63 = arith.constant 0 : i32
        %dma_wait3A_64 = tpu.memref_slice %arg4[%arg1, %dma_wait3A_63, %add3A_39] : memref<8x20x4096xi32, #tpu.memory_space<hbm>> -> memref<1x20x512xi32, #tpu.memory_space<hbm>>
        %dma_wait3A_65 = tpu.memref_squeeze %dma_wait3A_64 : memref<1x20x512xi32, #tpu.memory_space<hbm>> -> memref<20x512xi32, #tpu.memory_space<hbm>>
        tpu.wait_dma2 semaphore(%run_scoped3A : memref<!tpu.dma_semaphore, #tpu.memory_space<semaphore_mem>>) src(%dma_wait3A_65 : memref<20x512xi32, #tpu.memory_space<hbm>>) dst(%arg9 : memref<20x512xi32, #tpu.memory_space<vmem>>)
        tpu.yield
      }) : () -> ()
      %scan3A_40 = arith.constant 0 : i32
      %scan3A_41 = arith.constant 0 : i32
      %scan3A_42 = arith.constant 32 : i32
      %scan3A_43 = arith.addi %scan3A_41, %scan3A_42 : i32
      %scan3A_44 = arith.constant 1 : i32
      %scan3A_45 = scf.for %scan3A_56 = %scan3A_41 to %scan3A_43 step %scan3A_44 iter_args(%scan3A_57 = %scan3A_40) -> (i32)  : i32 {
        %broadcast_in_dim3A = arith.constant 0.000000e+00 : f32
        %broadcast_in_dim3A_58 = vector.broadcast %broadcast_in_dim3A : f32 to vector<16xf32>
        %mul3A_59 = arith.constant 16 : i32
        %mul3A_60 = arith.muli %scan3A_56, %mul3A_59 : i32
        %get3A = arith.constant 0 : i32
        %get3A_61 = arith.index_cast %get3A : i32 to index
        %get3A_62 = arith.index_cast %mul3A_60 : i32 to index
        %get3A_63 = tpu.vector_load %arg9[%get3A_61, %get3A_62] {strides = array<i32>} : memref<20x512xi32, #tpu.memory_space<vmem>>, vector<16xi32>,
        %gather3A = tpu.vector_load_idx %arg8[%get3A_63] : memref<102400xf32, #tpu.memory_space<vmem>>[vector<16xi32>], vector<16xf32>,
        %add3A_64 = arith.addf %broadcast_in_dim3A_58, %gather3A : vector<16xf32>
        %mul3A_65 = arith.constant 16 : i32
        %mul3A_66 = arith.muli %scan3A_56, %mul3A_65 : i32
        %get3A_67 = arith.constant 1 : i32
        %get3A_68 = arith.index_cast %get3A_67 : i32 to index
        %get3A_69 = arith.index_cast %mul3A_66 : i32 to index
        %get3A_70 = tpu.vector_load %arg9[%get3A_68, %get3A_69] {strides = array<i32>} : memref<20x512xi32, #tpu.memory_space<vmem>>, vector<16xi32>,
        %gather3A_71 = tpu.vector_load_idx %arg8[%get3A_70] : memref<102400xf32, #tpu.memory_space<vmem>>[vector<16xi32>], vector<16xf32>,
        %add3A_72 = arith.addf %add3A_64, %gather3A_71 : vector<16xf32>
        %mul3A_73 = arith.constant 16 : i32
        %mul3A_74 = arith.muli %scan3A_56, %mul3A_73 : i32
        %get3A_75 = arith.constant 2 : i32
        %get3A_76 = arith.index_cast %get3A_75 : i32 to index
        %get3A_77 = arith.index_cast %mul3A_74 : i32 to index
        %get3A_78 = tpu.vector_load %arg9[%get3A_76, %get3A_77] {strides = array<i32>} : memref<20x512xi32, #tpu.memory_space<vmem>>, vector<16xi32>,
        %gather3A_79 = tpu.vector_load_idx %arg8[%get3A_78] : memref<102400xf32, #tpu.memory_space<vmem>>[vector<16xi32>], vector<16xf32>,
        %add3A_80 = arith.addf %add3A_72, %gather3A_79 : vector<16xf32>
        %mul3A_81 = arith.constant 16 : i32
        %mul3A_82 = arith.muli %scan3A_56, %mul3A_81 : i32
        %get3A_83 = arith.constant 3 : i32
        %get3A_84 = arith.index_cast %get3A_83 : i32 to index
        %get3A_85 = arith.index_cast %mul3A_82 : i32 to index
        %get3A_86 = tpu.vector_load %arg9[%get3A_84, %get3A_85] {strides = array<i32>} : memref<20x512xi32, #tpu.memory_space<vmem>>, vector<16xi32>,
        %gather3A_87 = tpu.vector_load_idx %arg8[%get3A_86] : memref<102400xf32, #tpu.memory_space<vmem>>[vector<16xi32>], vector<16xf32>,
        %add3A_88 = arith.addf %add3A_80, %gather3A_87 : vector<16xf32>
        %mul3A_89 = arith.constant 16 : i32
        %mul3A_90 = arith.muli %scan3A_56, %mul3A_89 : i32
        %get3A_91 = arith.constant 4 : i32
        %get3A_92 = arith.index_cast %get3A_91 : i32 to index
        %get3A_93 = arith.index_cast %mul3A_90 : i32 to index
        %get3A_94 = tpu.vector_load %arg9[%get3A_92, %get3A_93] {strides = array<i32>} : memref<20x512xi32, #tpu.memory_space<vmem>>, vector<16xi32>,
        %gather3A_95 = tpu.vector_load_idx %arg8[%get3A_94] : memref<102400xf32, #tpu.memory_space<vmem>>[vector<16xi32>], vector<16xf32>,
        %add3A_96 = arith.addf %add3A_88, %gather3A_95 : vector<16xf32>
        %mul3A_97 = arith.constant 16 : i32
        %mul3A_98 = arith.muli %scan3A_56, %mul3A_97 : i32
        %get3A_99 = arith.constant 5 : i32
        %get3A_100 = arith.index_cast %get3A_99 : i32 to index
        %get3A_101 = arith.index_cast %mul3A_98 : i32 to index
        %get3A_102 = tpu.vector_load %arg9[%get3A_100, %get3A_101] {strides = array<i32>} : memref<20x512xi32, #tpu.memory_space<vmem>>, vector<16xi32>,
        %gather3A_103 = tpu.vector_load_idx %arg8[%get3A_102] : memref<102400xf32, #tpu.memory_space<vmem>>[vector<16xi32>], vector<16xf32>,
        %add3A_104 = arith.addf %add3A_96, %gather3A_103 : vector<16xf32>
        %mul3A_105 = arith.constant 16 : i32
        %mul3A_106 = arith.muli %scan3A_56, %mul3A_105 : i32
        %get3A_107 = arith.constant 6 : i32
        %get3A_108 = arith.index_cast %get3A_107 : i32 to index
        %get3A_109 = arith.index_cast %mul3A_106 : i32 to index
        %get3A_110 = tpu.vector_load %arg9[%get3A_108, %get3A_109] {strides = array<i32>} : memref<20x512xi32, #tpu.memory_space<vmem>>, vector<16xi32>,
        %gather3A_111 = tpu.vector_load_idx %arg8[%get3A_110] : memref<102400xf32, #tpu.memory_space<vmem>>[vector<16xi32>], vector<16xf32>,
        %add3A_112 = arith.addf %add3A_104, %gather3A_111 : vector<16xf32>
        %mul3A_113 = arith.constant 16 : i32
        %mul3A_114 = arith.muli %scan3A_56, %mul3A_113 : i32
        %get3A_115 = arith.constant 7 : i32
        %get3A_116 = arith.index_cast %get3A_115 : i32 to index
        %get3A_117 = arith.index_cast %mul3A_114 : i32 to index
        %get3A_118 = tpu.vector_load %arg9[%get3A_116, %get3A_117] {strides = array<i32>} : memref<20x512xi32, #tpu.memory_space<vmem>>, vector<16xi32>,
        %gather3A_119 = tpu.vector_load_idx %arg8[%get3A_118] : memref<102400xf32, #tpu.memory_space<vmem>>[vector<16xi32>], vector<16xf32>,
        %add3A_120 = arith.addf %add3A_112, %gather3A_119 : vector<16xf32>
        %mul3A_121 = arith.constant 16 : i32
        %mul3A_122 = arith.muli %scan3A_56, %mul3A_121 : i32
        %get3A_123 = arith.constant 8 : i32
        %get3A_124 = arith.index_cast %get3A_123 : i32 to index
        %get3A_125 = arith.index_cast %mul3A_122 : i32 to index
        %get3A_126 = tpu.vector_load %arg9[%get3A_124, %get3A_125] {strides = array<i32>} : memref<20x512xi32, #tpu.memory_space<vmem>>, vector<16xi32>,
        %gather3A_127 = tpu.vector_load_idx %arg8[%get3A_126] : memref<102400xf32, #tpu.memory_space<vmem>>[vector<16xi32>], vector<16xf32>,
        %add3A_128 = arith.addf %add3A_120, %gather3A_127 : vector<16xf32>
        %mul3A_129 = arith.constant 16 : i32
        %mul3A_130 = arith.muli %scan3A_56, %mul3A_129 : i32
        %get3A_131 = arith.constant 9 : i32
        %get3A_132 = arith.index_cast %get3A_131 : i32 to index
        %get3A_133 = arith.index_cast %mul3A_130 : i32 to index
        %get3A_134 = tpu.vector_load %arg9[%get3A_132, %get3A_133] {strides = array<i32>} : memref<20x512xi32, #tpu.memory_space<vmem>>, vector<16xi32>,
        %gather3A_135 = tpu.vector_load_idx %arg8[%get3A_134] : memref<102400xf32, #tpu.memory_space<vmem>>[vector<16xi32>], vector<16xf32>,
        %add3A_136 = arith.addf %add3A_128, %gather3A_135 : vector<16xf32>
        %mul3A_137 = arith.constant 16 : i32
        %mul3A_138 = arith.muli %scan3A_56, %mul3A_137 : i32
        %get3A_139 = arith.constant 10 : i32
        %get3A_140 = arith.index_cast %get3A_139 : i32 to index
        %get3A_141 = arith.index_cast %mul3A_138 : i32 to index
        %get3A_142 = tpu.vector_load %arg9[%get3A_140, %get3A_141] {strides = array<i32>} : memref<20x512xi32, #tpu.memory_space<vmem>>, vector<16xi32>,
        %gather3A_143 = tpu.vector_load_idx %arg8[%get3A_142] : memref<102400xf32, #tpu.memory_space<vmem>>[vector<16xi32>], vector<16xf32>,
        %add3A_144 = arith.addf %add3A_136, %gather3A_143 : vector<16xf32>
        %mul3A_145 = arith.constant 16 : i32
        %mul3A_146 = arith.muli %scan3A_56, %mul3A_145 : i32
        %get3A_147 = arith.constant 11 : i32
        %get3A_148 = arith.index_cast %get3A_147 : i32 to index
        %get3A_149 = arith.index_cast %mul3A_146 : i32 to index
        %get3A_150 = tpu.vector_load %arg9[%get3A_148, %get3A_149] {strides = array<i32>} : memref<20x512xi32, #tpu.memory_space<vmem>>, vector<16xi32>,
        %gather3A_151 = tpu.vector_load_idx %arg8[%get3A_150] : memref<102400xf32, #tpu.memory_space<vmem>>[vector<16xi32>], vector<16xf32>,
        %add3A_152 = arith.addf %add3A_144, %gather3A_151 : vector<16xf32>
        %mul3A_153 = arith.constant 16 : i32
        %mul3A_154 = arith.muli %scan3A_56, %mul3A_153 : i32
        %get3A_155 = arith.constant 12 : i32
        %get3A_156 = arith.index_cast %get3A_155 : i32 to index
        %get3A_157 = arith.index_cast %mul3A_154 : i32 to index
        %get3A_158 = tpu.vector_load %arg9[%get3A_156, %get3A_157] {strides = array<i32>} : memref<20x512xi32, #tpu.memory_space<vmem>>, vector<16xi32>,
        %gather3A_159 = tpu.vector_load_idx %arg8[%get3A_158] : memref<102400xf32, #tpu.memory_space<vmem>>[vector<16xi32>], vector<16xf32>,
        %add3A_160 = arith.addf %add3A_152, %gather3A_159 : vector<16xf32>
        %mul3A_161 = arith.constant 16 : i32
        %mul3A_162 = arith.muli %scan3A_56, %mul3A_161 : i32
        %get3A_163 = arith.constant 13 : i32
        %get3A_164 = arith.index_cast %get3A_163 : i32 to index
        %get3A_165 = arith.index_cast %mul3A_162 : i32 to index
        %get3A_166 = tpu.vector_load %arg9[%get3A_164, %get3A_165] {strides = array<i32>} : memref<20x512xi32, #tpu.memory_space<vmem>>, vector<16xi32>,
        %gather3A_167 = tpu.vector_load_idx %arg8[%get3A_166] : memref<102400xf32, #tpu.memory_space<vmem>>[vector<16xi32>], vector<16xf32>,
        %add3A_168 = arith.addf %add3A_160, %gather3A_167 : vector<16xf32>
        %mul3A_169 = arith.constant 16 : i32
        %mul3A_170 = arith.muli %scan3A_56, %mul3A_169 : i32
        %get3A_171 = arith.constant 14 : i32
        %get3A_172 = arith.index_cast %get3A_171 : i32 to index
        %get3A_173 = arith.index_cast %mul3A_170 : i32 to index
        %get3A_174 = tpu.vector_load %arg9[%get3A_172, %get3A_173] {strides = array<i32>} : memref<20x512xi32, #tpu.memory_space<vmem>>, vector<16xi32>,
        %gather3A_175 = tpu.vector_load_idx %arg8[%get3A_174] : memref<102400xf32, #tpu.memory_space<vmem>>[vector<16xi32>], vector<16xf32>,
        %add3A_176 = arith.addf %add3A_168, %gather3A_175 : vector<16xf32>
        %mul3A_177 = arith.constant 16 : i32
        %mul3A_178 = arith.muli %scan3A_56, %mul3A_177 : i32
        %get3A_179 = arith.constant 15 : i32
        %get3A_180 = arith.index_cast %get3A_179 : i32 to index
        %get3A_181 = arith.index_cast %mul3A_178 : i32 to index
        %get3A_182 = tpu.vector_load %arg9[%get3A_180, %get3A_181] {strides = array<i32>} : memref<20x512xi32, #tpu.memory_space<vmem>>, vector<16xi32>,
        %gather3A_183 = tpu.vector_load_idx %arg8[%get3A_182] : memref<102400xf32, #tpu.memory_space<vmem>>[vector<16xi32>], vector<16xf32>,
        %add3A_184 = arith.addf %add3A_176, %gather3A_183 : vector<16xf32>
        %mul3A_185 = arith.constant 16 : i32
        %mul3A_186 = arith.muli %scan3A_56, %mul3A_185 : i32
        %get3A_187 = arith.constant 16 : i32
        %get3A_188 = arith.index_cast %get3A_187 : i32 to index
        %get3A_189 = arith.index_cast %mul3A_186 : i32 to index
        %get3A_190 = tpu.vector_load %arg9[%get3A_188, %get3A_189] {strides = array<i32>} : memref<20x512xi32, #tpu.memory_space<vmem>>, vector<16xi32>,
        %gather3A_191 = tpu.vector_load_idx %arg8[%get3A_190] : memref<102400xf32, #tpu.memory_space<vmem>>[vector<16xi32>], vector<16xf32>,
        %add3A_192 = arith.addf %add3A_184, %gather3A_191 : vector<16xf32>
        %mul3A_193 = arith.constant 16 : i32
        %mul3A_194 = arith.muli %scan3A_56, %mul3A_193 : i32
        %get3A_195 = arith.constant 17 : i32
        %get3A_196 = arith.index_cast %get3A_195 : i32 to index
        %get3A_197 = arith.index_cast %mul3A_194 : i32 to index
        %get3A_198 = tpu.vector_load %arg9[%get3A_196, %get3A_197] {strides = array<i32>} : memref<20x512xi32, #tpu.memory_space<vmem>>, vector<16xi32>,
        %gather3A_199 = tpu.vector_load_idx %arg8[%get3A_198] : memref<102400xf32, #tpu.memory_space<vmem>>[vector<16xi32>], vector<16xf32>,
        %add3A_200 = arith.addf %add3A_192, %gather3A_199 : vector<16xf32>
        %mul3A_201 = arith.constant 16 : i32
        %mul3A_202 = arith.muli %scan3A_56, %mul3A_201 : i32
        %get3A_203 = arith.constant 18 : i32
        %get3A_204 = arith.index_cast %get3A_203 : i32 to index
        %get3A_205 = arith.index_cast %mul3A_202 : i32 to index
        %get3A_206 = tpu.vector_load %arg9[%get3A_204, %get3A_205] {strides = array<i32>} : memref<20x512xi32, #tpu.memory_space<vmem>>, vector<16xi32>,
        %gather3A_207 = tpu.vector_load_idx %arg8[%get3A_206] : memref<102400xf32, #tpu.memory_space<vmem>>[vector<16xi32>], vector<16xf32>,
        %add3A_208 = arith.addf %add3A_200, %gather3A_207 : vector<16xf32>
        %mul3A_209 = arith.constant 16 : i32
        %mul3A_210 = arith.muli %scan3A_56, %mul3A_209 : i32
        %get3A_211 = arith.constant 19 : i32
        %get3A_212 = arith.index_cast %get3A_211 : i32 to index
        %get3A_213 = arith.index_cast %mul3A_210 : i32 to index
        %get3A_214 = tpu.vector_load %arg9[%get3A_212, %get3A_213] {strides = array<i32>} : memref<20x512xi32, #tpu.memory_space<vmem>>, vector<16xi32>,
        %gather3A_215 = tpu.vector_load_idx %arg8[%get3A_214] : memref<102400xf32, #tpu.memory_space<vmem>>[vector<16xi32>], vector<16xf32>,
        %add3A_216 = arith.addf %add3A_208, %gather3A_215 : vector<16xf32>
        %mul3A_217 = arith.constant 16 : i32
        %mul3A_218 = arith.muli %scan3A_56, %mul3A_217 : i32
        %add3A_219 = arith.constant 1024 : i32
        %add3A_220 = arith.addi %add3A_219, %mul3A_218 : i32
        %swap3A = arith.index_cast %add3A_220 : i32 to index
        %swap3A_221 = tpu.vector_load %arg11[%swap3A] {strides = array<i32>} : memref<2048xf32, #tpu.memory_space<vmem>>, vector<16xf32>,
        tpu.vector_store %arg11[%swap3A], %add3A_216 {strides = array<i32>} : memref<2048xf32, #tpu.memory_space<vmem>>, vector<16xf32>,
        %scan3A_222 = arith.constant 0 : i32
        scf.yield %scan3A_222 : i32
      }
      %scan3A_46 = arith.constant 32 : i32
      %add3A_47 = arith.constant 1536 : i32
      %add3A_48 = arith.addi %mul3A_0, %add3A_47 : i32
      "tpu.region"() ({
        %run_scoped3A = tpu.sem_alloc : memref<!tpu.dma_semaphore, #tpu.memory_space<semaphore_mem>>
        %dma_start3A = arith.constant 0 : i32
        %dma_start3A_56 = tpu.memref_slice %arg4[%arg1, %dma_start3A, %add3A_48] : memref<8x20x4096xi32, #tpu.memory_space<hbm>> -> memref<1x20x512xi32, #tpu.memory_space<hbm>>
        %dma_start3A_57 = tpu.memref_squeeze %dma_start3A_56 : memref<1x20x512xi32, #tpu.memory_space<hbm>> -> memref<20x512xi32, #tpu.memory_space<hbm>>
        %dma_start3A_58 = arith.constant 0 : i32
        %dma_start3A_59 = tpu.memref_slice %arg4[%arg1, %dma_start3A_58, %add3A_48] : memref<8x20x4096xi32, #tpu.memory_space<hbm>> -> memref<1x20x512xi32, #tpu.memory_space<hbm>>
        %dma_start3A_60 = tpu.memref_squeeze %dma_start3A_59 : memref<1x20x512xi32, #tpu.memory_space<hbm>> -> memref<20x512xi32, #tpu.memory_space<hbm>>
        tpu.enqueue_dma source(%dma_start3A_60 : memref<20x512xi32, #tpu.memory_space<hbm>>) target(%arg9 : memref<20x512xi32, #tpu.memory_space<vmem>>) target_semaphore(%run_scoped3A : memref<!tpu.dma_semaphore, #tpu.memory_space<semaphore_mem>>)
        %dma_wait3A = arith.constant 0 : i32
        %dma_wait3A_61 = tpu.memref_slice %arg4[%arg1, %dma_wait3A, %add3A_48] : memref<8x20x4096xi32, #tpu.memory_space<hbm>> -> memref<1x20x512xi32, #tpu.memory_space<hbm>>
        %dma_wait3A_62 = tpu.memref_squeeze %dma_wait3A_61 : memref<1x20x512xi32, #tpu.memory_space<hbm>> -> memref<20x512xi32, #tpu.memory_space<hbm>>
        %dma_wait3A_63 = arith.constant 0 : i32
        %dma_wait3A_64 = tpu.memref_slice %arg4[%arg1, %dma_wait3A_63, %add3A_48] : memref<8x20x4096xi32, #tpu.memory_space<hbm>> -> memref<1x20x512xi32, #tpu.memory_space<hbm>>
        %dma_wait3A_65 = tpu.memref_squeeze %dma_wait3A_64 : memref<1x20x512xi32, #tpu.memory_space<hbm>> -> memref<20x512xi32, #tpu.memory_space<hbm>>
        tpu.wait_dma2 semaphore(%run_scoped3A : memref<!tpu.dma_semaphore, #tpu.memory_space<semaphore_mem>>) src(%dma_wait3A_65 : memref<20x512xi32, #tpu.memory_space<hbm>>) dst(%arg9 : memref<20x512xi32, #tpu.memory_space<vmem>>)
        tpu.yield
      }) : () -> ()
      %scan3A_49 = arith.constant 0 : i32
      %scan3A_50 = arith.constant 0 : i32
      %scan3A_51 = arith.constant 32 : i32
      %scan3A_52 = arith.addi %scan3A_50, %scan3A_51 : i32
      %scan3A_53 = arith.constant 1 : i32
      %scan3A_54 = scf.for %scan3A_56 = %scan3A_50 to %scan3A_52 step %scan3A_53 iter_args(%scan3A_57 = %scan3A_49) -> (i32)  : i32 {
        %broadcast_in_dim3A = arith.constant 0.000000e+00 : f32
        %broadcast_in_dim3A_58 = vector.broadcast %broadcast_in_dim3A : f32 to vector<16xf32>
        %mul3A_59 = arith.constant 16 : i32
        %mul3A_60 = arith.muli %scan3A_56, %mul3A_59 : i32
        %get3A = arith.constant 0 : i32
        %get3A_61 = arith.index_cast %get3A : i32 to index
        %get3A_62 = arith.index_cast %mul3A_60 : i32 to index
        %get3A_63 = tpu.vector_load %arg9[%get3A_61, %get3A_62] {strides = array<i32>} : memref<20x512xi32, #tpu.memory_space<vmem>>, vector<16xi32>,
        %gather3A = tpu.vector_load_idx %arg8[%get3A_63] : memref<102400xf32, #tpu.memory_space<vmem>>[vector<16xi32>], vector<16xf32>,
        %add3A_64 = arith.addf %broadcast_in_dim3A_58, %gather3A : vector<16xf32>
        %mul3A_65 = arith.constant 16 : i32
        %mul3A_66 = arith.muli %scan3A_56, %mul3A_65 : i32
        %get3A_67 = arith.constant 1 : i32
        %get3A_68 = arith.index_cast %get3A_67 : i32 to index
        %get3A_69 = arith.index_cast %mul3A_66 : i32 to index
        %get3A_70 = tpu.vector_load %arg9[%get3A_68, %get3A_69] {strides = array<i32>} : memref<20x512xi32, #tpu.memory_space<vmem>>, vector<16xi32>,
        %gather3A_71 = tpu.vector_load_idx %arg8[%get3A_70] : memref<102400xf32, #tpu.memory_space<vmem>>[vector<16xi32>], vector<16xf32>,
        %add3A_72 = arith.addf %add3A_64, %gather3A_71 : vector<16xf32>
        %mul3A_73 = arith.constant 16 : i32
        %mul3A_74 = arith.muli %scan3A_56, %mul3A_73 : i32
        %get3A_75 = arith.constant 2 : i32
        %get3A_76 = arith.index_cast %get3A_75 : i32 to index
        %get3A_77 = arith.index_cast %mul3A_74 : i32 to index
        %get3A_78 = tpu.vector_load %arg9[%get3A_76, %get3A_77] {strides = array<i32>} : memref<20x512xi32, #tpu.memory_space<vmem>>, vector<16xi32>,
        %gather3A_79 = tpu.vector_load_idx %arg8[%get3A_78] : memref<102400xf32, #tpu.memory_space<vmem>>[vector<16xi32>], vector<16xf32>,
        %add3A_80 = arith.addf %add3A_72, %gather3A_79 : vector<16xf32>
        %mul3A_81 = arith.constant 16 : i32
        %mul3A_82 = arith.muli %scan3A_56, %mul3A_81 : i32
        %get3A_83 = arith.constant 3 : i32
        %get3A_84 = arith.index_cast %get3A_83 : i32 to index
        %get3A_85 = arith.index_cast %mul3A_82 : i32 to index
        %get3A_86 = tpu.vector_load %arg9[%get3A_84, %get3A_85] {strides = array<i32>} : memref<20x512xi32, #tpu.memory_space<vmem>>, vector<16xi32>,
        %gather3A_87 = tpu.vector_load_idx %arg8[%get3A_86] : memref<102400xf32, #tpu.memory_space<vmem>>[vector<16xi32>], vector<16xf32>,
        %add3A_88 = arith.addf %add3A_80, %gather3A_87 : vector<16xf32>
        %mul3A_89 = arith.constant 16 : i32
        %mul3A_90 = arith.muli %scan3A_56, %mul3A_89 : i32
        %get3A_91 = arith.constant 4 : i32
        %get3A_92 = arith.index_cast %get3A_91 : i32 to index
        %get3A_93 = arith.index_cast %mul3A_90 : i32 to index
        %get3A_94 = tpu.vector_load %arg9[%get3A_92, %get3A_93] {strides = array<i32>} : memref<20x512xi32, #tpu.memory_space<vmem>>, vector<16xi32>,
        %gather3A_95 = tpu.vector_load_idx %arg8[%get3A_94] : memref<102400xf32, #tpu.memory_space<vmem>>[vector<16xi32>], vector<16xf32>,
        %add3A_96 = arith.addf %add3A_88, %gather3A_95 : vector<16xf32>
        %mul3A_97 = arith.constant 16 : i32
        %mul3A_98 = arith.muli %scan3A_56, %mul3A_97 : i32
        %get3A_99 = arith.constant 5 : i32
        %get3A_100 = arith.index_cast %get3A_99 : i32 to index
        %get3A_101 = arith.index_cast %mul3A_98 : i32 to index
        %get3A_102 = tpu.vector_load %arg9[%get3A_100, %get3A_101] {strides = array<i32>} : memref<20x512xi32, #tpu.memory_space<vmem>>, vector<16xi32>,
        %gather3A_103 = tpu.vector_load_idx %arg8[%get3A_102] : memref<102400xf32, #tpu.memory_space<vmem>>[vector<16xi32>], vector<16xf32>,
        %add3A_104 = arith.addf %add3A_96, %gather3A_103 : vector<16xf32>
        %mul3A_105 = arith.constant 16 : i32
        %mul3A_106 = arith.muli %scan3A_56, %mul3A_105 : i32
        %get3A_107 = arith.constant 6 : i32
        %get3A_108 = arith.index_cast %get3A_107 : i32 to index
        %get3A_109 = arith.index_cast %mul3A_106 : i32 to index
        %get3A_110 = tpu.vector_load %arg9[%get3A_108, %get3A_109] {strides = array<i32>} : memref<20x512xi32, #tpu.memory_space<vmem>>, vector<16xi32>,
        %gather3A_111 = tpu.vector_load_idx %arg8[%get3A_110] : memref<102400xf32, #tpu.memory_space<vmem>>[vector<16xi32>], vector<16xf32>,
        %add3A_112 = arith.addf %add3A_104, %gather3A_111 : vector<16xf32>
        %mul3A_113 = arith.constant 16 : i32
        %mul3A_114 = arith.muli %scan3A_56, %mul3A_113 : i32
        %get3A_115 = arith.constant 7 : i32
        %get3A_116 = arith.index_cast %get3A_115 : i32 to index
        %get3A_117 = arith.index_cast %mul3A_114 : i32 to index
        %get3A_118 = tpu.vector_load %arg9[%get3A_116, %get3A_117] {strides = array<i32>} : memref<20x512xi32, #tpu.memory_space<vmem>>, vector<16xi32>,
        %gather3A_119 = tpu.vector_load_idx %arg8[%get3A_118] : memref<102400xf32, #tpu.memory_space<vmem>>[vector<16xi32>], vector<16xf32>,
        %add3A_120 = arith.addf %add3A_112, %gather3A_119 : vector<16xf32>
        %mul3A_121 = arith.constant 16 : i32
        %mul3A_122 = arith.muli %scan3A_56, %mul3A_121 : i32
        %get3A_123 = arith.constant 8 : i32
        %get3A_124 = arith.index_cast %get3A_123 : i32 to index
        %get3A_125 = arith.index_cast %mul3A_122 : i32 to index
        %get3A_126 = tpu.vector_load %arg9[%get3A_124, %get3A_125] {strides = array<i32>} : memref<20x512xi32, #tpu.memory_space<vmem>>, vector<16xi32>,
        %gather3A_127 = tpu.vector_load_idx %arg8[%get3A_126] : memref<102400xf32, #tpu.memory_space<vmem>>[vector<16xi32>], vector<16xf32>,
        %add3A_128 = arith.addf %add3A_120, %gather3A_127 : vector<16xf32>
        %mul3A_129 = arith.constant 16 : i32
        %mul3A_130 = arith.muli %scan3A_56, %mul3A_129 : i32
        %get3A_131 = arith.constant 9 : i32
        %get3A_132 = arith.index_cast %get3A_131 : i32 to index
        %get3A_133 = arith.index_cast %mul3A_130 : i32 to index
        %get3A_134 = tpu.vector_load %arg9[%get3A_132, %get3A_133] {strides = array<i32>} : memref<20x512xi32, #tpu.memory_space<vmem>>, vector<16xi32>,
        %gather3A_135 = tpu.vector_load_idx %arg8[%get3A_134] : memref<102400xf32, #tpu.memory_space<vmem>>[vector<16xi32>], vector<16xf32>,
        %add3A_136 = arith.addf %add3A_128, %gather3A_135 : vector<16xf32>
        %mul3A_137 = arith.constant 16 : i32
        %mul3A_138 = arith.muli %scan3A_56, %mul3A_137 : i32
        %get3A_139 = arith.constant 10 : i32
        %get3A_140 = arith.index_cast %get3A_139 : i32 to index
        %get3A_141 = arith.index_cast %mul3A_138 : i32 to index
        %get3A_142 = tpu.vector_load %arg9[%get3A_140, %get3A_141] {strides = array<i32>} : memref<20x512xi32, #tpu.memory_space<vmem>>, vector<16xi32>,
        %gather3A_143 = tpu.vector_load_idx %arg8[%get3A_142] : memref<102400xf32, #tpu.memory_space<vmem>>[vector<16xi32>], vector<16xf32>,
        %add3A_144 = arith.addf %add3A_136, %gather3A_143 : vector<16xf32>
        %mul3A_145 = arith.constant 16 : i32
        %mul3A_146 = arith.muli %scan3A_56, %mul3A_145 : i32
        %get3A_147 = arith.constant 11 : i32
        %get3A_148 = arith.index_cast %get3A_147 : i32 to index
        %get3A_149 = arith.index_cast %mul3A_146 : i32 to index
        %get3A_150 = tpu.vector_load %arg9[%get3A_148, %get3A_149] {strides = array<i32>} : memref<20x512xi32, #tpu.memory_space<vmem>>, vector<16xi32>,
        %gather3A_151 = tpu.vector_load_idx %arg8[%get3A_150] : memref<102400xf32, #tpu.memory_space<vmem>>[vector<16xi32>], vector<16xf32>,
        %add3A_152 = arith.addf %add3A_144, %gather3A_151 : vector<16xf32>
        %mul3A_153 = arith.constant 16 : i32
        %mul3A_154 = arith.muli %scan3A_56, %mul3A_153 : i32
        %get3A_155 = arith.constant 12 : i32
        %get3A_156 = arith.index_cast %get3A_155 : i32 to index
        %get3A_157 = arith.index_cast %mul3A_154 : i32 to index
        %get3A_158 = tpu.vector_load %arg9[%get3A_156, %get3A_157] {strides = array<i32>} : memref<20x512xi32, #tpu.memory_space<vmem>>, vector<16xi32>,
        %gather3A_159 = tpu.vector_load_idx %arg8[%get3A_158] : memref<102400xf32, #tpu.memory_space<vmem>>[vector<16xi32>], vector<16xf32>,
        %add3A_160 = arith.addf %add3A_152, %gather3A_159 : vector<16xf32>
        %mul3A_161 = arith.constant 16 : i32
        %mul3A_162 = arith.muli %scan3A_56, %mul3A_161 : i32
        %get3A_163 = arith.constant 13 : i32
        %get3A_164 = arith.index_cast %get3A_163 : i32 to index
        %get3A_165 = arith.index_cast %mul3A_162 : i32 to index
        %get3A_166 = tpu.vector_load %arg9[%get3A_164, %get3A_165] {strides = array<i32>} : memref<20x512xi32, #tpu.memory_space<vmem>>, vector<16xi32>,
        %gather3A_167 = tpu.vector_load_idx %arg8[%get3A_166] : memref<102400xf32, #tpu.memory_space<vmem>>[vector<16xi32>], vector<16xf32>,
        %add3A_168 = arith.addf %add3A_160, %gather3A_167 : vector<16xf32>
        %mul3A_169 = arith.constant 16 : i32
        %mul3A_170 = arith.muli %scan3A_56, %mul3A_169 : i32
        %get3A_171 = arith.constant 14 : i32
        %get3A_172 = arith.index_cast %get3A_171 : i32 to index
        %get3A_173 = arith.index_cast %mul3A_170 : i32 to index
        %get3A_174 = tpu.vector_load %arg9[%get3A_172, %get3A_173] {strides = array<i32>} : memref<20x512xi32, #tpu.memory_space<vmem>>, vector<16xi32>,
        %gather3A_175 = tpu.vector_load_idx %arg8[%get3A_174] : memref<102400xf32, #tpu.memory_space<vmem>>[vector<16xi32>], vector<16xf32>,
        %add3A_176 = arith.addf %add3A_168, %gather3A_175 : vector<16xf32>
        %mul3A_177 = arith.constant 16 : i32
        %mul3A_178 = arith.muli %scan3A_56, %mul3A_177 : i32
        %get3A_179 = arith.constant 15 : i32
        %get3A_180 = arith.index_cast %get3A_179 : i32 to index
        %get3A_181 = arith.index_cast %mul3A_178 : i32 to index
        %get3A_182 = tpu.vector_load %arg9[%get3A_180, %get3A_181] {strides = array<i32>} : memref<20x512xi32, #tpu.memory_space<vmem>>, vector<16xi32>,
        %gather3A_183 = tpu.vector_load_idx %arg8[%get3A_182] : memref<102400xf32, #tpu.memory_space<vmem>>[vector<16xi32>], vector<16xf32>,
        %add3A_184 = arith.addf %add3A_176, %gather3A_183 : vector<16xf32>
        %mul3A_185 = arith.constant 16 : i32
        %mul3A_186 = arith.muli %scan3A_56, %mul3A_185 : i32
        %get3A_187 = arith.constant 16 : i32
        %get3A_188 = arith.index_cast %get3A_187 : i32 to index
        %get3A_189 = arith.index_cast %mul3A_186 : i32 to index
        %get3A_190 = tpu.vector_load %arg9[%get3A_188, %get3A_189] {strides = array<i32>} : memref<20x512xi32, #tpu.memory_space<vmem>>, vector<16xi32>,
        %gather3A_191 = tpu.vector_load_idx %arg8[%get3A_190] : memref<102400xf32, #tpu.memory_space<vmem>>[vector<16xi32>], vector<16xf32>,
        %add3A_192 = arith.addf %add3A_184, %gather3A_191 : vector<16xf32>
        %mul3A_193 = arith.constant 16 : i32
        %mul3A_194 = arith.muli %scan3A_56, %mul3A_193 : i32
        %get3A_195 = arith.constant 17 : i32
        %get3A_196 = arith.index_cast %get3A_195 : i32 to index
        %get3A_197 = arith.index_cast %mul3A_194 : i32 to index
        %get3A_198 = tpu.vector_load %arg9[%get3A_196, %get3A_197] {strides = array<i32>} : memref<20x512xi32, #tpu.memory_space<vmem>>, vector<16xi32>,
        %gather3A_199 = tpu.vector_load_idx %arg8[%get3A_198] : memref<102400xf32, #tpu.memory_space<vmem>>[vector<16xi32>], vector<16xf32>,
        %add3A_200 = arith.addf %add3A_192, %gather3A_199 : vector<16xf32>
        %mul3A_201 = arith.constant 16 : i32
        %mul3A_202 = arith.muli %scan3A_56, %mul3A_201 : i32
        %get3A_203 = arith.constant 18 : i32
        %get3A_204 = arith.index_cast %get3A_203 : i32 to index
        %get3A_205 = arith.index_cast %mul3A_202 : i32 to index
        %get3A_206 = tpu.vector_load %arg9[%get3A_204, %get3A_205] {strides = array<i32>} : memref<20x512xi32, #tpu.memory_space<vmem>>, vector<16xi32>,
        %gather3A_207 = tpu.vector_load_idx %arg8[%get3A_206] : memref<102400xf32, #tpu.memory_space<vmem>>[vector<16xi32>], vector<16xf32>,
        %add3A_208 = arith.addf %add3A_200, %gather3A_207 : vector<16xf32>
        %mul3A_209 = arith.constant 16 : i32
        %mul3A_210 = arith.muli %scan3A_56, %mul3A_209 : i32
        %get3A_211 = arith.constant 19 : i32
        %get3A_212 = arith.index_cast %get3A_211 : i32 to index
        %get3A_213 = arith.index_cast %mul3A_210 : i32 to index
        %get3A_214 = tpu.vector_load %arg9[%get3A_212, %get3A_213] {strides = array<i32>} : memref<20x512xi32, #tpu.memory_space<vmem>>, vector<16xi32>,
        %gather3A_215 = tpu.vector_load_idx %arg8[%get3A_214] : memref<102400xf32, #tpu.memory_space<vmem>>[vector<16xi32>], vector<16xf32>,
        %add3A_216 = arith.addf %add3A_208, %gather3A_215 : vector<16xf32>
        %mul3A_217 = arith.constant 16 : i32
        %mul3A_218 = arith.muli %scan3A_56, %mul3A_217 : i32
        %add3A_219 = arith.constant 1536 : i32
        %add3A_220 = arith.addi %add3A_219, %mul3A_218 : i32
        %swap3A = arith.index_cast %add3A_220 : i32 to index
        %swap3A_221 = tpu.vector_load %arg11[%swap3A] {strides = array<i32>} : memref<2048xf32, #tpu.memory_space<vmem>>, vector<16xf32>,
        tpu.vector_store %arg11[%swap3A], %add3A_216 {strides = array<i32>} : memref<2048xf32, #tpu.memory_space<vmem>>, vector<16xf32>,
        %scan3A_222 = arith.constant 0 : i32
        scf.yield %scan3A_222 : i32
      }
      %scan3A_55 = arith.constant 32 : i32
      "tpu.region"() ({
        %run_scoped3A = tpu.sem_alloc : memref<!tpu.dma_semaphore, #tpu.memory_space<semaphore_mem>>
        %dma_start3A = tpu.memref_slice %arg7[%arg1, %mul3A_0] : memref<10x4096xf32, #tpu.memory_space<hbm>> -> memref<1x2048xf32, #tpu.memory_space<hbm>>
        %dma_start3A_56 = tpu.memref_squeeze %dma_start3A : memref<1x2048xf32, #tpu.memory_space<hbm>> -> memref<2048xf32, #tpu.memory_space<hbm>>
        %dma_start3A_57 = tpu.memref_slice %arg7[%arg1, %mul3A_0] : memref<10x4096xf32, #tpu.memory_space<hbm>> -> memref<1x2048xf32, #tpu.memory_space<hbm>>
        %dma_start3A_58 = tpu.memref_squeeze %dma_start3A_57 : memref<1x2048xf32, #tpu.memory_space<hbm>> -> memref<2048xf32, #tpu.memory_space<hbm>>
        tpu.enqueue_dma source(%arg11 : memref<2048xf32, #tpu.memory_space<vmem>>) target(%dma_start3A_58 : memref<2048xf32, #tpu.memory_space<hbm>>) target_semaphore(%run_scoped3A : memref<!tpu.dma_semaphore, #tpu.memory_space<semaphore_mem>>)
        %dma_wait3A = tpu.memref_slice %arg7[%arg1, %mul3A_0] : memref<10x4096xf32, #tpu.memory_space<hbm>> -> memref<1x2048xf32, #tpu.memory_space<hbm>>
        %dma_wait3A_59 = tpu.memref_squeeze %dma_wait3A : memref<1x2048xf32, #tpu.memory_space<hbm>> -> memref<2048xf32, #tpu.memory_space<hbm>>
        %dma_wait3A_60 = tpu.memref_slice %arg7[%arg1, %mul3A_0] : memref<10x4096xf32, #tpu.memory_space<hbm>> -> memref<1x2048xf32, #tpu.memory_space<hbm>>
        %dma_wait3A_61 = tpu.memref_squeeze %dma_wait3A_60 : memref<1x2048xf32, #tpu.memory_space<hbm>> -> memref<2048xf32, #tpu.memory_space<hbm>>
        tpu.wait_dma2 semaphore(%run_scoped3A : memref<!tpu.dma_semaphore, #tpu.memory_space<semaphore_mem>>) src(%arg11 : memref<2048xf32, #tpu.memory_space<vmem>>) dst(%dma_wait3A_61 : memref<2048xf32, #tpu.memory_space<hbm>>)
        tpu.yield
      }) : () -> ()
    } else {
    }
    %ge3A_14 = arith.constant 8 : i32
    %ge3A_15 = arith.cmpi sge, %arg1, %ge3A_14 : i32
    %lt3A_16 = arith.constant 10 : i32
    %lt3A_17 = arith.cmpi slt, %arg1, %lt3A_16 : i32
    %and3A_18 = arith.andi %ge3A_15, %lt3A_17 : i1
    %convert_element_type3A_19 = arith.extui %and3A_18 : i1 to i32
    %cond3A_20 = arith.constant 0 : i32
    %cond3A_21 = arith.cmpi ne, %convert_element_type3A_19, %cond3A_20 : i32
    scf.if %cond3A_21 {
      %sub3A = arith.constant 8 : i32
      %sub3A_22 = arith.subi %arg1, %sub3A : i32
      %add3A = arith.constant 0 : i32
      %add3A_23 = arith.addi %mul3A_0, %add3A : i32
      "tpu.region"() ({
        %run_scoped3A = tpu.sem_alloc : memref<!tpu.dma_semaphore, #tpu.memory_space<semaphore_mem>>
        %dma_start3A = arith.constant 0 : i32
        %dma_start3A_57 = tpu.memref_slice %arg5[%sub3A_22, %dma_start3A, %add3A_23] : memref<2x20x4096xi32, #tpu.memory_space<hbm>> -> memref<1x20x512xi32, #tpu.memory_space<hbm>>
        %dma_start3A_58 = tpu.memref_squeeze %dma_start3A_57 : memref<1x20x512xi32, #tpu.memory_space<hbm>> -> memref<20x512xi32, #tpu.memory_space<hbm>>
        %dma_start3A_59 = arith.constant 0 : i32
        %dma_start3A_60 = tpu.memref_slice %arg5[%sub3A_22, %dma_start3A_59, %add3A_23] : memref<2x20x4096xi32, #tpu.memory_space<hbm>> -> memref<1x20x512xi32, #tpu.memory_space<hbm>>
        %dma_start3A_61 = tpu.memref_squeeze %dma_start3A_60 : memref<1x20x512xi32, #tpu.memory_space<hbm>> -> memref<20x512xi32, #tpu.memory_space<hbm>>
        tpu.enqueue_dma source(%dma_start3A_61 : memref<20x512xi32, #tpu.memory_space<hbm>>) target(%arg9 : memref<20x512xi32, #tpu.memory_space<vmem>>) target_semaphore(%run_scoped3A : memref<!tpu.dma_semaphore, #tpu.memory_space<semaphore_mem>>)
        %dma_wait3A = arith.constant 0 : i32
        %dma_wait3A_62 = tpu.memref_slice %arg5[%sub3A_22, %dma_wait3A, %add3A_23] : memref<2x20x4096xi32, #tpu.memory_space<hbm>> -> memref<1x20x512xi32, #tpu.memory_space<hbm>>
        %dma_wait3A_63 = tpu.memref_squeeze %dma_wait3A_62 : memref<1x20x512xi32, #tpu.memory_space<hbm>> -> memref<20x512xi32, #tpu.memory_space<hbm>>
        %dma_wait3A_64 = arith.constant 0 : i32
        %dma_wait3A_65 = tpu.memref_slice %arg5[%sub3A_22, %dma_wait3A_64, %add3A_23] : memref<2x20x4096xi32, #tpu.memory_space<hbm>> -> memref<1x20x512xi32, #tpu.memory_space<hbm>>
        %dma_wait3A_66 = tpu.memref_squeeze %dma_wait3A_65 : memref<1x20x512xi32, #tpu.memory_space<hbm>> -> memref<20x512xi32, #tpu.memory_space<hbm>>
        tpu.wait_dma2 semaphore(%run_scoped3A : memref<!tpu.dma_semaphore, #tpu.memory_space<semaphore_mem>>) src(%dma_wait3A_66 : memref<20x512xi32, #tpu.memory_space<hbm>>) dst(%arg9 : memref<20x512xi32, #tpu.memory_space<vmem>>)
        tpu.yield
      }) : () -> ()
      "tpu.region"() ({
        %run_scoped3A = tpu.sem_alloc : memref<!tpu.dma_semaphore, #tpu.memory_space<semaphore_mem>>
        %dma_start3A = arith.constant 0 : i32
        %dma_start3A_57 = tpu.memref_slice %arg6[%sub3A_22, %dma_start3A, %add3A_23] : memref<2x20x4096xf32, #tpu.memory_space<hbm>> -> memref<1x20x512xf32, #tpu.memory_space<hbm>>
        %dma_start3A_58 = tpu.memref_squeeze %dma_start3A_57 : memref<1x20x512xf32, #tpu.memory_space<hbm>> -> memref<20x512xf32, #tpu.memory_space<hbm>>
        %dma_start3A_59 = arith.constant 0 : i32
        %dma_start3A_60 = tpu.memref_slice %arg6[%sub3A_22, %dma_start3A_59, %add3A_23] : memref<2x20x4096xf32, #tpu.memory_space<hbm>> -> memref<1x20x512xf32, #tpu.memory_space<hbm>>
        %dma_start3A_61 = tpu.memref_squeeze %dma_start3A_60 : memref<1x20x512xf32, #tpu.memory_space<hbm>> -> memref<20x512xf32, #tpu.memory_space<hbm>>
        tpu.enqueue_dma source(%dma_start3A_61 : memref<20x512xf32, #tpu.memory_space<hbm>>) target(%arg10 : memref<20x512xf32, #tpu.memory_space<vmem>>) target_semaphore(%run_scoped3A : memref<!tpu.dma_semaphore, #tpu.memory_space<semaphore_mem>>)
        %dma_wait3A = arith.constant 0 : i32
        %dma_wait3A_62 = tpu.memref_slice %arg6[%sub3A_22, %dma_wait3A, %add3A_23] : memref<2x20x4096xf32, #tpu.memory_space<hbm>> -> memref<1x20x512xf32, #tpu.memory_space<hbm>>
        %dma_wait3A_63 = tpu.memref_squeeze %dma_wait3A_62 : memref<1x20x512xf32, #tpu.memory_space<hbm>> -> memref<20x512xf32, #tpu.memory_space<hbm>>
        %dma_wait3A_64 = arith.constant 0 : i32
        %dma_wait3A_65 = tpu.memref_slice %arg6[%sub3A_22, %dma_wait3A_64, %add3A_23] : memref<2x20x4096xf32, #tpu.memory_space<hbm>> -> memref<1x20x512xf32, #tpu.memory_space<hbm>>
        %dma_wait3A_66 = tpu.memref_squeeze %dma_wait3A_65 : memref<1x20x512xf32, #tpu.memory_space<hbm>> -> memref<20x512xf32, #tpu.memory_space<hbm>>
        tpu.wait_dma2 semaphore(%run_scoped3A : memref<!tpu.dma_semaphore, #tpu.memory_space<semaphore_mem>>) src(%dma_wait3A_66 : memref<20x512xf32, #tpu.memory_space<hbm>>) dst(%arg10 : memref<20x512xf32, #tpu.memory_space<vmem>>)
        tpu.yield
      }) : () -> ()
      %scan3A = arith.constant 0 : i32
      %scan3A_24 = arith.constant 0 : i32
      %scan3A_25 = arith.constant 32 : i32
      %scan3A_26 = arith.addi %scan3A_24, %scan3A_25 : i32
      %scan3A_27 = arith.constant 1 : i32
      %scan3A_28 = scf.for %scan3A_57 = %scan3A_24 to %scan3A_26 step %scan3A_27 iter_args(%scan3A_58 = %scan3A) -> (i32)  : i32 {
        %broadcast_in_dim3A = arith.constant 0.000000e+00 : f32
        %broadcast_in_dim3A_59 = vector.broadcast %broadcast_in_dim3A : f32 to vector<16xf32>
        %mul3A_60 = arith.constant 16 : i32
        %mul3A_61 = arith.muli %scan3A_57, %mul3A_60 : i32
        %get3A = arith.constant 0 : i32
        %get3A_62 = arith.index_cast %get3A : i32 to index
        %get3A_63 = arith.index_cast %mul3A_61 : i32 to index
        %get3A_64 = tpu.vector_load %arg9[%get3A_62, %get3A_63] {strides = array<i32>} : memref<20x512xi32, #tpu.memory_space<vmem>>, vector<16xi32>,
        %gather3A = tpu.vector_load_idx %arg8[%get3A_64] : memref<102400xf32, #tpu.memory_space<vmem>>[vector<16xi32>], vector<16xf32>,
        %mul3A_65 = arith.constant 16 : i32
        %mul3A_66 = arith.muli %scan3A_57, %mul3A_65 : i32
        %get3A_67 = arith.constant 0 : i32
        %get3A_68 = arith.index_cast %get3A_67 : i32 to index
        %get3A_69 = arith.index_cast %mul3A_66 : i32 to index
        %get3A_70 = tpu.vector_load %arg10[%get3A_68, %get3A_69] {strides = array<i32>} : memref<20x512xf32, #tpu.memory_space<vmem>>, vector<16xf32>,
        %mul3A_71 = arith.mulf %gather3A, %get3A_70 : vector<16xf32>
        %add3A_72 = arith.addf %broadcast_in_dim3A_59, %mul3A_71 : vector<16xf32>
        %mul3A_73 = arith.constant 16 : i32
        %mul3A_74 = arith.muli %scan3A_57, %mul3A_73 : i32
        %get3A_75 = arith.constant 1 : i32
        %get3A_76 = arith.index_cast %get3A_75 : i32 to index
        %get3A_77 = arith.index_cast %mul3A_74 : i32 to index
        %get3A_78 = tpu.vector_load %arg9[%get3A_76, %get3A_77] {strides = array<i32>} : memref<20x512xi32, #tpu.memory_space<vmem>>, vector<16xi32>,
        %gather3A_79 = tpu.vector_load_idx %arg8[%get3A_78] : memref<102400xf32, #tpu.memory_space<vmem>>[vector<16xi32>], vector<16xf32>,
        %mul3A_80 = arith.constant 16 : i32
        %mul3A_81 = arith.muli %scan3A_57, %mul3A_80 : i32
        %get3A_82 = arith.constant 1 : i32
        %get3A_83 = arith.index_cast %get3A_82 : i32 to index
        %get3A_84 = arith.index_cast %mul3A_81 : i32 to index
        %get3A_85 = tpu.vector_load %arg10[%get3A_83, %get3A_84] {strides = array<i32>} : memref<20x512xf32, #tpu.memory_space<vmem>>, vector<16xf32>,
        %mul3A_86 = arith.mulf %gather3A_79, %get3A_85 : vector<16xf32>
        %add3A_87 = arith.addf %add3A_72, %mul3A_86 : vector<16xf32>
        %mul3A_88 = arith.constant 16 : i32
        %mul3A_89 = arith.muli %scan3A_57, %mul3A_88 : i32
        %get3A_90 = arith.constant 2 : i32
        %get3A_91 = arith.index_cast %get3A_90 : i32 to index
        %get3A_92 = arith.index_cast %mul3A_89 : i32 to index
        %get3A_93 = tpu.vector_load %arg9[%get3A_91, %get3A_92] {strides = array<i32>} : memref<20x512xi32, #tpu.memory_space<vmem>>, vector<16xi32>,
        %gather3A_94 = tpu.vector_load_idx %arg8[%get3A_93] : memref<102400xf32, #tpu.memory_space<vmem>>[vector<16xi32>], vector<16xf32>,
        %mul3A_95 = arith.constant 16 : i32
        %mul3A_96 = arith.muli %scan3A_57, %mul3A_95 : i32
        %get3A_97 = arith.constant 2 : i32
        %get3A_98 = arith.index_cast %get3A_97 : i32 to index
        %get3A_99 = arith.index_cast %mul3A_96 : i32 to index
        %get3A_100 = tpu.vector_load %arg10[%get3A_98, %get3A_99] {strides = array<i32>} : memref<20x512xf32, #tpu.memory_space<vmem>>, vector<16xf32>,
        %mul3A_101 = arith.mulf %gather3A_94, %get3A_100 : vector<16xf32>
        %add3A_102 = arith.addf %add3A_87, %mul3A_101 : vector<16xf32>
        %mul3A_103 = arith.constant 16 : i32
        %mul3A_104 = arith.muli %scan3A_57, %mul3A_103 : i32
        %get3A_105 = arith.constant 3 : i32
        %get3A_106 = arith.index_cast %get3A_105 : i32 to index
        %get3A_107 = arith.index_cast %mul3A_104 : i32 to index
        %get3A_108 = tpu.vector_load %arg9[%get3A_106, %get3A_107] {strides = array<i32>} : memref<20x512xi32, #tpu.memory_space<vmem>>, vector<16xi32>,
        %gather3A_109 = tpu.vector_load_idx %arg8[%get3A_108] : memref<102400xf32, #tpu.memory_space<vmem>>[vector<16xi32>], vector<16xf32>,
        %mul3A_110 = arith.constant 16 : i32
        %mul3A_111 = arith.muli %scan3A_57, %mul3A_110 : i32
        %get3A_112 = arith.constant 3 : i32
        %get3A_113 = arith.index_cast %get3A_112 : i32 to index
        %get3A_114 = arith.index_cast %mul3A_111 : i32 to index
        %get3A_115 = tpu.vector_load %arg10[%get3A_113, %get3A_114] {strides = array<i32>} : memref<20x512xf32, #tpu.memory_space<vmem>>, vector<16xf32>,
        %mul3A_116 = arith.mulf %gather3A_109, %get3A_115 : vector<16xf32>
        %add3A_117 = arith.addf %add3A_102, %mul3A_116 : vector<16xf32>
        %mul3A_118 = arith.constant 16 : i32
        %mul3A_119 = arith.muli %scan3A_57, %mul3A_118 : i32
        %get3A_120 = arith.constant 4 : i32
        %get3A_121 = arith.index_cast %get3A_120 : i32 to index
        %get3A_122 = arith.index_cast %mul3A_119 : i32 to index
        %get3A_123 = tpu.vector_load %arg9[%get3A_121, %get3A_122] {strides = array<i32>} : memref<20x512xi32, #tpu.memory_space<vmem>>, vector<16xi32>,
        %gather3A_124 = tpu.vector_load_idx %arg8[%get3A_123] : memref<102400xf32, #tpu.memory_space<vmem>>[vector<16xi32>], vector<16xf32>,
        %mul3A_125 = arith.constant 16 : i32
        %mul3A_126 = arith.muli %scan3A_57, %mul3A_125 : i32
        %get3A_127 = arith.constant 4 : i32
        %get3A_128 = arith.index_cast %get3A_127 : i32 to index
        %get3A_129 = arith.index_cast %mul3A_126 : i32 to index
        %get3A_130 = tpu.vector_load %arg10[%get3A_128, %get3A_129] {strides = array<i32>} : memref<20x512xf32, #tpu.memory_space<vmem>>, vector<16xf32>,
        %mul3A_131 = arith.mulf %gather3A_124, %get3A_130 : vector<16xf32>
        %add3A_132 = arith.addf %add3A_117, %mul3A_131 : vector<16xf32>
        %mul3A_133 = arith.constant 16 : i32
        %mul3A_134 = arith.muli %scan3A_57, %mul3A_133 : i32
        %get3A_135 = arith.constant 5 : i32
        %get3A_136 = arith.index_cast %get3A_135 : i32 to index
        %get3A_137 = arith.index_cast %mul3A_134 : i32 to index
        %get3A_138 = tpu.vector_load %arg9[%get3A_136, %get3A_137] {strides = array<i32>} : memref<20x512xi32, #tpu.memory_space<vmem>>, vector<16xi32>,
        %gather3A_139 = tpu.vector_load_idx %arg8[%get3A_138] : memref<102400xf32, #tpu.memory_space<vmem>>[vector<16xi32>], vector<16xf32>,
        %mul3A_140 = arith.constant 16 : i32
        %mul3A_141 = arith.muli %scan3A_57, %mul3A_140 : i32
        %get3A_142 = arith.constant 5 : i32
        %get3A_143 = arith.index_cast %get3A_142 : i32 to index
        %get3A_144 = arith.index_cast %mul3A_141 : i32 to index
        %get3A_145 = tpu.vector_load %arg10[%get3A_143, %get3A_144] {strides = array<i32>} : memref<20x512xf32, #tpu.memory_space<vmem>>, vector<16xf32>,
        %mul3A_146 = arith.mulf %gather3A_139, %get3A_145 : vector<16xf32>
        %add3A_147 = arith.addf %add3A_132, %mul3A_146 : vector<16xf32>
        %mul3A_148 = arith.constant 16 : i32
        %mul3A_149 = arith.muli %scan3A_57, %mul3A_148 : i32
        %get3A_150 = arith.constant 6 : i32
        %get3A_151 = arith.index_cast %get3A_150 : i32 to index
        %get3A_152 = arith.index_cast %mul3A_149 : i32 to index
        %get3A_153 = tpu.vector_load %arg9[%get3A_151, %get3A_152] {strides = array<i32>} : memref<20x512xi32, #tpu.memory_space<vmem>>, vector<16xi32>,
        %gather3A_154 = tpu.vector_load_idx %arg8[%get3A_153] : memref<102400xf32, #tpu.memory_space<vmem>>[vector<16xi32>], vector<16xf32>,
        %mul3A_155 = arith.constant 16 : i32
        %mul3A_156 = arith.muli %scan3A_57, %mul3A_155 : i32
        %get3A_157 = arith.constant 6 : i32
        %get3A_158 = arith.index_cast %get3A_157 : i32 to index
        %get3A_159 = arith.index_cast %mul3A_156 : i32 to index
        %get3A_160 = tpu.vector_load %arg10[%get3A_158, %get3A_159] {strides = array<i32>} : memref<20x512xf32, #tpu.memory_space<vmem>>, vector<16xf32>,
        %mul3A_161 = arith.mulf %gather3A_154, %get3A_160 : vector<16xf32>
        %add3A_162 = arith.addf %add3A_147, %mul3A_161 : vector<16xf32>
        %mul3A_163 = arith.constant 16 : i32
        %mul3A_164 = arith.muli %scan3A_57, %mul3A_163 : i32
        %get3A_165 = arith.constant 7 : i32
        %get3A_166 = arith.index_cast %get3A_165 : i32 to index
        %get3A_167 = arith.index_cast %mul3A_164 : i32 to index
        %get3A_168 = tpu.vector_load %arg9[%get3A_166, %get3A_167] {strides = array<i32>} : memref<20x512xi32, #tpu.memory_space<vmem>>, vector<16xi32>,
        %gather3A_169 = tpu.vector_load_idx %arg8[%get3A_168] : memref<102400xf32, #tpu.memory_space<vmem>>[vector<16xi32>], vector<16xf32>,
        %mul3A_170 = arith.constant 16 : i32
        %mul3A_171 = arith.muli %scan3A_57, %mul3A_170 : i32
        %get3A_172 = arith.constant 7 : i32
        %get3A_173 = arith.index_cast %get3A_172 : i32 to index
        %get3A_174 = arith.index_cast %mul3A_171 : i32 to index
        %get3A_175 = tpu.vector_load %arg10[%get3A_173, %get3A_174] {strides = array<i32>} : memref<20x512xf32, #tpu.memory_space<vmem>>, vector<16xf32>,
        %mul3A_176 = arith.mulf %gather3A_169, %get3A_175 : vector<16xf32>
        %add3A_177 = arith.addf %add3A_162, %mul3A_176 : vector<16xf32>
        %mul3A_178 = arith.constant 16 : i32
        %mul3A_179 = arith.muli %scan3A_57, %mul3A_178 : i32
        %get3A_180 = arith.constant 8 : i32
        %get3A_181 = arith.index_cast %get3A_180 : i32 to index
        %get3A_182 = arith.index_cast %mul3A_179 : i32 to index
        %get3A_183 = tpu.vector_load %arg9[%get3A_181, %get3A_182] {strides = array<i32>} : memref<20x512xi32, #tpu.memory_space<vmem>>, vector<16xi32>,
        %gather3A_184 = tpu.vector_load_idx %arg8[%get3A_183] : memref<102400xf32, #tpu.memory_space<vmem>>[vector<16xi32>], vector<16xf32>,
        %mul3A_185 = arith.constant 16 : i32
        %mul3A_186 = arith.muli %scan3A_57, %mul3A_185 : i32
        %get3A_187 = arith.constant 8 : i32
        %get3A_188 = arith.index_cast %get3A_187 : i32 to index
        %get3A_189 = arith.index_cast %mul3A_186 : i32 to index
        %get3A_190 = tpu.vector_load %arg10[%get3A_188, %get3A_189] {strides = array<i32>} : memref<20x512xf32, #tpu.memory_space<vmem>>, vector<16xf32>,
        %mul3A_191 = arith.mulf %gather3A_184, %get3A_190 : vector<16xf32>
        %add3A_192 = arith.addf %add3A_177, %mul3A_191 : vector<16xf32>
        %mul3A_193 = arith.constant 16 : i32
        %mul3A_194 = arith.muli %scan3A_57, %mul3A_193 : i32
        %get3A_195 = arith.constant 9 : i32
        %get3A_196 = arith.index_cast %get3A_195 : i32 to index
        %get3A_197 = arith.index_cast %mul3A_194 : i32 to index
        %get3A_198 = tpu.vector_load %arg9[%get3A_196, %get3A_197] {strides = array<i32>} : memref<20x512xi32, #tpu.memory_space<vmem>>, vector<16xi32>,
        %gather3A_199 = tpu.vector_load_idx %arg8[%get3A_198] : memref<102400xf32, #tpu.memory_space<vmem>>[vector<16xi32>], vector<16xf32>,
        %mul3A_200 = arith.constant 16 : i32
        %mul3A_201 = arith.muli %scan3A_57, %mul3A_200 : i32
        %get3A_202 = arith.constant 9 : i32
        %get3A_203 = arith.index_cast %get3A_202 : i32 to index
        %get3A_204 = arith.index_cast %mul3A_201 : i32 to index
        %get3A_205 = tpu.vector_load %arg10[%get3A_203, %get3A_204] {strides = array<i32>} : memref<20x512xf32, #tpu.memory_space<vmem>>, vector<16xf32>,
        %mul3A_206 = arith.mulf %gather3A_199, %get3A_205 : vector<16xf32>
        %add3A_207 = arith.addf %add3A_192, %mul3A_206 : vector<16xf32>
        %mul3A_208 = arith.constant 16 : i32
        %mul3A_209 = arith.muli %scan3A_57, %mul3A_208 : i32
        %get3A_210 = arith.constant 10 : i32
        %get3A_211 = arith.index_cast %get3A_210 : i32 to index
        %get3A_212 = arith.index_cast %mul3A_209 : i32 to index
        %get3A_213 = tpu.vector_load %arg9[%get3A_211, %get3A_212] {strides = array<i32>} : memref<20x512xi32, #tpu.memory_space<vmem>>, vector<16xi32>,
        %gather3A_214 = tpu.vector_load_idx %arg8[%get3A_213] : memref<102400xf32, #tpu.memory_space<vmem>>[vector<16xi32>], vector<16xf32>,
        %mul3A_215 = arith.constant 16 : i32
        %mul3A_216 = arith.muli %scan3A_57, %mul3A_215 : i32
        %get3A_217 = arith.constant 10 : i32
        %get3A_218 = arith.index_cast %get3A_217 : i32 to index
        %get3A_219 = arith.index_cast %mul3A_216 : i32 to index
        %get3A_220 = tpu.vector_load %arg10[%get3A_218, %get3A_219] {strides = array<i32>} : memref<20x512xf32, #tpu.memory_space<vmem>>, vector<16xf32>,
        %mul3A_221 = arith.mulf %gather3A_214, %get3A_220 : vector<16xf32>
        %add3A_222 = arith.addf %add3A_207, %mul3A_221 : vector<16xf32>
        %mul3A_223 = arith.constant 16 : i32
        %mul3A_224 = arith.muli %scan3A_57, %mul3A_223 : i32
        %get3A_225 = arith.constant 11 : i32
        %get3A_226 = arith.index_cast %get3A_225 : i32 to index
        %get3A_227 = arith.index_cast %mul3A_224 : i32 to index
        %get3A_228 = tpu.vector_load %arg9[%get3A_226, %get3A_227] {strides = array<i32>} : memref<20x512xi32, #tpu.memory_space<vmem>>, vector<16xi32>,
        %gather3A_229 = tpu.vector_load_idx %arg8[%get3A_228] : memref<102400xf32, #tpu.memory_space<vmem>>[vector<16xi32>], vector<16xf32>,
        %mul3A_230 = arith.constant 16 : i32
        %mul3A_231 = arith.muli %scan3A_57, %mul3A_230 : i32
        %get3A_232 = arith.constant 11 : i32
        %get3A_233 = arith.index_cast %get3A_232 : i32 to index
        %get3A_234 = arith.index_cast %mul3A_231 : i32 to index
        %get3A_235 = tpu.vector_load %arg10[%get3A_233, %get3A_234] {strides = array<i32>} : memref<20x512xf32, #tpu.memory_space<vmem>>, vector<16xf32>,
        %mul3A_236 = arith.mulf %gather3A_229, %get3A_235 : vector<16xf32>
        %add3A_237 = arith.addf %add3A_222, %mul3A_236 : vector<16xf32>
        %mul3A_238 = arith.constant 16 : i32
        %mul3A_239 = arith.muli %scan3A_57, %mul3A_238 : i32
        %get3A_240 = arith.constant 12 : i32
        %get3A_241 = arith.index_cast %get3A_240 : i32 to index
        %get3A_242 = arith.index_cast %mul3A_239 : i32 to index
        %get3A_243 = tpu.vector_load %arg9[%get3A_241, %get3A_242] {strides = array<i32>} : memref<20x512xi32, #tpu.memory_space<vmem>>, vector<16xi32>,
        %gather3A_244 = tpu.vector_load_idx %arg8[%get3A_243] : memref<102400xf32, #tpu.memory_space<vmem>>[vector<16xi32>], vector<16xf32>,
        %mul3A_245 = arith.constant 16 : i32
        %mul3A_246 = arith.muli %scan3A_57, %mul3A_245 : i32
        %get3A_247 = arith.constant 12 : i32
        %get3A_248 = arith.index_cast %get3A_247 : i32 to index
        %get3A_249 = arith.index_cast %mul3A_246 : i32 to index
        %get3A_250 = tpu.vector_load %arg10[%get3A_248, %get3A_249] {strides = array<i32>} : memref<20x512xf32, #tpu.memory_space<vmem>>, vector<16xf32>,
        %mul3A_251 = arith.mulf %gather3A_244, %get3A_250 : vector<16xf32>
        %add3A_252 = arith.addf %add3A_237, %mul3A_251 : vector<16xf32>
        %mul3A_253 = arith.constant 16 : i32
        %mul3A_254 = arith.muli %scan3A_57, %mul3A_253 : i32
        %get3A_255 = arith.constant 13 : i32
        %get3A_256 = arith.index_cast %get3A_255 : i32 to index
        %get3A_257 = arith.index_cast %mul3A_254 : i32 to index
        %get3A_258 = tpu.vector_load %arg9[%get3A_256, %get3A_257] {strides = array<i32>} : memref<20x512xi32, #tpu.memory_space<vmem>>, vector<16xi32>,
        %gather3A_259 = tpu.vector_load_idx %arg8[%get3A_258] : memref<102400xf32, #tpu.memory_space<vmem>>[vector<16xi32>], vector<16xf32>,
        %mul3A_260 = arith.constant 16 : i32
        %mul3A_261 = arith.muli %scan3A_57, %mul3A_260 : i32
        %get3A_262 = arith.constant 13 : i32
        %get3A_263 = arith.index_cast %get3A_262 : i32 to index
        %get3A_264 = arith.index_cast %mul3A_261 : i32 to index
        %get3A_265 = tpu.vector_load %arg10[%get3A_263, %get3A_264] {strides = array<i32>} : memref<20x512xf32, #tpu.memory_space<vmem>>, vector<16xf32>,
        %mul3A_266 = arith.mulf %gather3A_259, %get3A_265 : vector<16xf32>
        %add3A_267 = arith.addf %add3A_252, %mul3A_266 : vector<16xf32>
        %mul3A_268 = arith.constant 16 : i32
        %mul3A_269 = arith.muli %scan3A_57, %mul3A_268 : i32
        %get3A_270 = arith.constant 14 : i32
        %get3A_271 = arith.index_cast %get3A_270 : i32 to index
        %get3A_272 = arith.index_cast %mul3A_269 : i32 to index
        %get3A_273 = tpu.vector_load %arg9[%get3A_271, %get3A_272] {strides = array<i32>} : memref<20x512xi32, #tpu.memory_space<vmem>>, vector<16xi32>,
        %gather3A_274 = tpu.vector_load_idx %arg8[%get3A_273] : memref<102400xf32, #tpu.memory_space<vmem>>[vector<16xi32>], vector<16xf32>,
        %mul3A_275 = arith.constant 16 : i32
        %mul3A_276 = arith.muli %scan3A_57, %mul3A_275 : i32
        %get3A_277 = arith.constant 14 : i32
        %get3A_278 = arith.index_cast %get3A_277 : i32 to index
        %get3A_279 = arith.index_cast %mul3A_276 : i32 to index
        %get3A_280 = tpu.vector_load %arg10[%get3A_278, %get3A_279] {strides = array<i32>} : memref<20x512xf32, #tpu.memory_space<vmem>>, vector<16xf32>,
        %mul3A_281 = arith.mulf %gather3A_274, %get3A_280 : vector<16xf32>
        %add3A_282 = arith.addf %add3A_267, %mul3A_281 : vector<16xf32>
        %mul3A_283 = arith.constant 16 : i32
        %mul3A_284 = arith.muli %scan3A_57, %mul3A_283 : i32
        %get3A_285 = arith.constant 15 : i32
        %get3A_286 = arith.index_cast %get3A_285 : i32 to index
        %get3A_287 = arith.index_cast %mul3A_284 : i32 to index
        %get3A_288 = tpu.vector_load %arg9[%get3A_286, %get3A_287] {strides = array<i32>} : memref<20x512xi32, #tpu.memory_space<vmem>>, vector<16xi32>,
        %gather3A_289 = tpu.vector_load_idx %arg8[%get3A_288] : memref<102400xf32, #tpu.memory_space<vmem>>[vector<16xi32>], vector<16xf32>,
        %mul3A_290 = arith.constant 16 : i32
        %mul3A_291 = arith.muli %scan3A_57, %mul3A_290 : i32
        %get3A_292 = arith.constant 15 : i32
        %get3A_293 = arith.index_cast %get3A_292 : i32 to index
        %get3A_294 = arith.index_cast %mul3A_291 : i32 to index
        %get3A_295 = tpu.vector_load %arg10[%get3A_293, %get3A_294] {strides = array<i32>} : memref<20x512xf32, #tpu.memory_space<vmem>>, vector<16xf32>,
        %mul3A_296 = arith.mulf %gather3A_289, %get3A_295 : vector<16xf32>
        %add3A_297 = arith.addf %add3A_282, %mul3A_296 : vector<16xf32>
        %mul3A_298 = arith.constant 16 : i32
        %mul3A_299 = arith.muli %scan3A_57, %mul3A_298 : i32
        %get3A_300 = arith.constant 16 : i32
        %get3A_301 = arith.index_cast %get3A_300 : i32 to index
        %get3A_302 = arith.index_cast %mul3A_299 : i32 to index
        %get3A_303 = tpu.vector_load %arg9[%get3A_301, %get3A_302] {strides = array<i32>} : memref<20x512xi32, #tpu.memory_space<vmem>>, vector<16xi32>,
        %gather3A_304 = tpu.vector_load_idx %arg8[%get3A_303] : memref<102400xf32, #tpu.memory_space<vmem>>[vector<16xi32>], vector<16xf32>,
        %mul3A_305 = arith.constant 16 : i32
        %mul3A_306 = arith.muli %scan3A_57, %mul3A_305 : i32
        %get3A_307 = arith.constant 16 : i32
        %get3A_308 = arith.index_cast %get3A_307 : i32 to index
        %get3A_309 = arith.index_cast %mul3A_306 : i32 to index
        %get3A_310 = tpu.vector_load %arg10[%get3A_308, %get3A_309] {strides = array<i32>} : memref<20x512xf32, #tpu.memory_space<vmem>>, vector<16xf32>,
        %mul3A_311 = arith.mulf %gather3A_304, %get3A_310 : vector<16xf32>
        %add3A_312 = arith.addf %add3A_297, %mul3A_311 : vector<16xf32>
        %mul3A_313 = arith.constant 16 : i32
        %mul3A_314 = arith.muli %scan3A_57, %mul3A_313 : i32
        %get3A_315 = arith.constant 17 : i32
        %get3A_316 = arith.index_cast %get3A_315 : i32 to index
        %get3A_317 = arith.index_cast %mul3A_314 : i32 to index
        %get3A_318 = tpu.vector_load %arg9[%get3A_316, %get3A_317] {strides = array<i32>} : memref<20x512xi32, #tpu.memory_space<vmem>>, vector<16xi32>,
        %gather3A_319 = tpu.vector_load_idx %arg8[%get3A_318] : memref<102400xf32, #tpu.memory_space<vmem>>[vector<16xi32>], vector<16xf32>,
        %mul3A_320 = arith.constant 16 : i32
        %mul3A_321 = arith.muli %scan3A_57, %mul3A_320 : i32
        %get3A_322 = arith.constant 17 : i32
        %get3A_323 = arith.index_cast %get3A_322 : i32 to index
        %get3A_324 = arith.index_cast %mul3A_321 : i32 to index
        %get3A_325 = tpu.vector_load %arg10[%get3A_323, %get3A_324] {strides = array<i32>} : memref<20x512xf32, #tpu.memory_space<vmem>>, vector<16xf32>,
        %mul3A_326 = arith.mulf %gather3A_319, %get3A_325 : vector<16xf32>
        %add3A_327 = arith.addf %add3A_312, %mul3A_326 : vector<16xf32>
        %mul3A_328 = arith.constant 16 : i32
        %mul3A_329 = arith.muli %scan3A_57, %mul3A_328 : i32
        %get3A_330 = arith.constant 18 : i32
        %get3A_331 = arith.index_cast %get3A_330 : i32 to index
        %get3A_332 = arith.index_cast %mul3A_329 : i32 to index
        %get3A_333 = tpu.vector_load %arg9[%get3A_331, %get3A_332] {strides = array<i32>} : memref<20x512xi32, #tpu.memory_space<vmem>>, vector<16xi32>,
        %gather3A_334 = tpu.vector_load_idx %arg8[%get3A_333] : memref<102400xf32, #tpu.memory_space<vmem>>[vector<16xi32>], vector<16xf32>,
        %mul3A_335 = arith.constant 16 : i32
        %mul3A_336 = arith.muli %scan3A_57, %mul3A_335 : i32
        %get3A_337 = arith.constant 18 : i32
        %get3A_338 = arith.index_cast %get3A_337 : i32 to index
        %get3A_339 = arith.index_cast %mul3A_336 : i32 to index
        %get3A_340 = tpu.vector_load %arg10[%get3A_338, %get3A_339] {strides = array<i32>} : memref<20x512xf32, #tpu.memory_space<vmem>>, vector<16xf32>,
        %mul3A_341 = arith.mulf %gather3A_334, %get3A_340 : vector<16xf32>
        %add3A_342 = arith.addf %add3A_327, %mul3A_341 : vector<16xf32>
        %mul3A_343 = arith.constant 16 : i32
        %mul3A_344 = arith.muli %scan3A_57, %mul3A_343 : i32
        %get3A_345 = arith.constant 19 : i32
        %get3A_346 = arith.index_cast %get3A_345 : i32 to index
        %get3A_347 = arith.index_cast %mul3A_344 : i32 to index
        %get3A_348 = tpu.vector_load %arg9[%get3A_346, %get3A_347] {strides = array<i32>} : memref<20x512xi32, #tpu.memory_space<vmem>>, vector<16xi32>,
        %gather3A_349 = tpu.vector_load_idx %arg8[%get3A_348] : memref<102400xf32, #tpu.memory_space<vmem>>[vector<16xi32>], vector<16xf32>,
        %mul3A_350 = arith.constant 16 : i32
        %mul3A_351 = arith.muli %scan3A_57, %mul3A_350 : i32
        %get3A_352 = arith.constant 19 : i32
        %get3A_353 = arith.index_cast %get3A_352 : i32 to index
        %get3A_354 = arith.index_cast %mul3A_351 : i32 to index
        %get3A_355 = tpu.vector_load %arg10[%get3A_353, %get3A_354] {strides = array<i32>} : memref<20x512xf32, #tpu.memory_space<vmem>>, vector<16xf32>,
        %mul3A_356 = arith.mulf %gather3A_349, %get3A_355 : vector<16xf32>
        %add3A_357 = arith.addf %add3A_342, %mul3A_356 : vector<16xf32>
        %mul3A_358 = arith.constant 16 : i32
        %mul3A_359 = arith.muli %scan3A_57, %mul3A_358 : i32
        %add3A_360 = arith.constant 0 : i32
        %add3A_361 = arith.addi %add3A_360, %mul3A_359 : i32
        %swap3A = arith.index_cast %add3A_361 : i32 to index
        %swap3A_362 = tpu.vector_load %arg11[%swap3A] {strides = array<i32>} : memref<2048xf32, #tpu.memory_space<vmem>>, vector<16xf32>,
        tpu.vector_store %arg11[%swap3A], %add3A_357 {strides = array<i32>} : memref<2048xf32, #tpu.memory_space<vmem>>, vector<16xf32>,
        %scan3A_363 = arith.constant 0 : i32
        scf.yield %scan3A_363 : i32
      }
      %scan3A_29 = arith.constant 32 : i32
      %add3A_30 = arith.constant 512 : i32
      %add3A_31 = arith.addi %mul3A_0, %add3A_30 : i32
      "tpu.region"() ({
        %run_scoped3A = tpu.sem_alloc : memref<!tpu.dma_semaphore, #tpu.memory_space<semaphore_mem>>
        %dma_start3A = arith.constant 0 : i32
        %dma_start3A_57 = tpu.memref_slice %arg5[%sub3A_22, %dma_start3A, %add3A_31] : memref<2x20x4096xi32, #tpu.memory_space<hbm>> -> memref<1x20x512xi32, #tpu.memory_space<hbm>>
        %dma_start3A_58 = tpu.memref_squeeze %dma_start3A_57 : memref<1x20x512xi32, #tpu.memory_space<hbm>> -> memref<20x512xi32, #tpu.memory_space<hbm>>
        %dma_start3A_59 = arith.constant 0 : i32
        %dma_start3A_60 = tpu.memref_slice %arg5[%sub3A_22, %dma_start3A_59, %add3A_31] : memref<2x20x4096xi32, #tpu.memory_space<hbm>> -> memref<1x20x512xi32, #tpu.memory_space<hbm>>
        %dma_start3A_61 = tpu.memref_squeeze %dma_start3A_60 : memref<1x20x512xi32, #tpu.memory_space<hbm>> -> memref<20x512xi32, #tpu.memory_space<hbm>>
        tpu.enqueue_dma source(%dma_start3A_61 : memref<20x512xi32, #tpu.memory_space<hbm>>) target(%arg9 : memref<20x512xi32, #tpu.memory_space<vmem>>) target_semaphore(%run_scoped3A : memref<!tpu.dma_semaphore, #tpu.memory_space<semaphore_mem>>)
        %dma_wait3A = arith.constant 0 : i32
        %dma_wait3A_62 = tpu.memref_slice %arg5[%sub3A_22, %dma_wait3A, %add3A_31] : memref<2x20x4096xi32, #tpu.memory_space<hbm>> -> memref<1x20x512xi32, #tpu.memory_space<hbm>>
        %dma_wait3A_63 = tpu.memref_squeeze %dma_wait3A_62 : memref<1x20x512xi32, #tpu.memory_space<hbm>> -> memref<20x512xi32, #tpu.memory_space<hbm>>
        %dma_wait3A_64 = arith.constant 0 : i32
        %dma_wait3A_65 = tpu.memref_slice %arg5[%sub3A_22, %dma_wait3A_64, %add3A_31] : memref<2x20x4096xi32, #tpu.memory_space<hbm>> -> memref<1x20x512xi32, #tpu.memory_space<hbm>>
        %dma_wait3A_66 = tpu.memref_squeeze %dma_wait3A_65 : memref<1x20x512xi32, #tpu.memory_space<hbm>> -> memref<20x512xi32, #tpu.memory_space<hbm>>
        tpu.wait_dma2 semaphore(%run_scoped3A : memref<!tpu.dma_semaphore, #tpu.memory_space<semaphore_mem>>) src(%dma_wait3A_66 : memref<20x512xi32, #tpu.memory_space<hbm>>) dst(%arg9 : memref<20x512xi32, #tpu.memory_space<vmem>>)
        tpu.yield
      }) : () -> ()
      "tpu.region"() ({
        %run_scoped3A = tpu.sem_alloc : memref<!tpu.dma_semaphore, #tpu.memory_space<semaphore_mem>>
        %dma_start3A = arith.constant 0 : i32
        %dma_start3A_57 = tpu.memref_slice %arg6[%sub3A_22, %dma_start3A, %add3A_31] : memref<2x20x4096xf32, #tpu.memory_space<hbm>> -> memref<1x20x512xf32, #tpu.memory_space<hbm>>
        %dma_start3A_58 = tpu.memref_squeeze %dma_start3A_57 : memref<1x20x512xf32, #tpu.memory_space<hbm>> -> memref<20x512xf32, #tpu.memory_space<hbm>>
        %dma_start3A_59 = arith.constant 0 : i32
        %dma_start3A_60 = tpu.memref_slice %arg6[%sub3A_22, %dma_start3A_59, %add3A_31] : memref<2x20x4096xf32, #tpu.memory_space<hbm>> -> memref<1x20x512xf32, #tpu.memory_space<hbm>>
        %dma_start3A_61 = tpu.memref_squeeze %dma_start3A_60 : memref<1x20x512xf32, #tpu.memory_space<hbm>> -> memref<20x512xf32, #tpu.memory_space<hbm>>
        tpu.enqueue_dma source(%dma_start3A_61 : memref<20x512xf32, #tpu.memory_space<hbm>>) target(%arg10 : memref<20x512xf32, #tpu.memory_space<vmem>>) target_semaphore(%run_scoped3A : memref<!tpu.dma_semaphore, #tpu.memory_space<semaphore_mem>>)
        %dma_wait3A = arith.constant 0 : i32
        %dma_wait3A_62 = tpu.memref_slice %arg6[%sub3A_22, %dma_wait3A, %add3A_31] : memref<2x20x4096xf32, #tpu.memory_space<hbm>> -> memref<1x20x512xf32, #tpu.memory_space<hbm>>
        %dma_wait3A_63 = tpu.memref_squeeze %dma_wait3A_62 : memref<1x20x512xf32, #tpu.memory_space<hbm>> -> memref<20x512xf32, #tpu.memory_space<hbm>>
        %dma_wait3A_64 = arith.constant 0 : i32
        %dma_wait3A_65 = tpu.memref_slice %arg6[%sub3A_22, %dma_wait3A_64, %add3A_31] : memref<2x20x4096xf32, #tpu.memory_space<hbm>> -> memref<1x20x512xf32, #tpu.memory_space<hbm>>
        %dma_wait3A_66 = tpu.memref_squeeze %dma_wait3A_65 : memref<1x20x512xf32, #tpu.memory_space<hbm>> -> memref<20x512xf32, #tpu.memory_space<hbm>>
        tpu.wait_dma2 semaphore(%run_scoped3A : memref<!tpu.dma_semaphore, #tpu.memory_space<semaphore_mem>>) src(%dma_wait3A_66 : memref<20x512xf32, #tpu.memory_space<hbm>>) dst(%arg10 : memref<20x512xf32, #tpu.memory_space<vmem>>)
        tpu.yield
      }) : () -> ()
      %scan3A_32 = arith.constant 0 : i32
      %scan3A_33 = arith.constant 0 : i32
      %scan3A_34 = arith.constant 32 : i32
      %scan3A_35 = arith.addi %scan3A_33, %scan3A_34 : i32
      %scan3A_36 = arith.constant 1 : i32
      %scan3A_37 = scf.for %scan3A_57 = %scan3A_33 to %scan3A_35 step %scan3A_36 iter_args(%scan3A_58 = %scan3A_32) -> (i32)  : i32 {
        %broadcast_in_dim3A = arith.constant 0.000000e+00 : f32
        %broadcast_in_dim3A_59 = vector.broadcast %broadcast_in_dim3A : f32 to vector<16xf32>
        %mul3A_60 = arith.constant 16 : i32
        %mul3A_61 = arith.muli %scan3A_57, %mul3A_60 : i32
        %get3A = arith.constant 0 : i32
        %get3A_62 = arith.index_cast %get3A : i32 to index
        %get3A_63 = arith.index_cast %mul3A_61 : i32 to index
        %get3A_64 = tpu.vector_load %arg9[%get3A_62, %get3A_63] {strides = array<i32>} : memref<20x512xi32, #tpu.memory_space<vmem>>, vector<16xi32>,
        %gather3A = tpu.vector_load_idx %arg8[%get3A_64] : memref<102400xf32, #tpu.memory_space<vmem>>[vector<16xi32>], vector<16xf32>,
        %mul3A_65 = arith.constant 16 : i32
        %mul3A_66 = arith.muli %scan3A_57, %mul3A_65 : i32
        %get3A_67 = arith.constant 0 : i32
        %get3A_68 = arith.index_cast %get3A_67 : i32 to index
        %get3A_69 = arith.index_cast %mul3A_66 : i32 to index
        %get3A_70 = tpu.vector_load %arg10[%get3A_68, %get3A_69] {strides = array<i32>} : memref<20x512xf32, #tpu.memory_space<vmem>>, vector<16xf32>,
        %mul3A_71 = arith.mulf %gather3A, %get3A_70 : vector<16xf32>
        %add3A_72 = arith.addf %broadcast_in_dim3A_59, %mul3A_71 : vector<16xf32>
        %mul3A_73 = arith.constant 16 : i32
        %mul3A_74 = arith.muli %scan3A_57, %mul3A_73 : i32
        %get3A_75 = arith.constant 1 : i32
        %get3A_76 = arith.index_cast %get3A_75 : i32 to index
        %get3A_77 = arith.index_cast %mul3A_74 : i32 to index
        %get3A_78 = tpu.vector_load %arg9[%get3A_76, %get3A_77] {strides = array<i32>} : memref<20x512xi32, #tpu.memory_space<vmem>>, vector<16xi32>,
        %gather3A_79 = tpu.vector_load_idx %arg8[%get3A_78] : memref<102400xf32, #tpu.memory_space<vmem>>[vector<16xi32>], vector<16xf32>,
        %mul3A_80 = arith.constant 16 : i32
        %mul3A_81 = arith.muli %scan3A_57, %mul3A_80 : i32
        %get3A_82 = arith.constant 1 : i32
        %get3A_83 = arith.index_cast %get3A_82 : i32 to index
        %get3A_84 = arith.index_cast %mul3A_81 : i32 to index
        %get3A_85 = tpu.vector_load %arg10[%get3A_83, %get3A_84] {strides = array<i32>} : memref<20x512xf32, #tpu.memory_space<vmem>>, vector<16xf32>,
        %mul3A_86 = arith.mulf %gather3A_79, %get3A_85 : vector<16xf32>
        %add3A_87 = arith.addf %add3A_72, %mul3A_86 : vector<16xf32>
        %mul3A_88 = arith.constant 16 : i32
        %mul3A_89 = arith.muli %scan3A_57, %mul3A_88 : i32
        %get3A_90 = arith.constant 2 : i32
        %get3A_91 = arith.index_cast %get3A_90 : i32 to index
        %get3A_92 = arith.index_cast %mul3A_89 : i32 to index
        %get3A_93 = tpu.vector_load %arg9[%get3A_91, %get3A_92] {strides = array<i32>} : memref<20x512xi32, #tpu.memory_space<vmem>>, vector<16xi32>,
        %gather3A_94 = tpu.vector_load_idx %arg8[%get3A_93] : memref<102400xf32, #tpu.memory_space<vmem>>[vector<16xi32>], vector<16xf32>,
        %mul3A_95 = arith.constant 16 : i32
        %mul3A_96 = arith.muli %scan3A_57, %mul3A_95 : i32
        %get3A_97 = arith.constant 2 : i32
        %get3A_98 = arith.index_cast %get3A_97 : i32 to index
        %get3A_99 = arith.index_cast %mul3A_96 : i32 to index
        %get3A_100 = tpu.vector_load %arg10[%get3A_98, %get3A_99] {strides = array<i32>} : memref<20x512xf32, #tpu.memory_space<vmem>>, vector<16xf32>,
        %mul3A_101 = arith.mulf %gather3A_94, %get3A_100 : vector<16xf32>
        %add3A_102 = arith.addf %add3A_87, %mul3A_101 : vector<16xf32>
        %mul3A_103 = arith.constant 16 : i32
        %mul3A_104 = arith.muli %scan3A_57, %mul3A_103 : i32
        %get3A_105 = arith.constant 3 : i32
        %get3A_106 = arith.index_cast %get3A_105 : i32 to index
        %get3A_107 = arith.index_cast %mul3A_104 : i32 to index
        %get3A_108 = tpu.vector_load %arg9[%get3A_106, %get3A_107] {strides = array<i32>} : memref<20x512xi32, #tpu.memory_space<vmem>>, vector<16xi32>,
        %gather3A_109 = tpu.vector_load_idx %arg8[%get3A_108] : memref<102400xf32, #tpu.memory_space<vmem>>[vector<16xi32>], vector<16xf32>,
        %mul3A_110 = arith.constant 16 : i32
        %mul3A_111 = arith.muli %scan3A_57, %mul3A_110 : i32
        %get3A_112 = arith.constant 3 : i32
        %get3A_113 = arith.index_cast %get3A_112 : i32 to index
        %get3A_114 = arith.index_cast %mul3A_111 : i32 to index
        %get3A_115 = tpu.vector_load %arg10[%get3A_113, %get3A_114] {strides = array<i32>} : memref<20x512xf32, #tpu.memory_space<vmem>>, vector<16xf32>,
        %mul3A_116 = arith.mulf %gather3A_109, %get3A_115 : vector<16xf32>
        %add3A_117 = arith.addf %add3A_102, %mul3A_116 : vector<16xf32>
        %mul3A_118 = arith.constant 16 : i32
        %mul3A_119 = arith.muli %scan3A_57, %mul3A_118 : i32
        %get3A_120 = arith.constant 4 : i32
        %get3A_121 = arith.index_cast %get3A_120 : i32 to index
        %get3A_122 = arith.index_cast %mul3A_119 : i32 to index
        %get3A_123 = tpu.vector_load %arg9[%get3A_121, %get3A_122] {strides = array<i32>} : memref<20x512xi32, #tpu.memory_space<vmem>>, vector<16xi32>,
        %gather3A_124 = tpu.vector_load_idx %arg8[%get3A_123] : memref<102400xf32, #tpu.memory_space<vmem>>[vector<16xi32>], vector<16xf32>,
        %mul3A_125 = arith.constant 16 : i32
        %mul3A_126 = arith.muli %scan3A_57, %mul3A_125 : i32
        %get3A_127 = arith.constant 4 : i32
        %get3A_128 = arith.index_cast %get3A_127 : i32 to index
        %get3A_129 = arith.index_cast %mul3A_126 : i32 to index
        %get3A_130 = tpu.vector_load %arg10[%get3A_128, %get3A_129] {strides = array<i32>} : memref<20x512xf32, #tpu.memory_space<vmem>>, vector<16xf32>,
        %mul3A_131 = arith.mulf %gather3A_124, %get3A_130 : vector<16xf32>
        %add3A_132 = arith.addf %add3A_117, %mul3A_131 : vector<16xf32>
        %mul3A_133 = arith.constant 16 : i32
        %mul3A_134 = arith.muli %scan3A_57, %mul3A_133 : i32
        %get3A_135 = arith.constant 5 : i32
        %get3A_136 = arith.index_cast %get3A_135 : i32 to index
        %get3A_137 = arith.index_cast %mul3A_134 : i32 to index
        %get3A_138 = tpu.vector_load %arg9[%get3A_136, %get3A_137] {strides = array<i32>} : memref<20x512xi32, #tpu.memory_space<vmem>>, vector<16xi32>,
        %gather3A_139 = tpu.vector_load_idx %arg8[%get3A_138] : memref<102400xf32, #tpu.memory_space<vmem>>[vector<16xi32>], vector<16xf32>,
        %mul3A_140 = arith.constant 16 : i32
        %mul3A_141 = arith.muli %scan3A_57, %mul3A_140 : i32
        %get3A_142 = arith.constant 5 : i32
        %get3A_143 = arith.index_cast %get3A_142 : i32 to index
        %get3A_144 = arith.index_cast %mul3A_141 : i32 to index
        %get3A_145 = tpu.vector_load %arg10[%get3A_143, %get3A_144] {strides = array<i32>} : memref<20x512xf32, #tpu.memory_space<vmem>>, vector<16xf32>,
        %mul3A_146 = arith.mulf %gather3A_139, %get3A_145 : vector<16xf32>
        %add3A_147 = arith.addf %add3A_132, %mul3A_146 : vector<16xf32>
        %mul3A_148 = arith.constant 16 : i32
        %mul3A_149 = arith.muli %scan3A_57, %mul3A_148 : i32
        %get3A_150 = arith.constant 6 : i32
        %get3A_151 = arith.index_cast %get3A_150 : i32 to index
        %get3A_152 = arith.index_cast %mul3A_149 : i32 to index
        %get3A_153 = tpu.vector_load %arg9[%get3A_151, %get3A_152] {strides = array<i32>} : memref<20x512xi32, #tpu.memory_space<vmem>>, vector<16xi32>,
        %gather3A_154 = tpu.vector_load_idx %arg8[%get3A_153] : memref<102400xf32, #tpu.memory_space<vmem>>[vector<16xi32>], vector<16xf32>,
        %mul3A_155 = arith.constant 16 : i32
        %mul3A_156 = arith.muli %scan3A_57, %mul3A_155 : i32
        %get3A_157 = arith.constant 6 : i32
        %get3A_158 = arith.index_cast %get3A_157 : i32 to index
        %get3A_159 = arith.index_cast %mul3A_156 : i32 to index
        %get3A_160 = tpu.vector_load %arg10[%get3A_158, %get3A_159] {strides = array<i32>} : memref<20x512xf32, #tpu.memory_space<vmem>>, vector<16xf32>,
        %mul3A_161 = arith.mulf %gather3A_154, %get3A_160 : vector<16xf32>
        %add3A_162 = arith.addf %add3A_147, %mul3A_161 : vector<16xf32>
        %mul3A_163 = arith.constant 16 : i32
        %mul3A_164 = arith.muli %scan3A_57, %mul3A_163 : i32
        %get3A_165 = arith.constant 7 : i32
        %get3A_166 = arith.index_cast %get3A_165 : i32 to index
        %get3A_167 = arith.index_cast %mul3A_164 : i32 to index
        %get3A_168 = tpu.vector_load %arg9[%get3A_166, %get3A_167] {strides = array<i32>} : memref<20x512xi32, #tpu.memory_space<vmem>>, vector<16xi32>,
        %gather3A_169 = tpu.vector_load_idx %arg8[%get3A_168] : memref<102400xf32, #tpu.memory_space<vmem>>[vector<16xi32>], vector<16xf32>,
        %mul3A_170 = arith.constant 16 : i32
        %mul3A_171 = arith.muli %scan3A_57, %mul3A_170 : i32
        %get3A_172 = arith.constant 7 : i32
        %get3A_173 = arith.index_cast %get3A_172 : i32 to index
        %get3A_174 = arith.index_cast %mul3A_171 : i32 to index
        %get3A_175 = tpu.vector_load %arg10[%get3A_173, %get3A_174] {strides = array<i32>} : memref<20x512xf32, #tpu.memory_space<vmem>>, vector<16xf32>,
        %mul3A_176 = arith.mulf %gather3A_169, %get3A_175 : vector<16xf32>
        %add3A_177 = arith.addf %add3A_162, %mul3A_176 : vector<16xf32>
        %mul3A_178 = arith.constant 16 : i32
        %mul3A_179 = arith.muli %scan3A_57, %mul3A_178 : i32
        %get3A_180 = arith.constant 8 : i32
        %get3A_181 = arith.index_cast %get3A_180 : i32 to index
        %get3A_182 = arith.index_cast %mul3A_179 : i32 to index
        %get3A_183 = tpu.vector_load %arg9[%get3A_181, %get3A_182] {strides = array<i32>} : memref<20x512xi32, #tpu.memory_space<vmem>>, vector<16xi32>,
        %gather3A_184 = tpu.vector_load_idx %arg8[%get3A_183] : memref<102400xf32, #tpu.memory_space<vmem>>[vector<16xi32>], vector<16xf32>,
        %mul3A_185 = arith.constant 16 : i32
        %mul3A_186 = arith.muli %scan3A_57, %mul3A_185 : i32
        %get3A_187 = arith.constant 8 : i32
        %get3A_188 = arith.index_cast %get3A_187 : i32 to index
        %get3A_189 = arith.index_cast %mul3A_186 : i32 to index
        %get3A_190 = tpu.vector_load %arg10[%get3A_188, %get3A_189] {strides = array<i32>} : memref<20x512xf32, #tpu.memory_space<vmem>>, vector<16xf32>,
        %mul3A_191 = arith.mulf %gather3A_184, %get3A_190 : vector<16xf32>
        %add3A_192 = arith.addf %add3A_177, %mul3A_191 : vector<16xf32>
        %mul3A_193 = arith.constant 16 : i32
        %mul3A_194 = arith.muli %scan3A_57, %mul3A_193 : i32
        %get3A_195 = arith.constant 9 : i32
        %get3A_196 = arith.index_cast %get3A_195 : i32 to index
        %get3A_197 = arith.index_cast %mul3A_194 : i32 to index
        %get3A_198 = tpu.vector_load %arg9[%get3A_196, %get3A_197] {strides = array<i32>} : memref<20x512xi32, #tpu.memory_space<vmem>>, vector<16xi32>,
        %gather3A_199 = tpu.vector_load_idx %arg8[%get3A_198] : memref<102400xf32, #tpu.memory_space<vmem>>[vector<16xi32>], vector<16xf32>,
        %mul3A_200 = arith.constant 16 : i32
        %mul3A_201 = arith.muli %scan3A_57, %mul3A_200 : i32
        %get3A_202 = arith.constant 9 : i32
        %get3A_203 = arith.index_cast %get3A_202 : i32 to index
        %get3A_204 = arith.index_cast %mul3A_201 : i32 to index
        %get3A_205 = tpu.vector_load %arg10[%get3A_203, %get3A_204] {strides = array<i32>} : memref<20x512xf32, #tpu.memory_space<vmem>>, vector<16xf32>,
        %mul3A_206 = arith.mulf %gather3A_199, %get3A_205 : vector<16xf32>
        %add3A_207 = arith.addf %add3A_192, %mul3A_206 : vector<16xf32>
        %mul3A_208 = arith.constant 16 : i32
        %mul3A_209 = arith.muli %scan3A_57, %mul3A_208 : i32
        %get3A_210 = arith.constant 10 : i32
        %get3A_211 = arith.index_cast %get3A_210 : i32 to index
        %get3A_212 = arith.index_cast %mul3A_209 : i32 to index
        %get3A_213 = tpu.vector_load %arg9[%get3A_211, %get3A_212] {strides = array<i32>} : memref<20x512xi32, #tpu.memory_space<vmem>>, vector<16xi32>,
        %gather3A_214 = tpu.vector_load_idx %arg8[%get3A_213] : memref<102400xf32, #tpu.memory_space<vmem>>[vector<16xi32>], vector<16xf32>,
        %mul3A_215 = arith.constant 16 : i32
        %mul3A_216 = arith.muli %scan3A_57, %mul3A_215 : i32
        %get3A_217 = arith.constant 10 : i32
        %get3A_218 = arith.index_cast %get3A_217 : i32 to index
        %get3A_219 = arith.index_cast %mul3A_216 : i32 to index
        %get3A_220 = tpu.vector_load %arg10[%get3A_218, %get3A_219] {strides = array<i32>} : memref<20x512xf32, #tpu.memory_space<vmem>>, vector<16xf32>,
        %mul3A_221 = arith.mulf %gather3A_214, %get3A_220 : vector<16xf32>
        %add3A_222 = arith.addf %add3A_207, %mul3A_221 : vector<16xf32>
        %mul3A_223 = arith.constant 16 : i32
        %mul3A_224 = arith.muli %scan3A_57, %mul3A_223 : i32
        %get3A_225 = arith.constant 11 : i32
        %get3A_226 = arith.index_cast %get3A_225 : i32 to index
        %get3A_227 = arith.index_cast %mul3A_224 : i32 to index
        %get3A_228 = tpu.vector_load %arg9[%get3A_226, %get3A_227] {strides = array<i32>} : memref<20x512xi32, #tpu.memory_space<vmem>>, vector<16xi32>,
        %gather3A_229 = tpu.vector_load_idx %arg8[%get3A_228] : memref<102400xf32, #tpu.memory_space<vmem>>[vector<16xi32>], vector<16xf32>,
        %mul3A_230 = arith.constant 16 : i32
        %mul3A_231 = arith.muli %scan3A_57, %mul3A_230 : i32
        %get3A_232 = arith.constant 11 : i32
        %get3A_233 = arith.index_cast %get3A_232 : i32 to index
        %get3A_234 = arith.index_cast %mul3A_231 : i32 to index
        %get3A_235 = tpu.vector_load %arg10[%get3A_233, %get3A_234] {strides = array<i32>} : memref<20x512xf32, #tpu.memory_space<vmem>>, vector<16xf32>,
        %mul3A_236 = arith.mulf %gather3A_229, %get3A_235 : vector<16xf32>
        %add3A_237 = arith.addf %add3A_222, %mul3A_236 : vector<16xf32>
        %mul3A_238 = arith.constant 16 : i32
        %mul3A_239 = arith.muli %scan3A_57, %mul3A_238 : i32
        %get3A_240 = arith.constant 12 : i32
        %get3A_241 = arith.index_cast %get3A_240 : i32 to index
        %get3A_242 = arith.index_cast %mul3A_239 : i32 to index
        %get3A_243 = tpu.vector_load %arg9[%get3A_241, %get3A_242] {strides = array<i32>} : memref<20x512xi32, #tpu.memory_space<vmem>>, vector<16xi32>,
        %gather3A_244 = tpu.vector_load_idx %arg8[%get3A_243] : memref<102400xf32, #tpu.memory_space<vmem>>[vector<16xi32>], vector<16xf32>,
        %mul3A_245 = arith.constant 16 : i32
        %mul3A_246 = arith.muli %scan3A_57, %mul3A_245 : i32
        %get3A_247 = arith.constant 12 : i32
        %get3A_248 = arith.index_cast %get3A_247 : i32 to index
        %get3A_249 = arith.index_cast %mul3A_246 : i32 to index
        %get3A_250 = tpu.vector_load %arg10[%get3A_248, %get3A_249] {strides = array<i32>} : memref<20x512xf32, #tpu.memory_space<vmem>>, vector<16xf32>,
        %mul3A_251 = arith.mulf %gather3A_244, %get3A_250 : vector<16xf32>
        %add3A_252 = arith.addf %add3A_237, %mul3A_251 : vector<16xf32>
        %mul3A_253 = arith.constant 16 : i32
        %mul3A_254 = arith.muli %scan3A_57, %mul3A_253 : i32
        %get3A_255 = arith.constant 13 : i32
        %get3A_256 = arith.index_cast %get3A_255 : i32 to index
        %get3A_257 = arith.index_cast %mul3A_254 : i32 to index
        %get3A_258 = tpu.vector_load %arg9[%get3A_256, %get3A_257] {strides = array<i32>} : memref<20x512xi32, #tpu.memory_space<vmem>>, vector<16xi32>,
        %gather3A_259 = tpu.vector_load_idx %arg8[%get3A_258] : memref<102400xf32, #tpu.memory_space<vmem>>[vector<16xi32>], vector<16xf32>,
        %mul3A_260 = arith.constant 16 : i32
        %mul3A_261 = arith.muli %scan3A_57, %mul3A_260 : i32
        %get3A_262 = arith.constant 13 : i32
        %get3A_263 = arith.index_cast %get3A_262 : i32 to index
        %get3A_264 = arith.index_cast %mul3A_261 : i32 to index
        %get3A_265 = tpu.vector_load %arg10[%get3A_263, %get3A_264] {strides = array<i32>} : memref<20x512xf32, #tpu.memory_space<vmem>>, vector<16xf32>,
        %mul3A_266 = arith.mulf %gather3A_259, %get3A_265 : vector<16xf32>
        %add3A_267 = arith.addf %add3A_252, %mul3A_266 : vector<16xf32>
        %mul3A_268 = arith.constant 16 : i32
        %mul3A_269 = arith.muli %scan3A_57, %mul3A_268 : i32
        %get3A_270 = arith.constant 14 : i32
        %get3A_271 = arith.index_cast %get3A_270 : i32 to index
        %get3A_272 = arith.index_cast %mul3A_269 : i32 to index
        %get3A_273 = tpu.vector_load %arg9[%get3A_271, %get3A_272] {strides = array<i32>} : memref<20x512xi32, #tpu.memory_space<vmem>>, vector<16xi32>,
        %gather3A_274 = tpu.vector_load_idx %arg8[%get3A_273] : memref<102400xf32, #tpu.memory_space<vmem>>[vector<16xi32>], vector<16xf32>,
        %mul3A_275 = arith.constant 16 : i32
        %mul3A_276 = arith.muli %scan3A_57, %mul3A_275 : i32
        %get3A_277 = arith.constant 14 : i32
        %get3A_278 = arith.index_cast %get3A_277 : i32 to index
        %get3A_279 = arith.index_cast %mul3A_276 : i32 to index
        %get3A_280 = tpu.vector_load %arg10[%get3A_278, %get3A_279] {strides = array<i32>} : memref<20x512xf32, #tpu.memory_space<vmem>>, vector<16xf32>,
        %mul3A_281 = arith.mulf %gather3A_274, %get3A_280 : vector<16xf32>
        %add3A_282 = arith.addf %add3A_267, %mul3A_281 : vector<16xf32>
        %mul3A_283 = arith.constant 16 : i32
        %mul3A_284 = arith.muli %scan3A_57, %mul3A_283 : i32
        %get3A_285 = arith.constant 15 : i32
        %get3A_286 = arith.index_cast %get3A_285 : i32 to index
        %get3A_287 = arith.index_cast %mul3A_284 : i32 to index
        %get3A_288 = tpu.vector_load %arg9[%get3A_286, %get3A_287] {strides = array<i32>} : memref<20x512xi32, #tpu.memory_space<vmem>>, vector<16xi32>,
        %gather3A_289 = tpu.vector_load_idx %arg8[%get3A_288] : memref<102400xf32, #tpu.memory_space<vmem>>[vector<16xi32>], vector<16xf32>,
        %mul3A_290 = arith.constant 16 : i32
        %mul3A_291 = arith.muli %scan3A_57, %mul3A_290 : i32
        %get3A_292 = arith.constant 15 : i32
        %get3A_293 = arith.index_cast %get3A_292 : i32 to index
        %get3A_294 = arith.index_cast %mul3A_291 : i32 to index
        %get3A_295 = tpu.vector_load %arg10[%get3A_293, %get3A_294] {strides = array<i32>} : memref<20x512xf32, #tpu.memory_space<vmem>>, vector<16xf32>,
        %mul3A_296 = arith.mulf %gather3A_289, %get3A_295 : vector<16xf32>
        %add3A_297 = arith.addf %add3A_282, %mul3A_296 : vector<16xf32>
        %mul3A_298 = arith.constant 16 : i32
        %mul3A_299 = arith.muli %scan3A_57, %mul3A_298 : i32
        %get3A_300 = arith.constant 16 : i32
        %get3A_301 = arith.index_cast %get3A_300 : i32 to index
        %get3A_302 = arith.index_cast %mul3A_299 : i32 to index
        %get3A_303 = tpu.vector_load %arg9[%get3A_301, %get3A_302] {strides = array<i32>} : memref<20x512xi32, #tpu.memory_space<vmem>>, vector<16xi32>,
        %gather3A_304 = tpu.vector_load_idx %arg8[%get3A_303] : memref<102400xf32, #tpu.memory_space<vmem>>[vector<16xi32>], vector<16xf32>,
        %mul3A_305 = arith.constant 16 : i32
        %mul3A_306 = arith.muli %scan3A_57, %mul3A_305 : i32
        %get3A_307 = arith.constant 16 : i32
        %get3A_308 = arith.index_cast %get3A_307 : i32 to index
        %get3A_309 = arith.index_cast %mul3A_306 : i32 to index
        %get3A_310 = tpu.vector_load %arg10[%get3A_308, %get3A_309] {strides = array<i32>} : memref<20x512xf32, #tpu.memory_space<vmem>>, vector<16xf32>,
        %mul3A_311 = arith.mulf %gather3A_304, %get3A_310 : vector<16xf32>
        %add3A_312 = arith.addf %add3A_297, %mul3A_311 : vector<16xf32>
        %mul3A_313 = arith.constant 16 : i32
        %mul3A_314 = arith.muli %scan3A_57, %mul3A_313 : i32
        %get3A_315 = arith.constant 17 : i32
        %get3A_316 = arith.index_cast %get3A_315 : i32 to index
        %get3A_317 = arith.index_cast %mul3A_314 : i32 to index
        %get3A_318 = tpu.vector_load %arg9[%get3A_316, %get3A_317] {strides = array<i32>} : memref<20x512xi32, #tpu.memory_space<vmem>>, vector<16xi32>,
        %gather3A_319 = tpu.vector_load_idx %arg8[%get3A_318] : memref<102400xf32, #tpu.memory_space<vmem>>[vector<16xi32>], vector<16xf32>,
        %mul3A_320 = arith.constant 16 : i32
        %mul3A_321 = arith.muli %scan3A_57, %mul3A_320 : i32
        %get3A_322 = arith.constant 17 : i32
        %get3A_323 = arith.index_cast %get3A_322 : i32 to index
        %get3A_324 = arith.index_cast %mul3A_321 : i32 to index
        %get3A_325 = tpu.vector_load %arg10[%get3A_323, %get3A_324] {strides = array<i32>} : memref<20x512xf32, #tpu.memory_space<vmem>>, vector<16xf32>,
        %mul3A_326 = arith.mulf %gather3A_319, %get3A_325 : vector<16xf32>
        %add3A_327 = arith.addf %add3A_312, %mul3A_326 : vector<16xf32>
        %mul3A_328 = arith.constant 16 : i32
        %mul3A_329 = arith.muli %scan3A_57, %mul3A_328 : i32
        %get3A_330 = arith.constant 18 : i32
        %get3A_331 = arith.index_cast %get3A_330 : i32 to index
        %get3A_332 = arith.index_cast %mul3A_329 : i32 to index
        %get3A_333 = tpu.vector_load %arg9[%get3A_331, %get3A_332] {strides = array<i32>} : memref<20x512xi32, #tpu.memory_space<vmem>>, vector<16xi32>,
        %gather3A_334 = tpu.vector_load_idx %arg8[%get3A_333] : memref<102400xf32, #tpu.memory_space<vmem>>[vector<16xi32>], vector<16xf32>,
        %mul3A_335 = arith.constant 16 : i32
        %mul3A_336 = arith.muli %scan3A_57, %mul3A_335 : i32
        %get3A_337 = arith.constant 18 : i32
        %get3A_338 = arith.index_cast %get3A_337 : i32 to index
        %get3A_339 = arith.index_cast %mul3A_336 : i32 to index
        %get3A_340 = tpu.vector_load %arg10[%get3A_338, %get3A_339] {strides = array<i32>} : memref<20x512xf32, #tpu.memory_space<vmem>>, vector<16xf32>,
        %mul3A_341 = arith.mulf %gather3A_334, %get3A_340 : vector<16xf32>
        %add3A_342 = arith.addf %add3A_327, %mul3A_341 : vector<16xf32>
        %mul3A_343 = arith.constant 16 : i32
        %mul3A_344 = arith.muli %scan3A_57, %mul3A_343 : i32
        %get3A_345 = arith.constant 19 : i32
        %get3A_346 = arith.index_cast %get3A_345 : i32 to index
        %get3A_347 = arith.index_cast %mul3A_344 : i32 to index
        %get3A_348 = tpu.vector_load %arg9[%get3A_346, %get3A_347] {strides = array<i32>} : memref<20x512xi32, #tpu.memory_space<vmem>>, vector<16xi32>,
        %gather3A_349 = tpu.vector_load_idx %arg8[%get3A_348] : memref<102400xf32, #tpu.memory_space<vmem>>[vector<16xi32>], vector<16xf32>,
        %mul3A_350 = arith.constant 16 : i32
        %mul3A_351 = arith.muli %scan3A_57, %mul3A_350 : i32
        %get3A_352 = arith.constant 19 : i32
        %get3A_353 = arith.index_cast %get3A_352 : i32 to index
        %get3A_354 = arith.index_cast %mul3A_351 : i32 to index
        %get3A_355 = tpu.vector_load %arg10[%get3A_353, %get3A_354] {strides = array<i32>} : memref<20x512xf32, #tpu.memory_space<vmem>>, vector<16xf32>,
        %mul3A_356 = arith.mulf %gather3A_349, %get3A_355 : vector<16xf32>
        %add3A_357 = arith.addf %add3A_342, %mul3A_356 : vector<16xf32>
        %mul3A_358 = arith.constant 16 : i32
        %mul3A_359 = arith.muli %scan3A_57, %mul3A_358 : i32
        %add3A_360 = arith.constant 512 : i32
        %add3A_361 = arith.addi %add3A_360, %mul3A_359 : i32
        %swap3A = arith.index_cast %add3A_361 : i32 to index
        %swap3A_362 = tpu.vector_load %arg11[%swap3A] {strides = array<i32>} : memref<2048xf32, #tpu.memory_space<vmem>>, vector<16xf32>,
        tpu.vector_store %arg11[%swap3A], %add3A_357 {strides = array<i32>} : memref<2048xf32, #tpu.memory_space<vmem>>, vector<16xf32>,
        %scan3A_363 = arith.constant 0 : i32
        scf.yield %scan3A_363 : i32
      }
      %scan3A_38 = arith.constant 32 : i32
      %add3A_39 = arith.constant 1024 : i32
      %add3A_40 = arith.addi %mul3A_0, %add3A_39 : i32
      "tpu.region"() ({
        %run_scoped3A = tpu.sem_alloc : memref<!tpu.dma_semaphore, #tpu.memory_space<semaphore_mem>>
        %dma_start3A = arith.constant 0 : i32
        %dma_start3A_57 = tpu.memref_slice %arg5[%sub3A_22, %dma_start3A, %add3A_40] : memref<2x20x4096xi32, #tpu.memory_space<hbm>> -> memref<1x20x512xi32, #tpu.memory_space<hbm>>
        %dma_start3A_58 = tpu.memref_squeeze %dma_start3A_57 : memref<1x20x512xi32, #tpu.memory_space<hbm>> -> memref<20x512xi32, #tpu.memory_space<hbm>>
        %dma_start3A_59 = arith.constant 0 : i32
        %dma_start3A_60 = tpu.memref_slice %arg5[%sub3A_22, %dma_start3A_59, %add3A_40] : memref<2x20x4096xi32, #tpu.memory_space<hbm>> -> memref<1x20x512xi32, #tpu.memory_space<hbm>>
        %dma_start3A_61 = tpu.memref_squeeze %dma_start3A_60 : memref<1x20x512xi32, #tpu.memory_space<hbm>> -> memref<20x512xi32, #tpu.memory_space<hbm>>
        tpu.enqueue_dma source(%dma_start3A_61 : memref<20x512xi32, #tpu.memory_space<hbm>>) target(%arg9 : memref<20x512xi32, #tpu.memory_space<vmem>>) target_semaphore(%run_scoped3A : memref<!tpu.dma_semaphore, #tpu.memory_space<semaphore_mem>>)
        %dma_wait3A = arith.constant 0 : i32
        %dma_wait3A_62 = tpu.memref_slice %arg5[%sub3A_22, %dma_wait3A, %add3A_40] : memref<2x20x4096xi32, #tpu.memory_space<hbm>> -> memref<1x20x512xi32, #tpu.memory_space<hbm>>
        %dma_wait3A_63 = tpu.memref_squeeze %dma_wait3A_62 : memref<1x20x512xi32, #tpu.memory_space<hbm>> -> memref<20x512xi32, #tpu.memory_space<hbm>>
        %dma_wait3A_64 = arith.constant 0 : i32
        %dma_wait3A_65 = tpu.memref_slice %arg5[%sub3A_22, %dma_wait3A_64, %add3A_40] : memref<2x20x4096xi32, #tpu.memory_space<hbm>> -> memref<1x20x512xi32, #tpu.memory_space<hbm>>
        %dma_wait3A_66 = tpu.memref_squeeze %dma_wait3A_65 : memref<1x20x512xi32, #tpu.memory_space<hbm>> -> memref<20x512xi32, #tpu.memory_space<hbm>>
        tpu.wait_dma2 semaphore(%run_scoped3A : memref<!tpu.dma_semaphore, #tpu.memory_space<semaphore_mem>>) src(%dma_wait3A_66 : memref<20x512xi32, #tpu.memory_space<hbm>>) dst(%arg9 : memref<20x512xi32, #tpu.memory_space<vmem>>)
        tpu.yield
      }) : () -> ()
      "tpu.region"() ({
        %run_scoped3A = tpu.sem_alloc : memref<!tpu.dma_semaphore, #tpu.memory_space<semaphore_mem>>
        %dma_start3A = arith.constant 0 : i32
        %dma_start3A_57 = tpu.memref_slice %arg6[%sub3A_22, %dma_start3A, %add3A_40] : memref<2x20x4096xf32, #tpu.memory_space<hbm>> -> memref<1x20x512xf32, #tpu.memory_space<hbm>>
        %dma_start3A_58 = tpu.memref_squeeze %dma_start3A_57 : memref<1x20x512xf32, #tpu.memory_space<hbm>> -> memref<20x512xf32, #tpu.memory_space<hbm>>
        %dma_start3A_59 = arith.constant 0 : i32
        %dma_start3A_60 = tpu.memref_slice %arg6[%sub3A_22, %dma_start3A_59, %add3A_40] : memref<2x20x4096xf32, #tpu.memory_space<hbm>> -> memref<1x20x512xf32, #tpu.memory_space<hbm>>
        %dma_start3A_61 = tpu.memref_squeeze %dma_start3A_60 : memref<1x20x512xf32, #tpu.memory_space<hbm>> -> memref<20x512xf32, #tpu.memory_space<hbm>>
        tpu.enqueue_dma source(%dma_start3A_61 : memref<20x512xf32, #tpu.memory_space<hbm>>) target(%arg10 : memref<20x512xf32, #tpu.memory_space<vmem>>) target_semaphore(%run_scoped3A : memref<!tpu.dma_semaphore, #tpu.memory_space<semaphore_mem>>)
        %dma_wait3A = arith.constant 0 : i32
        %dma_wait3A_62 = tpu.memref_slice %arg6[%sub3A_22, %dma_wait3A, %add3A_40] : memref<2x20x4096xf32, #tpu.memory_space<hbm>> -> memref<1x20x512xf32, #tpu.memory_space<hbm>>
        %dma_wait3A_63 = tpu.memref_squeeze %dma_wait3A_62 : memref<1x20x512xf32, #tpu.memory_space<hbm>> -> memref<20x512xf32, #tpu.memory_space<hbm>>
        %dma_wait3A_64 = arith.constant 0 : i32
        %dma_wait3A_65 = tpu.memref_slice %arg6[%sub3A_22, %dma_wait3A_64, %add3A_40] : memref<2x20x4096xf32, #tpu.memory_space<hbm>> -> memref<1x20x512xf32, #tpu.memory_space<hbm>>
        %dma_wait3A_66 = tpu.memref_squeeze %dma_wait3A_65 : memref<1x20x512xf32, #tpu.memory_space<hbm>> -> memref<20x512xf32, #tpu.memory_space<hbm>>
        tpu.wait_dma2 semaphore(%run_scoped3A : memref<!tpu.dma_semaphore, #tpu.memory_space<semaphore_mem>>) src(%dma_wait3A_66 : memref<20x512xf32, #tpu.memory_space<hbm>>) dst(%arg10 : memref<20x512xf32, #tpu.memory_space<vmem>>)
        tpu.yield
      }) : () -> ()
      %scan3A_41 = arith.constant 0 : i32
      %scan3A_42 = arith.constant 0 : i32
      %scan3A_43 = arith.constant 32 : i32
      %scan3A_44 = arith.addi %scan3A_42, %scan3A_43 : i32
      %scan3A_45 = arith.constant 1 : i32
      %scan3A_46 = scf.for %scan3A_57 = %scan3A_42 to %scan3A_44 step %scan3A_45 iter_args(%scan3A_58 = %scan3A_41) -> (i32)  : i32 {
        %broadcast_in_dim3A = arith.constant 0.000000e+00 : f32
        %broadcast_in_dim3A_59 = vector.broadcast %broadcast_in_dim3A : f32 to vector<16xf32>
        %mul3A_60 = arith.constant 16 : i32
        %mul3A_61 = arith.muli %scan3A_57, %mul3A_60 : i32
        %get3A = arith.constant 0 : i32
        %get3A_62 = arith.index_cast %get3A : i32 to index
        %get3A_63 = arith.index_cast %mul3A_61 : i32 to index
        %get3A_64 = tpu.vector_load %arg9[%get3A_62, %get3A_63] {strides = array<i32>} : memref<20x512xi32, #tpu.memory_space<vmem>>, vector<16xi32>,
        %gather3A = tpu.vector_load_idx %arg8[%get3A_64] : memref<102400xf32, #tpu.memory_space<vmem>>[vector<16xi32>], vector<16xf32>,
        %mul3A_65 = arith.constant 16 : i32
        %mul3A_66 = arith.muli %scan3A_57, %mul3A_65 : i32
        %get3A_67 = arith.constant 0 : i32
        %get3A_68 = arith.index_cast %get3A_67 : i32 to index
        %get3A_69 = arith.index_cast %mul3A_66 : i32 to index
        %get3A_70 = tpu.vector_load %arg10[%get3A_68, %get3A_69] {strides = array<i32>} : memref<20x512xf32, #tpu.memory_space<vmem>>, vector<16xf32>,
        %mul3A_71 = arith.mulf %gather3A, %get3A_70 : vector<16xf32>
        %add3A_72 = arith.addf %broadcast_in_dim3A_59, %mul3A_71 : vector<16xf32>
        %mul3A_73 = arith.constant 16 : i32
        %mul3A_74 = arith.muli %scan3A_57, %mul3A_73 : i32
        %get3A_75 = arith.constant 1 : i32
        %get3A_76 = arith.index_cast %get3A_75 : i32 to index
        %get3A_77 = arith.index_cast %mul3A_74 : i32 to index
        %get3A_78 = tpu.vector_load %arg9[%get3A_76, %get3A_77] {strides = array<i32>} : memref<20x512xi32, #tpu.memory_space<vmem>>, vector<16xi32>,
        %gather3A_79 = tpu.vector_load_idx %arg8[%get3A_78] : memref<102400xf32, #tpu.memory_space<vmem>>[vector<16xi32>], vector<16xf32>,
        %mul3A_80 = arith.constant 16 : i32
        %mul3A_81 = arith.muli %scan3A_57, %mul3A_80 : i32
        %get3A_82 = arith.constant 1 : i32
        %get3A_83 = arith.index_cast %get3A_82 : i32 to index
        %get3A_84 = arith.index_cast %mul3A_81 : i32 to index
        %get3A_85 = tpu.vector_load %arg10[%get3A_83, %get3A_84] {strides = array<i32>} : memref<20x512xf32, #tpu.memory_space<vmem>>, vector<16xf32>,
        %mul3A_86 = arith.mulf %gather3A_79, %get3A_85 : vector<16xf32>
        %add3A_87 = arith.addf %add3A_72, %mul3A_86 : vector<16xf32>
        %mul3A_88 = arith.constant 16 : i32
        %mul3A_89 = arith.muli %scan3A_57, %mul3A_88 : i32
        %get3A_90 = arith.constant 2 : i32
        %get3A_91 = arith.index_cast %get3A_90 : i32 to index
        %get3A_92 = arith.index_cast %mul3A_89 : i32 to index
        %get3A_93 = tpu.vector_load %arg9[%get3A_91, %get3A_92] {strides = array<i32>} : memref<20x512xi32, #tpu.memory_space<vmem>>, vector<16xi32>,
        %gather3A_94 = tpu.vector_load_idx %arg8[%get3A_93] : memref<102400xf32, #tpu.memory_space<vmem>>[vector<16xi32>], vector<16xf32>,
        %mul3A_95 = arith.constant 16 : i32
        %mul3A_96 = arith.muli %scan3A_57, %mul3A_95 : i32
        %get3A_97 = arith.constant 2 : i32
        %get3A_98 = arith.index_cast %get3A_97 : i32 to index
        %get3A_99 = arith.index_cast %mul3A_96 : i32 to index
        %get3A_100 = tpu.vector_load %arg10[%get3A_98, %get3A_99] {strides = array<i32>} : memref<20x512xf32, #tpu.memory_space<vmem>>, vector<16xf32>,
        %mul3A_101 = arith.mulf %gather3A_94, %get3A_100 : vector<16xf32>
        %add3A_102 = arith.addf %add3A_87, %mul3A_101 : vector<16xf32>
        %mul3A_103 = arith.constant 16 : i32
        %mul3A_104 = arith.muli %scan3A_57, %mul3A_103 : i32
        %get3A_105 = arith.constant 3 : i32
        %get3A_106 = arith.index_cast %get3A_105 : i32 to index
        %get3A_107 = arith.index_cast %mul3A_104 : i32 to index
        %get3A_108 = tpu.vector_load %arg9[%get3A_106, %get3A_107] {strides = array<i32>} : memref<20x512xi32, #tpu.memory_space<vmem>>, vector<16xi32>,
        %gather3A_109 = tpu.vector_load_idx %arg8[%get3A_108] : memref<102400xf32, #tpu.memory_space<vmem>>[vector<16xi32>], vector<16xf32>,
        %mul3A_110 = arith.constant 16 : i32
        %mul3A_111 = arith.muli %scan3A_57, %mul3A_110 : i32
        %get3A_112 = arith.constant 3 : i32
        %get3A_113 = arith.index_cast %get3A_112 : i32 to index
        %get3A_114 = arith.index_cast %mul3A_111 : i32 to index
        %get3A_115 = tpu.vector_load %arg10[%get3A_113, %get3A_114] {strides = array<i32>} : memref<20x512xf32, #tpu.memory_space<vmem>>, vector<16xf32>,
        %mul3A_116 = arith.mulf %gather3A_109, %get3A_115 : vector<16xf32>
        %add3A_117 = arith.addf %add3A_102, %mul3A_116 : vector<16xf32>
        %mul3A_118 = arith.constant 16 : i32
        %mul3A_119 = arith.muli %scan3A_57, %mul3A_118 : i32
        %get3A_120 = arith.constant 4 : i32
        %get3A_121 = arith.index_cast %get3A_120 : i32 to index
        %get3A_122 = arith.index_cast %mul3A_119 : i32 to index
        %get3A_123 = tpu.vector_load %arg9[%get3A_121, %get3A_122] {strides = array<i32>} : memref<20x512xi32, #tpu.memory_space<vmem>>, vector<16xi32>,
        %gather3A_124 = tpu.vector_load_idx %arg8[%get3A_123] : memref<102400xf32, #tpu.memory_space<vmem>>[vector<16xi32>], vector<16xf32>,
        %mul3A_125 = arith.constant 16 : i32
        %mul3A_126 = arith.muli %scan3A_57, %mul3A_125 : i32
        %get3A_127 = arith.constant 4 : i32
        %get3A_128 = arith.index_cast %get3A_127 : i32 to index
        %get3A_129 = arith.index_cast %mul3A_126 : i32 to index
        %get3A_130 = tpu.vector_load %arg10[%get3A_128, %get3A_129] {strides = array<i32>} : memref<20x512xf32, #tpu.memory_space<vmem>>, vector<16xf32>,
        %mul3A_131 = arith.mulf %gather3A_124, %get3A_130 : vector<16xf32>
        %add3A_132 = arith.addf %add3A_117, %mul3A_131 : vector<16xf32>
        %mul3A_133 = arith.constant 16 : i32
        %mul3A_134 = arith.muli %scan3A_57, %mul3A_133 : i32
        %get3A_135 = arith.constant 5 : i32
        %get3A_136 = arith.index_cast %get3A_135 : i32 to index
        %get3A_137 = arith.index_cast %mul3A_134 : i32 to index
        %get3A_138 = tpu.vector_load %arg9[%get3A_136, %get3A_137] {strides = array<i32>} : memref<20x512xi32, #tpu.memory_space<vmem>>, vector<16xi32>,
        %gather3A_139 = tpu.vector_load_idx %arg8[%get3A_138] : memref<102400xf32, #tpu.memory_space<vmem>>[vector<16xi32>], vector<16xf32>,
        %mul3A_140 = arith.constant 16 : i32
        %mul3A_141 = arith.muli %scan3A_57, %mul3A_140 : i32
        %get3A_142 = arith.constant 5 : i32
        %get3A_143 = arith.index_cast %get3A_142 : i32 to index
        %get3A_144 = arith.index_cast %mul3A_141 : i32 to index
        %get3A_145 = tpu.vector_load %arg10[%get3A_143, %get3A_144] {strides = array<i32>} : memref<20x512xf32, #tpu.memory_space<vmem>>, vector<16xf32>,
        %mul3A_146 = arith.mulf %gather3A_139, %get3A_145 : vector<16xf32>
        %add3A_147 = arith.addf %add3A_132, %mul3A_146 : vector<16xf32>
        %mul3A_148 = arith.constant 16 : i32
        %mul3A_149 = arith.muli %scan3A_57, %mul3A_148 : i32
        %get3A_150 = arith.constant 6 : i32
        %get3A_151 = arith.index_cast %get3A_150 : i32 to index
        %get3A_152 = arith.index_cast %mul3A_149 : i32 to index
        %get3A_153 = tpu.vector_load %arg9[%get3A_151, %get3A_152] {strides = array<i32>} : memref<20x512xi32, #tpu.memory_space<vmem>>, vector<16xi32>,
        %gather3A_154 = tpu.vector_load_idx %arg8[%get3A_153] : memref<102400xf32, #tpu.memory_space<vmem>>[vector<16xi32>], vector<16xf32>,
        %mul3A_155 = arith.constant 16 : i32
        %mul3A_156 = arith.muli %scan3A_57, %mul3A_155 : i32
        %get3A_157 = arith.constant 6 : i32
        %get3A_158 = arith.index_cast %get3A_157 : i32 to index
        %get3A_159 = arith.index_cast %mul3A_156 : i32 to index
        %get3A_160 = tpu.vector_load %arg10[%get3A_158, %get3A_159] {strides = array<i32>} : memref<20x512xf32, #tpu.memory_space<vmem>>, vector<16xf32>,
        %mul3A_161 = arith.mulf %gather3A_154, %get3A_160 : vector<16xf32>
        %add3A_162 = arith.addf %add3A_147, %mul3A_161 : vector<16xf32>
        %mul3A_163 = arith.constant 16 : i32
        %mul3A_164 = arith.muli %scan3A_57, %mul3A_163 : i32
        %get3A_165 = arith.constant 7 : i32
        %get3A_166 = arith.index_cast %get3A_165 : i32 to index
        %get3A_167 = arith.index_cast %mul3A_164 : i32 to index
        %get3A_168 = tpu.vector_load %arg9[%get3A_166, %get3A_167] {strides = array<i32>} : memref<20x512xi32, #tpu.memory_space<vmem>>, vector<16xi32>,
        %gather3A_169 = tpu.vector_load_idx %arg8[%get3A_168] : memref<102400xf32, #tpu.memory_space<vmem>>[vector<16xi32>], vector<16xf32>,
        %mul3A_170 = arith.constant 16 : i32
        %mul3A_171 = arith.muli %scan3A_57, %mul3A_170 : i32
        %get3A_172 = arith.constant 7 : i32
        %get3A_173 = arith.index_cast %get3A_172 : i32 to index
        %get3A_174 = arith.index_cast %mul3A_171 : i32 to index
        %get3A_175 = tpu.vector_load %arg10[%get3A_173, %get3A_174] {strides = array<i32>} : memref<20x512xf32, #tpu.memory_space<vmem>>, vector<16xf32>,
        %mul3A_176 = arith.mulf %gather3A_169, %get3A_175 : vector<16xf32>
        %add3A_177 = arith.addf %add3A_162, %mul3A_176 : vector<16xf32>
        %mul3A_178 = arith.constant 16 : i32
        %mul3A_179 = arith.muli %scan3A_57, %mul3A_178 : i32
        %get3A_180 = arith.constant 8 : i32
        %get3A_181 = arith.index_cast %get3A_180 : i32 to index
        %get3A_182 = arith.index_cast %mul3A_179 : i32 to index
        %get3A_183 = tpu.vector_load %arg9[%get3A_181, %get3A_182] {strides = array<i32>} : memref<20x512xi32, #tpu.memory_space<vmem>>, vector<16xi32>,
        %gather3A_184 = tpu.vector_load_idx %arg8[%get3A_183] : memref<102400xf32, #tpu.memory_space<vmem>>[vector<16xi32>], vector<16xf32>,
        %mul3A_185 = arith.constant 16 : i32
        %mul3A_186 = arith.muli %scan3A_57, %mul3A_185 : i32
        %get3A_187 = arith.constant 8 : i32
        %get3A_188 = arith.index_cast %get3A_187 : i32 to index
        %get3A_189 = arith.index_cast %mul3A_186 : i32 to index
        %get3A_190 = tpu.vector_load %arg10[%get3A_188, %get3A_189] {strides = array<i32>} : memref<20x512xf32, #tpu.memory_space<vmem>>, vector<16xf32>,
        %mul3A_191 = arith.mulf %gather3A_184, %get3A_190 : vector<16xf32>
        %add3A_192 = arith.addf %add3A_177, %mul3A_191 : vector<16xf32>
        %mul3A_193 = arith.constant 16 : i32
        %mul3A_194 = arith.muli %scan3A_57, %mul3A_193 : i32
        %get3A_195 = arith.constant 9 : i32
        %get3A_196 = arith.index_cast %get3A_195 : i32 to index
        %get3A_197 = arith.index_cast %mul3A_194 : i32 to index
        %get3A_198 = tpu.vector_load %arg9[%get3A_196, %get3A_197] {strides = array<i32>} : memref<20x512xi32, #tpu.memory_space<vmem>>, vector<16xi32>,
        %gather3A_199 = tpu.vector_load_idx %arg8[%get3A_198] : memref<102400xf32, #tpu.memory_space<vmem>>[vector<16xi32>], vector<16xf32>,
        %mul3A_200 = arith.constant 16 : i32
        %mul3A_201 = arith.muli %scan3A_57, %mul3A_200 : i32
        %get3A_202 = arith.constant 9 : i32
        %get3A_203 = arith.index_cast %get3A_202 : i32 to index
        %get3A_204 = arith.index_cast %mul3A_201 : i32 to index
        %get3A_205 = tpu.vector_load %arg10[%get3A_203, %get3A_204] {strides = array<i32>} : memref<20x512xf32, #tpu.memory_space<vmem>>, vector<16xf32>,
        %mul3A_206 = arith.mulf %gather3A_199, %get3A_205 : vector<16xf32>
        %add3A_207 = arith.addf %add3A_192, %mul3A_206 : vector<16xf32>
        %mul3A_208 = arith.constant 16 : i32
        %mul3A_209 = arith.muli %scan3A_57, %mul3A_208 : i32
        %get3A_210 = arith.constant 10 : i32
        %get3A_211 = arith.index_cast %get3A_210 : i32 to index
        %get3A_212 = arith.index_cast %mul3A_209 : i32 to index
        %get3A_213 = tpu.vector_load %arg9[%get3A_211, %get3A_212] {strides = array<i32>} : memref<20x512xi32, #tpu.memory_space<vmem>>, vector<16xi32>,
        %gather3A_214 = tpu.vector_load_idx %arg8[%get3A_213] : memref<102400xf32, #tpu.memory_space<vmem>>[vector<16xi32>], vector<16xf32>,
        %mul3A_215 = arith.constant 16 : i32
        %mul3A_216 = arith.muli %scan3A_57, %mul3A_215 : i32
        %get3A_217 = arith.constant 10 : i32
        %get3A_218 = arith.index_cast %get3A_217 : i32 to index
        %get3A_219 = arith.index_cast %mul3A_216 : i32 to index
        %get3A_220 = tpu.vector_load %arg10[%get3A_218, %get3A_219] {strides = array<i32>} : memref<20x512xf32, #tpu.memory_space<vmem>>, vector<16xf32>,
        %mul3A_221 = arith.mulf %gather3A_214, %get3A_220 : vector<16xf32>
        %add3A_222 = arith.addf %add3A_207, %mul3A_221 : vector<16xf32>
        %mul3A_223 = arith.constant 16 : i32
        %mul3A_224 = arith.muli %scan3A_57, %mul3A_223 : i32
        %get3A_225 = arith.constant 11 : i32
        %get3A_226 = arith.index_cast %get3A_225 : i32 to index
        %get3A_227 = arith.index_cast %mul3A_224 : i32 to index
        %get3A_228 = tpu.vector_load %arg9[%get3A_226, %get3A_227] {strides = array<i32>} : memref<20x512xi32, #tpu.memory_space<vmem>>, vector<16xi32>,
        %gather3A_229 = tpu.vector_load_idx %arg8[%get3A_228] : memref<102400xf32, #tpu.memory_space<vmem>>[vector<16xi32>], vector<16xf32>,
        %mul3A_230 = arith.constant 16 : i32
        %mul3A_231 = arith.muli %scan3A_57, %mul3A_230 : i32
        %get3A_232 = arith.constant 11 : i32
        %get3A_233 = arith.index_cast %get3A_232 : i32 to index
        %get3A_234 = arith.index_cast %mul3A_231 : i32 to index
        %get3A_235 = tpu.vector_load %arg10[%get3A_233, %get3A_234] {strides = array<i32>} : memref<20x512xf32, #tpu.memory_space<vmem>>, vector<16xf32>,
        %mul3A_236 = arith.mulf %gather3A_229, %get3A_235 : vector<16xf32>
        %add3A_237 = arith.addf %add3A_222, %mul3A_236 : vector<16xf32>
        %mul3A_238 = arith.constant 16 : i32
        %mul3A_239 = arith.muli %scan3A_57, %mul3A_238 : i32
        %get3A_240 = arith.constant 12 : i32
        %get3A_241 = arith.index_cast %get3A_240 : i32 to index
        %get3A_242 = arith.index_cast %mul3A_239 : i32 to index
        %get3A_243 = tpu.vector_load %arg9[%get3A_241, %get3A_242] {strides = array<i32>} : memref<20x512xi32, #tpu.memory_space<vmem>>, vector<16xi32>,
        %gather3A_244 = tpu.vector_load_idx %arg8[%get3A_243] : memref<102400xf32, #tpu.memory_space<vmem>>[vector<16xi32>], vector<16xf32>,
        %mul3A_245 = arith.constant 16 : i32
        %mul3A_246 = arith.muli %scan3A_57, %mul3A_245 : i32
        %get3A_247 = arith.constant 12 : i32
        %get3A_248 = arith.index_cast %get3A_247 : i32 to index
        %get3A_249 = arith.index_cast %mul3A_246 : i32 to index
        %get3A_250 = tpu.vector_load %arg10[%get3A_248, %get3A_249] {strides = array<i32>} : memref<20x512xf32, #tpu.memory_space<vmem>>, vector<16xf32>,
        %mul3A_251 = arith.mulf %gather3A_244, %get3A_250 : vector<16xf32>
        %add3A_252 = arith.addf %add3A_237, %mul3A_251 : vector<16xf32>
        %mul3A_253 = arith.constant 16 : i32
        %mul3A_254 = arith.muli %scan3A_57, %mul3A_253 : i32
        %get3A_255 = arith.constant 13 : i32
        %get3A_256 = arith.index_cast %get3A_255 : i32 to index
        %get3A_257 = arith.index_cast %mul3A_254 : i32 to index
        %get3A_258 = tpu.vector_load %arg9[%get3A_256, %get3A_257] {strides = array<i32>} : memref<20x512xi32, #tpu.memory_space<vmem>>, vector<16xi32>,
        %gather3A_259 = tpu.vector_load_idx %arg8[%get3A_258] : memref<102400xf32, #tpu.memory_space<vmem>>[vector<16xi32>], vector<16xf32>,
        %mul3A_260 = arith.constant 16 : i32
        %mul3A_261 = arith.muli %scan3A_57, %mul3A_260 : i32
        %get3A_262 = arith.constant 13 : i32
        %get3A_263 = arith.index_cast %get3A_262 : i32 to index
        %get3A_264 = arith.index_cast %mul3A_261 : i32 to index
        %get3A_265 = tpu.vector_load %arg10[%get3A_263, %get3A_264] {strides = array<i32>} : memref<20x512xf32, #tpu.memory_space<vmem>>, vector<16xf32>,
        %mul3A_266 = arith.mulf %gather3A_259, %get3A_265 : vector<16xf32>
        %add3A_267 = arith.addf %add3A_252, %mul3A_266 : vector<16xf32>
        %mul3A_268 = arith.constant 16 : i32
        %mul3A_269 = arith.muli %scan3A_57, %mul3A_268 : i32
        %get3A_270 = arith.constant 14 : i32
        %get3A_271 = arith.index_cast %get3A_270 : i32 to index
        %get3A_272 = arith.index_cast %mul3A_269 : i32 to index
        %get3A_273 = tpu.vector_load %arg9[%get3A_271, %get3A_272] {strides = array<i32>} : memref<20x512xi32, #tpu.memory_space<vmem>>, vector<16xi32>,
        %gather3A_274 = tpu.vector_load_idx %arg8[%get3A_273] : memref<102400xf32, #tpu.memory_space<vmem>>[vector<16xi32>], vector<16xf32>,
        %mul3A_275 = arith.constant 16 : i32
        %mul3A_276 = arith.muli %scan3A_57, %mul3A_275 : i32
        %get3A_277 = arith.constant 14 : i32
        %get3A_278 = arith.index_cast %get3A_277 : i32 to index
        %get3A_279 = arith.index_cast %mul3A_276 : i32 to index
        %get3A_280 = tpu.vector_load %arg10[%get3A_278, %get3A_279] {strides = array<i32>} : memref<20x512xf32, #tpu.memory_space<vmem>>, vector<16xf32>,
        %mul3A_281 = arith.mulf %gather3A_274, %get3A_280 : vector<16xf32>
        %add3A_282 = arith.addf %add3A_267, %mul3A_281 : vector<16xf32>
        %mul3A_283 = arith.constant 16 : i32
        %mul3A_284 = arith.muli %scan3A_57, %mul3A_283 : i32
        %get3A_285 = arith.constant 15 : i32
        %get3A_286 = arith.index_cast %get3A_285 : i32 to index
        %get3A_287 = arith.index_cast %mul3A_284 : i32 to index
        %get3A_288 = tpu.vector_load %arg9[%get3A_286, %get3A_287] {strides = array<i32>} : memref<20x512xi32, #tpu.memory_space<vmem>>, vector<16xi32>,
        %gather3A_289 = tpu.vector_load_idx %arg8[%get3A_288] : memref<102400xf32, #tpu.memory_space<vmem>>[vector<16xi32>], vector<16xf32>,
        %mul3A_290 = arith.constant 16 : i32
        %mul3A_291 = arith.muli %scan3A_57, %mul3A_290 : i32
        %get3A_292 = arith.constant 15 : i32
        %get3A_293 = arith.index_cast %get3A_292 : i32 to index
        %get3A_294 = arith.index_cast %mul3A_291 : i32 to index
        %get3A_295 = tpu.vector_load %arg10[%get3A_293, %get3A_294] {strides = array<i32>} : memref<20x512xf32, #tpu.memory_space<vmem>>, vector<16xf32>,
        %mul3A_296 = arith.mulf %gather3A_289, %get3A_295 : vector<16xf32>
        %add3A_297 = arith.addf %add3A_282, %mul3A_296 : vector<16xf32>
        %mul3A_298 = arith.constant 16 : i32
        %mul3A_299 = arith.muli %scan3A_57, %mul3A_298 : i32
        %get3A_300 = arith.constant 16 : i32
        %get3A_301 = arith.index_cast %get3A_300 : i32 to index
        %get3A_302 = arith.index_cast %mul3A_299 : i32 to index
        %get3A_303 = tpu.vector_load %arg9[%get3A_301, %get3A_302] {strides = array<i32>} : memref<20x512xi32, #tpu.memory_space<vmem>>, vector<16xi32>,
        %gather3A_304 = tpu.vector_load_idx %arg8[%get3A_303] : memref<102400xf32, #tpu.memory_space<vmem>>[vector<16xi32>], vector<16xf32>,
        %mul3A_305 = arith.constant 16 : i32
        %mul3A_306 = arith.muli %scan3A_57, %mul3A_305 : i32
        %get3A_307 = arith.constant 16 : i32
        %get3A_308 = arith.index_cast %get3A_307 : i32 to index
        %get3A_309 = arith.index_cast %mul3A_306 : i32 to index
        %get3A_310 = tpu.vector_load %arg10[%get3A_308, %get3A_309] {strides = array<i32>} : memref<20x512xf32, #tpu.memory_space<vmem>>, vector<16xf32>,
        %mul3A_311 = arith.mulf %gather3A_304, %get3A_310 : vector<16xf32>
        %add3A_312 = arith.addf %add3A_297, %mul3A_311 : vector<16xf32>
        %mul3A_313 = arith.constant 16 : i32
        %mul3A_314 = arith.muli %scan3A_57, %mul3A_313 : i32
        %get3A_315 = arith.constant 17 : i32
        %get3A_316 = arith.index_cast %get3A_315 : i32 to index
        %get3A_317 = arith.index_cast %mul3A_314 : i32 to index
        %get3A_318 = tpu.vector_load %arg9[%get3A_316, %get3A_317] {strides = array<i32>} : memref<20x512xi32, #tpu.memory_space<vmem>>, vector<16xi32>,
        %gather3A_319 = tpu.vector_load_idx %arg8[%get3A_318] : memref<102400xf32, #tpu.memory_space<vmem>>[vector<16xi32>], vector<16xf32>,
        %mul3A_320 = arith.constant 16 : i32
        %mul3A_321 = arith.muli %scan3A_57, %mul3A_320 : i32
        %get3A_322 = arith.constant 17 : i32
        %get3A_323 = arith.index_cast %get3A_322 : i32 to index
        %get3A_324 = arith.index_cast %mul3A_321 : i32 to index
        %get3A_325 = tpu.vector_load %arg10[%get3A_323, %get3A_324] {strides = array<i32>} : memref<20x512xf32, #tpu.memory_space<vmem>>, vector<16xf32>,
        %mul3A_326 = arith.mulf %gather3A_319, %get3A_325 : vector<16xf32>
        %add3A_327 = arith.addf %add3A_312, %mul3A_326 : vector<16xf32>
        %mul3A_328 = arith.constant 16 : i32
        %mul3A_329 = arith.muli %scan3A_57, %mul3A_328 : i32
        %get3A_330 = arith.constant 18 : i32
        %get3A_331 = arith.index_cast %get3A_330 : i32 to index
        %get3A_332 = arith.index_cast %mul3A_329 : i32 to index
        %get3A_333 = tpu.vector_load %arg9[%get3A_331, %get3A_332] {strides = array<i32>} : memref<20x512xi32, #tpu.memory_space<vmem>>, vector<16xi32>,
        %gather3A_334 = tpu.vector_load_idx %arg8[%get3A_333] : memref<102400xf32, #tpu.memory_space<vmem>>[vector<16xi32>], vector<16xf32>,
        %mul3A_335 = arith.constant 16 : i32
        %mul3A_336 = arith.muli %scan3A_57, %mul3A_335 : i32
        %get3A_337 = arith.constant 18 : i32
        %get3A_338 = arith.index_cast %get3A_337 : i32 to index
        %get3A_339 = arith.index_cast %mul3A_336 : i32 to index
        %get3A_340 = tpu.vector_load %arg10[%get3A_338, %get3A_339] {strides = array<i32>} : memref<20x512xf32, #tpu.memory_space<vmem>>, vector<16xf32>,
        %mul3A_341 = arith.mulf %gather3A_334, %get3A_340 : vector<16xf32>
        %add3A_342 = arith.addf %add3A_327, %mul3A_341 : vector<16xf32>
        %mul3A_343 = arith.constant 16 : i32
        %mul3A_344 = arith.muli %scan3A_57, %mul3A_343 : i32
        %get3A_345 = arith.constant 19 : i32
        %get3A_346 = arith.index_cast %get3A_345 : i32 to index
        %get3A_347 = arith.index_cast %mul3A_344 : i32 to index
        %get3A_348 = tpu.vector_load %arg9[%get3A_346, %get3A_347] {strides = array<i32>} : memref<20x512xi32, #tpu.memory_space<vmem>>, vector<16xi32>,
        %gather3A_349 = tpu.vector_load_idx %arg8[%get3A_348] : memref<102400xf32, #tpu.memory_space<vmem>>[vector<16xi32>], vector<16xf32>,
        %mul3A_350 = arith.constant 16 : i32
        %mul3A_351 = arith.muli %scan3A_57, %mul3A_350 : i32
        %get3A_352 = arith.constant 19 : i32
        %get3A_353 = arith.index_cast %get3A_352 : i32 to index
        %get3A_354 = arith.index_cast %mul3A_351 : i32 to index
        %get3A_355 = tpu.vector_load %arg10[%get3A_353, %get3A_354] {strides = array<i32>} : memref<20x512xf32, #tpu.memory_space<vmem>>, vector<16xf32>,
        %mul3A_356 = arith.mulf %gather3A_349, %get3A_355 : vector<16xf32>
        %add3A_357 = arith.addf %add3A_342, %mul3A_356 : vector<16xf32>
        %mul3A_358 = arith.constant 16 : i32
        %mul3A_359 = arith.muli %scan3A_57, %mul3A_358 : i32
        %add3A_360 = arith.constant 1024 : i32
        %add3A_361 = arith.addi %add3A_360, %mul3A_359 : i32
        %swap3A = arith.index_cast %add3A_361 : i32 to index
        %swap3A_362 = tpu.vector_load %arg11[%swap3A] {strides = array<i32>} : memref<2048xf32, #tpu.memory_space<vmem>>, vector<16xf32>,
        tpu.vector_store %arg11[%swap3A], %add3A_357 {strides = array<i32>} : memref<2048xf32, #tpu.memory_space<vmem>>, vector<16xf32>,
        %scan3A_363 = arith.constant 0 : i32
        scf.yield %scan3A_363 : i32
      }
      %scan3A_47 = arith.constant 32 : i32
      %add3A_48 = arith.constant 1536 : i32
      %add3A_49 = arith.addi %mul3A_0, %add3A_48 : i32
      "tpu.region"() ({
        %run_scoped3A = tpu.sem_alloc : memref<!tpu.dma_semaphore, #tpu.memory_space<semaphore_mem>>
        %dma_start3A = arith.constant 0 : i32
        %dma_start3A_57 = tpu.memref_slice %arg5[%sub3A_22, %dma_start3A, %add3A_49] : memref<2x20x4096xi32, #tpu.memory_space<hbm>> -> memref<1x20x512xi32, #tpu.memory_space<hbm>>
        %dma_start3A_58 = tpu.memref_squeeze %dma_start3A_57 : memref<1x20x512xi32, #tpu.memory_space<hbm>> -> memref<20x512xi32, #tpu.memory_space<hbm>>
        %dma_start3A_59 = arith.constant 0 : i32
        %dma_start3A_60 = tpu.memref_slice %arg5[%sub3A_22, %dma_start3A_59, %add3A_49] : memref<2x20x4096xi32, #tpu.memory_space<hbm>> -> memref<1x20x512xi32, #tpu.memory_space<hbm>>
        %dma_start3A_61 = tpu.memref_squeeze %dma_start3A_60 : memref<1x20x512xi32, #tpu.memory_space<hbm>> -> memref<20x512xi32, #tpu.memory_space<hbm>>
        tpu.enqueue_dma source(%dma_start3A_61 : memref<20x512xi32, #tpu.memory_space<hbm>>) target(%arg9 : memref<20x512xi32, #tpu.memory_space<vmem>>) target_semaphore(%run_scoped3A : memref<!tpu.dma_semaphore, #tpu.memory_space<semaphore_mem>>)
        %dma_wait3A = arith.constant 0 : i32
        %dma_wait3A_62 = tpu.memref_slice %arg5[%sub3A_22, %dma_wait3A, %add3A_49] : memref<2x20x4096xi32, #tpu.memory_space<hbm>> -> memref<1x20x512xi32, #tpu.memory_space<hbm>>
        %dma_wait3A_63 = tpu.memref_squeeze %dma_wait3A_62 : memref<1x20x512xi32, #tpu.memory_space<hbm>> -> memref<20x512xi32, #tpu.memory_space<hbm>>
        %dma_wait3A_64 = arith.constant 0 : i32
        %dma_wait3A_65 = tpu.memref_slice %arg5[%sub3A_22, %dma_wait3A_64, %add3A_49] : memref<2x20x4096xi32, #tpu.memory_space<hbm>> -> memref<1x20x512xi32, #tpu.memory_space<hbm>>
        %dma_wait3A_66 = tpu.memref_squeeze %dma_wait3A_65 : memref<1x20x512xi32, #tpu.memory_space<hbm>> -> memref<20x512xi32, #tpu.memory_space<hbm>>
        tpu.wait_dma2 semaphore(%run_scoped3A : memref<!tpu.dma_semaphore, #tpu.memory_space<semaphore_mem>>) src(%dma_wait3A_66 : memref<20x512xi32, #tpu.memory_space<hbm>>) dst(%arg9 : memref<20x512xi32, #tpu.memory_space<vmem>>)
        tpu.yield
      }) : () -> ()
      "tpu.region"() ({
        %run_scoped3A = tpu.sem_alloc : memref<!tpu.dma_semaphore, #tpu.memory_space<semaphore_mem>>
        %dma_start3A = arith.constant 0 : i32
        %dma_start3A_57 = tpu.memref_slice %arg6[%sub3A_22, %dma_start3A, %add3A_49] : memref<2x20x4096xf32, #tpu.memory_space<hbm>> -> memref<1x20x512xf32, #tpu.memory_space<hbm>>
        %dma_start3A_58 = tpu.memref_squeeze %dma_start3A_57 : memref<1x20x512xf32, #tpu.memory_space<hbm>> -> memref<20x512xf32, #tpu.memory_space<hbm>>
        %dma_start3A_59 = arith.constant 0 : i32
        %dma_start3A_60 = tpu.memref_slice %arg6[%sub3A_22, %dma_start3A_59, %add3A_49] : memref<2x20x4096xf32, #tpu.memory_space<hbm>> -> memref<1x20x512xf32, #tpu.memory_space<hbm>>
        %dma_start3A_61 = tpu.memref_squeeze %dma_start3A_60 : memref<1x20x512xf32, #tpu.memory_space<hbm>> -> memref<20x512xf32, #tpu.memory_space<hbm>>
        tpu.enqueue_dma source(%dma_start3A_61 : memref<20x512xf32, #tpu.memory_space<hbm>>) target(%arg10 : memref<20x512xf32, #tpu.memory_space<vmem>>) target_semaphore(%run_scoped3A : memref<!tpu.dma_semaphore, #tpu.memory_space<semaphore_mem>>)
        %dma_wait3A = arith.constant 0 : i32
        %dma_wait3A_62 = tpu.memref_slice %arg6[%sub3A_22, %dma_wait3A, %add3A_49] : memref<2x20x4096xf32, #tpu.memory_space<hbm>> -> memref<1x20x512xf32, #tpu.memory_space<hbm>>
        %dma_wait3A_63 = tpu.memref_squeeze %dma_wait3A_62 : memref<1x20x512xf32, #tpu.memory_space<hbm>> -> memref<20x512xf32, #tpu.memory_space<hbm>>
        %dma_wait3A_64 = arith.constant 0 : i32
        %dma_wait3A_65 = tpu.memref_slice %arg6[%sub3A_22, %dma_wait3A_64, %add3A_49] : memref<2x20x4096xf32, #tpu.memory_space<hbm>> -> memref<1x20x512xf32, #tpu.memory_space<hbm>>
        %dma_wait3A_66 = tpu.memref_squeeze %dma_wait3A_65 : memref<1x20x512xf32, #tpu.memory_space<hbm>> -> memref<20x512xf32, #tpu.memory_space<hbm>>
        tpu.wait_dma2 semaphore(%run_scoped3A : memref<!tpu.dma_semaphore, #tpu.memory_space<semaphore_mem>>) src(%dma_wait3A_66 : memref<20x512xf32, #tpu.memory_space<hbm>>) dst(%arg10 : memref<20x512xf32, #tpu.memory_space<vmem>>)
        tpu.yield
      }) : () -> ()
      %scan3A_50 = arith.constant 0 : i32
      %scan3A_51 = arith.constant 0 : i32
      %scan3A_52 = arith.constant 32 : i32
      %scan3A_53 = arith.addi %scan3A_51, %scan3A_52 : i32
      %scan3A_54 = arith.constant 1 : i32
      %scan3A_55 = scf.for %scan3A_57 = %scan3A_51 to %scan3A_53 step %scan3A_54 iter_args(%scan3A_58 = %scan3A_50) -> (i32)  : i32 {
        %broadcast_in_dim3A = arith.constant 0.000000e+00 : f32
        %broadcast_in_dim3A_59 = vector.broadcast %broadcast_in_dim3A : f32 to vector<16xf32>
        %mul3A_60 = arith.constant 16 : i32
        %mul3A_61 = arith.muli %scan3A_57, %mul3A_60 : i32
        %get3A = arith.constant 0 : i32
        %get3A_62 = arith.index_cast %get3A : i32 to index
        %get3A_63 = arith.index_cast %mul3A_61 : i32 to index
        %get3A_64 = tpu.vector_load %arg9[%get3A_62, %get3A_63] {strides = array<i32>} : memref<20x512xi32, #tpu.memory_space<vmem>>, vector<16xi32>,
        %gather3A = tpu.vector_load_idx %arg8[%get3A_64] : memref<102400xf32, #tpu.memory_space<vmem>>[vector<16xi32>], vector<16xf32>,
        %mul3A_65 = arith.constant 16 : i32
        %mul3A_66 = arith.muli %scan3A_57, %mul3A_65 : i32
        %get3A_67 = arith.constant 0 : i32
        %get3A_68 = arith.index_cast %get3A_67 : i32 to index
        %get3A_69 = arith.index_cast %mul3A_66 : i32 to index
        %get3A_70 = tpu.vector_load %arg10[%get3A_68, %get3A_69] {strides = array<i32>} : memref<20x512xf32, #tpu.memory_space<vmem>>, vector<16xf32>,
        %mul3A_71 = arith.mulf %gather3A, %get3A_70 : vector<16xf32>
        %add3A_72 = arith.addf %broadcast_in_dim3A_59, %mul3A_71 : vector<16xf32>
        %mul3A_73 = arith.constant 16 : i32
        %mul3A_74 = arith.muli %scan3A_57, %mul3A_73 : i32
        %get3A_75 = arith.constant 1 : i32
        %get3A_76 = arith.index_cast %get3A_75 : i32 to index
        %get3A_77 = arith.index_cast %mul3A_74 : i32 to index
        %get3A_78 = tpu.vector_load %arg9[%get3A_76, %get3A_77] {strides = array<i32>} : memref<20x512xi32, #tpu.memory_space<vmem>>, vector<16xi32>,
        %gather3A_79 = tpu.vector_load_idx %arg8[%get3A_78] : memref<102400xf32, #tpu.memory_space<vmem>>[vector<16xi32>], vector<16xf32>,
        %mul3A_80 = arith.constant 16 : i32
        %mul3A_81 = arith.muli %scan3A_57, %mul3A_80 : i32
        %get3A_82 = arith.constant 1 : i32
        %get3A_83 = arith.index_cast %get3A_82 : i32 to index
        %get3A_84 = arith.index_cast %mul3A_81 : i32 to index
        %get3A_85 = tpu.vector_load %arg10[%get3A_83, %get3A_84] {strides = array<i32>} : memref<20x512xf32, #tpu.memory_space<vmem>>, vector<16xf32>,
        %mul3A_86 = arith.mulf %gather3A_79, %get3A_85 : vector<16xf32>
        %add3A_87 = arith.addf %add3A_72, %mul3A_86 : vector<16xf32>
        %mul3A_88 = arith.constant 16 : i32
        %mul3A_89 = arith.muli %scan3A_57, %mul3A_88 : i32
        %get3A_90 = arith.constant 2 : i32
        %get3A_91 = arith.index_cast %get3A_90 : i32 to index
        %get3A_92 = arith.index_cast %mul3A_89 : i32 to index
        %get3A_93 = tpu.vector_load %arg9[%get3A_91, %get3A_92] {strides = array<i32>} : memref<20x512xi32, #tpu.memory_space<vmem>>, vector<16xi32>,
        %gather3A_94 = tpu.vector_load_idx %arg8[%get3A_93] : memref<102400xf32, #tpu.memory_space<vmem>>[vector<16xi32>], vector<16xf32>,
        %mul3A_95 = arith.constant 16 : i32
        %mul3A_96 = arith.muli %scan3A_57, %mul3A_95 : i32
        %get3A_97 = arith.constant 2 : i32
        %get3A_98 = arith.index_cast %get3A_97 : i32 to index
        %get3A_99 = arith.index_cast %mul3A_96 : i32 to index
        %get3A_100 = tpu.vector_load %arg10[%get3A_98, %get3A_99] {strides = array<i32>} : memref<20x512xf32, #tpu.memory_space<vmem>>, vector<16xf32>,
        %mul3A_101 = arith.mulf %gather3A_94, %get3A_100 : vector<16xf32>
        %add3A_102 = arith.addf %add3A_87, %mul3A_101 : vector<16xf32>
        %mul3A_103 = arith.constant 16 : i32
        %mul3A_104 = arith.muli %scan3A_57, %mul3A_103 : i32
        %get3A_105 = arith.constant 3 : i32
        %get3A_106 = arith.index_cast %get3A_105 : i32 to index
        %get3A_107 = arith.index_cast %mul3A_104 : i32 to index
        %get3A_108 = tpu.vector_load %arg9[%get3A_106, %get3A_107] {strides = array<i32>} : memref<20x512xi32, #tpu.memory_space<vmem>>, vector<16xi32>,
        %gather3A_109 = tpu.vector_load_idx %arg8[%get3A_108] : memref<102400xf32, #tpu.memory_space<vmem>>[vector<16xi32>], vector<16xf32>,
        %mul3A_110 = arith.constant 16 : i32
        %mul3A_111 = arith.muli %scan3A_57, %mul3A_110 : i32
        %get3A_112 = arith.constant 3 : i32
        %get3A_113 = arith.index_cast %get3A_112 : i32 to index
        %get3A_114 = arith.index_cast %mul3A_111 : i32 to index
        %get3A_115 = tpu.vector_load %arg10[%get3A_113, %get3A_114] {strides = array<i32>} : memref<20x512xf32, #tpu.memory_space<vmem>>, vector<16xf32>,
        %mul3A_116 = arith.mulf %gather3A_109, %get3A_115 : vector<16xf32>
        %add3A_117 = arith.addf %add3A_102, %mul3A_116 : vector<16xf32>
        %mul3A_118 = arith.constant 16 : i32
        %mul3A_119 = arith.muli %scan3A_57, %mul3A_118 : i32
        %get3A_120 = arith.constant 4 : i32
        %get3A_121 = arith.index_cast %get3A_120 : i32 to index
        %get3A_122 = arith.index_cast %mul3A_119 : i32 to index
        %get3A_123 = tpu.vector_load %arg9[%get3A_121, %get3A_122] {strides = array<i32>} : memref<20x512xi32, #tpu.memory_space<vmem>>, vector<16xi32>,
        %gather3A_124 = tpu.vector_load_idx %arg8[%get3A_123] : memref<102400xf32, #tpu.memory_space<vmem>>[vector<16xi32>], vector<16xf32>,
        %mul3A_125 = arith.constant 16 : i32
        %mul3A_126 = arith.muli %scan3A_57, %mul3A_125 : i32
        %get3A_127 = arith.constant 4 : i32
        %get3A_128 = arith.index_cast %get3A_127 : i32 to index
        %get3A_129 = arith.index_cast %mul3A_126 : i32 to index
        %get3A_130 = tpu.vector_load %arg10[%get3A_128, %get3A_129] {strides = array<i32>} : memref<20x512xf32, #tpu.memory_space<vmem>>, vector<16xf32>,
        %mul3A_131 = arith.mulf %gather3A_124, %get3A_130 : vector<16xf32>
        %add3A_132 = arith.addf %add3A_117, %mul3A_131 : vector<16xf32>
        %mul3A_133 = arith.constant 16 : i32
        %mul3A_134 = arith.muli %scan3A_57, %mul3A_133 : i32
        %get3A_135 = arith.constant 5 : i32
        %get3A_136 = arith.index_cast %get3A_135 : i32 to index
        %get3A_137 = arith.index_cast %mul3A_134 : i32 to index
        %get3A_138 = tpu.vector_load %arg9[%get3A_136, %get3A_137] {strides = array<i32>} : memref<20x512xi32, #tpu.memory_space<vmem>>, vector<16xi32>,
        %gather3A_139 = tpu.vector_load_idx %arg8[%get3A_138] : memref<102400xf32, #tpu.memory_space<vmem>>[vector<16xi32>], vector<16xf32>,
        %mul3A_140 = arith.constant 16 : i32
        %mul3A_141 = arith.muli %scan3A_57, %mul3A_140 : i32
        %get3A_142 = arith.constant 5 : i32
        %get3A_143 = arith.index_cast %get3A_142 : i32 to index
        %get3A_144 = arith.index_cast %mul3A_141 : i32 to index
        %get3A_145 = tpu.vector_load %arg10[%get3A_143, %get3A_144] {strides = array<i32>} : memref<20x512xf32, #tpu.memory_space<vmem>>, vector<16xf32>,
        %mul3A_146 = arith.mulf %gather3A_139, %get3A_145 : vector<16xf32>
        %add3A_147 = arith.addf %add3A_132, %mul3A_146 : vector<16xf32>
        %mul3A_148 = arith.constant 16 : i32
        %mul3A_149 = arith.muli %scan3A_57, %mul3A_148 : i32
        %get3A_150 = arith.constant 6 : i32
        %get3A_151 = arith.index_cast %get3A_150 : i32 to index
        %get3A_152 = arith.index_cast %mul3A_149 : i32 to index
        %get3A_153 = tpu.vector_load %arg9[%get3A_151, %get3A_152] {strides = array<i32>} : memref<20x512xi32, #tpu.memory_space<vmem>>, vector<16xi32>,
        %gather3A_154 = tpu.vector_load_idx %arg8[%get3A_153] : memref<102400xf32, #tpu.memory_space<vmem>>[vector<16xi32>], vector<16xf32>,
        %mul3A_155 = arith.constant 16 : i32
        %mul3A_156 = arith.muli %scan3A_57, %mul3A_155 : i32
        %get3A_157 = arith.constant 6 : i32
        %get3A_158 = arith.index_cast %get3A_157 : i32 to index
        %get3A_159 = arith.index_cast %mul3A_156 : i32 to index
        %get3A_160 = tpu.vector_load %arg10[%get3A_158, %get3A_159] {strides = array<i32>} : memref<20x512xf32, #tpu.memory_space<vmem>>, vector<16xf32>,
        %mul3A_161 = arith.mulf %gather3A_154, %get3A_160 : vector<16xf32>
        %add3A_162 = arith.addf %add3A_147, %mul3A_161 : vector<16xf32>
        %mul3A_163 = arith.constant 16 : i32
        %mul3A_164 = arith.muli %scan3A_57, %mul3A_163 : i32
        %get3A_165 = arith.constant 7 : i32
        %get3A_166 = arith.index_cast %get3A_165 : i32 to index
        %get3A_167 = arith.index_cast %mul3A_164 : i32 to index
        %get3A_168 = tpu.vector_load %arg9[%get3A_166, %get3A_167] {strides = array<i32>} : memref<20x512xi32, #tpu.memory_space<vmem>>, vector<16xi32>,
        %gather3A_169 = tpu.vector_load_idx %arg8[%get3A_168] : memref<102400xf32, #tpu.memory_space<vmem>>[vector<16xi32>], vector<16xf32>,
        %mul3A_170 = arith.constant 16 : i32
        %mul3A_171 = arith.muli %scan3A_57, %mul3A_170 : i32
        %get3A_172 = arith.constant 7 : i32
        %get3A_173 = arith.index_cast %get3A_172 : i32 to index
        %get3A_174 = arith.index_cast %mul3A_171 : i32 to index
        %get3A_175 = tpu.vector_load %arg10[%get3A_173, %get3A_174] {strides = array<i32>} : memref<20x512xf32, #tpu.memory_space<vmem>>, vector<16xf32>,
        %mul3A_176 = arith.mulf %gather3A_169, %get3A_175 : vector<16xf32>
        %add3A_177 = arith.addf %add3A_162, %mul3A_176 : vector<16xf32>
        %mul3A_178 = arith.constant 16 : i32
        %mul3A_179 = arith.muli %scan3A_57, %mul3A_178 : i32
        %get3A_180 = arith.constant 8 : i32
        %get3A_181 = arith.index_cast %get3A_180 : i32 to index
        %get3A_182 = arith.index_cast %mul3A_179 : i32 to index
        %get3A_183 = tpu.vector_load %arg9[%get3A_181, %get3A_182] {strides = array<i32>} : memref<20x512xi32, #tpu.memory_space<vmem>>, vector<16xi32>,
        %gather3A_184 = tpu.vector_load_idx %arg8[%get3A_183] : memref<102400xf32, #tpu.memory_space<vmem>>[vector<16xi32>], vector<16xf32>,
        %mul3A_185 = arith.constant 16 : i32
        %mul3A_186 = arith.muli %scan3A_57, %mul3A_185 : i32
        %get3A_187 = arith.constant 8 : i32
        %get3A_188 = arith.index_cast %get3A_187 : i32 to index
        %get3A_189 = arith.index_cast %mul3A_186 : i32 to index
        %get3A_190 = tpu.vector_load %arg10[%get3A_188, %get3A_189] {strides = array<i32>} : memref<20x512xf32, #tpu.memory_space<vmem>>, vector<16xf32>,
        %mul3A_191 = arith.mulf %gather3A_184, %get3A_190 : vector<16xf32>
        %add3A_192 = arith.addf %add3A_177, %mul3A_191 : vector<16xf32>
        %mul3A_193 = arith.constant 16 : i32
        %mul3A_194 = arith.muli %scan3A_57, %mul3A_193 : i32
        %get3A_195 = arith.constant 9 : i32
        %get3A_196 = arith.index_cast %get3A_195 : i32 to index
        %get3A_197 = arith.index_cast %mul3A_194 : i32 to index
        %get3A_198 = tpu.vector_load %arg9[%get3A_196, %get3A_197] {strides = array<i32>} : memref<20x512xi32, #tpu.memory_space<vmem>>, vector<16xi32>,
        %gather3A_199 = tpu.vector_load_idx %arg8[%get3A_198] : memref<102400xf32, #tpu.memory_space<vmem>>[vector<16xi32>], vector<16xf32>,
        %mul3A_200 = arith.constant 16 : i32
        %mul3A_201 = arith.muli %scan3A_57, %mul3A_200 : i32
        %get3A_202 = arith.constant 9 : i32
        %get3A_203 = arith.index_cast %get3A_202 : i32 to index
        %get3A_204 = arith.index_cast %mul3A_201 : i32 to index
        %get3A_205 = tpu.vector_load %arg10[%get3A_203, %get3A_204] {strides = array<i32>} : memref<20x512xf32, #tpu.memory_space<vmem>>, vector<16xf32>,
        %mul3A_206 = arith.mulf %gather3A_199, %get3A_205 : vector<16xf32>
        %add3A_207 = arith.addf %add3A_192, %mul3A_206 : vector<16xf32>
        %mul3A_208 = arith.constant 16 : i32
        %mul3A_209 = arith.muli %scan3A_57, %mul3A_208 : i32
        %get3A_210 = arith.constant 10 : i32
        %get3A_211 = arith.index_cast %get3A_210 : i32 to index
        %get3A_212 = arith.index_cast %mul3A_209 : i32 to index
        %get3A_213 = tpu.vector_load %arg9[%get3A_211, %get3A_212] {strides = array<i32>} : memref<20x512xi32, #tpu.memory_space<vmem>>, vector<16xi32>,
        %gather3A_214 = tpu.vector_load_idx %arg8[%get3A_213] : memref<102400xf32, #tpu.memory_space<vmem>>[vector<16xi32>], vector<16xf32>,
        %mul3A_215 = arith.constant 16 : i32
        %mul3A_216 = arith.muli %scan3A_57, %mul3A_215 : i32
        %get3A_217 = arith.constant 10 : i32
        %get3A_218 = arith.index_cast %get3A_217 : i32 to index
        %get3A_219 = arith.index_cast %mul3A_216 : i32 to index
        %get3A_220 = tpu.vector_load %arg10[%get3A_218, %get3A_219] {strides = array<i32>} : memref<20x512xf32, #tpu.memory_space<vmem>>, vector<16xf32>,
        %mul3A_221 = arith.mulf %gather3A_214, %get3A_220 : vector<16xf32>
        %add3A_222 = arith.addf %add3A_207, %mul3A_221 : vector<16xf32>
        %mul3A_223 = arith.constant 16 : i32
        %mul3A_224 = arith.muli %scan3A_57, %mul3A_223 : i32
        %get3A_225 = arith.constant 11 : i32
        %get3A_226 = arith.index_cast %get3A_225 : i32 to index
        %get3A_227 = arith.index_cast %mul3A_224 : i32 to index
        %get3A_228 = tpu.vector_load %arg9[%get3A_226, %get3A_227] {strides = array<i32>} : memref<20x512xi32, #tpu.memory_space<vmem>>, vector<16xi32>,
        %gather3A_229 = tpu.vector_load_idx %arg8[%get3A_228] : memref<102400xf32, #tpu.memory_space<vmem>>[vector<16xi32>], vector<16xf32>,
        %mul3A_230 = arith.constant 16 : i32
        %mul3A_231 = arith.muli %scan3A_57, %mul3A_230 : i32
        %get3A_232 = arith.constant 11 : i32
        %get3A_233 = arith.index_cast %get3A_232 : i32 to index
        %get3A_234 = arith.index_cast %mul3A_231 : i32 to index
        %get3A_235 = tpu.vector_load %arg10[%get3A_233, %get3A_234] {strides = array<i32>} : memref<20x512xf32, #tpu.memory_space<vmem>>, vector<16xf32>,
        %mul3A_236 = arith.mulf %gather3A_229, %get3A_235 : vector<16xf32>
        %add3A_237 = arith.addf %add3A_222, %mul3A_236 : vector<16xf32>
        %mul3A_238 = arith.constant 16 : i32
        %mul3A_239 = arith.muli %scan3A_57, %mul3A_238 : i32
        %get3A_240 = arith.constant 12 : i32
        %get3A_241 = arith.index_cast %get3A_240 : i32 to index
        %get3A_242 = arith.index_cast %mul3A_239 : i32 to index
        %get3A_243 = tpu.vector_load %arg9[%get3A_241, %get3A_242] {strides = array<i32>} : memref<20x512xi32, #tpu.memory_space<vmem>>, vector<16xi32>,
        %gather3A_244 = tpu.vector_load_idx %arg8[%get3A_243] : memref<102400xf32, #tpu.memory_space<vmem>>[vector<16xi32>], vector<16xf32>,
        %mul3A_245 = arith.constant 16 : i32
        %mul3A_246 = arith.muli %scan3A_57, %mul3A_245 : i32
        %get3A_247 = arith.constant 12 : i32
        %get3A_248 = arith.index_cast %get3A_247 : i32 to index
        %get3A_249 = arith.index_cast %mul3A_246 : i32 to index
        %get3A_250 = tpu.vector_load %arg10[%get3A_248, %get3A_249] {strides = array<i32>} : memref<20x512xf32, #tpu.memory_space<vmem>>, vector<16xf32>,
        %mul3A_251 = arith.mulf %gather3A_244, %get3A_250 : vector<16xf32>
        %add3A_252 = arith.addf %add3A_237, %mul3A_251 : vector<16xf32>
        %mul3A_253 = arith.constant 16 : i32
        %mul3A_254 = arith.muli %scan3A_57, %mul3A_253 : i32
        %get3A_255 = arith.constant 13 : i32
        %get3A_256 = arith.index_cast %get3A_255 : i32 to index
        %get3A_257 = arith.index_cast %mul3A_254 : i32 to index
        %get3A_258 = tpu.vector_load %arg9[%get3A_256, %get3A_257] {strides = array<i32>} : memref<20x512xi32, #tpu.memory_space<vmem>>, vector<16xi32>,
        %gather3A_259 = tpu.vector_load_idx %arg8[%get3A_258] : memref<102400xf32, #tpu.memory_space<vmem>>[vector<16xi32>], vector<16xf32>,
        %mul3A_260 = arith.constant 16 : i32
        %mul3A_261 = arith.muli %scan3A_57, %mul3A_260 : i32
        %get3A_262 = arith.constant 13 : i32
        %get3A_263 = arith.index_cast %get3A_262 : i32 to index
        %get3A_264 = arith.index_cast %mul3A_261 : i32 to index
        %get3A_265 = tpu.vector_load %arg10[%get3A_263, %get3A_264] {strides = array<i32>} : memref<20x512xf32, #tpu.memory_space<vmem>>, vector<16xf32>,
        %mul3A_266 = arith.mulf %gather3A_259, %get3A_265 : vector<16xf32>
        %add3A_267 = arith.addf %add3A_252, %mul3A_266 : vector<16xf32>
        %mul3A_268 = arith.constant 16 : i32
        %mul3A_269 = arith.muli %scan3A_57, %mul3A_268 : i32
        %get3A_270 = arith.constant 14 : i32
        %get3A_271 = arith.index_cast %get3A_270 : i32 to index
        %get3A_272 = arith.index_cast %mul3A_269 : i32 to index
        %get3A_273 = tpu.vector_load %arg9[%get3A_271, %get3A_272] {strides = array<i32>} : memref<20x512xi32, #tpu.memory_space<vmem>>, vector<16xi32>,
        %gather3A_274 = tpu.vector_load_idx %arg8[%get3A_273] : memref<102400xf32, #tpu.memory_space<vmem>>[vector<16xi32>], vector<16xf32>,
        %mul3A_275 = arith.constant 16 : i32
        %mul3A_276 = arith.muli %scan3A_57, %mul3A_275 : i32
        %get3A_277 = arith.constant 14 : i32
        %get3A_278 = arith.index_cast %get3A_277 : i32 to index
        %get3A_279 = arith.index_cast %mul3A_276 : i32 to index
        %get3A_280 = tpu.vector_load %arg10[%get3A_278, %get3A_279] {strides = array<i32>} : memref<20x512xf32, #tpu.memory_space<vmem>>, vector<16xf32>,
        %mul3A_281 = arith.mulf %gather3A_274, %get3A_280 : vector<16xf32>
        %add3A_282 = arith.addf %add3A_267, %mul3A_281 : vector<16xf32>
        %mul3A_283 = arith.constant 16 : i32
        %mul3A_284 = arith.muli %scan3A_57, %mul3A_283 : i32
        %get3A_285 = arith.constant 15 : i32
        %get3A_286 = arith.index_cast %get3A_285 : i32 to index
        %get3A_287 = arith.index_cast %mul3A_284 : i32 to index
        %get3A_288 = tpu.vector_load %arg9[%get3A_286, %get3A_287] {strides = array<i32>} : memref<20x512xi32, #tpu.memory_space<vmem>>, vector<16xi32>,
        %gather3A_289 = tpu.vector_load_idx %arg8[%get3A_288] : memref<102400xf32, #tpu.memory_space<vmem>>[vector<16xi32>], vector<16xf32>,
        %mul3A_290 = arith.constant 16 : i32
        %mul3A_291 = arith.muli %scan3A_57, %mul3A_290 : i32
        %get3A_292 = arith.constant 15 : i32
        %get3A_293 = arith.index_cast %get3A_292 : i32 to index
        %get3A_294 = arith.index_cast %mul3A_291 : i32 to index
        %get3A_295 = tpu.vector_load %arg10[%get3A_293, %get3A_294] {strides = array<i32>} : memref<20x512xf32, #tpu.memory_space<vmem>>, vector<16xf32>,
        %mul3A_296 = arith.mulf %gather3A_289, %get3A_295 : vector<16xf32>
        %add3A_297 = arith.addf %add3A_282, %mul3A_296 : vector<16xf32>
        %mul3A_298 = arith.constant 16 : i32
        %mul3A_299 = arith.muli %scan3A_57, %mul3A_298 : i32
        %get3A_300 = arith.constant 16 : i32
        %get3A_301 = arith.index_cast %get3A_300 : i32 to index
        %get3A_302 = arith.index_cast %mul3A_299 : i32 to index
        %get3A_303 = tpu.vector_load %arg9[%get3A_301, %get3A_302] {strides = array<i32>} : memref<20x512xi32, #tpu.memory_space<vmem>>, vector<16xi32>,
        %gather3A_304 = tpu.vector_load_idx %arg8[%get3A_303] : memref<102400xf32, #tpu.memory_space<vmem>>[vector<16xi32>], vector<16xf32>,
        %mul3A_305 = arith.constant 16 : i32
        %mul3A_306 = arith.muli %scan3A_57, %mul3A_305 : i32
        %get3A_307 = arith.constant 16 : i32
        %get3A_308 = arith.index_cast %get3A_307 : i32 to index
        %get3A_309 = arith.index_cast %mul3A_306 : i32 to index
        %get3A_310 = tpu.vector_load %arg10[%get3A_308, %get3A_309] {strides = array<i32>} : memref<20x512xf32, #tpu.memory_space<vmem>>, vector<16xf32>,
        %mul3A_311 = arith.mulf %gather3A_304, %get3A_310 : vector<16xf32>
        %add3A_312 = arith.addf %add3A_297, %mul3A_311 : vector<16xf32>
        %mul3A_313 = arith.constant 16 : i32
        %mul3A_314 = arith.muli %scan3A_57, %mul3A_313 : i32
        %get3A_315 = arith.constant 17 : i32
        %get3A_316 = arith.index_cast %get3A_315 : i32 to index
        %get3A_317 = arith.index_cast %mul3A_314 : i32 to index
        %get3A_318 = tpu.vector_load %arg9[%get3A_316, %get3A_317] {strides = array<i32>} : memref<20x512xi32, #tpu.memory_space<vmem>>, vector<16xi32>,
        %gather3A_319 = tpu.vector_load_idx %arg8[%get3A_318] : memref<102400xf32, #tpu.memory_space<vmem>>[vector<16xi32>], vector<16xf32>,
        %mul3A_320 = arith.constant 16 : i32
        %mul3A_321 = arith.muli %scan3A_57, %mul3A_320 : i32
        %get3A_322 = arith.constant 17 : i32
        %get3A_323 = arith.index_cast %get3A_322 : i32 to index
        %get3A_324 = arith.index_cast %mul3A_321 : i32 to index
        %get3A_325 = tpu.vector_load %arg10[%get3A_323, %get3A_324] {strides = array<i32>} : memref<20x512xf32, #tpu.memory_space<vmem>>, vector<16xf32>,
        %mul3A_326 = arith.mulf %gather3A_319, %get3A_325 : vector<16xf32>
        %add3A_327 = arith.addf %add3A_312, %mul3A_326 : vector<16xf32>
        %mul3A_328 = arith.constant 16 : i32
        %mul3A_329 = arith.muli %scan3A_57, %mul3A_328 : i32
        %get3A_330 = arith.constant 18 : i32
        %get3A_331 = arith.index_cast %get3A_330 : i32 to index
        %get3A_332 = arith.index_cast %mul3A_329 : i32 to index
        %get3A_333 = tpu.vector_load %arg9[%get3A_331, %get3A_332] {strides = array<i32>} : memref<20x512xi32, #tpu.memory_space<vmem>>, vector<16xi32>,
        %gather3A_334 = tpu.vector_load_idx %arg8[%get3A_333] : memref<102400xf32, #tpu.memory_space<vmem>>[vector<16xi32>], vector<16xf32>,
        %mul3A_335 = arith.constant 16 : i32
        %mul3A_336 = arith.muli %scan3A_57, %mul3A_335 : i32
        %get3A_337 = arith.constant 18 : i32
        %get3A_338 = arith.index_cast %get3A_337 : i32 to index
        %get3A_339 = arith.index_cast %mul3A_336 : i32 to index
        %get3A_340 = tpu.vector_load %arg10[%get3A_338, %get3A_339] {strides = array<i32>} : memref<20x512xf32, #tpu.memory_space<vmem>>, vector<16xf32>,
        %mul3A_341 = arith.mulf %gather3A_334, %get3A_340 : vector<16xf32>
        %add3A_342 = arith.addf %add3A_327, %mul3A_341 : vector<16xf32>
        %mul3A_343 = arith.constant 16 : i32
        %mul3A_344 = arith.muli %scan3A_57, %mul3A_343 : i32
        %get3A_345 = arith.constant 19 : i32
        %get3A_346 = arith.index_cast %get3A_345 : i32 to index
        %get3A_347 = arith.index_cast %mul3A_344 : i32 to index
        %get3A_348 = tpu.vector_load %arg9[%get3A_346, %get3A_347] {strides = array<i32>} : memref<20x512xi32, #tpu.memory_space<vmem>>, vector<16xi32>,
        %gather3A_349 = tpu.vector_load_idx %arg8[%get3A_348] : memref<102400xf32, #tpu.memory_space<vmem>>[vector<16xi32>], vector<16xf32>,
        %mul3A_350 = arith.constant 16 : i32
        %mul3A_351 = arith.muli %scan3A_57, %mul3A_350 : i32
        %get3A_352 = arith.constant 19 : i32
        %get3A_353 = arith.index_cast %get3A_352 : i32 to index
        %get3A_354 = arith.index_cast %mul3A_351 : i32 to index
        %get3A_355 = tpu.vector_load %arg10[%get3A_353, %get3A_354] {strides = array<i32>} : memref<20x512xf32, #tpu.memory_space<vmem>>, vector<16xf32>,
        %mul3A_356 = arith.mulf %gather3A_349, %get3A_355 : vector<16xf32>
        %add3A_357 = arith.addf %add3A_342, %mul3A_356 : vector<16xf32>
        %mul3A_358 = arith.constant 16 : i32
        %mul3A_359 = arith.muli %scan3A_57, %mul3A_358 : i32
        %add3A_360 = arith.constant 1536 : i32
        %add3A_361 = arith.addi %add3A_360, %mul3A_359 : i32
        %swap3A = arith.index_cast %add3A_361 : i32 to index
        %swap3A_362 = tpu.vector_load %arg11[%swap3A] {strides = array<i32>} : memref<2048xf32, #tpu.memory_space<vmem>>, vector<16xf32>,
        tpu.vector_store %arg11[%swap3A], %add3A_357 {strides = array<i32>} : memref<2048xf32, #tpu.memory_space<vmem>>, vector<16xf32>,
        %scan3A_363 = arith.constant 0 : i32
        scf.yield %scan3A_363 : i32
      }
      %scan3A_56 = arith.constant 32 : i32
      "tpu.region"() ({
        %run_scoped3A = tpu.sem_alloc : memref<!tpu.dma_semaphore, #tpu.memory_space<semaphore_mem>>
        %dma_start3A = tpu.memref_slice %arg7[%arg1, %mul3A_0] : memref<10x4096xf32, #tpu.memory_space<hbm>> -> memref<1x2048xf32, #tpu.memory_space<hbm>>
        %dma_start3A_57 = tpu.memref_squeeze %dma_start3A : memref<1x2048xf32, #tpu.memory_space<hbm>> -> memref<2048xf32, #tpu.memory_space<hbm>>
        %dma_start3A_58 = tpu.memref_slice %arg7[%arg1, %mul3A_0] : memref<10x4096xf32, #tpu.memory_space<hbm>> -> memref<1x2048xf32, #tpu.memory_space<hbm>>
        %dma_start3A_59 = tpu.memref_squeeze %dma_start3A_58 : memref<1x2048xf32, #tpu.memory_space<hbm>> -> memref<2048xf32, #tpu.memory_space<hbm>>
        tpu.enqueue_dma source(%arg11 : memref<2048xf32, #tpu.memory_space<vmem>>) target(%dma_start3A_59 : memref<2048xf32, #tpu.memory_space<hbm>>) target_semaphore(%run_scoped3A : memref<!tpu.dma_semaphore, #tpu.memory_space<semaphore_mem>>)
        %dma_wait3A = tpu.memref_slice %arg7[%arg1, %mul3A_0] : memref<10x4096xf32, #tpu.memory_space<hbm>> -> memref<1x2048xf32, #tpu.memory_space<hbm>>
        %dma_wait3A_60 = tpu.memref_squeeze %dma_wait3A : memref<1x2048xf32, #tpu.memory_space<hbm>> -> memref<2048xf32, #tpu.memory_space<hbm>>
        %dma_wait3A_61 = tpu.memref_slice %arg7[%arg1, %mul3A_0] : memref<10x4096xf32, #tpu.memory_space<hbm>> -> memref<1x2048xf32, #tpu.memory_space<hbm>>
        %dma_wait3A_62 = tpu.memref_squeeze %dma_wait3A_61 : memref<1x2048xf32, #tpu.memory_space<hbm>> -> memref<2048xf32, #tpu.memory_space<hbm>>
        tpu.wait_dma2 semaphore(%run_scoped3A : memref<!tpu.dma_semaphore, #tpu.memory_space<semaphore_mem>>) src(%arg11 : memref<2048xf32, #tpu.memory_space<vmem>>) dst(%dma_wait3A_62 : memref<2048xf32, #tpu.memory_space<hbm>>)
        tpu.yield
      }) : () -> ()
    } else {
    }
    return
  }
}

module attributes {stable_mosaic.version = 14 : i64} {
  func.func @body(%arg0: memref<8x100000x64xf32, #tpu.memory_space<hbm>>, %arg1: memref<8x64xf32, #tpu.memory_space<vmem>>, %arg2: memref<8x102400xf32, #tpu.memory_space<vmem>>, %arg3: memref<4096x64xf32, #tpu.memory_space<vmem>>, %arg4: memref<4096x64xf32, #tpu.memory_space<vmem>>, %arg5: memref<4096x64xf32, #tpu.memory_space<vmem>>, %arg6: memref<4096x64xf32, #tpu.memory_space<vmem>>, %arg7: memref<4096x64xf32, #tpu.memory_space<vmem>>, %arg8: memref<4096x64xf32, #tpu.memory_space<vmem>>, %arg9: memref<1696x64xf32, #tpu.memory_space<vmem>>, %arg10: memref<1696x64xf32, #tpu.memory_space<vmem>>, %arg11: memref<1696x64xf32, #tpu.memory_space<vmem>>, %arg12: memref<1696x64xf32, #tpu.memory_space<vmem>>, %arg13: memref<1696x64xf32, #tpu.memory_space<vmem>>, %arg14: memref<1696x64xf32, #tpu.memory_space<vmem>>, %arg15: memref<1696x64xf32, #tpu.memory_space<vmem>>, %arg16: memref<1696x64xf32, #tpu.memory_space<vmem>>, %arg17: memref<6x!tpu.dma_semaphore, #tpu.memory_space<semaphore_mem>>, %arg18: memref<!tpu.dma_semaphore, #tpu.memory_space<semaphore_mem>>) attributes {dimension_semantics = [], scalar_prefetch = 0 : i64, scratch_operands = 16 : i64, tpu.core_type = #tpu.core_type<tc>} {
    %dma_start3A = arith.constant 0 : i32
    %dma_start3A_0 = arith.constant 0 : i32
    %dma_start3A_1 = tpu.memref_slice %arg17[%dma_start3A_0] : memref<6x!tpu.dma_semaphore, #tpu.memory_space<semaphore_mem>> -> memref<1x!tpu.dma_semaphore, #tpu.memory_space<semaphore_mem>>
    %dma_start3A_2 = tpu.memref_squeeze %dma_start3A_1 : memref<1x!tpu.dma_semaphore, #tpu.memory_space<semaphore_mem>> -> memref<!tpu.dma_semaphore, #tpu.memory_space<semaphore_mem>>
    %dma_start3A_3 = arith.constant 0 : i32
    %dma_start3A_4 = arith.constant 0 : i32
    %dma_start3A_5 = tpu.memref_slice %arg0[%dma_start3A, %dma_start3A_3, %dma_start3A_4] : memref<8x100000x64xf32, #tpu.memory_space<hbm>> -> memref<1x4096x64xf32, #tpu.memory_space<hbm>>
    %dma_start3A_6 = tpu.memref_squeeze %dma_start3A_5 : memref<1x4096x64xf32, #tpu.memory_space<hbm>> -> memref<4096x64xf32, #tpu.memory_space<hbm>>
    tpu.enqueue_dma source(%dma_start3A_6 : memref<4096x64xf32, #tpu.memory_space<hbm>>) target(%arg3 : memref<4096x64xf32, #tpu.memory_space<vmem>>) target_semaphore(%dma_start3A_2 : memref<!tpu.dma_semaphore, #tpu.memory_space<semaphore_mem>>)
    %dma_start3A_7 = arith.constant 0 : i32
    %dma_start3A_8 = arith.constant 1 : i32
    %dma_start3A_9 = tpu.memref_slice %arg17[%dma_start3A_8] : memref<6x!tpu.dma_semaphore, #tpu.memory_space<semaphore_mem>> -> memref<1x!tpu.dma_semaphore, #tpu.memory_space<semaphore_mem>>
    %dma_start3A_10 = tpu.memref_squeeze %dma_start3A_9 : memref<1x!tpu.dma_semaphore, #tpu.memory_space<semaphore_mem>> -> memref<!tpu.dma_semaphore, #tpu.memory_space<semaphore_mem>>
    %dma_start3A_11 = arith.constant 4096 : i32
    %dma_start3A_12 = arith.constant 0 : i32
    %dma_start3A_13 = tpu.memref_slice %arg0[%dma_start3A_7, %dma_start3A_11, %dma_start3A_12] : memref<8x100000x64xf32, #tpu.memory_space<hbm>> -> memref<1x4096x64xf32, #tpu.memory_space<hbm>>
    %dma_start3A_14 = tpu.memref_squeeze %dma_start3A_13 : memref<1x4096x64xf32, #tpu.memory_space<hbm>> -> memref<4096x64xf32, #tpu.memory_space<hbm>>
    tpu.enqueue_dma source(%dma_start3A_14 : memref<4096x64xf32, #tpu.memory_space<hbm>>) target(%arg4 : memref<4096x64xf32, #tpu.memory_space<vmem>>) target_semaphore(%dma_start3A_10 : memref<!tpu.dma_semaphore, #tpu.memory_space<semaphore_mem>>) {priority = 1 : i32}
    %dma_start3A_15 = arith.constant 0 : i32
    %dma_start3A_16 = arith.constant 2 : i32
    %dma_start3A_17 = tpu.memref_slice %arg17[%dma_start3A_16] : memref<6x!tpu.dma_semaphore, #tpu.memory_space<semaphore_mem>> -> memref<1x!tpu.dma_semaphore, #tpu.memory_space<semaphore_mem>>
    %dma_start3A_18 = tpu.memref_squeeze %dma_start3A_17 : memref<1x!tpu.dma_semaphore, #tpu.memory_space<semaphore_mem>> -> memref<!tpu.dma_semaphore, #tpu.memory_space<semaphore_mem>>
    %dma_start3A_19 = arith.constant 8192 : i32
    %dma_start3A_20 = arith.constant 0 : i32
    %dma_start3A_21 = tpu.memref_slice %arg0[%dma_start3A_15, %dma_start3A_19, %dma_start3A_20] : memref<8x100000x64xf32, #tpu.memory_space<hbm>> -> memref<1x4096x64xf32, #tpu.memory_space<hbm>>
    %dma_start3A_22 = tpu.memref_squeeze %dma_start3A_21 : memref<1x4096x64xf32, #tpu.memory_space<hbm>> -> memref<4096x64xf32, #tpu.memory_space<hbm>>
    tpu.enqueue_dma source(%dma_start3A_22 : memref<4096x64xf32, #tpu.memory_space<hbm>>) target(%arg5 : memref<4096x64xf32, #tpu.memory_space<vmem>>) target_semaphore(%dma_start3A_18 : memref<!tpu.dma_semaphore, #tpu.memory_space<semaphore_mem>>)
    %dma_start3A_23 = arith.constant 0 : i32
    %dma_start3A_24 = arith.constant 3 : i32
    %dma_start3A_25 = tpu.memref_slice %arg17[%dma_start3A_24] : memref<6x!tpu.dma_semaphore, #tpu.memory_space<semaphore_mem>> -> memref<1x!tpu.dma_semaphore, #tpu.memory_space<semaphore_mem>>
    %dma_start3A_26 = tpu.memref_squeeze %dma_start3A_25 : memref<1x!tpu.dma_semaphore, #tpu.memory_space<semaphore_mem>> -> memref<!tpu.dma_semaphore, #tpu.memory_space<semaphore_mem>>
    %dma_start3A_27 = arith.constant 12288 : i32
    %dma_start3A_28 = arith.constant 0 : i32
    %dma_start3A_29 = tpu.memref_slice %arg0[%dma_start3A_23, %dma_start3A_27, %dma_start3A_28] : memref<8x100000x64xf32, #tpu.memory_space<hbm>> -> memref<1x4096x64xf32, #tpu.memory_space<hbm>>
    %dma_start3A_30 = tpu.memref_squeeze %dma_start3A_29 : memref<1x4096x64xf32, #tpu.memory_space<hbm>> -> memref<4096x64xf32, #tpu.memory_space<hbm>>
    tpu.enqueue_dma source(%dma_start3A_30 : memref<4096x64xf32, #tpu.memory_space<hbm>>) target(%arg6 : memref<4096x64xf32, #tpu.memory_space<vmem>>) target_semaphore(%dma_start3A_26 : memref<!tpu.dma_semaphore, #tpu.memory_space<semaphore_mem>>) {priority = 1 : i32}
    %dma_start3A_31 = arith.constant 0 : i32
    %dma_start3A_32 = arith.constant 4 : i32
    %dma_start3A_33 = tpu.memref_slice %arg17[%dma_start3A_32] : memref<6x!tpu.dma_semaphore, #tpu.memory_space<semaphore_mem>> -> memref<1x!tpu.dma_semaphore, #tpu.memory_space<semaphore_mem>>
    %dma_start3A_34 = tpu.memref_squeeze %dma_start3A_33 : memref<1x!tpu.dma_semaphore, #tpu.memory_space<semaphore_mem>> -> memref<!tpu.dma_semaphore, #tpu.memory_space<semaphore_mem>>
    %dma_start3A_35 = arith.constant 16384 : i32
    %dma_start3A_36 = arith.constant 0 : i32
    %dma_start3A_37 = tpu.memref_slice %arg0[%dma_start3A_31, %dma_start3A_35, %dma_start3A_36] : memref<8x100000x64xf32, #tpu.memory_space<hbm>> -> memref<1x4096x64xf32, #tpu.memory_space<hbm>>
    %dma_start3A_38 = tpu.memref_squeeze %dma_start3A_37 : memref<1x4096x64xf32, #tpu.memory_space<hbm>> -> memref<4096x64xf32, #tpu.memory_space<hbm>>
    tpu.enqueue_dma source(%dma_start3A_38 : memref<4096x64xf32, #tpu.memory_space<hbm>>) target(%arg7 : memref<4096x64xf32, #tpu.memory_space<vmem>>) target_semaphore(%dma_start3A_34 : memref<!tpu.dma_semaphore, #tpu.memory_space<semaphore_mem>>)
    %dma_start3A_39 = arith.constant 0 : i32
    %dma_start3A_40 = arith.constant 5 : i32
    %dma_start3A_41 = tpu.memref_slice %arg17[%dma_start3A_40] : memref<6x!tpu.dma_semaphore, #tpu.memory_space<semaphore_mem>> -> memref<1x!tpu.dma_semaphore, #tpu.memory_space<semaphore_mem>>
    %dma_start3A_42 = tpu.memref_squeeze %dma_start3A_41 : memref<1x!tpu.dma_semaphore, #tpu.memory_space<semaphore_mem>> -> memref<!tpu.dma_semaphore, #tpu.memory_space<semaphore_mem>>
    %dma_start3A_43 = arith.constant 20480 : i32
    %dma_start3A_44 = arith.constant 0 : i32
    %dma_start3A_45 = tpu.memref_slice %arg0[%dma_start3A_39, %dma_start3A_43, %dma_start3A_44] : memref<8x100000x64xf32, #tpu.memory_space<hbm>> -> memref<1x4096x64xf32, #tpu.memory_space<hbm>>
    %dma_start3A_46 = tpu.memref_squeeze %dma_start3A_45 : memref<1x4096x64xf32, #tpu.memory_space<hbm>> -> memref<4096x64xf32, #tpu.memory_space<hbm>>
    tpu.enqueue_dma source(%dma_start3A_46 : memref<4096x64xf32, #tpu.memory_space<hbm>>) target(%arg8 : memref<4096x64xf32, #tpu.memory_space<vmem>>) target_semaphore(%dma_start3A_42 : memref<!tpu.dma_semaphore, #tpu.memory_space<semaphore_mem>>) {priority = 1 : i32}
    %scan3A = arith.constant 0 : i32
    %scan3A_47 = arith.constant 32 : i32
    %scan3A_48 = arith.addi %scan3A, %scan3A_47 : i32
    %scan3A_49 = arith.constant 1 : i32
    scf.for %scan3A_215 = %scan3A to %scan3A_48 step %scan3A_49  : i32 {
      %mul3A = arith.constant 6 : i32
      %mul3A_216 = arith.muli %scan3A_215, %mul3A : i32
      %add3A = arith.constant 0 : i32
      %add3A_217 = arith.addi %mul3A_216, %add3A : i32
      %jit3A = arith.constant 24 : i32
      %div3A = arith.divsi %add3A_217, %jit3A : i32
      %sign3A = arith.constant 0 : i32
      %sign3A_218 = arith.cmpi sgt, %add3A_217, %sign3A : i32
      %sign3A_219 = arith.extui %sign3A_218 : i1 to i32
      %sign3A_220 = arith.constant 0 : i32
      %sign3A_221 = arith.cmpi slt, %add3A_217, %sign3A_220 : i32
      %sign3A_222 = arith.extui %sign3A_221 : i1 to i32
      %sign3A_223 = arith.subi %sign3A_219, %sign3A_222 : i32
      %sign3A_224 = arith.constant 0 : i32
      %sign3A_225 = arith.cmpi sgt, %jit3A, %sign3A_224 : i32
      %sign3A_226 = arith.extui %sign3A_225 : i1 to i32
      %sign3A_227 = arith.constant 0 : i32
      %sign3A_228 = arith.cmpi slt, %jit3A, %sign3A_227 : i32
      %sign3A_229 = arith.extui %sign3A_228 : i1 to i32
      %sign3A_230 = arith.subi %sign3A_226, %sign3A_229 : i32
      %ne3A = arith.cmpi ne, %sign3A_223, %sign3A_230 : i32
      %rem3A = arith.remsi %add3A_217, %jit3A : i32
      %ne3A_231 = arith.constant 0 : i32
      %ne3A_232 = arith.cmpi ne, %rem3A, %ne3A_231 : i32
      %and3A = arith.andi %ne3A, %ne3A_232 : i1
      %sub3A = arith.constant 1 : i32
      %sub3A_233 = arith.subi %div3A, %sub3A : i32
      %select_n3A = arith.select %and3A, %sub3A_233, %div3A : i32
      %jit3A_234 = arith.constant 24 : i32
      %eq3A = arith.constant 0 : i32
      %eq3A_235 = arith.cmpi eq, %jit3A_234, %eq3A : i32
      %jit3A_236 = arith.constant 1 : i32
      %select_n3A_237 = arith.select %eq3A_235, %jit3A_236, %jit3A_234 : i32
      %rem3A_238 = arith.remsi %add3A_217, %select_n3A_237 : i32
      %ne3A_239 = arith.constant 0 : i32
      %ne3A_240 = arith.cmpi ne, %rem3A_238, %ne3A_239 : i32
      %lt3A = arith.constant 0 : i32
      %lt3A_241 = arith.cmpi slt, %rem3A_238, %lt3A : i32
      %lt3A_242 = arith.constant 0 : i32
      %lt3A_243 = arith.cmpi slt, %select_n3A_237, %lt3A_242 : i32
      %ne3A_244 = arith.xori %lt3A_241, %lt3A_243 : i1
      %and3A_245 = arith.andi %ne3A_244, %ne3A_240 : i1
      %add3A_246 = arith.addi %rem3A_238, %select_n3A_237 : i32
      %select_n3A_247 = arith.select %and3A_245, %add3A_246, %rem3A_238 : i32
      %mul3A_248 = arith.constant 4096 : i32
      %mul3A_249 = arith.muli %select_n3A_247, %mul3A_248 : i32
      %dma_wait3A_250 = arith.constant 0 : i32
      %dma_wait3A_251 = tpu.memref_slice %arg17[%dma_wait3A_250] : memref<6x!tpu.dma_semaphore, #tpu.memory_space<semaphore_mem>> -> memref<1x!tpu.dma_semaphore, #tpu.memory_space<semaphore_mem>>
      %dma_wait3A_252 = tpu.memref_squeeze %dma_wait3A_251 : memref<1x!tpu.dma_semaphore, #tpu.memory_space<semaphore_mem>> -> memref<!tpu.dma_semaphore, #tpu.memory_space<semaphore_mem>>
      %dma_wait3A_253 = arith.constant 0 : i32
      %dma_wait3A_254 = tpu.memref_slice %arg0[%select_n3A, %mul3A_249, %dma_wait3A_253] : memref<8x100000x64xf32, #tpu.memory_space<hbm>> -> memref<1x4096x64xf32, #tpu.memory_space<hbm>>
      %dma_wait3A_255 = tpu.memref_squeeze %dma_wait3A_254 : memref<1x4096x64xf32, #tpu.memory_space<hbm>> -> memref<4096x64xf32, #tpu.memory_space<hbm>>
      tpu.wait_dma2 semaphore(%dma_wait3A_252 : memref<!tpu.dma_semaphore, #tpu.memory_space<semaphore_mem>>) src(%dma_wait3A_255 : memref<4096x64xf32, #tpu.memory_space<hbm>>) dst(%arg3 : memref<4096x64xf32, #tpu.memory_space<vmem>>)
      %jit3A_256 = arith.constant 24 : i32
      %div3A_257 = arith.divsi %add3A_217, %jit3A_256 : i32
      %sign3A_258 = arith.constant 0 : i32
      %sign3A_259 = arith.cmpi sgt, %add3A_217, %sign3A_258 : i32
      %sign3A_260 = arith.extui %sign3A_259 : i1 to i32
      %sign3A_261 = arith.constant 0 : i32
      %sign3A_262 = arith.cmpi slt, %add3A_217, %sign3A_261 : i32
      %sign3A_263 = arith.extui %sign3A_262 : i1 to i32
      %sign3A_264 = arith.subi %sign3A_260, %sign3A_263 : i32
      %sign3A_265 = arith.constant 0 : i32
      %sign3A_266 = arith.cmpi sgt, %jit3A_256, %sign3A_265 : i32
      %sign3A_267 = arith.extui %sign3A_266 : i1 to i32
      %sign3A_268 = arith.constant 0 : i32
      %sign3A_269 = arith.cmpi slt, %jit3A_256, %sign3A_268 : i32
      %sign3A_270 = arith.extui %sign3A_269 : i1 to i32
      %sign3A_271 = arith.subi %sign3A_267, %sign3A_270 : i32
      %ne3A_272 = arith.cmpi ne, %sign3A_264, %sign3A_271 : i32
      %rem3A_273 = arith.remsi %add3A_217, %jit3A_256 : i32
      %ne3A_274 = arith.constant 0 : i32
      %ne3A_275 = arith.cmpi ne, %rem3A_273, %ne3A_274 : i32
      %and3A_276 = arith.andi %ne3A_272, %ne3A_275 : i1
      %sub3A_277 = arith.constant 1 : i32
      %sub3A_278 = arith.subi %div3A_257, %sub3A_277 : i32
      %select_n3A_279 = arith.select %and3A_276, %sub3A_278, %div3A_257 : i32
      %jit3A_280 = arith.constant 24 : i32
      %eq3A_281 = arith.constant 0 : i32
      %eq3A_282 = arith.cmpi eq, %jit3A_280, %eq3A_281 : i32
      %jit3A_283 = arith.constant 1 : i32
      %select_n3A_284 = arith.select %eq3A_282, %jit3A_283, %jit3A_280 : i32
      %rem3A_285 = arith.remsi %add3A_217, %select_n3A_284 : i32
      %ne3A_286 = arith.constant 0 : i32
      %ne3A_287 = arith.cmpi ne, %rem3A_285, %ne3A_286 : i32
      %lt3A_288 = arith.constant 0 : i32
      %lt3A_289 = arith.cmpi slt, %rem3A_285, %lt3A_288 : i32
      %lt3A_290 = arith.constant 0 : i32
      %lt3A_291 = arith.cmpi slt, %select_n3A_284, %lt3A_290 : i32
      %ne3A_292 = arith.xori %lt3A_289, %lt3A_291 : i1
      %and3A_293 = arith.andi %ne3A_292, %ne3A_287 : i1
      %add3A_294 = arith.addi %rem3A_285, %select_n3A_284 : i32
      %select_n3A_295 = arith.select %and3A_293, %add3A_294, %rem3A_285 : i32
      %get3A_296 = arith.constant 0 : index
      %get3A_297 = arith.constant 0 : index
      %get3A_298 = vector.load %arg3[%get3A_296, %get3A_297] : memref<4096x64xf32, #tpu.memory_space<vmem>>, vector<4096x64xf32>
      %get3A_299 = arith.index_cast %select_n3A_279 : i32 to index
      %get3A_300 = arith.constant 0 : index
      %get3A_301 = vector.load %arg1[%get3A_299, %get3A_300] : memref<8x64xf32, #tpu.memory_space<vmem>>, vector<1x64xf32>
      %dot_general3A_302 = arith.constant dense<0.000000e+00> : vector<1x4096xf32>
      %dot_general3A_303 = tpu.matmul %get3A_301, %get3A_298, %dot_general3A_302 {dimension_numbers = #tpu.dot_dimension_numbers<[1], [1], [0], [0], [0, 0, 1, 0], [], []>, transpose_lhs_hint = false} : vector<1x64xf32>, vector<4096x64xf32>, vector<1x4096xf32> -> vector<1x4096xf32>
      %mul3A_304 = arith.constant 4096 : i32
      %mul3A_305 = arith.muli %select_n3A_295, %mul3A_304 : i32
      %swap3A_306 = arith.index_cast %select_n3A_279 : i32 to index
      %swap3A_307 = arith.index_cast %mul3A_305 : i32 to index
      %swap3A_308 = vector.load %arg2[%swap3A_306, %swap3A_307] : memref<8x102400xf32, #tpu.memory_space<vmem>>, vector<1x4096xf32>
      tpu.vector_store %arg2[%swap3A_306, %swap3A_307], %dot_general3A_303 {strides = array<i32>} : memref<8x102400xf32, #tpu.memory_space<vmem>>, vector<1x4096xf32>,
      %add3A_309 = arith.constant 6 : i32
      %add3A_310 = arith.addi %add3A_217, %add3A_309 : i32
      %lt3A_311 = arith.constant 192 : i32
      %lt3A_312 = arith.cmpi slt, %add3A_310, %lt3A_311 : i32
      %convert_element_type3A = arith.extui %lt3A_312 : i1 to i32
      %cond3A = arith.constant 0 : i32
      %cond3A_313 = arith.cmpi ne, %convert_element_type3A, %cond3A : i32
      scf.if %cond3A_313 {
        %jit3A_864 = arith.constant 24 : i32
        %div3A_865 = arith.divsi %add3A_310, %jit3A_864 : i32
        %sign3A_866 = arith.constant 0 : i32
        %sign3A_867 = arith.cmpi sgt, %add3A_310, %sign3A_866 : i32
        %sign3A_868 = arith.extui %sign3A_867 : i1 to i32
        %sign3A_869 = arith.constant 0 : i32
        %sign3A_870 = arith.cmpi slt, %add3A_310, %sign3A_869 : i32
        %sign3A_871 = arith.extui %sign3A_870 : i1 to i32
        %sign3A_872 = arith.subi %sign3A_868, %sign3A_871 : i32
        %sign3A_873 = arith.constant 0 : i32
        %sign3A_874 = arith.cmpi sgt, %jit3A_864, %sign3A_873 : i32
        %sign3A_875 = arith.extui %sign3A_874 : i1 to i32
        %sign3A_876 = arith.constant 0 : i32
        %sign3A_877 = arith.cmpi slt, %jit3A_864, %sign3A_876 : i32
        %sign3A_878 = arith.extui %sign3A_877 : i1 to i32
        %sign3A_879 = arith.subi %sign3A_875, %sign3A_878 : i32
        %ne3A_880 = arith.cmpi ne, %sign3A_872, %sign3A_879 : i32
        %rem3A_881 = arith.remsi %add3A_310, %jit3A_864 : i32
        %ne3A_882 = arith.constant 0 : i32
        %ne3A_883 = arith.cmpi ne, %rem3A_881, %ne3A_882 : i32
        %and3A_884 = arith.andi %ne3A_880, %ne3A_883 : i1
        %sub3A_885 = arith.constant 1 : i32
        %sub3A_886 = arith.subi %div3A_865, %sub3A_885 : i32
        %select_n3A_887 = arith.select %and3A_884, %sub3A_886, %div3A_865 : i32
        %jit3A_888 = arith.constant 24 : i32
        %eq3A_889 = arith.constant 0 : i32
        %eq3A_890 = arith.cmpi eq, %jit3A_888, %eq3A_889 : i32
        %jit3A_891 = arith.constant 1 : i32
        %select_n3A_892 = arith.select %eq3A_890, %jit3A_891, %jit3A_888 : i32
        %rem3A_893 = arith.remsi %add3A_310, %select_n3A_892 : i32
        %ne3A_894 = arith.constant 0 : i32
        %ne3A_895 = arith.cmpi ne, %rem3A_893, %ne3A_894 : i32
        %lt3A_896 = arith.constant 0 : i32
        %lt3A_897 = arith.cmpi slt, %rem3A_893, %lt3A_896 : i32
        %lt3A_898 = arith.constant 0 : i32
        %lt3A_899 = arith.cmpi slt, %select_n3A_892, %lt3A_898 : i32
        %ne3A_900 = arith.xori %lt3A_897, %lt3A_899 : i1
        %and3A_901 = arith.andi %ne3A_900, %ne3A_895 : i1
        %add3A_902 = arith.addi %rem3A_893, %select_n3A_892 : i32
        %select_n3A_903 = arith.select %and3A_901, %add3A_902, %rem3A_893 : i32
        %mul3A_904 = arith.constant 4096 : i32
        %mul3A_905 = arith.muli %select_n3A_903, %mul3A_904 : i32
        %dma_start3A_906 = arith.constant 0 : i32
        %dma_start3A_907 = tpu.memref_slice %arg17[%dma_start3A_906] : memref<6x!tpu.dma_semaphore, #tpu.memory_space<semaphore_mem>> -> memref<1x!tpu.dma_semaphore, #tpu.memory_space<semaphore_mem>>
        %dma_start3A_908 = tpu.memref_squeeze %dma_start3A_907 : memref<1x!tpu.dma_semaphore, #tpu.memory_space<semaphore_mem>> -> memref<!tpu.dma_semaphore, #tpu.memory_space<semaphore_mem>>
        %dma_start3A_909 = arith.constant 0 : i32
        %dma_start3A_910 = tpu.memref_slice %arg0[%select_n3A_887, %mul3A_905, %dma_start3A_909] : memref<8x100000x64xf32, #tpu.memory_space<hbm>> -> memref<1x4096x64xf32, #tpu.memory_space<hbm>>
        %dma_start3A_911 = tpu.memref_squeeze %dma_start3A_910 : memref<1x4096x64xf32, #tpu.memory_space<hbm>> -> memref<4096x64xf32, #tpu.memory_space<hbm>>
        tpu.enqueue_dma source(%dma_start3A_911 : memref<4096x64xf32, #tpu.memory_space<hbm>>) target(%arg3 : memref<4096x64xf32, #tpu.memory_space<vmem>>) target_semaphore(%dma_start3A_908 : memref<!tpu.dma_semaphore, #tpu.memory_space<semaphore_mem>>)
      } else {
      }
      %add3A_314 = arith.constant 1 : i32
      %add3A_315 = arith.addi %mul3A_216, %add3A_314 : i32
      %jit3A_316 = arith.constant 24 : i32
      %div3A_317 = arith.divsi %add3A_315, %jit3A_316 : i32
      %sign3A_318 = arith.constant 0 : i32
      %sign3A_319 = arith.cmpi sgt, %add3A_315, %sign3A_318 : i32
      %sign3A_320 = arith.extui %sign3A_319 : i1 to i32
      %sign3A_321 = arith.constant 0 : i32
      %sign3A_322 = arith.cmpi slt, %add3A_315, %sign3A_321 : i32
      %sign3A_323 = arith.extui %sign3A_322 : i1 to i32
      %sign3A_324 = arith.subi %sign3A_320, %sign3A_323 : i32
      %sign3A_325 = arith.constant 0 : i32
      %sign3A_326 = arith.cmpi sgt, %jit3A_316, %sign3A_325 : i32
      %sign3A_327 = arith.extui %sign3A_326 : i1 to i32
      %sign3A_328 = arith.constant 0 : i32
      %sign3A_329 = arith.cmpi slt, %jit3A_316, %sign3A_328 : i32
      %sign3A_330 = arith.extui %sign3A_329 : i1 to i32
      %sign3A_331 = arith.subi %sign3A_327, %sign3A_330 : i32
      %ne3A_332 = arith.cmpi ne, %sign3A_324, %sign3A_331 : i32
      %rem3A_333 = arith.remsi %add3A_315, %jit3A_316 : i32
      %ne3A_334 = arith.constant 0 : i32
      %ne3A_335 = arith.cmpi ne, %rem3A_333, %ne3A_334 : i32
      %and3A_336 = arith.andi %ne3A_332, %ne3A_335 : i1
      %sub3A_337 = arith.constant 1 : i32
      %sub3A_338 = arith.subi %div3A_317, %sub3A_337 : i32
      %select_n3A_339 = arith.select %and3A_336, %sub3A_338, %div3A_317 : i32
      %jit3A_340 = arith.constant 24 : i32
      %eq3A_341 = arith.constant 0 : i32
      %eq3A_342 = arith.cmpi eq, %jit3A_340, %eq3A_341 : i32
      %jit3A_343 = arith.constant 1 : i32
      %select_n3A_344 = arith.select %eq3A_342, %jit3A_343, %jit3A_340 : i32
      %rem3A_345 = arith.remsi %add3A_315, %select_n3A_344 : i32
      %ne3A_346 = arith.constant 0 : i32
      %ne3A_347 = arith.cmpi ne, %rem3A_345, %ne3A_346 : i32
      %lt3A_348 = arith.constant 0 : i32
      %lt3A_349 = arith.cmpi slt, %rem3A_345, %lt3A_348 : i32
      %lt3A_350 = arith.constant 0 : i32
      %lt3A_351 = arith.cmpi slt, %select_n3A_344, %lt3A_350 : i32
      %ne3A_352 = arith.xori %lt3A_349, %lt3A_351 : i1
      %and3A_353 = arith.andi %ne3A_352, %ne3A_347 : i1
      %add3A_354 = arith.addi %rem3A_345, %select_n3A_344 : i32
      %select_n3A_355 = arith.select %and3A_353, %add3A_354, %rem3A_345 : i32
      %mul3A_356 = arith.constant 4096 : i32
      %mul3A_357 = arith.muli %select_n3A_355, %mul3A_356 : i32
      %dma_wait3A_358 = arith.constant 1 : i32
      %dma_wait3A_359 = tpu.memref_slice %arg17[%dma_wait3A_358] : memref<6x!tpu.dma_semaphore, #tpu.memory_space<semaphore_mem>> -> memref<1x!tpu.dma_semaphore, #tpu.memory_space<semaphore_mem>>
      %dma_wait3A_360 = tpu.memref_squeeze %dma_wait3A_359 : memref<1x!tpu.dma_semaphore, #tpu.memory_space<semaphore_mem>> -> memref<!tpu.dma_semaphore, #tpu.memory_space<semaphore_mem>>
      %dma_wait3A_361 = arith.constant 0 : i32
      %dma_wait3A_362 = tpu.memref_slice %arg0[%select_n3A_339, %mul3A_357, %dma_wait3A_361] : memref<8x100000x64xf32, #tpu.memory_space<hbm>> -> memref<1x4096x64xf32, #tpu.memory_space<hbm>>
      %dma_wait3A_363 = tpu.memref_squeeze %dma_wait3A_362 : memref<1x4096x64xf32, #tpu.memory_space<hbm>> -> memref<4096x64xf32, #tpu.memory_space<hbm>>
      tpu.wait_dma2 semaphore(%dma_wait3A_360 : memref<!tpu.dma_semaphore, #tpu.memory_space<semaphore_mem>>) src(%dma_wait3A_363 : memref<4096x64xf32, #tpu.memory_space<hbm>>) dst(%arg4 : memref<4096x64xf32, #tpu.memory_space<vmem>>)
      %jit3A_364 = arith.constant 24 : i32
      %div3A_365 = arith.divsi %add3A_315, %jit3A_364 : i32
      %sign3A_366 = arith.constant 0 : i32
      %sign3A_367 = arith.cmpi sgt, %add3A_315, %sign3A_366 : i32
      %sign3A_368 = arith.extui %sign3A_367 : i1 to i32
      %sign3A_369 = arith.constant 0 : i32
      %sign3A_370 = arith.cmpi slt, %add3A_315, %sign3A_369 : i32
      %sign3A_371 = arith.extui %sign3A_370 : i1 to i32
      %sign3A_372 = arith.subi %sign3A_368, %sign3A_371 : i32
      %sign3A_373 = arith.constant 0 : i32
      %sign3A_374 = arith.cmpi sgt, %jit3A_364, %sign3A_373 : i32
      %sign3A_375 = arith.extui %sign3A_374 : i1 to i32
      %sign3A_376 = arith.constant 0 : i32
      %sign3A_377 = arith.cmpi slt, %jit3A_364, %sign3A_376 : i32
      %sign3A_378 = arith.extui %sign3A_377 : i1 to i32
      %sign3A_379 = arith.subi %sign3A_375, %sign3A_378 : i32
      %ne3A_380 = arith.cmpi ne, %sign3A_372, %sign3A_379 : i32
      %rem3A_381 = arith.remsi %add3A_315, %jit3A_364 : i32
      %ne3A_382 = arith.constant 0 : i32
      %ne3A_383 = arith.cmpi ne, %rem3A_381, %ne3A_382 : i32
      %and3A_384 = arith.andi %ne3A_380, %ne3A_383 : i1
      %sub3A_385 = arith.constant 1 : i32
      %sub3A_386 = arith.subi %div3A_365, %sub3A_385 : i32
      %select_n3A_387 = arith.select %and3A_384, %sub3A_386, %div3A_365 : i32
      %jit3A_388 = arith.constant 24 : i32
      %eq3A_389 = arith.constant 0 : i32
      %eq3A_390 = arith.cmpi eq, %jit3A_388, %eq3A_389 : i32
      %jit3A_391 = arith.constant 1 : i32
      %select_n3A_392 = arith.select %eq3A_390, %jit3A_391, %jit3A_388 : i32
      %rem3A_393 = arith.remsi %add3A_315, %select_n3A_392 : i32
      %ne3A_394 = arith.constant 0 : i32
      %ne3A_395 = arith.cmpi ne, %rem3A_393, %ne3A_394 : i32
      %lt3A_396 = arith.constant 0 : i32
      %lt3A_397 = arith.cmpi slt, %rem3A_393, %lt3A_396 : i32
      %lt3A_398 = arith.constant 0 : i32
      %lt3A_399 = arith.cmpi slt, %select_n3A_392, %lt3A_398 : i32
      %ne3A_400 = arith.xori %lt3A_397, %lt3A_399 : i1
      %and3A_401 = arith.andi %ne3A_400, %ne3A_395 : i1
      %add3A_402 = arith.addi %rem3A_393, %select_n3A_392 : i32
      %select_n3A_403 = arith.select %and3A_401, %add3A_402, %rem3A_393 : i32
      %get3A_404 = arith.constant 0 : index
      %get3A_405 = arith.constant 0 : index
      %get3A_406 = vector.load %arg4[%get3A_404, %get3A_405] : memref<4096x64xf32, #tpu.memory_space<vmem>>, vector<4096x64xf32>
      %get3A_407 = arith.index_cast %select_n3A_387 : i32 to index
      %get3A_408 = arith.constant 0 : index
      %get3A_409 = vector.load %arg1[%get3A_407, %get3A_408] : memref<8x64xf32, #tpu.memory_space<vmem>>, vector<1x64xf32>
      %dot_general3A_410 = arith.constant dense<0.000000e+00> : vector<1x4096xf32>
      %dot_general3A_411 = tpu.matmul %get3A_409, %get3A_406, %dot_general3A_410 {dimension_numbers = #tpu.dot_dimension_numbers<[1], [1], [0], [0], [0, 0, 1, 0], [], []>, transpose_lhs_hint = false} : vector<1x64xf32>, vector<4096x64xf32>, vector<1x4096xf32> -> vector<1x4096xf32>
      %mul3A_412 = arith.constant 4096 : i32
      %mul3A_413 = arith.muli %select_n3A_403, %mul3A_412 : i32
      %swap3A_414 = arith.index_cast %select_n3A_387 : i32 to index
      %swap3A_415 = arith.index_cast %mul3A_413 : i32 to index
      %swap3A_416 = vector.load %arg2[%swap3A_414, %swap3A_415] : memref<8x102400xf32, #tpu.memory_space<vmem>>, vector<1x4096xf32>
      tpu.vector_store %arg2[%swap3A_414, %swap3A_415], %dot_general3A_411 {strides = array<i32>} : memref<8x102400xf32, #tpu.memory_space<vmem>>, vector<1x4096xf32>,
      %add3A_417 = arith.constant 6 : i32
      %add3A_418 = arith.addi %add3A_315, %add3A_417 : i32
      %lt3A_419 = arith.constant 192 : i32
      %lt3A_420 = arith.cmpi slt, %add3A_418, %lt3A_419 : i32
      %convert_element_type3A_421 = arith.extui %lt3A_420 : i1 to i32
      %cond3A_422 = arith.constant 0 : i32
      %cond3A_423 = arith.cmpi ne, %convert_element_type3A_421, %cond3A_422 : i32
      scf.if %cond3A_423 {
        %jit3A_864 = arith.constant 24 : i32
        %div3A_865 = arith.divsi %add3A_418, %jit3A_864 : i32
        %sign3A_866 = arith.constant 0 : i32
        %sign3A_867 = arith.cmpi sgt, %add3A_418, %sign3A_866 : i32
        %sign3A_868 = arith.extui %sign3A_867 : i1 to i32
        %sign3A_869 = arith.constant 0 : i32
        %sign3A_870 = arith.cmpi slt, %add3A_418, %sign3A_869 : i32
        %sign3A_871 = arith.extui %sign3A_870 : i1 to i32
        %sign3A_872 = arith.subi %sign3A_868, %sign3A_871 : i32
        %sign3A_873 = arith.constant 0 : i32
        %sign3A_874 = arith.cmpi sgt, %jit3A_864, %sign3A_873 : i32
        %sign3A_875 = arith.extui %sign3A_874 : i1 to i32
        %sign3A_876 = arith.constant 0 : i32
        %sign3A_877 = arith.cmpi slt, %jit3A_864, %sign3A_876 : i32
        %sign3A_878 = arith.extui %sign3A_877 : i1 to i32
        %sign3A_879 = arith.subi %sign3A_875, %sign3A_878 : i32
        %ne3A_880 = arith.cmpi ne, %sign3A_872, %sign3A_879 : i32
        %rem3A_881 = arith.remsi %add3A_418, %jit3A_864 : i32
        %ne3A_882 = arith.constant 0 : i32
        %ne3A_883 = arith.cmpi ne, %rem3A_881, %ne3A_882 : i32
        %and3A_884 = arith.andi %ne3A_880, %ne3A_883 : i1
        %sub3A_885 = arith.constant 1 : i32
        %sub3A_886 = arith.subi %div3A_865, %sub3A_885 : i32
        %select_n3A_887 = arith.select %and3A_884, %sub3A_886, %div3A_865 : i32
        %jit3A_888 = arith.constant 24 : i32
        %eq3A_889 = arith.constant 0 : i32
        %eq3A_890 = arith.cmpi eq, %jit3A_888, %eq3A_889 : i32
        %jit3A_891 = arith.constant 1 : i32
        %select_n3A_892 = arith.select %eq3A_890, %jit3A_891, %jit3A_888 : i32
        %rem3A_893 = arith.remsi %add3A_418, %select_n3A_892 : i32
        %ne3A_894 = arith.constant 0 : i32
        %ne3A_895 = arith.cmpi ne, %rem3A_893, %ne3A_894 : i32
        %lt3A_896 = arith.constant 0 : i32
        %lt3A_897 = arith.cmpi slt, %rem3A_893, %lt3A_896 : i32
        %lt3A_898 = arith.constant 0 : i32
        %lt3A_899 = arith.cmpi slt, %select_n3A_892, %lt3A_898 : i32
        %ne3A_900 = arith.xori %lt3A_897, %lt3A_899 : i1
        %and3A_901 = arith.andi %ne3A_900, %ne3A_895 : i1
        %add3A_902 = arith.addi %rem3A_893, %select_n3A_892 : i32
        %select_n3A_903 = arith.select %and3A_901, %add3A_902, %rem3A_893 : i32
        %mul3A_904 = arith.constant 4096 : i32
        %mul3A_905 = arith.muli %select_n3A_903, %mul3A_904 : i32
        %dma_start3A_906 = arith.constant 1 : i32
        %dma_start3A_907 = tpu.memref_slice %arg17[%dma_start3A_906] : memref<6x!tpu.dma_semaphore, #tpu.memory_space<semaphore_mem>> -> memref<1x!tpu.dma_semaphore, #tpu.memory_space<semaphore_mem>>
        %dma_start3A_908 = tpu.memref_squeeze %dma_start3A_907 : memref<1x!tpu.dma_semaphore, #tpu.memory_space<semaphore_mem>> -> memref<!tpu.dma_semaphore, #tpu.memory_space<semaphore_mem>>
        %dma_start3A_909 = arith.constant 0 : i32
        %dma_start3A_910 = tpu.memref_slice %arg0[%select_n3A_887, %mul3A_905, %dma_start3A_909] : memref<8x100000x64xf32, #tpu.memory_space<hbm>> -> memref<1x4096x64xf32, #tpu.memory_space<hbm>>
        %dma_start3A_911 = tpu.memref_squeeze %dma_start3A_910 : memref<1x4096x64xf32, #tpu.memory_space<hbm>> -> memref<4096x64xf32, #tpu.memory_space<hbm>>
        tpu.enqueue_dma source(%dma_start3A_911 : memref<4096x64xf32, #tpu.memory_space<hbm>>) target(%arg4 : memref<4096x64xf32, #tpu.memory_space<vmem>>) target_semaphore(%dma_start3A_908 : memref<!tpu.dma_semaphore, #tpu.memory_space<semaphore_mem>>) {priority = 1 : i32}
      } else {
      }
      %add3A_424 = arith.constant 2 : i32
      %add3A_425 = arith.addi %mul3A_216, %add3A_424 : i32
      %jit3A_426 = arith.constant 24 : i32
      %div3A_427 = arith.divsi %add3A_425, %jit3A_426 : i32
      %sign3A_428 = arith.constant 0 : i32
      %sign3A_429 = arith.cmpi sgt, %add3A_425, %sign3A_428 : i32
      %sign3A_430 = arith.extui %sign3A_429 : i1 to i32
      %sign3A_431 = arith.constant 0 : i32
      %sign3A_432 = arith.cmpi slt, %add3A_425, %sign3A_431 : i32
      %sign3A_433 = arith.extui %sign3A_432 : i1 to i32
      %sign3A_434 = arith.subi %sign3A_430, %sign3A_433 : i32
      %sign3A_435 = arith.constant 0 : i32
      %sign3A_436 = arith.cmpi sgt, %jit3A_426, %sign3A_435 : i32
      %sign3A_437 = arith.extui %sign3A_436 : i1 to i32
      %sign3A_438 = arith.constant 0 : i32
      %sign3A_439 = arith.cmpi slt, %jit3A_426, %sign3A_438 : i32
      %sign3A_440 = arith.extui %sign3A_439 : i1 to i32
      %sign3A_441 = arith.subi %sign3A_437, %sign3A_440 : i32
      %ne3A_442 = arith.cmpi ne, %sign3A_434, %sign3A_441 : i32
      %rem3A_443 = arith.remsi %add3A_425, %jit3A_426 : i32
      %ne3A_444 = arith.constant 0 : i32
      %ne3A_445 = arith.cmpi ne, %rem3A_443, %ne3A_444 : i32
      %and3A_446 = arith.andi %ne3A_442, %ne3A_445 : i1
      %sub3A_447 = arith.constant 1 : i32
      %sub3A_448 = arith.subi %div3A_427, %sub3A_447 : i32
      %select_n3A_449 = arith.select %and3A_446, %sub3A_448, %div3A_427 : i32
      %jit3A_450 = arith.constant 24 : i32
      %eq3A_451 = arith.constant 0 : i32
      %eq3A_452 = arith.cmpi eq, %jit3A_450, %eq3A_451 : i32
      %jit3A_453 = arith.constant 1 : i32
      %select_n3A_454 = arith.select %eq3A_452, %jit3A_453, %jit3A_450 : i32
      %rem3A_455 = arith.remsi %add3A_425, %select_n3A_454 : i32
      %ne3A_456 = arith.constant 0 : i32
      %ne3A_457 = arith.cmpi ne, %rem3A_455, %ne3A_456 : i32
      %lt3A_458 = arith.constant 0 : i32
      %lt3A_459 = arith.cmpi slt, %rem3A_455, %lt3A_458 : i32
      %lt3A_460 = arith.constant 0 : i32
      %lt3A_461 = arith.cmpi slt, %select_n3A_454, %lt3A_460 : i32
      %ne3A_462 = arith.xori %lt3A_459, %lt3A_461 : i1
      %and3A_463 = arith.andi %ne3A_462, %ne3A_457 : i1
      %add3A_464 = arith.addi %rem3A_455, %select_n3A_454 : i32
      %select_n3A_465 = arith.select %and3A_463, %add3A_464, %rem3A_455 : i32
      %mul3A_466 = arith.constant 4096 : i32
      %mul3A_467 = arith.muli %select_n3A_465, %mul3A_466 : i32
      %dma_wait3A_468 = arith.constant 2 : i32
      %dma_wait3A_469 = tpu.memref_slice %arg17[%dma_wait3A_468] : memref<6x!tpu.dma_semaphore, #tpu.memory_space<semaphore_mem>> -> memref<1x!tpu.dma_semaphore, #tpu.memory_space<semaphore_mem>>
      %dma_wait3A_470 = tpu.memref_squeeze %dma_wait3A_469 : memref<1x!tpu.dma_semaphore, #tpu.memory_space<semaphore_mem>> -> memref<!tpu.dma_semaphore, #tpu.memory_space<semaphore_mem>>
      %dma_wait3A_471 = arith.constant 0 : i32
      %dma_wait3A_472 = tpu.memref_slice %arg0[%select_n3A_449, %mul3A_467, %dma_wait3A_471] : memref<8x100000x64xf32, #tpu.memory_space<hbm>> -> memref<1x4096x64xf32, #tpu.memory_space<hbm>>
      %dma_wait3A_473 = tpu.memref_squeeze %dma_wait3A_472 : memref<1x4096x64xf32, #tpu.memory_space<hbm>> -> memref<4096x64xf32, #tpu.memory_space<hbm>>
      tpu.wait_dma2 semaphore(%dma_wait3A_470 : memref<!tpu.dma_semaphore, #tpu.memory_space<semaphore_mem>>) src(%dma_wait3A_473 : memref<4096x64xf32, #tpu.memory_space<hbm>>) dst(%arg5 : memref<4096x64xf32, #tpu.memory_space<vmem>>)
      %jit3A_474 = arith.constant 24 : i32
      %div3A_475 = arith.divsi %add3A_425, %jit3A_474 : i32
      %sign3A_476 = arith.constant 0 : i32
      %sign3A_477 = arith.cmpi sgt, %add3A_425, %sign3A_476 : i32
      %sign3A_478 = arith.extui %sign3A_477 : i1 to i32
      %sign3A_479 = arith.constant 0 : i32
      %sign3A_480 = arith.cmpi slt, %add3A_425, %sign3A_479 : i32
      %sign3A_481 = arith.extui %sign3A_480 : i1 to i32
      %sign3A_482 = arith.subi %sign3A_478, %sign3A_481 : i32
      %sign3A_483 = arith.constant 0 : i32
      %sign3A_484 = arith.cmpi sgt, %jit3A_474, %sign3A_483 : i32
      %sign3A_485 = arith.extui %sign3A_484 : i1 to i32
      %sign3A_486 = arith.constant 0 : i32
      %sign3A_487 = arith.cmpi slt, %jit3A_474, %sign3A_486 : i32
      %sign3A_488 = arith.extui %sign3A_487 : i1 to i32
      %sign3A_489 = arith.subi %sign3A_485, %sign3A_488 : i32
      %ne3A_490 = arith.cmpi ne, %sign3A_482, %sign3A_489 : i32
      %rem3A_491 = arith.remsi %add3A_425, %jit3A_474 : i32
      %ne3A_492 = arith.constant 0 : i32
      %ne3A_493 = arith.cmpi ne, %rem3A_491, %ne3A_492 : i32
      %and3A_494 = arith.andi %ne3A_490, %ne3A_493 : i1
      %sub3A_495 = arith.constant 1 : i32
      %sub3A_496 = arith.subi %div3A_475, %sub3A_495 : i32
      %select_n3A_497 = arith.select %and3A_494, %sub3A_496, %div3A_475 : i32
      %jit3A_498 = arith.constant 24 : i32
      %eq3A_499 = arith.constant 0 : i32
      %eq3A_500 = arith.cmpi eq, %jit3A_498, %eq3A_499 : i32
      %jit3A_501 = arith.constant 1 : i32
      %select_n3A_502 = arith.select %eq3A_500, %jit3A_501, %jit3A_498 : i32
      %rem3A_503 = arith.remsi %add3A_425, %select_n3A_502 : i32
      %ne3A_504 = arith.constant 0 : i32
      %ne3A_505 = arith.cmpi ne, %rem3A_503, %ne3A_504 : i32
      %lt3A_506 = arith.constant 0 : i32
      %lt3A_507 = arith.cmpi slt, %rem3A_503, %lt3A_506 : i32
      %lt3A_508 = arith.constant 0 : i32
      %lt3A_509 = arith.cmpi slt, %select_n3A_502, %lt3A_508 : i32
      %ne3A_510 = arith.xori %lt3A_507, %lt3A_509 : i1
      %and3A_511 = arith.andi %ne3A_510, %ne3A_505 : i1
      %add3A_512 = arith.addi %rem3A_503, %select_n3A_502 : i32
      %select_n3A_513 = arith.select %and3A_511, %add3A_512, %rem3A_503 : i32
      %get3A_514 = arith.constant 0 : index
      %get3A_515 = arith.constant 0 : index
      %get3A_516 = vector.load %arg5[%get3A_514, %get3A_515] : memref<4096x64xf32, #tpu.memory_space<vmem>>, vector<4096x64xf32>
      %get3A_517 = arith.index_cast %select_n3A_497 : i32 to index
      %get3A_518 = arith.constant 0 : index
      %get3A_519 = vector.load %arg1[%get3A_517, %get3A_518] : memref<8x64xf32, #tpu.memory_space<vmem>>, vector<1x64xf32>
      %dot_general3A_520 = arith.constant dense<0.000000e+00> : vector<1x4096xf32>
      %dot_general3A_521 = tpu.matmul %get3A_519, %get3A_516, %dot_general3A_520 {dimension_numbers = #tpu.dot_dimension_numbers<[1], [1], [0], [0], [0, 0, 1, 0], [], []>, transpose_lhs_hint = false} : vector<1x64xf32>, vector<4096x64xf32>, vector<1x4096xf32> -> vector<1x4096xf32>
      %mul3A_522 = arith.constant 4096 : i32
      %mul3A_523 = arith.muli %select_n3A_513, %mul3A_522 : i32
      %swap3A_524 = arith.index_cast %select_n3A_497 : i32 to index
      %swap3A_525 = arith.index_cast %mul3A_523 : i32 to index
      %swap3A_526 = vector.load %arg2[%swap3A_524, %swap3A_525] : memref<8x102400xf32, #tpu.memory_space<vmem>>, vector<1x4096xf32>
      tpu.vector_store %arg2[%swap3A_524, %swap3A_525], %dot_general3A_521 {strides = array<i32>} : memref<8x102400xf32, #tpu.memory_space<vmem>>, vector<1x4096xf32>,
      %add3A_527 = arith.constant 6 : i32
      %add3A_528 = arith.addi %add3A_425, %add3A_527 : i32
      %lt3A_529 = arith.constant 192 : i32
      %lt3A_530 = arith.cmpi slt, %add3A_528, %lt3A_529 : i32
      %convert_element_type3A_531 = arith.extui %lt3A_530 : i1 to i32
      %cond3A_532 = arith.constant 0 : i32
      %cond3A_533 = arith.cmpi ne, %convert_element_type3A_531, %cond3A_532 : i32
      scf.if %cond3A_533 {
        %jit3A_864 = arith.constant 24 : i32
        %div3A_865 = arith.divsi %add3A_528, %jit3A_864 : i32
        %sign3A_866 = arith.constant 0 : i32
        %sign3A_867 = arith.cmpi sgt, %add3A_528, %sign3A_866 : i32
        %sign3A_868 = arith.extui %sign3A_867 : i1 to i32
        %sign3A_869 = arith.constant 0 : i32
        %sign3A_870 = arith.cmpi slt, %add3A_528, %sign3A_869 : i32
        %sign3A_871 = arith.extui %sign3A_870 : i1 to i32
        %sign3A_872 = arith.subi %sign3A_868, %sign3A_871 : i32
        %sign3A_873 = arith.constant 0 : i32
        %sign3A_874 = arith.cmpi sgt, %jit3A_864, %sign3A_873 : i32
        %sign3A_875 = arith.extui %sign3A_874 : i1 to i32
        %sign3A_876 = arith.constant 0 : i32
        %sign3A_877 = arith.cmpi slt, %jit3A_864, %sign3A_876 : i32
        %sign3A_878 = arith.extui %sign3A_877 : i1 to i32
        %sign3A_879 = arith.subi %sign3A_875, %sign3A_878 : i32
        %ne3A_880 = arith.cmpi ne, %sign3A_872, %sign3A_879 : i32
        %rem3A_881 = arith.remsi %add3A_528, %jit3A_864 : i32
        %ne3A_882 = arith.constant 0 : i32
        %ne3A_883 = arith.cmpi ne, %rem3A_881, %ne3A_882 : i32
        %and3A_884 = arith.andi %ne3A_880, %ne3A_883 : i1
        %sub3A_885 = arith.constant 1 : i32
        %sub3A_886 = arith.subi %div3A_865, %sub3A_885 : i32
        %select_n3A_887 = arith.select %and3A_884, %sub3A_886, %div3A_865 : i32
        %jit3A_888 = arith.constant 24 : i32
        %eq3A_889 = arith.constant 0 : i32
        %eq3A_890 = arith.cmpi eq, %jit3A_888, %eq3A_889 : i32
        %jit3A_891 = arith.constant 1 : i32
        %select_n3A_892 = arith.select %eq3A_890, %jit3A_891, %jit3A_888 : i32
        %rem3A_893 = arith.remsi %add3A_528, %select_n3A_892 : i32
        %ne3A_894 = arith.constant 0 : i32
        %ne3A_895 = arith.cmpi ne, %rem3A_893, %ne3A_894 : i32
        %lt3A_896 = arith.constant 0 : i32
        %lt3A_897 = arith.cmpi slt, %rem3A_893, %lt3A_896 : i32
        %lt3A_898 = arith.constant 0 : i32
        %lt3A_899 = arith.cmpi slt, %select_n3A_892, %lt3A_898 : i32
        %ne3A_900 = arith.xori %lt3A_897, %lt3A_899 : i1
        %and3A_901 = arith.andi %ne3A_900, %ne3A_895 : i1
        %add3A_902 = arith.addi %rem3A_893, %select_n3A_892 : i32
        %select_n3A_903 = arith.select %and3A_901, %add3A_902, %rem3A_893 : i32
        %mul3A_904 = arith.constant 4096 : i32
        %mul3A_905 = arith.muli %select_n3A_903, %mul3A_904 : i32
        %dma_start3A_906 = arith.constant 2 : i32
        %dma_start3A_907 = tpu.memref_slice %arg17[%dma_start3A_906] : memref<6x!tpu.dma_semaphore, #tpu.memory_space<semaphore_mem>> -> memref<1x!tpu.dma_semaphore, #tpu.memory_space<semaphore_mem>>
        %dma_start3A_908 = tpu.memref_squeeze %dma_start3A_907 : memref<1x!tpu.dma_semaphore, #tpu.memory_space<semaphore_mem>> -> memref<!tpu.dma_semaphore, #tpu.memory_space<semaphore_mem>>
        %dma_start3A_909 = arith.constant 0 : i32
        %dma_start3A_910 = tpu.memref_slice %arg0[%select_n3A_887, %mul3A_905, %dma_start3A_909] : memref<8x100000x64xf32, #tpu.memory_space<hbm>> -> memref<1x4096x64xf32, #tpu.memory_space<hbm>>
        %dma_start3A_911 = tpu.memref_squeeze %dma_start3A_910 : memref<1x4096x64xf32, #tpu.memory_space<hbm>> -> memref<4096x64xf32, #tpu.memory_space<hbm>>
        tpu.enqueue_dma source(%dma_start3A_911 : memref<4096x64xf32, #tpu.memory_space<hbm>>) target(%arg5 : memref<4096x64xf32, #tpu.memory_space<vmem>>) target_semaphore(%dma_start3A_908 : memref<!tpu.dma_semaphore, #tpu.memory_space<semaphore_mem>>)
      } else {
      }
      %add3A_534 = arith.constant 3 : i32
      %add3A_535 = arith.addi %mul3A_216, %add3A_534 : i32
      %jit3A_536 = arith.constant 24 : i32
      %div3A_537 = arith.divsi %add3A_535, %jit3A_536 : i32
      %sign3A_538 = arith.constant 0 : i32
      %sign3A_539 = arith.cmpi sgt, %add3A_535, %sign3A_538 : i32
      %sign3A_540 = arith.extui %sign3A_539 : i1 to i32
      %sign3A_541 = arith.constant 0 : i32
      %sign3A_542 = arith.cmpi slt, %add3A_535, %sign3A_541 : i32
      %sign3A_543 = arith.extui %sign3A_542 : i1 to i32
      %sign3A_544 = arith.subi %sign3A_540, %sign3A_543 : i32
      %sign3A_545 = arith.constant 0 : i32
      %sign3A_546 = arith.cmpi sgt, %jit3A_536, %sign3A_545 : i32
      %sign3A_547 = arith.extui %sign3A_546 : i1 to i32
      %sign3A_548 = arith.constant 0 : i32
      %sign3A_549 = arith.cmpi slt, %jit3A_536, %sign3A_548 : i32
      %sign3A_550 = arith.extui %sign3A_549 : i1 to i32
      %sign3A_551 = arith.subi %sign3A_547, %sign3A_550 : i32
      %ne3A_552 = arith.cmpi ne, %sign3A_544, %sign3A_551 : i32
      %rem3A_553 = arith.remsi %add3A_535, %jit3A_536 : i32
      %ne3A_554 = arith.constant 0 : i32
      %ne3A_555 = arith.cmpi ne, %rem3A_553, %ne3A_554 : i32
      %and3A_556 = arith.andi %ne3A_552, %ne3A_555 : i1
      %sub3A_557 = arith.constant 1 : i32
      %sub3A_558 = arith.subi %div3A_537, %sub3A_557 : i32
      %select_n3A_559 = arith.select %and3A_556, %sub3A_558, %div3A_537 : i32
      %jit3A_560 = arith.constant 24 : i32
      %eq3A_561 = arith.constant 0 : i32
      %eq3A_562 = arith.cmpi eq, %jit3A_560, %eq3A_561 : i32
      %jit3A_563 = arith.constant 1 : i32
      %select_n3A_564 = arith.select %eq3A_562, %jit3A_563, %jit3A_560 : i32
      %rem3A_565 = arith.remsi %add3A_535, %select_n3A_564 : i32
      %ne3A_566 = arith.constant 0 : i32
      %ne3A_567 = arith.cmpi ne, %rem3A_565, %ne3A_566 : i32
      %lt3A_568 = arith.constant 0 : i32
      %lt3A_569 = arith.cmpi slt, %rem3A_565, %lt3A_568 : i32
      %lt3A_570 = arith.constant 0 : i32
      %lt3A_571 = arith.cmpi slt, %select_n3A_564, %lt3A_570 : i32
      %ne3A_572 = arith.xori %lt3A_569, %lt3A_571 : i1
      %and3A_573 = arith.andi %ne3A_572, %ne3A_567 : i1
      %add3A_574 = arith.addi %rem3A_565, %select_n3A_564 : i32
      %select_n3A_575 = arith.select %and3A_573, %add3A_574, %rem3A_565 : i32
      %mul3A_576 = arith.constant 4096 : i32
      %mul3A_577 = arith.muli %select_n3A_575, %mul3A_576 : i32
      %dma_wait3A_578 = arith.constant 3 : i32
      %dma_wait3A_579 = tpu.memref_slice %arg17[%dma_wait3A_578] : memref<6x!tpu.dma_semaphore, #tpu.memory_space<semaphore_mem>> -> memref<1x!tpu.dma_semaphore, #tpu.memory_space<semaphore_mem>>
      %dma_wait3A_580 = tpu.memref_squeeze %dma_wait3A_579 : memref<1x!tpu.dma_semaphore, #tpu.memory_space<semaphore_mem>> -> memref<!tpu.dma_semaphore, #tpu.memory_space<semaphore_mem>>
      %dma_wait3A_581 = arith.constant 0 : i32
      %dma_wait3A_582 = tpu.memref_slice %arg0[%select_n3A_559, %mul3A_577, %dma_wait3A_581] : memref<8x100000x64xf32, #tpu.memory_space<hbm>> -> memref<1x4096x64xf32, #tpu.memory_space<hbm>>
      %dma_wait3A_583 = tpu.memref_squeeze %dma_wait3A_582 : memref<1x4096x64xf32, #tpu.memory_space<hbm>> -> memref<4096x64xf32, #tpu.memory_space<hbm>>
      tpu.wait_dma2 semaphore(%dma_wait3A_580 : memref<!tpu.dma_semaphore, #tpu.memory_space<semaphore_mem>>) src(%dma_wait3A_583 : memref<4096x64xf32, #tpu.memory_space<hbm>>) dst(%arg6 : memref<4096x64xf32, #tpu.memory_space<vmem>>)
      %jit3A_584 = arith.constant 24 : i32
      %div3A_585 = arith.divsi %add3A_535, %jit3A_584 : i32
      %sign3A_586 = arith.constant 0 : i32
      %sign3A_587 = arith.cmpi sgt, %add3A_535, %sign3A_586 : i32
      %sign3A_588 = arith.extui %sign3A_587 : i1 to i32
      %sign3A_589 = arith.constant 0 : i32
      %sign3A_590 = arith.cmpi slt, %add3A_535, %sign3A_589 : i32
      %sign3A_591 = arith.extui %sign3A_590 : i1 to i32
      %sign3A_592 = arith.subi %sign3A_588, %sign3A_591 : i32
      %sign3A_593 = arith.constant 0 : i32
      %sign3A_594 = arith.cmpi sgt, %jit3A_584, %sign3A_593 : i32
      %sign3A_595 = arith.extui %sign3A_594 : i1 to i32
      %sign3A_596 = arith.constant 0 : i32
      %sign3A_597 = arith.cmpi slt, %jit3A_584, %sign3A_596 : i32
      %sign3A_598 = arith.extui %sign3A_597 : i1 to i32
      %sign3A_599 = arith.subi %sign3A_595, %sign3A_598 : i32
      %ne3A_600 = arith.cmpi ne, %sign3A_592, %sign3A_599 : i32
      %rem3A_601 = arith.remsi %add3A_535, %jit3A_584 : i32
      %ne3A_602 = arith.constant 0 : i32
      %ne3A_603 = arith.cmpi ne, %rem3A_601, %ne3A_602 : i32
      %and3A_604 = arith.andi %ne3A_600, %ne3A_603 : i1
      %sub3A_605 = arith.constant 1 : i32
      %sub3A_606 = arith.subi %div3A_585, %sub3A_605 : i32
      %select_n3A_607 = arith.select %and3A_604, %sub3A_606, %div3A_585 : i32
      %jit3A_608 = arith.constant 24 : i32
      %eq3A_609 = arith.constant 0 : i32
      %eq3A_610 = arith.cmpi eq, %jit3A_608, %eq3A_609 : i32
      %jit3A_611 = arith.constant 1 : i32
      %select_n3A_612 = arith.select %eq3A_610, %jit3A_611, %jit3A_608 : i32
      %rem3A_613 = arith.remsi %add3A_535, %select_n3A_612 : i32
      %ne3A_614 = arith.constant 0 : i32
      %ne3A_615 = arith.cmpi ne, %rem3A_613, %ne3A_614 : i32
      %lt3A_616 = arith.constant 0 : i32
      %lt3A_617 = arith.cmpi slt, %rem3A_613, %lt3A_616 : i32
      %lt3A_618 = arith.constant 0 : i32
      %lt3A_619 = arith.cmpi slt, %select_n3A_612, %lt3A_618 : i32
      %ne3A_620 = arith.xori %lt3A_617, %lt3A_619 : i1
      %and3A_621 = arith.andi %ne3A_620, %ne3A_615 : i1
      %add3A_622 = arith.addi %rem3A_613, %select_n3A_612 : i32
      %select_n3A_623 = arith.select %and3A_621, %add3A_622, %rem3A_613 : i32
      %get3A_624 = arith.constant 0 : index
      %get3A_625 = arith.constant 0 : index
      %get3A_626 = vector.load %arg6[%get3A_624, %get3A_625] : memref<4096x64xf32, #tpu.memory_space<vmem>>, vector<4096x64xf32>
      %get3A_627 = arith.index_cast %select_n3A_607 : i32 to index
      %get3A_628 = arith.constant 0 : index
      %get3A_629 = vector.load %arg1[%get3A_627, %get3A_628] : memref<8x64xf32, #tpu.memory_space<vmem>>, vector<1x64xf32>
      %dot_general3A_630 = arith.constant dense<0.000000e+00> : vector<1x4096xf32>
      %dot_general3A_631 = tpu.matmul %get3A_629, %get3A_626, %dot_general3A_630 {dimension_numbers = #tpu.dot_dimension_numbers<[1], [1], [0], [0], [0, 0, 1, 0], [], []>, transpose_lhs_hint = false} : vector<1x64xf32>, vector<4096x64xf32>, vector<1x4096xf32> -> vector<1x4096xf32>
      %mul3A_632 = arith.constant 4096 : i32
      %mul3A_633 = arith.muli %select_n3A_623, %mul3A_632 : i32
      %swap3A_634 = arith.index_cast %select_n3A_607 : i32 to index
      %swap3A_635 = arith.index_cast %mul3A_633 : i32 to index
      %swap3A_636 = vector.load %arg2[%swap3A_634, %swap3A_635] : memref<8x102400xf32, #tpu.memory_space<vmem>>, vector<1x4096xf32>
      tpu.vector_store %arg2[%swap3A_634, %swap3A_635], %dot_general3A_631 {strides = array<i32>} : memref<8x102400xf32, #tpu.memory_space<vmem>>, vector<1x4096xf32>,
      %add3A_637 = arith.constant 6 : i32
      %add3A_638 = arith.addi %add3A_535, %add3A_637 : i32
      %lt3A_639 = arith.constant 192 : i32
      %lt3A_640 = arith.cmpi slt, %add3A_638, %lt3A_639 : i32
      %convert_element_type3A_641 = arith.extui %lt3A_640 : i1 to i32
      %cond3A_642 = arith.constant 0 : i32
      %cond3A_643 = arith.cmpi ne, %convert_element_type3A_641, %cond3A_642 : i32
      scf.if %cond3A_643 {
        %jit3A_864 = arith.constant 24 : i32
        %div3A_865 = arith.divsi %add3A_638, %jit3A_864 : i32
        %sign3A_866 = arith.constant 0 : i32
        %sign3A_867 = arith.cmpi sgt, %add3A_638, %sign3A_866 : i32
        %sign3A_868 = arith.extui %sign3A_867 : i1 to i32
        %sign3A_869 = arith.constant 0 : i32
        %sign3A_870 = arith.cmpi slt, %add3A_638, %sign3A_869 : i32
        %sign3A_871 = arith.extui %sign3A_870 : i1 to i32
        %sign3A_872 = arith.subi %sign3A_868, %sign3A_871 : i32
        %sign3A_873 = arith.constant 0 : i32
        %sign3A_874 = arith.cmpi sgt, %jit3A_864, %sign3A_873 : i32
        %sign3A_875 = arith.extui %sign3A_874 : i1 to i32
        %sign3A_876 = arith.constant 0 : i32
        %sign3A_877 = arith.cmpi slt, %jit3A_864, %sign3A_876 : i32
        %sign3A_878 = arith.extui %sign3A_877 : i1 to i32
        %sign3A_879 = arith.subi %sign3A_875, %sign3A_878 : i32
        %ne3A_880 = arith.cmpi ne, %sign3A_872, %sign3A_879 : i32
        %rem3A_881 = arith.remsi %add3A_638, %jit3A_864 : i32
        %ne3A_882 = arith.constant 0 : i32
        %ne3A_883 = arith.cmpi ne, %rem3A_881, %ne3A_882 : i32
        %and3A_884 = arith.andi %ne3A_880, %ne3A_883 : i1
        %sub3A_885 = arith.constant 1 : i32
        %sub3A_886 = arith.subi %div3A_865, %sub3A_885 : i32
        %select_n3A_887 = arith.select %and3A_884, %sub3A_886, %div3A_865 : i32
        %jit3A_888 = arith.constant 24 : i32
        %eq3A_889 = arith.constant 0 : i32
        %eq3A_890 = arith.cmpi eq, %jit3A_888, %eq3A_889 : i32
        %jit3A_891 = arith.constant 1 : i32
        %select_n3A_892 = arith.select %eq3A_890, %jit3A_891, %jit3A_888 : i32
        %rem3A_893 = arith.remsi %add3A_638, %select_n3A_892 : i32
        %ne3A_894 = arith.constant 0 : i32
        %ne3A_895 = arith.cmpi ne, %rem3A_893, %ne3A_894 : i32
        %lt3A_896 = arith.constant 0 : i32
        %lt3A_897 = arith.cmpi slt, %rem3A_893, %lt3A_896 : i32
        %lt3A_898 = arith.constant 0 : i32
        %lt3A_899 = arith.cmpi slt, %select_n3A_892, %lt3A_898 : i32
        %ne3A_900 = arith.xori %lt3A_897, %lt3A_899 : i1
        %and3A_901 = arith.andi %ne3A_900, %ne3A_895 : i1
        %add3A_902 = arith.addi %rem3A_893, %select_n3A_892 : i32
        %select_n3A_903 = arith.select %and3A_901, %add3A_902, %rem3A_893 : i32
        %mul3A_904 = arith.constant 4096 : i32
        %mul3A_905 = arith.muli %select_n3A_903, %mul3A_904 : i32
        %dma_start3A_906 = arith.constant 3 : i32
        %dma_start3A_907 = tpu.memref_slice %arg17[%dma_start3A_906] : memref<6x!tpu.dma_semaphore, #tpu.memory_space<semaphore_mem>> -> memref<1x!tpu.dma_semaphore, #tpu.memory_space<semaphore_mem>>
        %dma_start3A_908 = tpu.memref_squeeze %dma_start3A_907 : memref<1x!tpu.dma_semaphore, #tpu.memory_space<semaphore_mem>> -> memref<!tpu.dma_semaphore, #tpu.memory_space<semaphore_mem>>
        %dma_start3A_909 = arith.constant 0 : i32
        %dma_start3A_910 = tpu.memref_slice %arg0[%select_n3A_887, %mul3A_905, %dma_start3A_909] : memref<8x100000x64xf32, #tpu.memory_space<hbm>> -> memref<1x4096x64xf32, #tpu.memory_space<hbm>>
        %dma_start3A_911 = tpu.memref_squeeze %dma_start3A_910 : memref<1x4096x64xf32, #tpu.memory_space<hbm>> -> memref<4096x64xf32, #tpu.memory_space<hbm>>
        tpu.enqueue_dma source(%dma_start3A_911 : memref<4096x64xf32, #tpu.memory_space<hbm>>) target(%arg6 : memref<4096x64xf32, #tpu.memory_space<vmem>>) target_semaphore(%dma_start3A_908 : memref<!tpu.dma_semaphore, #tpu.memory_space<semaphore_mem>>) {priority = 1 : i32}
      } else {
      }
      %add3A_644 = arith.constant 4 : i32
      %add3A_645 = arith.addi %mul3A_216, %add3A_644 : i32
      %jit3A_646 = arith.constant 24 : i32
      %div3A_647 = arith.divsi %add3A_645, %jit3A_646 : i32
      %sign3A_648 = arith.constant 0 : i32
      %sign3A_649 = arith.cmpi sgt, %add3A_645, %sign3A_648 : i32
      %sign3A_650 = arith.extui %sign3A_649 : i1 to i32
      %sign3A_651 = arith.constant 0 : i32
      %sign3A_652 = arith.cmpi slt, %add3A_645, %sign3A_651 : i32
      %sign3A_653 = arith.extui %sign3A_652 : i1 to i32
      %sign3A_654 = arith.subi %sign3A_650, %sign3A_653 : i32
      %sign3A_655 = arith.constant 0 : i32
      %sign3A_656 = arith.cmpi sgt, %jit3A_646, %sign3A_655 : i32
      %sign3A_657 = arith.extui %sign3A_656 : i1 to i32
      %sign3A_658 = arith.constant 0 : i32
      %sign3A_659 = arith.cmpi slt, %jit3A_646, %sign3A_658 : i32
      %sign3A_660 = arith.extui %sign3A_659 : i1 to i32
      %sign3A_661 = arith.subi %sign3A_657, %sign3A_660 : i32
      %ne3A_662 = arith.cmpi ne, %sign3A_654, %sign3A_661 : i32
      %rem3A_663 = arith.remsi %add3A_645, %jit3A_646 : i32
      %ne3A_664 = arith.constant 0 : i32
      %ne3A_665 = arith.cmpi ne, %rem3A_663, %ne3A_664 : i32
      %and3A_666 = arith.andi %ne3A_662, %ne3A_665 : i1
      %sub3A_667 = arith.constant 1 : i32
      %sub3A_668 = arith.subi %div3A_647, %sub3A_667 : i32
      %select_n3A_669 = arith.select %and3A_666, %sub3A_668, %div3A_647 : i32
      %jit3A_670 = arith.constant 24 : i32
      %eq3A_671 = arith.constant 0 : i32
      %eq3A_672 = arith.cmpi eq, %jit3A_670, %eq3A_671 : i32
      %jit3A_673 = arith.constant 1 : i32
      %select_n3A_674 = arith.select %eq3A_672, %jit3A_673, %jit3A_670 : i32
      %rem3A_675 = arith.remsi %add3A_645, %select_n3A_674 : i32
      %ne3A_676 = arith.constant 0 : i32
      %ne3A_677 = arith.cmpi ne, %rem3A_675, %ne3A_676 : i32
      %lt3A_678 = arith.constant 0 : i32
      %lt3A_679 = arith.cmpi slt, %rem3A_675, %lt3A_678 : i32
      %lt3A_680 = arith.constant 0 : i32
      %lt3A_681 = arith.cmpi slt, %select_n3A_674, %lt3A_680 : i32
      %ne3A_682 = arith.xori %lt3A_679, %lt3A_681 : i1
      %and3A_683 = arith.andi %ne3A_682, %ne3A_677 : i1
      %add3A_684 = arith.addi %rem3A_675, %select_n3A_674 : i32
      %select_n3A_685 = arith.select %and3A_683, %add3A_684, %rem3A_675 : i32
      %mul3A_686 = arith.constant 4096 : i32
      %mul3A_687 = arith.muli %select_n3A_685, %mul3A_686 : i32
      %dma_wait3A_688 = arith.constant 4 : i32
      %dma_wait3A_689 = tpu.memref_slice %arg17[%dma_wait3A_688] : memref<6x!tpu.dma_semaphore, #tpu.memory_space<semaphore_mem>> -> memref<1x!tpu.dma_semaphore, #tpu.memory_space<semaphore_mem>>
      %dma_wait3A_690 = tpu.memref_squeeze %dma_wait3A_689 : memref<1x!tpu.dma_semaphore, #tpu.memory_space<semaphore_mem>> -> memref<!tpu.dma_semaphore, #tpu.memory_space<semaphore_mem>>
      %dma_wait3A_691 = arith.constant 0 : i32
      %dma_wait3A_692 = tpu.memref_slice %arg0[%select_n3A_669, %mul3A_687, %dma_wait3A_691] : memref<8x100000x64xf32, #tpu.memory_space<hbm>> -> memref<1x4096x64xf32, #tpu.memory_space<hbm>>
      %dma_wait3A_693 = tpu.memref_squeeze %dma_wait3A_692 : memref<1x4096x64xf32, #tpu.memory_space<hbm>> -> memref<4096x64xf32, #tpu.memory_space<hbm>>
      tpu.wait_dma2 semaphore(%dma_wait3A_690 : memref<!tpu.dma_semaphore, #tpu.memory_space<semaphore_mem>>) src(%dma_wait3A_693 : memref<4096x64xf32, #tpu.memory_space<hbm>>) dst(%arg7 : memref<4096x64xf32, #tpu.memory_space<vmem>>)
      %jit3A_694 = arith.constant 24 : i32
      %div3A_695 = arith.divsi %add3A_645, %jit3A_694 : i32
      %sign3A_696 = arith.constant 0 : i32
      %sign3A_697 = arith.cmpi sgt, %add3A_645, %sign3A_696 : i32
      %sign3A_698 = arith.extui %sign3A_697 : i1 to i32
      %sign3A_699 = arith.constant 0 : i32
      %sign3A_700 = arith.cmpi slt, %add3A_645, %sign3A_699 : i32
      %sign3A_701 = arith.extui %sign3A_700 : i1 to i32
      %sign3A_702 = arith.subi %sign3A_698, %sign3A_701 : i32
      %sign3A_703 = arith.constant 0 : i32
      %sign3A_704 = arith.cmpi sgt, %jit3A_694, %sign3A_703 : i32
      %sign3A_705 = arith.extui %sign3A_704 : i1 to i32
      %sign3A_706 = arith.constant 0 : i32
      %sign3A_707 = arith.cmpi slt, %jit3A_694, %sign3A_706 : i32
      %sign3A_708 = arith.extui %sign3A_707 : i1 to i32
      %sign3A_709 = arith.subi %sign3A_705, %sign3A_708 : i32
      %ne3A_710 = arith.cmpi ne, %sign3A_702, %sign3A_709 : i32
      %rem3A_711 = arith.remsi %add3A_645, %jit3A_694 : i32
      %ne3A_712 = arith.constant 0 : i32
      %ne3A_713 = arith.cmpi ne, %rem3A_711, %ne3A_712 : i32
      %and3A_714 = arith.andi %ne3A_710, %ne3A_713 : i1
      %sub3A_715 = arith.constant 1 : i32
      %sub3A_716 = arith.subi %div3A_695, %sub3A_715 : i32
      %select_n3A_717 = arith.select %and3A_714, %sub3A_716, %div3A_695 : i32
      %jit3A_718 = arith.constant 24 : i32
      %eq3A_719 = arith.constant 0 : i32
      %eq3A_720 = arith.cmpi eq, %jit3A_718, %eq3A_719 : i32
      %jit3A_721 = arith.constant 1 : i32
      %select_n3A_722 = arith.select %eq3A_720, %jit3A_721, %jit3A_718 : i32
      %rem3A_723 = arith.remsi %add3A_645, %select_n3A_722 : i32
      %ne3A_724 = arith.constant 0 : i32
      %ne3A_725 = arith.cmpi ne, %rem3A_723, %ne3A_724 : i32
      %lt3A_726 = arith.constant 0 : i32
      %lt3A_727 = arith.cmpi slt, %rem3A_723, %lt3A_726 : i32
      %lt3A_728 = arith.constant 0 : i32
      %lt3A_729 = arith.cmpi slt, %select_n3A_722, %lt3A_728 : i32
      %ne3A_730 = arith.xori %lt3A_727, %lt3A_729 : i1
      %and3A_731 = arith.andi %ne3A_730, %ne3A_725 : i1
      %add3A_732 = arith.addi %rem3A_723, %select_n3A_722 : i32
      %select_n3A_733 = arith.select %and3A_731, %add3A_732, %rem3A_723 : i32
      %get3A_734 = arith.constant 0 : index
      %get3A_735 = arith.constant 0 : index
      %get3A_736 = vector.load %arg7[%get3A_734, %get3A_735] : memref<4096x64xf32, #tpu.memory_space<vmem>>, vector<4096x64xf32>
      %get3A_737 = arith.index_cast %select_n3A_717 : i32 to index
      %get3A_738 = arith.constant 0 : index
      %get3A_739 = vector.load %arg1[%get3A_737, %get3A_738] : memref<8x64xf32, #tpu.memory_space<vmem>>, vector<1x64xf32>
      %dot_general3A_740 = arith.constant dense<0.000000e+00> : vector<1x4096xf32>
      %dot_general3A_741 = tpu.matmul %get3A_739, %get3A_736, %dot_general3A_740 {dimension_numbers = #tpu.dot_dimension_numbers<[1], [1], [0], [0], [0, 0, 1, 0], [], []>, transpose_lhs_hint = false} : vector<1x64xf32>, vector<4096x64xf32>, vector<1x4096xf32> -> vector<1x4096xf32>
      %mul3A_742 = arith.constant 4096 : i32
      %mul3A_743 = arith.muli %select_n3A_733, %mul3A_742 : i32
      %swap3A_744 = arith.index_cast %select_n3A_717 : i32 to index
      %swap3A_745 = arith.index_cast %mul3A_743 : i32 to index
      %swap3A_746 = vector.load %arg2[%swap3A_744, %swap3A_745] : memref<8x102400xf32, #tpu.memory_space<vmem>>, vector<1x4096xf32>
      tpu.vector_store %arg2[%swap3A_744, %swap3A_745], %dot_general3A_741 {strides = array<i32>} : memref<8x102400xf32, #tpu.memory_space<vmem>>, vector<1x4096xf32>,
      %add3A_747 = arith.constant 6 : i32
      %add3A_748 = arith.addi %add3A_645, %add3A_747 : i32
      %lt3A_749 = arith.constant 192 : i32
      %lt3A_750 = arith.cmpi slt, %add3A_748, %lt3A_749 : i32
      %convert_element_type3A_751 = arith.extui %lt3A_750 : i1 to i32
      %cond3A_752 = arith.constant 0 : i32
      %cond3A_753 = arith.cmpi ne, %convert_element_type3A_751, %cond3A_752 : i32
      scf.if %cond3A_753 {
        %jit3A_864 = arith.constant 24 : i32
        %div3A_865 = arith.divsi %add3A_748, %jit3A_864 : i32
        %sign3A_866 = arith.constant 0 : i32
        %sign3A_867 = arith.cmpi sgt, %add3A_748, %sign3A_866 : i32
        %sign3A_868 = arith.extui %sign3A_867 : i1 to i32
        %sign3A_869 = arith.constant 0 : i32
        %sign3A_870 = arith.cmpi slt, %add3A_748, %sign3A_869 : i32
        %sign3A_871 = arith.extui %sign3A_870 : i1 to i32
        %sign3A_872 = arith.subi %sign3A_868, %sign3A_871 : i32
        %sign3A_873 = arith.constant 0 : i32
        %sign3A_874 = arith.cmpi sgt, %jit3A_864, %sign3A_873 : i32
        %sign3A_875 = arith.extui %sign3A_874 : i1 to i32
        %sign3A_876 = arith.constant 0 : i32
        %sign3A_877 = arith.cmpi slt, %jit3A_864, %sign3A_876 : i32
        %sign3A_878 = arith.extui %sign3A_877 : i1 to i32
        %sign3A_879 = arith.subi %sign3A_875, %sign3A_878 : i32
        %ne3A_880 = arith.cmpi ne, %sign3A_872, %sign3A_879 : i32
        %rem3A_881 = arith.remsi %add3A_748, %jit3A_864 : i32
        %ne3A_882 = arith.constant 0 : i32
        %ne3A_883 = arith.cmpi ne, %rem3A_881, %ne3A_882 : i32
        %and3A_884 = arith.andi %ne3A_880, %ne3A_883 : i1
        %sub3A_885 = arith.constant 1 : i32
        %sub3A_886 = arith.subi %div3A_865, %sub3A_885 : i32
        %select_n3A_887 = arith.select %and3A_884, %sub3A_886, %div3A_865 : i32
        %jit3A_888 = arith.constant 24 : i32
        %eq3A_889 = arith.constant 0 : i32
        %eq3A_890 = arith.cmpi eq, %jit3A_888, %eq3A_889 : i32
        %jit3A_891 = arith.constant 1 : i32
        %select_n3A_892 = arith.select %eq3A_890, %jit3A_891, %jit3A_888 : i32
        %rem3A_893 = arith.remsi %add3A_748, %select_n3A_892 : i32
        %ne3A_894 = arith.constant 0 : i32
        %ne3A_895 = arith.cmpi ne, %rem3A_893, %ne3A_894 : i32
        %lt3A_896 = arith.constant 0 : i32
        %lt3A_897 = arith.cmpi slt, %rem3A_893, %lt3A_896 : i32
        %lt3A_898 = arith.constant 0 : i32
        %lt3A_899 = arith.cmpi slt, %select_n3A_892, %lt3A_898 : i32
        %ne3A_900 = arith.xori %lt3A_897, %lt3A_899 : i1
        %and3A_901 = arith.andi %ne3A_900, %ne3A_895 : i1
        %add3A_902 = arith.addi %rem3A_893, %select_n3A_892 : i32
        %select_n3A_903 = arith.select %and3A_901, %add3A_902, %rem3A_893 : i32
        %mul3A_904 = arith.constant 4096 : i32
        %mul3A_905 = arith.muli %select_n3A_903, %mul3A_904 : i32
        %dma_start3A_906 = arith.constant 4 : i32
        %dma_start3A_907 = tpu.memref_slice %arg17[%dma_start3A_906] : memref<6x!tpu.dma_semaphore, #tpu.memory_space<semaphore_mem>> -> memref<1x!tpu.dma_semaphore, #tpu.memory_space<semaphore_mem>>
        %dma_start3A_908 = tpu.memref_squeeze %dma_start3A_907 : memref<1x!tpu.dma_semaphore, #tpu.memory_space<semaphore_mem>> -> memref<!tpu.dma_semaphore, #tpu.memory_space<semaphore_mem>>
        %dma_start3A_909 = arith.constant 0 : i32
        %dma_start3A_910 = tpu.memref_slice %arg0[%select_n3A_887, %mul3A_905, %dma_start3A_909] : memref<8x100000x64xf32, #tpu.memory_space<hbm>> -> memref<1x4096x64xf32, #tpu.memory_space<hbm>>
        %dma_start3A_911 = tpu.memref_squeeze %dma_start3A_910 : memref<1x4096x64xf32, #tpu.memory_space<hbm>> -> memref<4096x64xf32, #tpu.memory_space<hbm>>
        tpu.enqueue_dma source(%dma_start3A_911 : memref<4096x64xf32, #tpu.memory_space<hbm>>) target(%arg7 : memref<4096x64xf32, #tpu.memory_space<vmem>>) target_semaphore(%dma_start3A_908 : memref<!tpu.dma_semaphore, #tpu.memory_space<semaphore_mem>>)
      } else {
      }
      %add3A_754 = arith.constant 5 : i32
      %add3A_755 = arith.addi %mul3A_216, %add3A_754 : i32
      %jit3A_756 = arith.constant 24 : i32
      %div3A_757 = arith.divsi %add3A_755, %jit3A_756 : i32
      %sign3A_758 = arith.constant 0 : i32
      %sign3A_759 = arith.cmpi sgt, %add3A_755, %sign3A_758 : i32
      %sign3A_760 = arith.extui %sign3A_759 : i1 to i32
      %sign3A_761 = arith.constant 0 : i32
      %sign3A_762 = arith.cmpi slt, %add3A_755, %sign3A_761 : i32
      %sign3A_763 = arith.extui %sign3A_762 : i1 to i32
      %sign3A_764 = arith.subi %sign3A_760, %sign3A_763 : i32
      %sign3A_765 = arith.constant 0 : i32
      %sign3A_766 = arith.cmpi sgt, %jit3A_756, %sign3A_765 : i32
      %sign3A_767 = arith.extui %sign3A_766 : i1 to i32
      %sign3A_768 = arith.constant 0 : i32
      %sign3A_769 = arith.cmpi slt, %jit3A_756, %sign3A_768 : i32
      %sign3A_770 = arith.extui %sign3A_769 : i1 to i32
      %sign3A_771 = arith.subi %sign3A_767, %sign3A_770 : i32
      %ne3A_772 = arith.cmpi ne, %sign3A_764, %sign3A_771 : i32
      %rem3A_773 = arith.remsi %add3A_755, %jit3A_756 : i32
      %ne3A_774 = arith.constant 0 : i32
      %ne3A_775 = arith.cmpi ne, %rem3A_773, %ne3A_774 : i32
      %and3A_776 = arith.andi %ne3A_772, %ne3A_775 : i1
      %sub3A_777 = arith.constant 1 : i32
      %sub3A_778 = arith.subi %div3A_757, %sub3A_777 : i32
      %select_n3A_779 = arith.select %and3A_776, %sub3A_778, %div3A_757 : i32
      %jit3A_780 = arith.constant 24 : i32
      %eq3A_781 = arith.constant 0 : i32
      %eq3A_782 = arith.cmpi eq, %jit3A_780, %eq3A_781 : i32
      %jit3A_783 = arith.constant 1 : i32
      %select_n3A_784 = arith.select %eq3A_782, %jit3A_783, %jit3A_780 : i32
      %rem3A_785 = arith.remsi %add3A_755, %select_n3A_784 : i32
      %ne3A_786 = arith.constant 0 : i32
      %ne3A_787 = arith.cmpi ne, %rem3A_785, %ne3A_786 : i32
      %lt3A_788 = arith.constant 0 : i32
      %lt3A_789 = arith.cmpi slt, %rem3A_785, %lt3A_788 : i32
      %lt3A_790 = arith.constant 0 : i32
      %lt3A_791 = arith.cmpi slt, %select_n3A_784, %lt3A_790 : i32
      %ne3A_792 = arith.xori %lt3A_789, %lt3A_791 : i1
      %and3A_793 = arith.andi %ne3A_792, %ne3A_787 : i1
      %add3A_794 = arith.addi %rem3A_785, %select_n3A_784 : i32
      %select_n3A_795 = arith.select %and3A_793, %add3A_794, %rem3A_785 : i32
      %mul3A_796 = arith.constant 4096 : i32
      %mul3A_797 = arith.muli %select_n3A_795, %mul3A_796 : i32
      %dma_wait3A_798 = arith.constant 5 : i32
      %dma_wait3A_799 = tpu.memref_slice %arg17[%dma_wait3A_798] : memref<6x!tpu.dma_semaphore, #tpu.memory_space<semaphore_mem>> -> memref<1x!tpu.dma_semaphore, #tpu.memory_space<semaphore_mem>>
      %dma_wait3A_800 = tpu.memref_squeeze %dma_wait3A_799 : memref<1x!tpu.dma_semaphore, #tpu.memory_space<semaphore_mem>> -> memref<!tpu.dma_semaphore, #tpu.memory_space<semaphore_mem>>
      %dma_wait3A_801 = arith.constant 0 : i32
      %dma_wait3A_802 = tpu.memref_slice %arg0[%select_n3A_779, %mul3A_797, %dma_wait3A_801] : memref<8x100000x64xf32, #tpu.memory_space<hbm>> -> memref<1x4096x64xf32, #tpu.memory_space<hbm>>
      %dma_wait3A_803 = tpu.memref_squeeze %dma_wait3A_802 : memref<1x4096x64xf32, #tpu.memory_space<hbm>> -> memref<4096x64xf32, #tpu.memory_space<hbm>>
      tpu.wait_dma2 semaphore(%dma_wait3A_800 : memref<!tpu.dma_semaphore, #tpu.memory_space<semaphore_mem>>) src(%dma_wait3A_803 : memref<4096x64xf32, #tpu.memory_space<hbm>>) dst(%arg8 : memref<4096x64xf32, #tpu.memory_space<vmem>>)
      %jit3A_804 = arith.constant 24 : i32
      %div3A_805 = arith.divsi %add3A_755, %jit3A_804 : i32
      %sign3A_806 = arith.constant 0 : i32
      %sign3A_807 = arith.cmpi sgt, %add3A_755, %sign3A_806 : i32
      %sign3A_808 = arith.extui %sign3A_807 : i1 to i32
      %sign3A_809 = arith.constant 0 : i32
      %sign3A_810 = arith.cmpi slt, %add3A_755, %sign3A_809 : i32
      %sign3A_811 = arith.extui %sign3A_810 : i1 to i32
      %sign3A_812 = arith.subi %sign3A_808, %sign3A_811 : i32
      %sign3A_813 = arith.constant 0 : i32
      %sign3A_814 = arith.cmpi sgt, %jit3A_804, %sign3A_813 : i32
      %sign3A_815 = arith.extui %sign3A_814 : i1 to i32
      %sign3A_816 = arith.constant 0 : i32
      %sign3A_817 = arith.cmpi slt, %jit3A_804, %sign3A_816 : i32
      %sign3A_818 = arith.extui %sign3A_817 : i1 to i32
      %sign3A_819 = arith.subi %sign3A_815, %sign3A_818 : i32
      %ne3A_820 = arith.cmpi ne, %sign3A_812, %sign3A_819 : i32
      %rem3A_821 = arith.remsi %add3A_755, %jit3A_804 : i32
      %ne3A_822 = arith.constant 0 : i32
      %ne3A_823 = arith.cmpi ne, %rem3A_821, %ne3A_822 : i32
      %and3A_824 = arith.andi %ne3A_820, %ne3A_823 : i1
      %sub3A_825 = arith.constant 1 : i32
      %sub3A_826 = arith.subi %div3A_805, %sub3A_825 : i32
      %select_n3A_827 = arith.select %and3A_824, %sub3A_826, %div3A_805 : i32
      %jit3A_828 = arith.constant 24 : i32
      %eq3A_829 = arith.constant 0 : i32
      %eq3A_830 = arith.cmpi eq, %jit3A_828, %eq3A_829 : i32
      %jit3A_831 = arith.constant 1 : i32
      %select_n3A_832 = arith.select %eq3A_830, %jit3A_831, %jit3A_828 : i32
      %rem3A_833 = arith.remsi %add3A_755, %select_n3A_832 : i32
      %ne3A_834 = arith.constant 0 : i32
      %ne3A_835 = arith.cmpi ne, %rem3A_833, %ne3A_834 : i32
      %lt3A_836 = arith.constant 0 : i32
      %lt3A_837 = arith.cmpi slt, %rem3A_833, %lt3A_836 : i32
      %lt3A_838 = arith.constant 0 : i32
      %lt3A_839 = arith.cmpi slt, %select_n3A_832, %lt3A_838 : i32
      %ne3A_840 = arith.xori %lt3A_837, %lt3A_839 : i1
      %and3A_841 = arith.andi %ne3A_840, %ne3A_835 : i1
      %add3A_842 = arith.addi %rem3A_833, %select_n3A_832 : i32
      %select_n3A_843 = arith.select %and3A_841, %add3A_842, %rem3A_833 : i32
      %get3A_844 = arith.constant 0 : index
      %get3A_845 = arith.constant 0 : index
      %get3A_846 = vector.load %arg8[%get3A_844, %get3A_845] : memref<4096x64xf32, #tpu.memory_space<vmem>>, vector<4096x64xf32>
      %get3A_847 = arith.index_cast %select_n3A_827 : i32 to index
      %get3A_848 = arith.constant 0 : index
      %get3A_849 = vector.load %arg1[%get3A_847, %get3A_848] : memref<8x64xf32, #tpu.memory_space<vmem>>, vector<1x64xf32>
      %dot_general3A_850 = arith.constant dense<0.000000e+00> : vector<1x4096xf32>
      %dot_general3A_851 = tpu.matmul %get3A_849, %get3A_846, %dot_general3A_850 {dimension_numbers = #tpu.dot_dimension_numbers<[1], [1], [0], [0], [0, 0, 1, 0], [], []>, transpose_lhs_hint = false} : vector<1x64xf32>, vector<4096x64xf32>, vector<1x4096xf32> -> vector<1x4096xf32>
      %mul3A_852 = arith.constant 4096 : i32
      %mul3A_853 = arith.muli %select_n3A_843, %mul3A_852 : i32
      %swap3A_854 = arith.index_cast %select_n3A_827 : i32 to index
      %swap3A_855 = arith.index_cast %mul3A_853 : i32 to index
      %swap3A_856 = vector.load %arg2[%swap3A_854, %swap3A_855] : memref<8x102400xf32, #tpu.memory_space<vmem>>, vector<1x4096xf32>
      tpu.vector_store %arg2[%swap3A_854, %swap3A_855], %dot_general3A_851 {strides = array<i32>} : memref<8x102400xf32, #tpu.memory_space<vmem>>, vector<1x4096xf32>,
      %add3A_857 = arith.constant 6 : i32
      %add3A_858 = arith.addi %add3A_755, %add3A_857 : i32
      %lt3A_859 = arith.constant 192 : i32
      %lt3A_860 = arith.cmpi slt, %add3A_858, %lt3A_859 : i32
      %convert_element_type3A_861 = arith.extui %lt3A_860 : i1 to i32
      %cond3A_862 = arith.constant 0 : i32
      %cond3A_863 = arith.cmpi ne, %convert_element_type3A_861, %cond3A_862 : i32
      scf.if %cond3A_863 {
        %jit3A_864 = arith.constant 24 : i32
        %div3A_865 = arith.divsi %add3A_858, %jit3A_864 : i32
        %sign3A_866 = arith.constant 0 : i32
        %sign3A_867 = arith.cmpi sgt, %add3A_858, %sign3A_866 : i32
        %sign3A_868 = arith.extui %sign3A_867 : i1 to i32
        %sign3A_869 = arith.constant 0 : i32
        %sign3A_870 = arith.cmpi slt, %add3A_858, %sign3A_869 : i32
        %sign3A_871 = arith.extui %sign3A_870 : i1 to i32
        %sign3A_872 = arith.subi %sign3A_868, %sign3A_871 : i32
        %sign3A_873 = arith.constant 0 : i32
        %sign3A_874 = arith.cmpi sgt, %jit3A_864, %sign3A_873 : i32
        %sign3A_875 = arith.extui %sign3A_874 : i1 to i32
        %sign3A_876 = arith.constant 0 : i32
        %sign3A_877 = arith.cmpi slt, %jit3A_864, %sign3A_876 : i32
        %sign3A_878 = arith.extui %sign3A_877 : i1 to i32
        %sign3A_879 = arith.subi %sign3A_875, %sign3A_878 : i32
        %ne3A_880 = arith.cmpi ne, %sign3A_872, %sign3A_879 : i32
        %rem3A_881 = arith.remsi %add3A_858, %jit3A_864 : i32
        %ne3A_882 = arith.constant 0 : i32
        %ne3A_883 = arith.cmpi ne, %rem3A_881, %ne3A_882 : i32
        %and3A_884 = arith.andi %ne3A_880, %ne3A_883 : i1
        %sub3A_885 = arith.constant 1 : i32
        %sub3A_886 = arith.subi %div3A_865, %sub3A_885 : i32
        %select_n3A_887 = arith.select %and3A_884, %sub3A_886, %div3A_865 : i32
        %jit3A_888 = arith.constant 24 : i32
        %eq3A_889 = arith.constant 0 : i32
        %eq3A_890 = arith.cmpi eq, %jit3A_888, %eq3A_889 : i32
        %jit3A_891 = arith.constant 1 : i32
        %select_n3A_892 = arith.select %eq3A_890, %jit3A_891, %jit3A_888 : i32
        %rem3A_893 = arith.remsi %add3A_858, %select_n3A_892 : i32
        %ne3A_894 = arith.constant 0 : i32
        %ne3A_895 = arith.cmpi ne, %rem3A_893, %ne3A_894 : i32
        %lt3A_896 = arith.constant 0 : i32
        %lt3A_897 = arith.cmpi slt, %rem3A_893, %lt3A_896 : i32
        %lt3A_898 = arith.constant 0 : i32
        %lt3A_899 = arith.cmpi slt, %select_n3A_892, %lt3A_898 : i32
        %ne3A_900 = arith.xori %lt3A_897, %lt3A_899 : i1
        %and3A_901 = arith.andi %ne3A_900, %ne3A_895 : i1
        %add3A_902 = arith.addi %rem3A_893, %select_n3A_892 : i32
        %select_n3A_903 = arith.select %and3A_901, %add3A_902, %rem3A_893 : i32
        %mul3A_904 = arith.constant 4096 : i32
        %mul3A_905 = arith.muli %select_n3A_903, %mul3A_904 : i32
        %dma_start3A_906 = arith.constant 5 : i32
        %dma_start3A_907 = tpu.memref_slice %arg17[%dma_start3A_906] : memref<6x!tpu.dma_semaphore, #tpu.memory_space<semaphore_mem>> -> memref<1x!tpu.dma_semaphore, #tpu.memory_space<semaphore_mem>>
        %dma_start3A_908 = tpu.memref_squeeze %dma_start3A_907 : memref<1x!tpu.dma_semaphore, #tpu.memory_space<semaphore_mem>> -> memref<!tpu.dma_semaphore, #tpu.memory_space<semaphore_mem>>
        %dma_start3A_909 = arith.constant 0 : i32
        %dma_start3A_910 = tpu.memref_slice %arg0[%select_n3A_887, %mul3A_905, %dma_start3A_909] : memref<8x100000x64xf32, #tpu.memory_space<hbm>> -> memref<1x4096x64xf32, #tpu.memory_space<hbm>>
        %dma_start3A_911 = tpu.memref_squeeze %dma_start3A_910 : memref<1x4096x64xf32, #tpu.memory_space<hbm>> -> memref<4096x64xf32, #tpu.memory_space<hbm>>
        tpu.enqueue_dma source(%dma_start3A_911 : memref<4096x64xf32, #tpu.memory_space<hbm>>) target(%arg8 : memref<4096x64xf32, #tpu.memory_space<vmem>>) target_semaphore(%dma_start3A_908 : memref<!tpu.dma_semaphore, #tpu.memory_space<semaphore_mem>>) {priority = 1 : i32}
      } else {
      }
    }
    %scan3A_50 = arith.constant 32 : i32
    %dma_start3A_51 = arith.constant 0 : i32
    %dma_start3A_52 = arith.constant 98304 : i32
    %dma_start3A_53 = arith.constant 0 : i32
    %dma_start3A_54 = tpu.memref_slice %arg0[%dma_start3A_51, %dma_start3A_52, %dma_start3A_53] : memref<8x100000x64xf32, #tpu.memory_space<hbm>> -> memref<1x1696x64xf32, #tpu.memory_space<hbm>>
    %dma_start3A_55 = tpu.memref_squeeze %dma_start3A_54 : memref<1x1696x64xf32, #tpu.memory_space<hbm>> -> memref<1696x64xf32, #tpu.memory_space<hbm>>
    tpu.enqueue_dma source(%dma_start3A_55 : memref<1696x64xf32, #tpu.memory_space<hbm>>) target(%arg9 : memref<1696x64xf32, #tpu.memory_space<vmem>>) target_semaphore(%arg18 : memref<!tpu.dma_semaphore, #tpu.memory_space<semaphore_mem>>)
    %dma_start3A_56 = arith.constant 1 : i32
    %dma_start3A_57 = arith.constant 98304 : i32
    %dma_start3A_58 = arith.constant 0 : i32
    %dma_start3A_59 = tpu.memref_slice %arg0[%dma_start3A_56, %dma_start3A_57, %dma_start3A_58] : memref<8x100000x64xf32, #tpu.memory_space<hbm>> -> memref<1x1696x64xf32, #tpu.memory_space<hbm>>
    %dma_start3A_60 = tpu.memref_squeeze %dma_start3A_59 : memref<1x1696x64xf32, #tpu.memory_space<hbm>> -> memref<1696x64xf32, #tpu.memory_space<hbm>>
    tpu.enqueue_dma source(%dma_start3A_60 : memref<1696x64xf32, #tpu.memory_space<hbm>>) target(%arg10 : memref<1696x64xf32, #tpu.memory_space<vmem>>) target_semaphore(%arg18 : memref<!tpu.dma_semaphore, #tpu.memory_space<semaphore_mem>>)
    %dma_start3A_61 = arith.constant 2 : i32
    %dma_start3A_62 = arith.constant 98304 : i32
    %dma_start3A_63 = arith.constant 0 : i32
    %dma_start3A_64 = tpu.memref_slice %arg0[%dma_start3A_61, %dma_start3A_62, %dma_start3A_63] : memref<8x100000x64xf32, #tpu.memory_space<hbm>> -> memref<1x1696x64xf32, #tpu.memory_space<hbm>>
    %dma_start3A_65 = tpu.memref_squeeze %dma_start3A_64 : memref<1x1696x64xf32, #tpu.memory_space<hbm>> -> memref<1696x64xf32, #tpu.memory_space<hbm>>
    tpu.enqueue_dma source(%dma_start3A_65 : memref<1696x64xf32, #tpu.memory_space<hbm>>) target(%arg11 : memref<1696x64xf32, #tpu.memory_space<vmem>>) target_semaphore(%arg18 : memref<!tpu.dma_semaphore, #tpu.memory_space<semaphore_mem>>)
    %dma_start3A_66 = arith.constant 3 : i32
    %dma_start3A_67 = arith.constant 98304 : i32
    %dma_start3A_68 = arith.constant 0 : i32
    %dma_start3A_69 = tpu.memref_slice %arg0[%dma_start3A_66, %dma_start3A_67, %dma_start3A_68] : memref<8x100000x64xf32, #tpu.memory_space<hbm>> -> memref<1x1696x64xf32, #tpu.memory_space<hbm>>
    %dma_start3A_70 = tpu.memref_squeeze %dma_start3A_69 : memref<1x1696x64xf32, #tpu.memory_space<hbm>> -> memref<1696x64xf32, #tpu.memory_space<hbm>>
    tpu.enqueue_dma source(%dma_start3A_70 : memref<1696x64xf32, #tpu.memory_space<hbm>>) target(%arg12 : memref<1696x64xf32, #tpu.memory_space<vmem>>) target_semaphore(%arg18 : memref<!tpu.dma_semaphore, #tpu.memory_space<semaphore_mem>>)
    %dma_start3A_71 = arith.constant 4 : i32
    %dma_start3A_72 = arith.constant 98304 : i32
    %dma_start3A_73 = arith.constant 0 : i32
    %dma_start3A_74 = tpu.memref_slice %arg0[%dma_start3A_71, %dma_start3A_72, %dma_start3A_73] : memref<8x100000x64xf32, #tpu.memory_space<hbm>> -> memref<1x1696x64xf32, #tpu.memory_space<hbm>>
    %dma_start3A_75 = tpu.memref_squeeze %dma_start3A_74 : memref<1x1696x64xf32, #tpu.memory_space<hbm>> -> memref<1696x64xf32, #tpu.memory_space<hbm>>
    tpu.enqueue_dma source(%dma_start3A_75 : memref<1696x64xf32, #tpu.memory_space<hbm>>) target(%arg13 : memref<1696x64xf32, #tpu.memory_space<vmem>>) target_semaphore(%arg18 : memref<!tpu.dma_semaphore, #tpu.memory_space<semaphore_mem>>)
    %dma_start3A_76 = arith.constant 5 : i32
    %dma_start3A_77 = arith.constant 98304 : i32
    %dma_start3A_78 = arith.constant 0 : i32
    %dma_start3A_79 = tpu.memref_slice %arg0[%dma_start3A_76, %dma_start3A_77, %dma_start3A_78] : memref<8x100000x64xf32, #tpu.memory_space<hbm>> -> memref<1x1696x64xf32, #tpu.memory_space<hbm>>
    %dma_start3A_80 = tpu.memref_squeeze %dma_start3A_79 : memref<1x1696x64xf32, #tpu.memory_space<hbm>> -> memref<1696x64xf32, #tpu.memory_space<hbm>>
    tpu.enqueue_dma source(%dma_start3A_80 : memref<1696x64xf32, #tpu.memory_space<hbm>>) target(%arg14 : memref<1696x64xf32, #tpu.memory_space<vmem>>) target_semaphore(%arg18 : memref<!tpu.dma_semaphore, #tpu.memory_space<semaphore_mem>>)
    %dma_start3A_81 = arith.constant 6 : i32
    %dma_start3A_82 = arith.constant 98304 : i32
    %dma_start3A_83 = arith.constant 0 : i32
    %dma_start3A_84 = tpu.memref_slice %arg0[%dma_start3A_81, %dma_start3A_82, %dma_start3A_83] : memref<8x100000x64xf32, #tpu.memory_space<hbm>> -> memref<1x1696x64xf32, #tpu.memory_space<hbm>>
    %dma_start3A_85 = tpu.memref_squeeze %dma_start3A_84 : memref<1x1696x64xf32, #tpu.memory_space<hbm>> -> memref<1696x64xf32, #tpu.memory_space<hbm>>
    tpu.enqueue_dma source(%dma_start3A_85 : memref<1696x64xf32, #tpu.memory_space<hbm>>) target(%arg15 : memref<1696x64xf32, #tpu.memory_space<vmem>>) target_semaphore(%arg18 : memref<!tpu.dma_semaphore, #tpu.memory_space<semaphore_mem>>)
    %dma_start3A_86 = arith.constant 7 : i32
    %dma_start3A_87 = arith.constant 98304 : i32
    %dma_start3A_88 = arith.constant 0 : i32
    %dma_start3A_89 = tpu.memref_slice %arg0[%dma_start3A_86, %dma_start3A_87, %dma_start3A_88] : memref<8x100000x64xf32, #tpu.memory_space<hbm>> -> memref<1x1696x64xf32, #tpu.memory_space<hbm>>
    %dma_start3A_90 = tpu.memref_squeeze %dma_start3A_89 : memref<1x1696x64xf32, #tpu.memory_space<hbm>> -> memref<1696x64xf32, #tpu.memory_space<hbm>>
    tpu.enqueue_dma source(%dma_start3A_90 : memref<1696x64xf32, #tpu.memory_space<hbm>>) target(%arg16 : memref<1696x64xf32, #tpu.memory_space<vmem>>) target_semaphore(%arg18 : memref<!tpu.dma_semaphore, #tpu.memory_space<semaphore_mem>>)
    %dma_wait3A = arith.constant 0 : i32
    %dma_wait3A_91 = arith.constant 98304 : i32
    %dma_wait3A_92 = arith.constant 0 : i32
    %dma_wait3A_93 = tpu.memref_slice %arg0[%dma_wait3A, %dma_wait3A_91, %dma_wait3A_92] : memref<8x100000x64xf32, #tpu.memory_space<hbm>> -> memref<1x1696x64xf32, #tpu.memory_space<hbm>>
    %dma_wait3A_94 = tpu.memref_squeeze %dma_wait3A_93 : memref<1x1696x64xf32, #tpu.memory_space<hbm>> -> memref<1696x64xf32, #tpu.memory_space<hbm>>
    tpu.wait_dma2 semaphore(%arg18 : memref<!tpu.dma_semaphore, #tpu.memory_space<semaphore_mem>>) src(%dma_wait3A_94 : memref<1696x64xf32, #tpu.memory_space<hbm>>) dst(%arg9 : memref<1696x64xf32, #tpu.memory_space<vmem>>)
    %get3A = arith.constant 0 : index
    %get3A_95 = arith.constant 0 : index
    %get3A_96 = vector.load %arg1[%get3A, %get3A_95] : memref<8x64xf32, #tpu.memory_space<vmem>>, vector<1x64xf32>
    %get3A_97 = arith.constant 0 : index
    %get3A_98 = arith.constant 0 : index
    %get3A_99 = vector.load %arg9[%get3A_97, %get3A_98] : memref<1696x64xf32, #tpu.memory_space<vmem>>, vector<1696x64xf32>
    %dot_general3A = arith.constant dense<0.000000e+00> : vector<1x1696xf32>
    %dot_general3A_100 = tpu.matmul %get3A_96, %get3A_99, %dot_general3A {dimension_numbers = #tpu.dot_dimension_numbers<[1], [1], [0], [0], [0, 0, 1, 0], [], []>, transpose_lhs_hint = false} : vector<1x64xf32>, vector<1696x64xf32>, vector<1x1696xf32> -> vector<1x1696xf32>
    %swap3A = arith.constant 0 : index
    %swap3A_101 = arith.constant 98304 : index
    %swap3A_102 = vector.load %arg2[%swap3A, %swap3A_101] : memref<8x102400xf32, #tpu.memory_space<vmem>>, vector<1x1696xf32>
    tpu.vector_store %arg2[%swap3A, %swap3A_101], %dot_general3A_100 {strides = array<i32>} : memref<8x102400xf32, #tpu.memory_space<vmem>>, vector<1x1696xf32>,
    %dma_wait3A_103 = arith.constant 1 : i32
    %dma_wait3A_104 = arith.constant 98304 : i32
    %dma_wait3A_105 = arith.constant 0 : i32
    %dma_wait3A_106 = tpu.memref_slice %arg0[%dma_wait3A_103, %dma_wait3A_104, %dma_wait3A_105] : memref<8x100000x64xf32, #tpu.memory_space<hbm>> -> memref<1x1696x64xf32, #tpu.memory_space<hbm>>
    %dma_wait3A_107 = tpu.memref_squeeze %dma_wait3A_106 : memref<1x1696x64xf32, #tpu.memory_space<hbm>> -> memref<1696x64xf32, #tpu.memory_space<hbm>>
    tpu.wait_dma2 semaphore(%arg18 : memref<!tpu.dma_semaphore, #tpu.memory_space<semaphore_mem>>) src(%dma_wait3A_107 : memref<1696x64xf32, #tpu.memory_space<hbm>>) dst(%arg10 : memref<1696x64xf32, #tpu.memory_space<vmem>>)
    %get3A_108 = arith.constant 1 : index
    %get3A_109 = arith.constant 0 : index
    %get3A_110 = vector.load %arg1[%get3A_108, %get3A_109] : memref<8x64xf32, #tpu.memory_space<vmem>>, vector<1x64xf32>
    %get3A_111 = arith.constant 0 : index
    %get3A_112 = arith.constant 0 : index
    %get3A_113 = vector.load %arg10[%get3A_111, %get3A_112] : memref<1696x64xf32, #tpu.memory_space<vmem>>, vector<1696x64xf32>
    %dot_general3A_114 = arith.constant dense<0.000000e+00> : vector<1x1696xf32>
    %dot_general3A_115 = tpu.matmul %get3A_110, %get3A_113, %dot_general3A_114 {dimension_numbers = #tpu.dot_dimension_numbers<[1], [1], [0], [0], [0, 0, 1, 0], [], []>, transpose_lhs_hint = false} : vector<1x64xf32>, vector<1696x64xf32>, vector<1x1696xf32> -> vector<1x1696xf32>
    %swap3A_116 = arith.constant 1 : index
    %swap3A_117 = arith.constant 98304 : index
    %swap3A_118 = vector.load %arg2[%swap3A_116, %swap3A_117] : memref<8x102400xf32, #tpu.memory_space<vmem>>, vector<1x1696xf32>
    tpu.vector_store %arg2[%swap3A_116, %swap3A_117], %dot_general3A_115 {strides = array<i32>} : memref<8x102400xf32, #tpu.memory_space<vmem>>, vector<1x1696xf32>,
    %dma_wait3A_119 = arith.constant 2 : i32
    %dma_wait3A_120 = arith.constant 98304 : i32
    %dma_wait3A_121 = arith.constant 0 : i32
    %dma_wait3A_122 = tpu.memref_slice %arg0[%dma_wait3A_119, %dma_wait3A_120, %dma_wait3A_121] : memref<8x100000x64xf32, #tpu.memory_space<hbm>> -> memref<1x1696x64xf32, #tpu.memory_space<hbm>>
    %dma_wait3A_123 = tpu.memref_squeeze %dma_wait3A_122 : memref<1x1696x64xf32, #tpu.memory_space<hbm>> -> memref<1696x64xf32, #tpu.memory_space<hbm>>
    tpu.wait_dma2 semaphore(%arg18 : memref<!tpu.dma_semaphore, #tpu.memory_space<semaphore_mem>>) src(%dma_wait3A_123 : memref<1696x64xf32, #tpu.memory_space<hbm>>) dst(%arg11 : memref<1696x64xf32, #tpu.memory_space<vmem>>)
    %get3A_124 = arith.constant 2 : index
    %get3A_125 = arith.constant 0 : index
    %get3A_126 = vector.load %arg1[%get3A_124, %get3A_125] : memref<8x64xf32, #tpu.memory_space<vmem>>, vector<1x64xf32>
    %get3A_127 = arith.constant 0 : index
    %get3A_128 = arith.constant 0 : index
    %get3A_129 = vector.load %arg11[%get3A_127, %get3A_128] : memref<1696x64xf32, #tpu.memory_space<vmem>>, vector<1696x64xf32>
    %dot_general3A_130 = arith.constant dense<0.000000e+00> : vector<1x1696xf32>
    %dot_general3A_131 = tpu.matmul %get3A_126, %get3A_129, %dot_general3A_130 {dimension_numbers = #tpu.dot_dimension_numbers<[1], [1], [0], [0], [0, 0, 1, 0], [], []>, transpose_lhs_hint = false} : vector<1x64xf32>, vector<1696x64xf32>, vector<1x1696xf32> -> vector<1x1696xf32>
    %swap3A_132 = arith.constant 2 : index
    %swap3A_133 = arith.constant 98304 : index
    %swap3A_134 = vector.load %arg2[%swap3A_132, %swap3A_133] : memref<8x102400xf32, #tpu.memory_space<vmem>>, vector<1x1696xf32>
    tpu.vector_store %arg2[%swap3A_132, %swap3A_133], %dot_general3A_131 {strides = array<i32>} : memref<8x102400xf32, #tpu.memory_space<vmem>>, vector<1x1696xf32>,
    %dma_wait3A_135 = arith.constant 3 : i32
    %dma_wait3A_136 = arith.constant 98304 : i32
    %dma_wait3A_137 = arith.constant 0 : i32
    %dma_wait3A_138 = tpu.memref_slice %arg0[%dma_wait3A_135, %dma_wait3A_136, %dma_wait3A_137] : memref<8x100000x64xf32, #tpu.memory_space<hbm>> -> memref<1x1696x64xf32, #tpu.memory_space<hbm>>
    %dma_wait3A_139 = tpu.memref_squeeze %dma_wait3A_138 : memref<1x1696x64xf32, #tpu.memory_space<hbm>> -> memref<1696x64xf32, #tpu.memory_space<hbm>>
    tpu.wait_dma2 semaphore(%arg18 : memref<!tpu.dma_semaphore, #tpu.memory_space<semaphore_mem>>) src(%dma_wait3A_139 : memref<1696x64xf32, #tpu.memory_space<hbm>>) dst(%arg12 : memref<1696x64xf32, #tpu.memory_space<vmem>>)
    %get3A_140 = arith.constant 3 : index
    %get3A_141 = arith.constant 0 : index
    %get3A_142 = vector.load %arg1[%get3A_140, %get3A_141] : memref<8x64xf32, #tpu.memory_space<vmem>>, vector<1x64xf32>
    %get3A_143 = arith.constant 0 : index
    %get3A_144 = arith.constant 0 : index
    %get3A_145 = vector.load %arg12[%get3A_143, %get3A_144] : memref<1696x64xf32, #tpu.memory_space<vmem>>, vector<1696x64xf32>
    %dot_general3A_146 = arith.constant dense<0.000000e+00> : vector<1x1696xf32>
    %dot_general3A_147 = tpu.matmul %get3A_142, %get3A_145, %dot_general3A_146 {dimension_numbers = #tpu.dot_dimension_numbers<[1], [1], [0], [0], [0, 0, 1, 0], [], []>, transpose_lhs_hint = false} : vector<1x64xf32>, vector<1696x64xf32>, vector<1x1696xf32> -> vector<1x1696xf32>
    %swap3A_148 = arith.constant 3 : index
    %swap3A_149 = arith.constant 98304 : index
    %swap3A_150 = vector.load %arg2[%swap3A_148, %swap3A_149] : memref<8x102400xf32, #tpu.memory_space<vmem>>, vector<1x1696xf32>
    tpu.vector_store %arg2[%swap3A_148, %swap3A_149], %dot_general3A_147 {strides = array<i32>} : memref<8x102400xf32, #tpu.memory_space<vmem>>, vector<1x1696xf32>,
    %dma_wait3A_151 = arith.constant 4 : i32
    %dma_wait3A_152 = arith.constant 98304 : i32
    %dma_wait3A_153 = arith.constant 0 : i32
    %dma_wait3A_154 = tpu.memref_slice %arg0[%dma_wait3A_151, %dma_wait3A_152, %dma_wait3A_153] : memref<8x100000x64xf32, #tpu.memory_space<hbm>> -> memref<1x1696x64xf32, #tpu.memory_space<hbm>>
    %dma_wait3A_155 = tpu.memref_squeeze %dma_wait3A_154 : memref<1x1696x64xf32, #tpu.memory_space<hbm>> -> memref<1696x64xf32, #tpu.memory_space<hbm>>
    tpu.wait_dma2 semaphore(%arg18 : memref<!tpu.dma_semaphore, #tpu.memory_space<semaphore_mem>>) src(%dma_wait3A_155 : memref<1696x64xf32, #tpu.memory_space<hbm>>) dst(%arg13 : memref<1696x64xf32, #tpu.memory_space<vmem>>)
    %get3A_156 = arith.constant 4 : index
    %get3A_157 = arith.constant 0 : index
    %get3A_158 = vector.load %arg1[%get3A_156, %get3A_157] : memref<8x64xf32, #tpu.memory_space<vmem>>, vector<1x64xf32>
    %get3A_159 = arith.constant 0 : index
    %get3A_160 = arith.constant 0 : index
    %get3A_161 = vector.load %arg13[%get3A_159, %get3A_160] : memref<1696x64xf32, #tpu.memory_space<vmem>>, vector<1696x64xf32>
    %dot_general3A_162 = arith.constant dense<0.000000e+00> : vector<1x1696xf32>
    %dot_general3A_163 = tpu.matmul %get3A_158, %get3A_161, %dot_general3A_162 {dimension_numbers = #tpu.dot_dimension_numbers<[1], [1], [0], [0], [0, 0, 1, 0], [], []>, transpose_lhs_hint = false} : vector<1x64xf32>, vector<1696x64xf32>, vector<1x1696xf32> -> vector<1x1696xf32>
    %swap3A_164 = arith.constant 4 : index
    %swap3A_165 = arith.constant 98304 : index
    %swap3A_166 = vector.load %arg2[%swap3A_164, %swap3A_165] : memref<8x102400xf32, #tpu.memory_space<vmem>>, vector<1x1696xf32>
    tpu.vector_store %arg2[%swap3A_164, %swap3A_165], %dot_general3A_163 {strides = array<i32>} : memref<8x102400xf32, #tpu.memory_space<vmem>>, vector<1x1696xf32>,
    %dma_wait3A_167 = arith.constant 5 : i32
    %dma_wait3A_168 = arith.constant 98304 : i32
    %dma_wait3A_169 = arith.constant 0 : i32
    %dma_wait3A_170 = tpu.memref_slice %arg0[%dma_wait3A_167, %dma_wait3A_168, %dma_wait3A_169] : memref<8x100000x64xf32, #tpu.memory_space<hbm>> -> memref<1x1696x64xf32, #tpu.memory_space<hbm>>
    %dma_wait3A_171 = tpu.memref_squeeze %dma_wait3A_170 : memref<1x1696x64xf32, #tpu.memory_space<hbm>> -> memref<1696x64xf32, #tpu.memory_space<hbm>>
    tpu.wait_dma2 semaphore(%arg18 : memref<!tpu.dma_semaphore, #tpu.memory_space<semaphore_mem>>) src(%dma_wait3A_171 : memref<1696x64xf32, #tpu.memory_space<hbm>>) dst(%arg14 : memref<1696x64xf32, #tpu.memory_space<vmem>>)
    %get3A_172 = arith.constant 5 : index
    %get3A_173 = arith.constant 0 : index
    %get3A_174 = vector.load %arg1[%get3A_172, %get3A_173] : memref<8x64xf32, #tpu.memory_space<vmem>>, vector<1x64xf32>
    %get3A_175 = arith.constant 0 : index
    %get3A_176 = arith.constant 0 : index
    %get3A_177 = vector.load %arg14[%get3A_175, %get3A_176] : memref<1696x64xf32, #tpu.memory_space<vmem>>, vector<1696x64xf32>
    %dot_general3A_178 = arith.constant dense<0.000000e+00> : vector<1x1696xf32>
    %dot_general3A_179 = tpu.matmul %get3A_174, %get3A_177, %dot_general3A_178 {dimension_numbers = #tpu.dot_dimension_numbers<[1], [1], [0], [0], [0, 0, 1, 0], [], []>, transpose_lhs_hint = false} : vector<1x64xf32>, vector<1696x64xf32>, vector<1x1696xf32> -> vector<1x1696xf32>
    %swap3A_180 = arith.constant 5 : index
    %swap3A_181 = arith.constant 98304 : index
    %swap3A_182 = vector.load %arg2[%swap3A_180, %swap3A_181] : memref<8x102400xf32, #tpu.memory_space<vmem>>, vector<1x1696xf32>
    tpu.vector_store %arg2[%swap3A_180, %swap3A_181], %dot_general3A_179 {strides = array<i32>} : memref<8x102400xf32, #tpu.memory_space<vmem>>, vector<1x1696xf32>,
    %dma_wait3A_183 = arith.constant 6 : i32
    %dma_wait3A_184 = arith.constant 98304 : i32
    %dma_wait3A_185 = arith.constant 0 : i32
    %dma_wait3A_186 = tpu.memref_slice %arg0[%dma_wait3A_183, %dma_wait3A_184, %dma_wait3A_185] : memref<8x100000x64xf32, #tpu.memory_space<hbm>> -> memref<1x1696x64xf32, #tpu.memory_space<hbm>>
    %dma_wait3A_187 = tpu.memref_squeeze %dma_wait3A_186 : memref<1x1696x64xf32, #tpu.memory_space<hbm>> -> memref<1696x64xf32, #tpu.memory_space<hbm>>
    tpu.wait_dma2 semaphore(%arg18 : memref<!tpu.dma_semaphore, #tpu.memory_space<semaphore_mem>>) src(%dma_wait3A_187 : memref<1696x64xf32, #tpu.memory_space<hbm>>) dst(%arg15 : memref<1696x64xf32, #tpu.memory_space<vmem>>)
    %get3A_188 = arith.constant 6 : index
    %get3A_189 = arith.constant 0 : index
    %get3A_190 = vector.load %arg1[%get3A_188, %get3A_189] : memref<8x64xf32, #tpu.memory_space<vmem>>, vector<1x64xf32>
    %get3A_191 = arith.constant 0 : index
    %get3A_192 = arith.constant 0 : index
    %get3A_193 = vector.load %arg15[%get3A_191, %get3A_192] : memref<1696x64xf32, #tpu.memory_space<vmem>>, vector<1696x64xf32>
    %dot_general3A_194 = arith.constant dense<0.000000e+00> : vector<1x1696xf32>
    %dot_general3A_195 = tpu.matmul %get3A_190, %get3A_193, %dot_general3A_194 {dimension_numbers = #tpu.dot_dimension_numbers<[1], [1], [0], [0], [0, 0, 1, 0], [], []>, transpose_lhs_hint = false} : vector<1x64xf32>, vector<1696x64xf32>, vector<1x1696xf32> -> vector<1x1696xf32>
    %swap3A_196 = arith.constant 6 : index
    %swap3A_197 = arith.constant 98304 : index
    %swap3A_198 = vector.load %arg2[%swap3A_196, %swap3A_197] : memref<8x102400xf32, #tpu.memory_space<vmem>>, vector<1x1696xf32>
    tpu.vector_store %arg2[%swap3A_196, %swap3A_197], %dot_general3A_195 {strides = array<i32>} : memref<8x102400xf32, #tpu.memory_space<vmem>>, vector<1x1696xf32>,
    %dma_wait3A_199 = arith.constant 7 : i32
    %dma_wait3A_200 = arith.constant 98304 : i32
    %dma_wait3A_201 = arith.constant 0 : i32
    %dma_wait3A_202 = tpu.memref_slice %arg0[%dma_wait3A_199, %dma_wait3A_200, %dma_wait3A_201] : memref<8x100000x64xf32, #tpu.memory_space<hbm>> -> memref<1x1696x64xf32, #tpu.memory_space<hbm>>
    %dma_wait3A_203 = tpu.memref_squeeze %dma_wait3A_202 : memref<1x1696x64xf32, #tpu.memory_space<hbm>> -> memref<1696x64xf32, #tpu.memory_space<hbm>>
    tpu.wait_dma2 semaphore(%arg18 : memref<!tpu.dma_semaphore, #tpu.memory_space<semaphore_mem>>) src(%dma_wait3A_203 : memref<1696x64xf32, #tpu.memory_space<hbm>>) dst(%arg16 : memref<1696x64xf32, #tpu.memory_space<vmem>>)
    %get3A_204 = arith.constant 7 : index
    %get3A_205 = arith.constant 0 : index
    %get3A_206 = vector.load %arg1[%get3A_204, %get3A_205] : memref<8x64xf32, #tpu.memory_space<vmem>>, vector<1x64xf32>
    %get3A_207 = arith.constant 0 : index
    %get3A_208 = arith.constant 0 : index
    %get3A_209 = vector.load %arg16[%get3A_207, %get3A_208] : memref<1696x64xf32, #tpu.memory_space<vmem>>, vector<1696x64xf32>
    %dot_general3A_210 = arith.constant dense<0.000000e+00> : vector<1x1696xf32>
    %dot_general3A_211 = tpu.matmul %get3A_206, %get3A_209, %dot_general3A_210 {dimension_numbers = #tpu.dot_dimension_numbers<[1], [1], [0], [0], [0, 0, 1, 0], [], []>, transpose_lhs_hint = false} : vector<1x64xf32>, vector<1696x64xf32>, vector<1x1696xf32> -> vector<1x1696xf32>
    %swap3A_212 = arith.constant 7 : index
    %swap3A_213 = arith.constant 98304 : index
    %swap3A_214 = vector.load %arg2[%swap3A_212, %swap3A_213] : memref<8x102400xf32, #tpu.memory_space<vmem>>, vector<1x1696xf32>
    tpu.vector_store %arg2[%swap3A_212, %swap3A_213], %dot_general3A_211 {strides = array<i32>} : memref<8x102400xf32, #tpu.memory_space<vmem>>, vector<1x1696xf32>,
    return
  }
}

module attributes {stable_mosaic.version = 14 : i64} {
  func.func @body(%arg0: memref<2x100000x64xf32, #tpu.memory_space<hbm>>, %arg1: memref<2x64xf32, #tpu.memory_space<vmem>>, %arg2: memref<2x102400xf32, #tpu.memory_space<vmem>>, %arg3: memref<4096x64xf32, #tpu.memory_space<vmem>>, %arg4: memref<4096x64xf32, #tpu.memory_space<vmem>>, %arg5: memref<4096x64xf32, #tpu.memory_space<vmem>>, %arg6: memref<4096x64xf32, #tpu.memory_space<vmem>>, %arg7: memref<4096x64xf32, #tpu.memory_space<vmem>>, %arg8: memref<4096x64xf32, #tpu.memory_space<vmem>>, %arg9: memref<1696x64xf32, #tpu.memory_space<vmem>>, %arg10: memref<1696x64xf32, #tpu.memory_space<vmem>>, %arg11: memref<6x!tpu.dma_semaphore, #tpu.memory_space<semaphore_mem>>, %arg12: memref<!tpu.dma_semaphore, #tpu.memory_space<semaphore_mem>>) attributes {dimension_semantics = [], scalar_prefetch = 0 : i64, scratch_operands = 10 : i64, tpu.core_type = #tpu.core_type<tc>} {
    %dma_start3A = arith.constant 0 : i32
    %dma_start3A_0 = arith.constant 0 : i32
    %dma_start3A_1 = tpu.memref_slice %arg11[%dma_start3A_0] : memref<6x!tpu.dma_semaphore, #tpu.memory_space<semaphore_mem>> -> memref<1x!tpu.dma_semaphore, #tpu.memory_space<semaphore_mem>>
    %dma_start3A_2 = tpu.memref_squeeze %dma_start3A_1 : memref<1x!tpu.dma_semaphore, #tpu.memory_space<semaphore_mem>> -> memref<!tpu.dma_semaphore, #tpu.memory_space<semaphore_mem>>
    %dma_start3A_3 = arith.constant 0 : i32
    %dma_start3A_4 = arith.constant 0 : i32
    %dma_start3A_5 = tpu.memref_slice %arg0[%dma_start3A, %dma_start3A_3, %dma_start3A_4] : memref<2x100000x64xf32, #tpu.memory_space<hbm>> -> memref<1x4096x64xf32, #tpu.memory_space<hbm>>
    %dma_start3A_6 = tpu.memref_squeeze %dma_start3A_5 : memref<1x4096x64xf32, #tpu.memory_space<hbm>> -> memref<4096x64xf32, #tpu.memory_space<hbm>>
    tpu.enqueue_dma source(%dma_start3A_6 : memref<4096x64xf32, #tpu.memory_space<hbm>>) target(%arg3 : memref<4096x64xf32, #tpu.memory_space<vmem>>) target_semaphore(%dma_start3A_2 : memref<!tpu.dma_semaphore, #tpu.memory_space<semaphore_mem>>)
    %dma_start3A_7 = arith.constant 0 : i32
    %dma_start3A_8 = arith.constant 1 : i32
    %dma_start3A_9 = tpu.memref_slice %arg11[%dma_start3A_8] : memref<6x!tpu.dma_semaphore, #tpu.memory_space<semaphore_mem>> -> memref<1x!tpu.dma_semaphore, #tpu.memory_space<semaphore_mem>>
    %dma_start3A_10 = tpu.memref_squeeze %dma_start3A_9 : memref<1x!tpu.dma_semaphore, #tpu.memory_space<semaphore_mem>> -> memref<!tpu.dma_semaphore, #tpu.memory_space<semaphore_mem>>
    %dma_start3A_11 = arith.constant 4096 : i32
    %dma_start3A_12 = arith.constant 0 : i32
    %dma_start3A_13 = tpu.memref_slice %arg0[%dma_start3A_7, %dma_start3A_11, %dma_start3A_12] : memref<2x100000x64xf32, #tpu.memory_space<hbm>> -> memref<1x4096x64xf32, #tpu.memory_space<hbm>>
    %dma_start3A_14 = tpu.memref_squeeze %dma_start3A_13 : memref<1x4096x64xf32, #tpu.memory_space<hbm>> -> memref<4096x64xf32, #tpu.memory_space<hbm>>
    tpu.enqueue_dma source(%dma_start3A_14 : memref<4096x64xf32, #tpu.memory_space<hbm>>) target(%arg4 : memref<4096x64xf32, #tpu.memory_space<vmem>>) target_semaphore(%dma_start3A_10 : memref<!tpu.dma_semaphore, #tpu.memory_space<semaphore_mem>>) {priority = 1 : i32}
    %dma_start3A_15 = arith.constant 0 : i32
    %dma_start3A_16 = arith.constant 2 : i32
    %dma_start3A_17 = tpu.memref_slice %arg11[%dma_start3A_16] : memref<6x!tpu.dma_semaphore, #tpu.memory_space<semaphore_mem>> -> memref<1x!tpu.dma_semaphore, #tpu.memory_space<semaphore_mem>>
    %dma_start3A_18 = tpu.memref_squeeze %dma_start3A_17 : memref<1x!tpu.dma_semaphore, #tpu.memory_space<semaphore_mem>> -> memref<!tpu.dma_semaphore, #tpu.memory_space<semaphore_mem>>
    %dma_start3A_19 = arith.constant 8192 : i32
    %dma_start3A_20 = arith.constant 0 : i32
    %dma_start3A_21 = tpu.memref_slice %arg0[%dma_start3A_15, %dma_start3A_19, %dma_start3A_20] : memref<2x100000x64xf32, #tpu.memory_space<hbm>> -> memref<1x4096x64xf32, #tpu.memory_space<hbm>>
    %dma_start3A_22 = tpu.memref_squeeze %dma_start3A_21 : memref<1x4096x64xf32, #tpu.memory_space<hbm>> -> memref<4096x64xf32, #tpu.memory_space<hbm>>
    tpu.enqueue_dma source(%dma_start3A_22 : memref<4096x64xf32, #tpu.memory_space<hbm>>) target(%arg5 : memref<4096x64xf32, #tpu.memory_space<vmem>>) target_semaphore(%dma_start3A_18 : memref<!tpu.dma_semaphore, #tpu.memory_space<semaphore_mem>>)
    %dma_start3A_23 = arith.constant 0 : i32
    %dma_start3A_24 = arith.constant 3 : i32
    %dma_start3A_25 = tpu.memref_slice %arg11[%dma_start3A_24] : memref<6x!tpu.dma_semaphore, #tpu.memory_space<semaphore_mem>> -> memref<1x!tpu.dma_semaphore, #tpu.memory_space<semaphore_mem>>
    %dma_start3A_26 = tpu.memref_squeeze %dma_start3A_25 : memref<1x!tpu.dma_semaphore, #tpu.memory_space<semaphore_mem>> -> memref<!tpu.dma_semaphore, #tpu.memory_space<semaphore_mem>>
    %dma_start3A_27 = arith.constant 12288 : i32
    %dma_start3A_28 = arith.constant 0 : i32
    %dma_start3A_29 = tpu.memref_slice %arg0[%dma_start3A_23, %dma_start3A_27, %dma_start3A_28] : memref<2x100000x64xf32, #tpu.memory_space<hbm>> -> memref<1x4096x64xf32, #tpu.memory_space<hbm>>
    %dma_start3A_30 = tpu.memref_squeeze %dma_start3A_29 : memref<1x4096x64xf32, #tpu.memory_space<hbm>> -> memref<4096x64xf32, #tpu.memory_space<hbm>>
    tpu.enqueue_dma source(%dma_start3A_30 : memref<4096x64xf32, #tpu.memory_space<hbm>>) target(%arg6 : memref<4096x64xf32, #tpu.memory_space<vmem>>) target_semaphore(%dma_start3A_26 : memref<!tpu.dma_semaphore, #tpu.memory_space<semaphore_mem>>) {priority = 1 : i32}
    %dma_start3A_31 = arith.constant 0 : i32
    %dma_start3A_32 = arith.constant 4 : i32
    %dma_start3A_33 = tpu.memref_slice %arg11[%dma_start3A_32] : memref<6x!tpu.dma_semaphore, #tpu.memory_space<semaphore_mem>> -> memref<1x!tpu.dma_semaphore, #tpu.memory_space<semaphore_mem>>
    %dma_start3A_34 = tpu.memref_squeeze %dma_start3A_33 : memref<1x!tpu.dma_semaphore, #tpu.memory_space<semaphore_mem>> -> memref<!tpu.dma_semaphore, #tpu.memory_space<semaphore_mem>>
    %dma_start3A_35 = arith.constant 16384 : i32
    %dma_start3A_36 = arith.constant 0 : i32
    %dma_start3A_37 = tpu.memref_slice %arg0[%dma_start3A_31, %dma_start3A_35, %dma_start3A_36] : memref<2x100000x64xf32, #tpu.memory_space<hbm>> -> memref<1x4096x64xf32, #tpu.memory_space<hbm>>
    %dma_start3A_38 = tpu.memref_squeeze %dma_start3A_37 : memref<1x4096x64xf32, #tpu.memory_space<hbm>> -> memref<4096x64xf32, #tpu.memory_space<hbm>>
    tpu.enqueue_dma source(%dma_start3A_38 : memref<4096x64xf32, #tpu.memory_space<hbm>>) target(%arg7 : memref<4096x64xf32, #tpu.memory_space<vmem>>) target_semaphore(%dma_start3A_34 : memref<!tpu.dma_semaphore, #tpu.memory_space<semaphore_mem>>)
    %dma_start3A_39 = arith.constant 0 : i32
    %dma_start3A_40 = arith.constant 5 : i32
    %dma_start3A_41 = tpu.memref_slice %arg11[%dma_start3A_40] : memref<6x!tpu.dma_semaphore, #tpu.memory_space<semaphore_mem>> -> memref<1x!tpu.dma_semaphore, #tpu.memory_space<semaphore_mem>>
    %dma_start3A_42 = tpu.memref_squeeze %dma_start3A_41 : memref<1x!tpu.dma_semaphore, #tpu.memory_space<semaphore_mem>> -> memref<!tpu.dma_semaphore, #tpu.memory_space<semaphore_mem>>
    %dma_start3A_43 = arith.constant 20480 : i32
    %dma_start3A_44 = arith.constant 0 : i32
    %dma_start3A_45 = tpu.memref_slice %arg0[%dma_start3A_39, %dma_start3A_43, %dma_start3A_44] : memref<2x100000x64xf32, #tpu.memory_space<hbm>> -> memref<1x4096x64xf32, #tpu.memory_space<hbm>>
    %dma_start3A_46 = tpu.memref_squeeze %dma_start3A_45 : memref<1x4096x64xf32, #tpu.memory_space<hbm>> -> memref<4096x64xf32, #tpu.memory_space<hbm>>
    tpu.enqueue_dma source(%dma_start3A_46 : memref<4096x64xf32, #tpu.memory_space<hbm>>) target(%arg8 : memref<4096x64xf32, #tpu.memory_space<vmem>>) target_semaphore(%dma_start3A_42 : memref<!tpu.dma_semaphore, #tpu.memory_space<semaphore_mem>>) {priority = 1 : i32}
    %scan3A = arith.constant 0 : i32
    %scan3A_47 = arith.constant 8 : i32
    %scan3A_48 = arith.addi %scan3A, %scan3A_47 : i32
    %scan3A_49 = arith.constant 1 : i32
    scf.for %scan3A_89 = %scan3A to %scan3A_48 step %scan3A_49  : i32 {
      %mul3A = arith.constant 6 : i32
      %mul3A_90 = arith.muli %scan3A_89, %mul3A : i32
      %add3A = arith.constant 0 : i32
      %add3A_91 = arith.addi %mul3A_90, %add3A : i32
      %jit3A = arith.constant 24 : i32
      %div3A = arith.divsi %add3A_91, %jit3A : i32
      %sign3A = arith.constant 0 : i32
      %sign3A_92 = arith.cmpi sgt, %add3A_91, %sign3A : i32
      %sign3A_93 = arith.extui %sign3A_92 : i1 to i32
      %sign3A_94 = arith.constant 0 : i32
      %sign3A_95 = arith.cmpi slt, %add3A_91, %sign3A_94 : i32
      %sign3A_96 = arith.extui %sign3A_95 : i1 to i32
      %sign3A_97 = arith.subi %sign3A_93, %sign3A_96 : i32
      %sign3A_98 = arith.constant 0 : i32
      %sign3A_99 = arith.cmpi sgt, %jit3A, %sign3A_98 : i32
      %sign3A_100 = arith.extui %sign3A_99 : i1 to i32
      %sign3A_101 = arith.constant 0 : i32
      %sign3A_102 = arith.cmpi slt, %jit3A, %sign3A_101 : i32
      %sign3A_103 = arith.extui %sign3A_102 : i1 to i32
      %sign3A_104 = arith.subi %sign3A_100, %sign3A_103 : i32
      %ne3A = arith.cmpi ne, %sign3A_97, %sign3A_104 : i32
      %rem3A = arith.remsi %add3A_91, %jit3A : i32
      %ne3A_105 = arith.constant 0 : i32
      %ne3A_106 = arith.cmpi ne, %rem3A, %ne3A_105 : i32
      %and3A = arith.andi %ne3A, %ne3A_106 : i1
      %sub3A = arith.constant 1 : i32
      %sub3A_107 = arith.subi %div3A, %sub3A : i32
      %select_n3A = arith.select %and3A, %sub3A_107, %div3A : i32
      %jit3A_108 = arith.constant 24 : i32
      %eq3A = arith.constant 0 : i32
      %eq3A_109 = arith.cmpi eq, %jit3A_108, %eq3A : i32
      %jit3A_110 = arith.constant 1 : i32
      %select_n3A_111 = arith.select %eq3A_109, %jit3A_110, %jit3A_108 : i32
      %rem3A_112 = arith.remsi %add3A_91, %select_n3A_111 : i32
      %ne3A_113 = arith.constant 0 : i32
      %ne3A_114 = arith.cmpi ne, %rem3A_112, %ne3A_113 : i32
      %lt3A = arith.constant 0 : i32
      %lt3A_115 = arith.cmpi slt, %rem3A_112, %lt3A : i32
      %lt3A_116 = arith.constant 0 : i32
      %lt3A_117 = arith.cmpi slt, %select_n3A_111, %lt3A_116 : i32
      %ne3A_118 = arith.xori %lt3A_115, %lt3A_117 : i1
      %and3A_119 = arith.andi %ne3A_118, %ne3A_114 : i1
      %add3A_120 = arith.addi %rem3A_112, %select_n3A_111 : i32
      %select_n3A_121 = arith.select %and3A_119, %add3A_120, %rem3A_112 : i32
      %mul3A_122 = arith.constant 4096 : i32
      %mul3A_123 = arith.muli %select_n3A_121, %mul3A_122 : i32
      %dma_wait3A_124 = arith.constant 0 : i32
      %dma_wait3A_125 = tpu.memref_slice %arg11[%dma_wait3A_124] : memref<6x!tpu.dma_semaphore, #tpu.memory_space<semaphore_mem>> -> memref<1x!tpu.dma_semaphore, #tpu.memory_space<semaphore_mem>>
      %dma_wait3A_126 = tpu.memref_squeeze %dma_wait3A_125 : memref<1x!tpu.dma_semaphore, #tpu.memory_space<semaphore_mem>> -> memref<!tpu.dma_semaphore, #tpu.memory_space<semaphore_mem>>
      %dma_wait3A_127 = arith.constant 0 : i32
      %dma_wait3A_128 = tpu.memref_slice %arg0[%select_n3A, %mul3A_123, %dma_wait3A_127] : memref<2x100000x64xf32, #tpu.memory_space<hbm>> -> memref<1x4096x64xf32, #tpu.memory_space<hbm>>
      %dma_wait3A_129 = tpu.memref_squeeze %dma_wait3A_128 : memref<1x4096x64xf32, #tpu.memory_space<hbm>> -> memref<4096x64xf32, #tpu.memory_space<hbm>>
      tpu.wait_dma2 semaphore(%dma_wait3A_126 : memref<!tpu.dma_semaphore, #tpu.memory_space<semaphore_mem>>) src(%dma_wait3A_129 : memref<4096x64xf32, #tpu.memory_space<hbm>>) dst(%arg3 : memref<4096x64xf32, #tpu.memory_space<vmem>>)
      %jit3A_130 = arith.constant 24 : i32
      %div3A_131 = arith.divsi %add3A_91, %jit3A_130 : i32
      %sign3A_132 = arith.constant 0 : i32
      %sign3A_133 = arith.cmpi sgt, %add3A_91, %sign3A_132 : i32
      %sign3A_134 = arith.extui %sign3A_133 : i1 to i32
      %sign3A_135 = arith.constant 0 : i32
      %sign3A_136 = arith.cmpi slt, %add3A_91, %sign3A_135 : i32
      %sign3A_137 = arith.extui %sign3A_136 : i1 to i32
      %sign3A_138 = arith.subi %sign3A_134, %sign3A_137 : i32
      %sign3A_139 = arith.constant 0 : i32
      %sign3A_140 = arith.cmpi sgt, %jit3A_130, %sign3A_139 : i32
      %sign3A_141 = arith.extui %sign3A_140 : i1 to i32
      %sign3A_142 = arith.constant 0 : i32
      %sign3A_143 = arith.cmpi slt, %jit3A_130, %sign3A_142 : i32
      %sign3A_144 = arith.extui %sign3A_143 : i1 to i32
      %sign3A_145 = arith.subi %sign3A_141, %sign3A_144 : i32
      %ne3A_146 = arith.cmpi ne, %sign3A_138, %sign3A_145 : i32
      %rem3A_147 = arith.remsi %add3A_91, %jit3A_130 : i32
      %ne3A_148 = arith.constant 0 : i32
      %ne3A_149 = arith.cmpi ne, %rem3A_147, %ne3A_148 : i32
      %and3A_150 = arith.andi %ne3A_146, %ne3A_149 : i1
      %sub3A_151 = arith.constant 1 : i32
      %sub3A_152 = arith.subi %div3A_131, %sub3A_151 : i32
      %select_n3A_153 = arith.select %and3A_150, %sub3A_152, %div3A_131 : i32
      %jit3A_154 = arith.constant 24 : i32
      %eq3A_155 = arith.constant 0 : i32
      %eq3A_156 = arith.cmpi eq, %jit3A_154, %eq3A_155 : i32
      %jit3A_157 = arith.constant 1 : i32
      %select_n3A_158 = arith.select %eq3A_156, %jit3A_157, %jit3A_154 : i32
      %rem3A_159 = arith.remsi %add3A_91, %select_n3A_158 : i32
      %ne3A_160 = arith.constant 0 : i32
      %ne3A_161 = arith.cmpi ne, %rem3A_159, %ne3A_160 : i32
      %lt3A_162 = arith.constant 0 : i32
      %lt3A_163 = arith.cmpi slt, %rem3A_159, %lt3A_162 : i32
      %lt3A_164 = arith.constant 0 : i32
      %lt3A_165 = arith.cmpi slt, %select_n3A_158, %lt3A_164 : i32
      %ne3A_166 = arith.xori %lt3A_163, %lt3A_165 : i1
      %and3A_167 = arith.andi %ne3A_166, %ne3A_161 : i1
      %add3A_168 = arith.addi %rem3A_159, %select_n3A_158 : i32
      %select_n3A_169 = arith.select %and3A_167, %add3A_168, %rem3A_159 : i32
      %get3A_170 = arith.constant 0 : index
      %get3A_171 = arith.constant 0 : index
      %get3A_172 = vector.load %arg3[%get3A_170, %get3A_171] : memref<4096x64xf32, #tpu.memory_space<vmem>>, vector<4096x64xf32>
      %get3A_173 = arith.index_cast %select_n3A_153 : i32 to index
      %get3A_174 = arith.constant 0 : index
      %get3A_175 = vector.load %arg1[%get3A_173, %get3A_174] : memref<2x64xf32, #tpu.memory_space<vmem>>, vector<1x64xf32>
      %dot_general3A_176 = arith.constant dense<0.000000e+00> : vector<1x4096xf32>
      %dot_general3A_177 = tpu.matmul %get3A_175, %get3A_172, %dot_general3A_176 {dimension_numbers = #tpu.dot_dimension_numbers<[1], [1], [0], [0], [0, 0, 1, 0], [], []>, transpose_lhs_hint = false} : vector<1x64xf32>, vector<4096x64xf32>, vector<1x4096xf32> -> vector<1x4096xf32>
      %mul3A_178 = arith.constant 4096 : i32
      %mul3A_179 = arith.muli %select_n3A_169, %mul3A_178 : i32
      %swap3A_180 = arith.index_cast %select_n3A_153 : i32 to index
      %swap3A_181 = arith.index_cast %mul3A_179 : i32 to index
      %swap3A_182 = vector.load %arg2[%swap3A_180, %swap3A_181] : memref<2x102400xf32, #tpu.memory_space<vmem>>, vector<1x4096xf32>
      tpu.vector_store %arg2[%swap3A_180, %swap3A_181], %dot_general3A_177 {strides = array<i32>} : memref<2x102400xf32, #tpu.memory_space<vmem>>, vector<1x4096xf32>,
      %add3A_183 = arith.constant 6 : i32
      %add3A_184 = arith.addi %add3A_91, %add3A_183 : i32
      %lt3A_185 = arith.constant 48 : i32
      %lt3A_186 = arith.cmpi slt, %add3A_184, %lt3A_185 : i32
      %convert_element_type3A = arith.extui %lt3A_186 : i1 to i32
      %cond3A = arith.constant 0 : i32
      %cond3A_187 = arith.cmpi ne, %convert_element_type3A, %cond3A : i32
      scf.if %cond3A_187 {
        %jit3A_738 = arith.constant 24 : i32
        %div3A_739 = arith.divsi %add3A_184, %jit3A_738 : i32
        %sign3A_740 = arith.constant 0 : i32
        %sign3A_741 = arith.cmpi sgt, %add3A_184, %sign3A_740 : i32
        %sign3A_742 = arith.extui %sign3A_741 : i1 to i32
        %sign3A_743 = arith.constant 0 : i32
        %sign3A_744 = arith.cmpi slt, %add3A_184, %sign3A_743 : i32
        %sign3A_745 = arith.extui %sign3A_744 : i1 to i32
        %sign3A_746 = arith.subi %sign3A_742, %sign3A_745 : i32
        %sign3A_747 = arith.constant 0 : i32
        %sign3A_748 = arith.cmpi sgt, %jit3A_738, %sign3A_747 : i32
        %sign3A_749 = arith.extui %sign3A_748 : i1 to i32
        %sign3A_750 = arith.constant 0 : i32
        %sign3A_751 = arith.cmpi slt, %jit3A_738, %sign3A_750 : i32
        %sign3A_752 = arith.extui %sign3A_751 : i1 to i32
        %sign3A_753 = arith.subi %sign3A_749, %sign3A_752 : i32
        %ne3A_754 = arith.cmpi ne, %sign3A_746, %sign3A_753 : i32
        %rem3A_755 = arith.remsi %add3A_184, %jit3A_738 : i32
        %ne3A_756 = arith.constant 0 : i32
        %ne3A_757 = arith.cmpi ne, %rem3A_755, %ne3A_756 : i32
        %and3A_758 = arith.andi %ne3A_754, %ne3A_757 : i1
        %sub3A_759 = arith.constant 1 : i32
        %sub3A_760 = arith.subi %div3A_739, %sub3A_759 : i32
        %select_n3A_761 = arith.select %and3A_758, %sub3A_760, %div3A_739 : i32
        %jit3A_762 = arith.constant 24 : i32
        %eq3A_763 = arith.constant 0 : i32
        %eq3A_764 = arith.cmpi eq, %jit3A_762, %eq3A_763 : i32
        %jit3A_765 = arith.constant 1 : i32
        %select_n3A_766 = arith.select %eq3A_764, %jit3A_765, %jit3A_762 : i32
        %rem3A_767 = arith.remsi %add3A_184, %select_n3A_766 : i32
        %ne3A_768 = arith.constant 0 : i32
        %ne3A_769 = arith.cmpi ne, %rem3A_767, %ne3A_768 : i32
        %lt3A_770 = arith.constant 0 : i32
        %lt3A_771 = arith.cmpi slt, %rem3A_767, %lt3A_770 : i32
        %lt3A_772 = arith.constant 0 : i32
        %lt3A_773 = arith.cmpi slt, %select_n3A_766, %lt3A_772 : i32
        %ne3A_774 = arith.xori %lt3A_771, %lt3A_773 : i1
        %and3A_775 = arith.andi %ne3A_774, %ne3A_769 : i1
        %add3A_776 = arith.addi %rem3A_767, %select_n3A_766 : i32
        %select_n3A_777 = arith.select %and3A_775, %add3A_776, %rem3A_767 : i32
        %mul3A_778 = arith.constant 4096 : i32
        %mul3A_779 = arith.muli %select_n3A_777, %mul3A_778 : i32
        %dma_start3A_780 = arith.constant 0 : i32
        %dma_start3A_781 = tpu.memref_slice %arg11[%dma_start3A_780] : memref<6x!tpu.dma_semaphore, #tpu.memory_space<semaphore_mem>> -> memref<1x!tpu.dma_semaphore, #tpu.memory_space<semaphore_mem>>
        %dma_start3A_782 = tpu.memref_squeeze %dma_start3A_781 : memref<1x!tpu.dma_semaphore, #tpu.memory_space<semaphore_mem>> -> memref<!tpu.dma_semaphore, #tpu.memory_space<semaphore_mem>>
        %dma_start3A_783 = arith.constant 0 : i32
        %dma_start3A_784 = tpu.memref_slice %arg0[%select_n3A_761, %mul3A_779, %dma_start3A_783] : memref<2x100000x64xf32, #tpu.memory_space<hbm>> -> memref<1x4096x64xf32, #tpu.memory_space<hbm>>
        %dma_start3A_785 = tpu.memref_squeeze %dma_start3A_784 : memref<1x4096x64xf32, #tpu.memory_space<hbm>> -> memref<4096x64xf32, #tpu.memory_space<hbm>>
        tpu.enqueue_dma source(%dma_start3A_785 : memref<4096x64xf32, #tpu.memory_space<hbm>>) target(%arg3 : memref<4096x64xf32, #tpu.memory_space<vmem>>) target_semaphore(%dma_start3A_782 : memref<!tpu.dma_semaphore, #tpu.memory_space<semaphore_mem>>)
      } else {
      }
      %add3A_188 = arith.constant 1 : i32
      %add3A_189 = arith.addi %mul3A_90, %add3A_188 : i32
      %jit3A_190 = arith.constant 24 : i32
      %div3A_191 = arith.divsi %add3A_189, %jit3A_190 : i32
      %sign3A_192 = arith.constant 0 : i32
      %sign3A_193 = arith.cmpi sgt, %add3A_189, %sign3A_192 : i32
      %sign3A_194 = arith.extui %sign3A_193 : i1 to i32
      %sign3A_195 = arith.constant 0 : i32
      %sign3A_196 = arith.cmpi slt, %add3A_189, %sign3A_195 : i32
      %sign3A_197 = arith.extui %sign3A_196 : i1 to i32
      %sign3A_198 = arith.subi %sign3A_194, %sign3A_197 : i32
      %sign3A_199 = arith.constant 0 : i32
      %sign3A_200 = arith.cmpi sgt, %jit3A_190, %sign3A_199 : i32
      %sign3A_201 = arith.extui %sign3A_200 : i1 to i32
      %sign3A_202 = arith.constant 0 : i32
      %sign3A_203 = arith.cmpi slt, %jit3A_190, %sign3A_202 : i32
      %sign3A_204 = arith.extui %sign3A_203 : i1 to i32
      %sign3A_205 = arith.subi %sign3A_201, %sign3A_204 : i32
      %ne3A_206 = arith.cmpi ne, %sign3A_198, %sign3A_205 : i32
      %rem3A_207 = arith.remsi %add3A_189, %jit3A_190 : i32
      %ne3A_208 = arith.constant 0 : i32
      %ne3A_209 = arith.cmpi ne, %rem3A_207, %ne3A_208 : i32
      %and3A_210 = arith.andi %ne3A_206, %ne3A_209 : i1
      %sub3A_211 = arith.constant 1 : i32
      %sub3A_212 = arith.subi %div3A_191, %sub3A_211 : i32
      %select_n3A_213 = arith.select %and3A_210, %sub3A_212, %div3A_191 : i32
      %jit3A_214 = arith.constant 24 : i32
      %eq3A_215 = arith.constant 0 : i32
      %eq3A_216 = arith.cmpi eq, %jit3A_214, %eq3A_215 : i32
      %jit3A_217 = arith.constant 1 : i32
      %select_n3A_218 = arith.select %eq3A_216, %jit3A_217, %jit3A_214 : i32
      %rem3A_219 = arith.remsi %add3A_189, %select_n3A_218 : i32
      %ne3A_220 = arith.constant 0 : i32
      %ne3A_221 = arith.cmpi ne, %rem3A_219, %ne3A_220 : i32
      %lt3A_222 = arith.constant 0 : i32
      %lt3A_223 = arith.cmpi slt, %rem3A_219, %lt3A_222 : i32
      %lt3A_224 = arith.constant 0 : i32
      %lt3A_225 = arith.cmpi slt, %select_n3A_218, %lt3A_224 : i32
      %ne3A_226 = arith.xori %lt3A_223, %lt3A_225 : i1
      %and3A_227 = arith.andi %ne3A_226, %ne3A_221 : i1
      %add3A_228 = arith.addi %rem3A_219, %select_n3A_218 : i32
      %select_n3A_229 = arith.select %and3A_227, %add3A_228, %rem3A_219 : i32
      %mul3A_230 = arith.constant 4096 : i32
      %mul3A_231 = arith.muli %select_n3A_229, %mul3A_230 : i32
      %dma_wait3A_232 = arith.constant 1 : i32
      %dma_wait3A_233 = tpu.memref_slice %arg11[%dma_wait3A_232] : memref<6x!tpu.dma_semaphore, #tpu.memory_space<semaphore_mem>> -> memref<1x!tpu.dma_semaphore, #tpu.memory_space<semaphore_mem>>
      %dma_wait3A_234 = tpu.memref_squeeze %dma_wait3A_233 : memref<1x!tpu.dma_semaphore, #tpu.memory_space<semaphore_mem>> -> memref<!tpu.dma_semaphore, #tpu.memory_space<semaphore_mem>>
      %dma_wait3A_235 = arith.constant 0 : i32
      %dma_wait3A_236 = tpu.memref_slice %arg0[%select_n3A_213, %mul3A_231, %dma_wait3A_235] : memref<2x100000x64xf32, #tpu.memory_space<hbm>> -> memref<1x4096x64xf32, #tpu.memory_space<hbm>>
      %dma_wait3A_237 = tpu.memref_squeeze %dma_wait3A_236 : memref<1x4096x64xf32, #tpu.memory_space<hbm>> -> memref<4096x64xf32, #tpu.memory_space<hbm>>
      tpu.wait_dma2 semaphore(%dma_wait3A_234 : memref<!tpu.dma_semaphore, #tpu.memory_space<semaphore_mem>>) src(%dma_wait3A_237 : memref<4096x64xf32, #tpu.memory_space<hbm>>) dst(%arg4 : memref<4096x64xf32, #tpu.memory_space<vmem>>)
      %jit3A_238 = arith.constant 24 : i32
      %div3A_239 = arith.divsi %add3A_189, %jit3A_238 : i32
      %sign3A_240 = arith.constant 0 : i32
      %sign3A_241 = arith.cmpi sgt, %add3A_189, %sign3A_240 : i32
      %sign3A_242 = arith.extui %sign3A_241 : i1 to i32
      %sign3A_243 = arith.constant 0 : i32
      %sign3A_244 = arith.cmpi slt, %add3A_189, %sign3A_243 : i32
      %sign3A_245 = arith.extui %sign3A_244 : i1 to i32
      %sign3A_246 = arith.subi %sign3A_242, %sign3A_245 : i32
      %sign3A_247 = arith.constant 0 : i32
      %sign3A_248 = arith.cmpi sgt, %jit3A_238, %sign3A_247 : i32
      %sign3A_249 = arith.extui %sign3A_248 : i1 to i32
      %sign3A_250 = arith.constant 0 : i32
      %sign3A_251 = arith.cmpi slt, %jit3A_238, %sign3A_250 : i32
      %sign3A_252 = arith.extui %sign3A_251 : i1 to i32
      %sign3A_253 = arith.subi %sign3A_249, %sign3A_252 : i32
      %ne3A_254 = arith.cmpi ne, %sign3A_246, %sign3A_253 : i32
      %rem3A_255 = arith.remsi %add3A_189, %jit3A_238 : i32
      %ne3A_256 = arith.constant 0 : i32
      %ne3A_257 = arith.cmpi ne, %rem3A_255, %ne3A_256 : i32
      %and3A_258 = arith.andi %ne3A_254, %ne3A_257 : i1
      %sub3A_259 = arith.constant 1 : i32
      %sub3A_260 = arith.subi %div3A_239, %sub3A_259 : i32
      %select_n3A_261 = arith.select %and3A_258, %sub3A_260, %div3A_239 : i32
      %jit3A_262 = arith.constant 24 : i32
      %eq3A_263 = arith.constant 0 : i32
      %eq3A_264 = arith.cmpi eq, %jit3A_262, %eq3A_263 : i32
      %jit3A_265 = arith.constant 1 : i32
      %select_n3A_266 = arith.select %eq3A_264, %jit3A_265, %jit3A_262 : i32
      %rem3A_267 = arith.remsi %add3A_189, %select_n3A_266 : i32
      %ne3A_268 = arith.constant 0 : i32
      %ne3A_269 = arith.cmpi ne, %rem3A_267, %ne3A_268 : i32
      %lt3A_270 = arith.constant 0 : i32
      %lt3A_271 = arith.cmpi slt, %rem3A_267, %lt3A_270 : i32
      %lt3A_272 = arith.constant 0 : i32
      %lt3A_273 = arith.cmpi slt, %select_n3A_266, %lt3A_272 : i32
      %ne3A_274 = arith.xori %lt3A_271, %lt3A_273 : i1
      %and3A_275 = arith.andi %ne3A_274, %ne3A_269 : i1
      %add3A_276 = arith.addi %rem3A_267, %select_n3A_266 : i32
      %select_n3A_277 = arith.select %and3A_275, %add3A_276, %rem3A_267 : i32
      %get3A_278 = arith.constant 0 : index
      %get3A_279 = arith.constant 0 : index
      %get3A_280 = vector.load %arg4[%get3A_278, %get3A_279] : memref<4096x64xf32, #tpu.memory_space<vmem>>, vector<4096x64xf32>
      %get3A_281 = arith.index_cast %select_n3A_261 : i32 to index
      %get3A_282 = arith.constant 0 : index
      %get3A_283 = vector.load %arg1[%get3A_281, %get3A_282] : memref<2x64xf32, #tpu.memory_space<vmem>>, vector<1x64xf32>
      %dot_general3A_284 = arith.constant dense<0.000000e+00> : vector<1x4096xf32>
      %dot_general3A_285 = tpu.matmul %get3A_283, %get3A_280, %dot_general3A_284 {dimension_numbers = #tpu.dot_dimension_numbers<[1], [1], [0], [0], [0, 0, 1, 0], [], []>, transpose_lhs_hint = false} : vector<1x64xf32>, vector<4096x64xf32>, vector<1x4096xf32> -> vector<1x4096xf32>
      %mul3A_286 = arith.constant 4096 : i32
      %mul3A_287 = arith.muli %select_n3A_277, %mul3A_286 : i32
      %swap3A_288 = arith.index_cast %select_n3A_261 : i32 to index
      %swap3A_289 = arith.index_cast %mul3A_287 : i32 to index
      %swap3A_290 = vector.load %arg2[%swap3A_288, %swap3A_289] : memref<2x102400xf32, #tpu.memory_space<vmem>>, vector<1x4096xf32>
      tpu.vector_store %arg2[%swap3A_288, %swap3A_289], %dot_general3A_285 {strides = array<i32>} : memref<2x102400xf32, #tpu.memory_space<vmem>>, vector<1x4096xf32>,
      %add3A_291 = arith.constant 6 : i32
      %add3A_292 = arith.addi %add3A_189, %add3A_291 : i32
      %lt3A_293 = arith.constant 48 : i32
      %lt3A_294 = arith.cmpi slt, %add3A_292, %lt3A_293 : i32
      %convert_element_type3A_295 = arith.extui %lt3A_294 : i1 to i32
      %cond3A_296 = arith.constant 0 : i32
      %cond3A_297 = arith.cmpi ne, %convert_element_type3A_295, %cond3A_296 : i32
      scf.if %cond3A_297 {
        %jit3A_738 = arith.constant 24 : i32
        %div3A_739 = arith.divsi %add3A_292, %jit3A_738 : i32
        %sign3A_740 = arith.constant 0 : i32
        %sign3A_741 = arith.cmpi sgt, %add3A_292, %sign3A_740 : i32
        %sign3A_742 = arith.extui %sign3A_741 : i1 to i32
        %sign3A_743 = arith.constant 0 : i32
        %sign3A_744 = arith.cmpi slt, %add3A_292, %sign3A_743 : i32
        %sign3A_745 = arith.extui %sign3A_744 : i1 to i32
        %sign3A_746 = arith.subi %sign3A_742, %sign3A_745 : i32
        %sign3A_747 = arith.constant 0 : i32
        %sign3A_748 = arith.cmpi sgt, %jit3A_738, %sign3A_747 : i32
        %sign3A_749 = arith.extui %sign3A_748 : i1 to i32
        %sign3A_750 = arith.constant 0 : i32
        %sign3A_751 = arith.cmpi slt, %jit3A_738, %sign3A_750 : i32
        %sign3A_752 = arith.extui %sign3A_751 : i1 to i32
        %sign3A_753 = arith.subi %sign3A_749, %sign3A_752 : i32
        %ne3A_754 = arith.cmpi ne, %sign3A_746, %sign3A_753 : i32
        %rem3A_755 = arith.remsi %add3A_292, %jit3A_738 : i32
        %ne3A_756 = arith.constant 0 : i32
        %ne3A_757 = arith.cmpi ne, %rem3A_755, %ne3A_756 : i32
        %and3A_758 = arith.andi %ne3A_754, %ne3A_757 : i1
        %sub3A_759 = arith.constant 1 : i32
        %sub3A_760 = arith.subi %div3A_739, %sub3A_759 : i32
        %select_n3A_761 = arith.select %and3A_758, %sub3A_760, %div3A_739 : i32
        %jit3A_762 = arith.constant 24 : i32
        %eq3A_763 = arith.constant 0 : i32
        %eq3A_764 = arith.cmpi eq, %jit3A_762, %eq3A_763 : i32
        %jit3A_765 = arith.constant 1 : i32
        %select_n3A_766 = arith.select %eq3A_764, %jit3A_765, %jit3A_762 : i32
        %rem3A_767 = arith.remsi %add3A_292, %select_n3A_766 : i32
        %ne3A_768 = arith.constant 0 : i32
        %ne3A_769 = arith.cmpi ne, %rem3A_767, %ne3A_768 : i32
        %lt3A_770 = arith.constant 0 : i32
        %lt3A_771 = arith.cmpi slt, %rem3A_767, %lt3A_770 : i32
        %lt3A_772 = arith.constant 0 : i32
        %lt3A_773 = arith.cmpi slt, %select_n3A_766, %lt3A_772 : i32
        %ne3A_774 = arith.xori %lt3A_771, %lt3A_773 : i1
        %and3A_775 = arith.andi %ne3A_774, %ne3A_769 : i1
        %add3A_776 = arith.addi %rem3A_767, %select_n3A_766 : i32
        %select_n3A_777 = arith.select %and3A_775, %add3A_776, %rem3A_767 : i32
        %mul3A_778 = arith.constant 4096 : i32
        %mul3A_779 = arith.muli %select_n3A_777, %mul3A_778 : i32
        %dma_start3A_780 = arith.constant 1 : i32
        %dma_start3A_781 = tpu.memref_slice %arg11[%dma_start3A_780] : memref<6x!tpu.dma_semaphore, #tpu.memory_space<semaphore_mem>> -> memref<1x!tpu.dma_semaphore, #tpu.memory_space<semaphore_mem>>
        %dma_start3A_782 = tpu.memref_squeeze %dma_start3A_781 : memref<1x!tpu.dma_semaphore, #tpu.memory_space<semaphore_mem>> -> memref<!tpu.dma_semaphore, #tpu.memory_space<semaphore_mem>>
        %dma_start3A_783 = arith.constant 0 : i32
        %dma_start3A_784 = tpu.memref_slice %arg0[%select_n3A_761, %mul3A_779, %dma_start3A_783] : memref<2x100000x64xf32, #tpu.memory_space<hbm>> -> memref<1x4096x64xf32, #tpu.memory_space<hbm>>
        %dma_start3A_785 = tpu.memref_squeeze %dma_start3A_784 : memref<1x4096x64xf32, #tpu.memory_space<hbm>> -> memref<4096x64xf32, #tpu.memory_space<hbm>>
        tpu.enqueue_dma source(%dma_start3A_785 : memref<4096x64xf32, #tpu.memory_space<hbm>>) target(%arg4 : memref<4096x64xf32, #tpu.memory_space<vmem>>) target_semaphore(%dma_start3A_782 : memref<!tpu.dma_semaphore, #tpu.memory_space<semaphore_mem>>) {priority = 1 : i32}
      } else {
      }
      %add3A_298 = arith.constant 2 : i32
      %add3A_299 = arith.addi %mul3A_90, %add3A_298 : i32
      %jit3A_300 = arith.constant 24 : i32
      %div3A_301 = arith.divsi %add3A_299, %jit3A_300 : i32
      %sign3A_302 = arith.constant 0 : i32
      %sign3A_303 = arith.cmpi sgt, %add3A_299, %sign3A_302 : i32
      %sign3A_304 = arith.extui %sign3A_303 : i1 to i32
      %sign3A_305 = arith.constant 0 : i32
      %sign3A_306 = arith.cmpi slt, %add3A_299, %sign3A_305 : i32
      %sign3A_307 = arith.extui %sign3A_306 : i1 to i32
      %sign3A_308 = arith.subi %sign3A_304, %sign3A_307 : i32
      %sign3A_309 = arith.constant 0 : i32
      %sign3A_310 = arith.cmpi sgt, %jit3A_300, %sign3A_309 : i32
      %sign3A_311 = arith.extui %sign3A_310 : i1 to i32
      %sign3A_312 = arith.constant 0 : i32
      %sign3A_313 = arith.cmpi slt, %jit3A_300, %sign3A_312 : i32
      %sign3A_314 = arith.extui %sign3A_313 : i1 to i32
      %sign3A_315 = arith.subi %sign3A_311, %sign3A_314 : i32
      %ne3A_316 = arith.cmpi ne, %sign3A_308, %sign3A_315 : i32
      %rem3A_317 = arith.remsi %add3A_299, %jit3A_300 : i32
      %ne3A_318 = arith.constant 0 : i32
      %ne3A_319 = arith.cmpi ne, %rem3A_317, %ne3A_318 : i32
      %and3A_320 = arith.andi %ne3A_316, %ne3A_319 : i1
      %sub3A_321 = arith.constant 1 : i32
      %sub3A_322 = arith.subi %div3A_301, %sub3A_321 : i32
      %select_n3A_323 = arith.select %and3A_320, %sub3A_322, %div3A_301 : i32
      %jit3A_324 = arith.constant 24 : i32
      %eq3A_325 = arith.constant 0 : i32
      %eq3A_326 = arith.cmpi eq, %jit3A_324, %eq3A_325 : i32
      %jit3A_327 = arith.constant 1 : i32
      %select_n3A_328 = arith.select %eq3A_326, %jit3A_327, %jit3A_324 : i32
      %rem3A_329 = arith.remsi %add3A_299, %select_n3A_328 : i32
      %ne3A_330 = arith.constant 0 : i32
      %ne3A_331 = arith.cmpi ne, %rem3A_329, %ne3A_330 : i32
      %lt3A_332 = arith.constant 0 : i32
      %lt3A_333 = arith.cmpi slt, %rem3A_329, %lt3A_332 : i32
      %lt3A_334 = arith.constant 0 : i32
      %lt3A_335 = arith.cmpi slt, %select_n3A_328, %lt3A_334 : i32
      %ne3A_336 = arith.xori %lt3A_333, %lt3A_335 : i1
      %and3A_337 = arith.andi %ne3A_336, %ne3A_331 : i1
      %add3A_338 = arith.addi %rem3A_329, %select_n3A_328 : i32
      %select_n3A_339 = arith.select %and3A_337, %add3A_338, %rem3A_329 : i32
      %mul3A_340 = arith.constant 4096 : i32
      %mul3A_341 = arith.muli %select_n3A_339, %mul3A_340 : i32
      %dma_wait3A_342 = arith.constant 2 : i32
      %dma_wait3A_343 = tpu.memref_slice %arg11[%dma_wait3A_342] : memref<6x!tpu.dma_semaphore, #tpu.memory_space<semaphore_mem>> -> memref<1x!tpu.dma_semaphore, #tpu.memory_space<semaphore_mem>>
      %dma_wait3A_344 = tpu.memref_squeeze %dma_wait3A_343 : memref<1x!tpu.dma_semaphore, #tpu.memory_space<semaphore_mem>> -> memref<!tpu.dma_semaphore, #tpu.memory_space<semaphore_mem>>
      %dma_wait3A_345 = arith.constant 0 : i32
      %dma_wait3A_346 = tpu.memref_slice %arg0[%select_n3A_323, %mul3A_341, %dma_wait3A_345] : memref<2x100000x64xf32, #tpu.memory_space<hbm>> -> memref<1x4096x64xf32, #tpu.memory_space<hbm>>
      %dma_wait3A_347 = tpu.memref_squeeze %dma_wait3A_346 : memref<1x4096x64xf32, #tpu.memory_space<hbm>> -> memref<4096x64xf32, #tpu.memory_space<hbm>>
      tpu.wait_dma2 semaphore(%dma_wait3A_344 : memref<!tpu.dma_semaphore, #tpu.memory_space<semaphore_mem>>) src(%dma_wait3A_347 : memref<4096x64xf32, #tpu.memory_space<hbm>>) dst(%arg5 : memref<4096x64xf32, #tpu.memory_space<vmem>>)
      %jit3A_348 = arith.constant 24 : i32
      %div3A_349 = arith.divsi %add3A_299, %jit3A_348 : i32
      %sign3A_350 = arith.constant 0 : i32
      %sign3A_351 = arith.cmpi sgt, %add3A_299, %sign3A_350 : i32
      %sign3A_352 = arith.extui %sign3A_351 : i1 to i32
      %sign3A_353 = arith.constant 0 : i32
      %sign3A_354 = arith.cmpi slt, %add3A_299, %sign3A_353 : i32
      %sign3A_355 = arith.extui %sign3A_354 : i1 to i32
      %sign3A_356 = arith.subi %sign3A_352, %sign3A_355 : i32
      %sign3A_357 = arith.constant 0 : i32
      %sign3A_358 = arith.cmpi sgt, %jit3A_348, %sign3A_357 : i32
      %sign3A_359 = arith.extui %sign3A_358 : i1 to i32
      %sign3A_360 = arith.constant 0 : i32
      %sign3A_361 = arith.cmpi slt, %jit3A_348, %sign3A_360 : i32
      %sign3A_362 = arith.extui %sign3A_361 : i1 to i32
      %sign3A_363 = arith.subi %sign3A_359, %sign3A_362 : i32
      %ne3A_364 = arith.cmpi ne, %sign3A_356, %sign3A_363 : i32
      %rem3A_365 = arith.remsi %add3A_299, %jit3A_348 : i32
      %ne3A_366 = arith.constant 0 : i32
      %ne3A_367 = arith.cmpi ne, %rem3A_365, %ne3A_366 : i32
      %and3A_368 = arith.andi %ne3A_364, %ne3A_367 : i1
      %sub3A_369 = arith.constant 1 : i32
      %sub3A_370 = arith.subi %div3A_349, %sub3A_369 : i32
      %select_n3A_371 = arith.select %and3A_368, %sub3A_370, %div3A_349 : i32
      %jit3A_372 = arith.constant 24 : i32
      %eq3A_373 = arith.constant 0 : i32
      %eq3A_374 = arith.cmpi eq, %jit3A_372, %eq3A_373 : i32
      %jit3A_375 = arith.constant 1 : i32
      %select_n3A_376 = arith.select %eq3A_374, %jit3A_375, %jit3A_372 : i32
      %rem3A_377 = arith.remsi %add3A_299, %select_n3A_376 : i32
      %ne3A_378 = arith.constant 0 : i32
      %ne3A_379 = arith.cmpi ne, %rem3A_377, %ne3A_378 : i32
      %lt3A_380 = arith.constant 0 : i32
      %lt3A_381 = arith.cmpi slt, %rem3A_377, %lt3A_380 : i32
      %lt3A_382 = arith.constant 0 : i32
      %lt3A_383 = arith.cmpi slt, %select_n3A_376, %lt3A_382 : i32
      %ne3A_384 = arith.xori %lt3A_381, %lt3A_383 : i1
      %and3A_385 = arith.andi %ne3A_384, %ne3A_379 : i1
      %add3A_386 = arith.addi %rem3A_377, %select_n3A_376 : i32
      %select_n3A_387 = arith.select %and3A_385, %add3A_386, %rem3A_377 : i32
      %get3A_388 = arith.constant 0 : index
      %get3A_389 = arith.constant 0 : index
      %get3A_390 = vector.load %arg5[%get3A_388, %get3A_389] : memref<4096x64xf32, #tpu.memory_space<vmem>>, vector<4096x64xf32>
      %get3A_391 = arith.index_cast %select_n3A_371 : i32 to index
      %get3A_392 = arith.constant 0 : index
      %get3A_393 = vector.load %arg1[%get3A_391, %get3A_392] : memref<2x64xf32, #tpu.memory_space<vmem>>, vector<1x64xf32>
      %dot_general3A_394 = arith.constant dense<0.000000e+00> : vector<1x4096xf32>
      %dot_general3A_395 = tpu.matmul %get3A_393, %get3A_390, %dot_general3A_394 {dimension_numbers = #tpu.dot_dimension_numbers<[1], [1], [0], [0], [0, 0, 1, 0], [], []>, transpose_lhs_hint = false} : vector<1x64xf32>, vector<4096x64xf32>, vector<1x4096xf32> -> vector<1x4096xf32>
      %mul3A_396 = arith.constant 4096 : i32
      %mul3A_397 = arith.muli %select_n3A_387, %mul3A_396 : i32
      %swap3A_398 = arith.index_cast %select_n3A_371 : i32 to index
      %swap3A_399 = arith.index_cast %mul3A_397 : i32 to index
      %swap3A_400 = vector.load %arg2[%swap3A_398, %swap3A_399] : memref<2x102400xf32, #tpu.memory_space<vmem>>, vector<1x4096xf32>
      tpu.vector_store %arg2[%swap3A_398, %swap3A_399], %dot_general3A_395 {strides = array<i32>} : memref<2x102400xf32, #tpu.memory_space<vmem>>, vector<1x4096xf32>,
      %add3A_401 = arith.constant 6 : i32
      %add3A_402 = arith.addi %add3A_299, %add3A_401 : i32
      %lt3A_403 = arith.constant 48 : i32
      %lt3A_404 = arith.cmpi slt, %add3A_402, %lt3A_403 : i32
      %convert_element_type3A_405 = arith.extui %lt3A_404 : i1 to i32
      %cond3A_406 = arith.constant 0 : i32
      %cond3A_407 = arith.cmpi ne, %convert_element_type3A_405, %cond3A_406 : i32
      scf.if %cond3A_407 {
        %jit3A_738 = arith.constant 24 : i32
        %div3A_739 = arith.divsi %add3A_402, %jit3A_738 : i32
        %sign3A_740 = arith.constant 0 : i32
        %sign3A_741 = arith.cmpi sgt, %add3A_402, %sign3A_740 : i32
        %sign3A_742 = arith.extui %sign3A_741 : i1 to i32
        %sign3A_743 = arith.constant 0 : i32
        %sign3A_744 = arith.cmpi slt, %add3A_402, %sign3A_743 : i32
        %sign3A_745 = arith.extui %sign3A_744 : i1 to i32
        %sign3A_746 = arith.subi %sign3A_742, %sign3A_745 : i32
        %sign3A_747 = arith.constant 0 : i32
        %sign3A_748 = arith.cmpi sgt, %jit3A_738, %sign3A_747 : i32
        %sign3A_749 = arith.extui %sign3A_748 : i1 to i32
        %sign3A_750 = arith.constant 0 : i32
        %sign3A_751 = arith.cmpi slt, %jit3A_738, %sign3A_750 : i32
        %sign3A_752 = arith.extui %sign3A_751 : i1 to i32
        %sign3A_753 = arith.subi %sign3A_749, %sign3A_752 : i32
        %ne3A_754 = arith.cmpi ne, %sign3A_746, %sign3A_753 : i32
        %rem3A_755 = arith.remsi %add3A_402, %jit3A_738 : i32
        %ne3A_756 = arith.constant 0 : i32
        %ne3A_757 = arith.cmpi ne, %rem3A_755, %ne3A_756 : i32
        %and3A_758 = arith.andi %ne3A_754, %ne3A_757 : i1
        %sub3A_759 = arith.constant 1 : i32
        %sub3A_760 = arith.subi %div3A_739, %sub3A_759 : i32
        %select_n3A_761 = arith.select %and3A_758, %sub3A_760, %div3A_739 : i32
        %jit3A_762 = arith.constant 24 : i32
        %eq3A_763 = arith.constant 0 : i32
        %eq3A_764 = arith.cmpi eq, %jit3A_762, %eq3A_763 : i32
        %jit3A_765 = arith.constant 1 : i32
        %select_n3A_766 = arith.select %eq3A_764, %jit3A_765, %jit3A_762 : i32
        %rem3A_767 = arith.remsi %add3A_402, %select_n3A_766 : i32
        %ne3A_768 = arith.constant 0 : i32
        %ne3A_769 = arith.cmpi ne, %rem3A_767, %ne3A_768 : i32
        %lt3A_770 = arith.constant 0 : i32
        %lt3A_771 = arith.cmpi slt, %rem3A_767, %lt3A_770 : i32
        %lt3A_772 = arith.constant 0 : i32
        %lt3A_773 = arith.cmpi slt, %select_n3A_766, %lt3A_772 : i32
        %ne3A_774 = arith.xori %lt3A_771, %lt3A_773 : i1
        %and3A_775 = arith.andi %ne3A_774, %ne3A_769 : i1
        %add3A_776 = arith.addi %rem3A_767, %select_n3A_766 : i32
        %select_n3A_777 = arith.select %and3A_775, %add3A_776, %rem3A_767 : i32
        %mul3A_778 = arith.constant 4096 : i32
        %mul3A_779 = arith.muli %select_n3A_777, %mul3A_778 : i32
        %dma_start3A_780 = arith.constant 2 : i32
        %dma_start3A_781 = tpu.memref_slice %arg11[%dma_start3A_780] : memref<6x!tpu.dma_semaphore, #tpu.memory_space<semaphore_mem>> -> memref<1x!tpu.dma_semaphore, #tpu.memory_space<semaphore_mem>>
        %dma_start3A_782 = tpu.memref_squeeze %dma_start3A_781 : memref<1x!tpu.dma_semaphore, #tpu.memory_space<semaphore_mem>> -> memref<!tpu.dma_semaphore, #tpu.memory_space<semaphore_mem>>
        %dma_start3A_783 = arith.constant 0 : i32
        %dma_start3A_784 = tpu.memref_slice %arg0[%select_n3A_761, %mul3A_779, %dma_start3A_783] : memref<2x100000x64xf32, #tpu.memory_space<hbm>> -> memref<1x4096x64xf32, #tpu.memory_space<hbm>>
        %dma_start3A_785 = tpu.memref_squeeze %dma_start3A_784 : memref<1x4096x64xf32, #tpu.memory_space<hbm>> -> memref<4096x64xf32, #tpu.memory_space<hbm>>
        tpu.enqueue_dma source(%dma_start3A_785 : memref<4096x64xf32, #tpu.memory_space<hbm>>) target(%arg5 : memref<4096x64xf32, #tpu.memory_space<vmem>>) target_semaphore(%dma_start3A_782 : memref<!tpu.dma_semaphore, #tpu.memory_space<semaphore_mem>>)
      } else {
      }
      %add3A_408 = arith.constant 3 : i32
      %add3A_409 = arith.addi %mul3A_90, %add3A_408 : i32
      %jit3A_410 = arith.constant 24 : i32
      %div3A_411 = arith.divsi %add3A_409, %jit3A_410 : i32
      %sign3A_412 = arith.constant 0 : i32
      %sign3A_413 = arith.cmpi sgt, %add3A_409, %sign3A_412 : i32
      %sign3A_414 = arith.extui %sign3A_413 : i1 to i32
      %sign3A_415 = arith.constant 0 : i32
      %sign3A_416 = arith.cmpi slt, %add3A_409, %sign3A_415 : i32
      %sign3A_417 = arith.extui %sign3A_416 : i1 to i32
      %sign3A_418 = arith.subi %sign3A_414, %sign3A_417 : i32
      %sign3A_419 = arith.constant 0 : i32
      %sign3A_420 = arith.cmpi sgt, %jit3A_410, %sign3A_419 : i32
      %sign3A_421 = arith.extui %sign3A_420 : i1 to i32
      %sign3A_422 = arith.constant 0 : i32
      %sign3A_423 = arith.cmpi slt, %jit3A_410, %sign3A_422 : i32
      %sign3A_424 = arith.extui %sign3A_423 : i1 to i32
      %sign3A_425 = arith.subi %sign3A_421, %sign3A_424 : i32
      %ne3A_426 = arith.cmpi ne, %sign3A_418, %sign3A_425 : i32
      %rem3A_427 = arith.remsi %add3A_409, %jit3A_410 : i32
      %ne3A_428 = arith.constant 0 : i32
      %ne3A_429 = arith.cmpi ne, %rem3A_427, %ne3A_428 : i32
      %and3A_430 = arith.andi %ne3A_426, %ne3A_429 : i1
      %sub3A_431 = arith.constant 1 : i32
      %sub3A_432 = arith.subi %div3A_411, %sub3A_431 : i32
      %select_n3A_433 = arith.select %and3A_430, %sub3A_432, %div3A_411 : i32
      %jit3A_434 = arith.constant 24 : i32
      %eq3A_435 = arith.constant 0 : i32
      %eq3A_436 = arith.cmpi eq, %jit3A_434, %eq3A_435 : i32
      %jit3A_437 = arith.constant 1 : i32
      %select_n3A_438 = arith.select %eq3A_436, %jit3A_437, %jit3A_434 : i32
      %rem3A_439 = arith.remsi %add3A_409, %select_n3A_438 : i32
      %ne3A_440 = arith.constant 0 : i32
      %ne3A_441 = arith.cmpi ne, %rem3A_439, %ne3A_440 : i32
      %lt3A_442 = arith.constant 0 : i32
      %lt3A_443 = arith.cmpi slt, %rem3A_439, %lt3A_442 : i32
      %lt3A_444 = arith.constant 0 : i32
      %lt3A_445 = arith.cmpi slt, %select_n3A_438, %lt3A_444 : i32
      %ne3A_446 = arith.xori %lt3A_443, %lt3A_445 : i1
      %and3A_447 = arith.andi %ne3A_446, %ne3A_441 : i1
      %add3A_448 = arith.addi %rem3A_439, %select_n3A_438 : i32
      %select_n3A_449 = arith.select %and3A_447, %add3A_448, %rem3A_439 : i32
      %mul3A_450 = arith.constant 4096 : i32
      %mul3A_451 = arith.muli %select_n3A_449, %mul3A_450 : i32
      %dma_wait3A_452 = arith.constant 3 : i32
      %dma_wait3A_453 = tpu.memref_slice %arg11[%dma_wait3A_452] : memref<6x!tpu.dma_semaphore, #tpu.memory_space<semaphore_mem>> -> memref<1x!tpu.dma_semaphore, #tpu.memory_space<semaphore_mem>>
      %dma_wait3A_454 = tpu.memref_squeeze %dma_wait3A_453 : memref<1x!tpu.dma_semaphore, #tpu.memory_space<semaphore_mem>> -> memref<!tpu.dma_semaphore, #tpu.memory_space<semaphore_mem>>
      %dma_wait3A_455 = arith.constant 0 : i32
      %dma_wait3A_456 = tpu.memref_slice %arg0[%select_n3A_433, %mul3A_451, %dma_wait3A_455] : memref<2x100000x64xf32, #tpu.memory_space<hbm>> -> memref<1x4096x64xf32, #tpu.memory_space<hbm>>
      %dma_wait3A_457 = tpu.memref_squeeze %dma_wait3A_456 : memref<1x4096x64xf32, #tpu.memory_space<hbm>> -> memref<4096x64xf32, #tpu.memory_space<hbm>>
      tpu.wait_dma2 semaphore(%dma_wait3A_454 : memref<!tpu.dma_semaphore, #tpu.memory_space<semaphore_mem>>) src(%dma_wait3A_457 : memref<4096x64xf32, #tpu.memory_space<hbm>>) dst(%arg6 : memref<4096x64xf32, #tpu.memory_space<vmem>>)
      %jit3A_458 = arith.constant 24 : i32
      %div3A_459 = arith.divsi %add3A_409, %jit3A_458 : i32
      %sign3A_460 = arith.constant 0 : i32
      %sign3A_461 = arith.cmpi sgt, %add3A_409, %sign3A_460 : i32
      %sign3A_462 = arith.extui %sign3A_461 : i1 to i32
      %sign3A_463 = arith.constant 0 : i32
      %sign3A_464 = arith.cmpi slt, %add3A_409, %sign3A_463 : i32
      %sign3A_465 = arith.extui %sign3A_464 : i1 to i32
      %sign3A_466 = arith.subi %sign3A_462, %sign3A_465 : i32
      %sign3A_467 = arith.constant 0 : i32
      %sign3A_468 = arith.cmpi sgt, %jit3A_458, %sign3A_467 : i32
      %sign3A_469 = arith.extui %sign3A_468 : i1 to i32
      %sign3A_470 = arith.constant 0 : i32
      %sign3A_471 = arith.cmpi slt, %jit3A_458, %sign3A_470 : i32
      %sign3A_472 = arith.extui %sign3A_471 : i1 to i32
      %sign3A_473 = arith.subi %sign3A_469, %sign3A_472 : i32
      %ne3A_474 = arith.cmpi ne, %sign3A_466, %sign3A_473 : i32
      %rem3A_475 = arith.remsi %add3A_409, %jit3A_458 : i32
      %ne3A_476 = arith.constant 0 : i32
      %ne3A_477 = arith.cmpi ne, %rem3A_475, %ne3A_476 : i32
      %and3A_478 = arith.andi %ne3A_474, %ne3A_477 : i1
      %sub3A_479 = arith.constant 1 : i32
      %sub3A_480 = arith.subi %div3A_459, %sub3A_479 : i32
      %select_n3A_481 = arith.select %and3A_478, %sub3A_480, %div3A_459 : i32
      %jit3A_482 = arith.constant 24 : i32
      %eq3A_483 = arith.constant 0 : i32
      %eq3A_484 = arith.cmpi eq, %jit3A_482, %eq3A_483 : i32
      %jit3A_485 = arith.constant 1 : i32
      %select_n3A_486 = arith.select %eq3A_484, %jit3A_485, %jit3A_482 : i32
      %rem3A_487 = arith.remsi %add3A_409, %select_n3A_486 : i32
      %ne3A_488 = arith.constant 0 : i32
      %ne3A_489 = arith.cmpi ne, %rem3A_487, %ne3A_488 : i32
      %lt3A_490 = arith.constant 0 : i32
      %lt3A_491 = arith.cmpi slt, %rem3A_487, %lt3A_490 : i32
      %lt3A_492 = arith.constant 0 : i32
      %lt3A_493 = arith.cmpi slt, %select_n3A_486, %lt3A_492 : i32
      %ne3A_494 = arith.xori %lt3A_491, %lt3A_493 : i1
      %and3A_495 = arith.andi %ne3A_494, %ne3A_489 : i1
      %add3A_496 = arith.addi %rem3A_487, %select_n3A_486 : i32
      %select_n3A_497 = arith.select %and3A_495, %add3A_496, %rem3A_487 : i32
      %get3A_498 = arith.constant 0 : index
      %get3A_499 = arith.constant 0 : index
      %get3A_500 = vector.load %arg6[%get3A_498, %get3A_499] : memref<4096x64xf32, #tpu.memory_space<vmem>>, vector<4096x64xf32>
      %get3A_501 = arith.index_cast %select_n3A_481 : i32 to index
      %get3A_502 = arith.constant 0 : index
      %get3A_503 = vector.load %arg1[%get3A_501, %get3A_502] : memref<2x64xf32, #tpu.memory_space<vmem>>, vector<1x64xf32>
      %dot_general3A_504 = arith.constant dense<0.000000e+00> : vector<1x4096xf32>
      %dot_general3A_505 = tpu.matmul %get3A_503, %get3A_500, %dot_general3A_504 {dimension_numbers = #tpu.dot_dimension_numbers<[1], [1], [0], [0], [0, 0, 1, 0], [], []>, transpose_lhs_hint = false} : vector<1x64xf32>, vector<4096x64xf32>, vector<1x4096xf32> -> vector<1x4096xf32>
      %mul3A_506 = arith.constant 4096 : i32
      %mul3A_507 = arith.muli %select_n3A_497, %mul3A_506 : i32
      %swap3A_508 = arith.index_cast %select_n3A_481 : i32 to index
      %swap3A_509 = arith.index_cast %mul3A_507 : i32 to index
      %swap3A_510 = vector.load %arg2[%swap3A_508, %swap3A_509] : memref<2x102400xf32, #tpu.memory_space<vmem>>, vector<1x4096xf32>
      tpu.vector_store %arg2[%swap3A_508, %swap3A_509], %dot_general3A_505 {strides = array<i32>} : memref<2x102400xf32, #tpu.memory_space<vmem>>, vector<1x4096xf32>,
      %add3A_511 = arith.constant 6 : i32
      %add3A_512 = arith.addi %add3A_409, %add3A_511 : i32
      %lt3A_513 = arith.constant 48 : i32
      %lt3A_514 = arith.cmpi slt, %add3A_512, %lt3A_513 : i32
      %convert_element_type3A_515 = arith.extui %lt3A_514 : i1 to i32
      %cond3A_516 = arith.constant 0 : i32
      %cond3A_517 = arith.cmpi ne, %convert_element_type3A_515, %cond3A_516 : i32
      scf.if %cond3A_517 {
        %jit3A_738 = arith.constant 24 : i32
        %div3A_739 = arith.divsi %add3A_512, %jit3A_738 : i32
        %sign3A_740 = arith.constant 0 : i32
        %sign3A_741 = arith.cmpi sgt, %add3A_512, %sign3A_740 : i32
        %sign3A_742 = arith.extui %sign3A_741 : i1 to i32
        %sign3A_743 = arith.constant 0 : i32
        %sign3A_744 = arith.cmpi slt, %add3A_512, %sign3A_743 : i32
        %sign3A_745 = arith.extui %sign3A_744 : i1 to i32
        %sign3A_746 = arith.subi %sign3A_742, %sign3A_745 : i32
        %sign3A_747 = arith.constant 0 : i32
        %sign3A_748 = arith.cmpi sgt, %jit3A_738, %sign3A_747 : i32
        %sign3A_749 = arith.extui %sign3A_748 : i1 to i32
        %sign3A_750 = arith.constant 0 : i32
        %sign3A_751 = arith.cmpi slt, %jit3A_738, %sign3A_750 : i32
        %sign3A_752 = arith.extui %sign3A_751 : i1 to i32
        %sign3A_753 = arith.subi %sign3A_749, %sign3A_752 : i32
        %ne3A_754 = arith.cmpi ne, %sign3A_746, %sign3A_753 : i32
        %rem3A_755 = arith.remsi %add3A_512, %jit3A_738 : i32
        %ne3A_756 = arith.constant 0 : i32
        %ne3A_757 = arith.cmpi ne, %rem3A_755, %ne3A_756 : i32
        %and3A_758 = arith.andi %ne3A_754, %ne3A_757 : i1
        %sub3A_759 = arith.constant 1 : i32
        %sub3A_760 = arith.subi %div3A_739, %sub3A_759 : i32
        %select_n3A_761 = arith.select %and3A_758, %sub3A_760, %div3A_739 : i32
        %jit3A_762 = arith.constant 24 : i32
        %eq3A_763 = arith.constant 0 : i32
        %eq3A_764 = arith.cmpi eq, %jit3A_762, %eq3A_763 : i32
        %jit3A_765 = arith.constant 1 : i32
        %select_n3A_766 = arith.select %eq3A_764, %jit3A_765, %jit3A_762 : i32
        %rem3A_767 = arith.remsi %add3A_512, %select_n3A_766 : i32
        %ne3A_768 = arith.constant 0 : i32
        %ne3A_769 = arith.cmpi ne, %rem3A_767, %ne3A_768 : i32
        %lt3A_770 = arith.constant 0 : i32
        %lt3A_771 = arith.cmpi slt, %rem3A_767, %lt3A_770 : i32
        %lt3A_772 = arith.constant 0 : i32
        %lt3A_773 = arith.cmpi slt, %select_n3A_766, %lt3A_772 : i32
        %ne3A_774 = arith.xori %lt3A_771, %lt3A_773 : i1
        %and3A_775 = arith.andi %ne3A_774, %ne3A_769 : i1
        %add3A_776 = arith.addi %rem3A_767, %select_n3A_766 : i32
        %select_n3A_777 = arith.select %and3A_775, %add3A_776, %rem3A_767 : i32
        %mul3A_778 = arith.constant 4096 : i32
        %mul3A_779 = arith.muli %select_n3A_777, %mul3A_778 : i32
        %dma_start3A_780 = arith.constant 3 : i32
        %dma_start3A_781 = tpu.memref_slice %arg11[%dma_start3A_780] : memref<6x!tpu.dma_semaphore, #tpu.memory_space<semaphore_mem>> -> memref<1x!tpu.dma_semaphore, #tpu.memory_space<semaphore_mem>>
        %dma_start3A_782 = tpu.memref_squeeze %dma_start3A_781 : memref<1x!tpu.dma_semaphore, #tpu.memory_space<semaphore_mem>> -> memref<!tpu.dma_semaphore, #tpu.memory_space<semaphore_mem>>
        %dma_start3A_783 = arith.constant 0 : i32
        %dma_start3A_784 = tpu.memref_slice %arg0[%select_n3A_761, %mul3A_779, %dma_start3A_783] : memref<2x100000x64xf32, #tpu.memory_space<hbm>> -> memref<1x4096x64xf32, #tpu.memory_space<hbm>>
        %dma_start3A_785 = tpu.memref_squeeze %dma_start3A_784 : memref<1x4096x64xf32, #tpu.memory_space<hbm>> -> memref<4096x64xf32, #tpu.memory_space<hbm>>
        tpu.enqueue_dma source(%dma_start3A_785 : memref<4096x64xf32, #tpu.memory_space<hbm>>) target(%arg6 : memref<4096x64xf32, #tpu.memory_space<vmem>>) target_semaphore(%dma_start3A_782 : memref<!tpu.dma_semaphore, #tpu.memory_space<semaphore_mem>>) {priority = 1 : i32}
      } else {
      }
      %add3A_518 = arith.constant 4 : i32
      %add3A_519 = arith.addi %mul3A_90, %add3A_518 : i32
      %jit3A_520 = arith.constant 24 : i32
      %div3A_521 = arith.divsi %add3A_519, %jit3A_520 : i32
      %sign3A_522 = arith.constant 0 : i32
      %sign3A_523 = arith.cmpi sgt, %add3A_519, %sign3A_522 : i32
      %sign3A_524 = arith.extui %sign3A_523 : i1 to i32
      %sign3A_525 = arith.constant 0 : i32
      %sign3A_526 = arith.cmpi slt, %add3A_519, %sign3A_525 : i32
      %sign3A_527 = arith.extui %sign3A_526 : i1 to i32
      %sign3A_528 = arith.subi %sign3A_524, %sign3A_527 : i32
      %sign3A_529 = arith.constant 0 : i32
      %sign3A_530 = arith.cmpi sgt, %jit3A_520, %sign3A_529 : i32
      %sign3A_531 = arith.extui %sign3A_530 : i1 to i32
      %sign3A_532 = arith.constant 0 : i32
      %sign3A_533 = arith.cmpi slt, %jit3A_520, %sign3A_532 : i32
      %sign3A_534 = arith.extui %sign3A_533 : i1 to i32
      %sign3A_535 = arith.subi %sign3A_531, %sign3A_534 : i32
      %ne3A_536 = arith.cmpi ne, %sign3A_528, %sign3A_535 : i32
      %rem3A_537 = arith.remsi %add3A_519, %jit3A_520 : i32
      %ne3A_538 = arith.constant 0 : i32
      %ne3A_539 = arith.cmpi ne, %rem3A_537, %ne3A_538 : i32
      %and3A_540 = arith.andi %ne3A_536, %ne3A_539 : i1
      %sub3A_541 = arith.constant 1 : i32
      %sub3A_542 = arith.subi %div3A_521, %sub3A_541 : i32
      %select_n3A_543 = arith.select %and3A_540, %sub3A_542, %div3A_521 : i32
      %jit3A_544 = arith.constant 24 : i32
      %eq3A_545 = arith.constant 0 : i32
      %eq3A_546 = arith.cmpi eq, %jit3A_544, %eq3A_545 : i32
      %jit3A_547 = arith.constant 1 : i32
      %select_n3A_548 = arith.select %eq3A_546, %jit3A_547, %jit3A_544 : i32
      %rem3A_549 = arith.remsi %add3A_519, %select_n3A_548 : i32
      %ne3A_550 = arith.constant 0 : i32
      %ne3A_551 = arith.cmpi ne, %rem3A_549, %ne3A_550 : i32
      %lt3A_552 = arith.constant 0 : i32
      %lt3A_553 = arith.cmpi slt, %rem3A_549, %lt3A_552 : i32
      %lt3A_554 = arith.constant 0 : i32
      %lt3A_555 = arith.cmpi slt, %select_n3A_548, %lt3A_554 : i32
      %ne3A_556 = arith.xori %lt3A_553, %lt3A_555 : i1
      %and3A_557 = arith.andi %ne3A_556, %ne3A_551 : i1
      %add3A_558 = arith.addi %rem3A_549, %select_n3A_548 : i32
      %select_n3A_559 = arith.select %and3A_557, %add3A_558, %rem3A_549 : i32
      %mul3A_560 = arith.constant 4096 : i32
      %mul3A_561 = arith.muli %select_n3A_559, %mul3A_560 : i32
      %dma_wait3A_562 = arith.constant 4 : i32
      %dma_wait3A_563 = tpu.memref_slice %arg11[%dma_wait3A_562] : memref<6x!tpu.dma_semaphore, #tpu.memory_space<semaphore_mem>> -> memref<1x!tpu.dma_semaphore, #tpu.memory_space<semaphore_mem>>
      %dma_wait3A_564 = tpu.memref_squeeze %dma_wait3A_563 : memref<1x!tpu.dma_semaphore, #tpu.memory_space<semaphore_mem>> -> memref<!tpu.dma_semaphore, #tpu.memory_space<semaphore_mem>>
      %dma_wait3A_565 = arith.constant 0 : i32
      %dma_wait3A_566 = tpu.memref_slice %arg0[%select_n3A_543, %mul3A_561, %dma_wait3A_565] : memref<2x100000x64xf32, #tpu.memory_space<hbm>> -> memref<1x4096x64xf32, #tpu.memory_space<hbm>>
      %dma_wait3A_567 = tpu.memref_squeeze %dma_wait3A_566 : memref<1x4096x64xf32, #tpu.memory_space<hbm>> -> memref<4096x64xf32, #tpu.memory_space<hbm>>
      tpu.wait_dma2 semaphore(%dma_wait3A_564 : memref<!tpu.dma_semaphore, #tpu.memory_space<semaphore_mem>>) src(%dma_wait3A_567 : memref<4096x64xf32, #tpu.memory_space<hbm>>) dst(%arg7 : memref<4096x64xf32, #tpu.memory_space<vmem>>)
      %jit3A_568 = arith.constant 24 : i32
      %div3A_569 = arith.divsi %add3A_519, %jit3A_568 : i32
      %sign3A_570 = arith.constant 0 : i32
      %sign3A_571 = arith.cmpi sgt, %add3A_519, %sign3A_570 : i32
      %sign3A_572 = arith.extui %sign3A_571 : i1 to i32
      %sign3A_573 = arith.constant 0 : i32
      %sign3A_574 = arith.cmpi slt, %add3A_519, %sign3A_573 : i32
      %sign3A_575 = arith.extui %sign3A_574 : i1 to i32
      %sign3A_576 = arith.subi %sign3A_572, %sign3A_575 : i32
      %sign3A_577 = arith.constant 0 : i32
      %sign3A_578 = arith.cmpi sgt, %jit3A_568, %sign3A_577 : i32
      %sign3A_579 = arith.extui %sign3A_578 : i1 to i32
      %sign3A_580 = arith.constant 0 : i32
      %sign3A_581 = arith.cmpi slt, %jit3A_568, %sign3A_580 : i32
      %sign3A_582 = arith.extui %sign3A_581 : i1 to i32
      %sign3A_583 = arith.subi %sign3A_579, %sign3A_582 : i32
      %ne3A_584 = arith.cmpi ne, %sign3A_576, %sign3A_583 : i32
      %rem3A_585 = arith.remsi %add3A_519, %jit3A_568 : i32
      %ne3A_586 = arith.constant 0 : i32
      %ne3A_587 = arith.cmpi ne, %rem3A_585, %ne3A_586 : i32
      %and3A_588 = arith.andi %ne3A_584, %ne3A_587 : i1
      %sub3A_589 = arith.constant 1 : i32
      %sub3A_590 = arith.subi %div3A_569, %sub3A_589 : i32
      %select_n3A_591 = arith.select %and3A_588, %sub3A_590, %div3A_569 : i32
      %jit3A_592 = arith.constant 24 : i32
      %eq3A_593 = arith.constant 0 : i32
      %eq3A_594 = arith.cmpi eq, %jit3A_592, %eq3A_593 : i32
      %jit3A_595 = arith.constant 1 : i32
      %select_n3A_596 = arith.select %eq3A_594, %jit3A_595, %jit3A_592 : i32
      %rem3A_597 = arith.remsi %add3A_519, %select_n3A_596 : i32
      %ne3A_598 = arith.constant 0 : i32
      %ne3A_599 = arith.cmpi ne, %rem3A_597, %ne3A_598 : i32
      %lt3A_600 = arith.constant 0 : i32
      %lt3A_601 = arith.cmpi slt, %rem3A_597, %lt3A_600 : i32
      %lt3A_602 = arith.constant 0 : i32
      %lt3A_603 = arith.cmpi slt, %select_n3A_596, %lt3A_602 : i32
      %ne3A_604 = arith.xori %lt3A_601, %lt3A_603 : i1
      %and3A_605 = arith.andi %ne3A_604, %ne3A_599 : i1
      %add3A_606 = arith.addi %rem3A_597, %select_n3A_596 : i32
      %select_n3A_607 = arith.select %and3A_605, %add3A_606, %rem3A_597 : i32
      %get3A_608 = arith.constant 0 : index
      %get3A_609 = arith.constant 0 : index
      %get3A_610 = vector.load %arg7[%get3A_608, %get3A_609] : memref<4096x64xf32, #tpu.memory_space<vmem>>, vector<4096x64xf32>
      %get3A_611 = arith.index_cast %select_n3A_591 : i32 to index
      %get3A_612 = arith.constant 0 : index
      %get3A_613 = vector.load %arg1[%get3A_611, %get3A_612] : memref<2x64xf32, #tpu.memory_space<vmem>>, vector<1x64xf32>
      %dot_general3A_614 = arith.constant dense<0.000000e+00> : vector<1x4096xf32>
      %dot_general3A_615 = tpu.matmul %get3A_613, %get3A_610, %dot_general3A_614 {dimension_numbers = #tpu.dot_dimension_numbers<[1], [1], [0], [0], [0, 0, 1, 0], [], []>, transpose_lhs_hint = false} : vector<1x64xf32>, vector<4096x64xf32>, vector<1x4096xf32> -> vector<1x4096xf32>
      %mul3A_616 = arith.constant 4096 : i32
      %mul3A_617 = arith.muli %select_n3A_607, %mul3A_616 : i32
      %swap3A_618 = arith.index_cast %select_n3A_591 : i32 to index
      %swap3A_619 = arith.index_cast %mul3A_617 : i32 to index
      %swap3A_620 = vector.load %arg2[%swap3A_618, %swap3A_619] : memref<2x102400xf32, #tpu.memory_space<vmem>>, vector<1x4096xf32>
      tpu.vector_store %arg2[%swap3A_618, %swap3A_619], %dot_general3A_615 {strides = array<i32>} : memref<2x102400xf32, #tpu.memory_space<vmem>>, vector<1x4096xf32>,
      %add3A_621 = arith.constant 6 : i32
      %add3A_622 = arith.addi %add3A_519, %add3A_621 : i32
      %lt3A_623 = arith.constant 48 : i32
      %lt3A_624 = arith.cmpi slt, %add3A_622, %lt3A_623 : i32
      %convert_element_type3A_625 = arith.extui %lt3A_624 : i1 to i32
      %cond3A_626 = arith.constant 0 : i32
      %cond3A_627 = arith.cmpi ne, %convert_element_type3A_625, %cond3A_626 : i32
      scf.if %cond3A_627 {
        %jit3A_738 = arith.constant 24 : i32
        %div3A_739 = arith.divsi %add3A_622, %jit3A_738 : i32
        %sign3A_740 = arith.constant 0 : i32
        %sign3A_741 = arith.cmpi sgt, %add3A_622, %sign3A_740 : i32
        %sign3A_742 = arith.extui %sign3A_741 : i1 to i32
        %sign3A_743 = arith.constant 0 : i32
        %sign3A_744 = arith.cmpi slt, %add3A_622, %sign3A_743 : i32
        %sign3A_745 = arith.extui %sign3A_744 : i1 to i32
        %sign3A_746 = arith.subi %sign3A_742, %sign3A_745 : i32
        %sign3A_747 = arith.constant 0 : i32
        %sign3A_748 = arith.cmpi sgt, %jit3A_738, %sign3A_747 : i32
        %sign3A_749 = arith.extui %sign3A_748 : i1 to i32
        %sign3A_750 = arith.constant 0 : i32
        %sign3A_751 = arith.cmpi slt, %jit3A_738, %sign3A_750 : i32
        %sign3A_752 = arith.extui %sign3A_751 : i1 to i32
        %sign3A_753 = arith.subi %sign3A_749, %sign3A_752 : i32
        %ne3A_754 = arith.cmpi ne, %sign3A_746, %sign3A_753 : i32
        %rem3A_755 = arith.remsi %add3A_622, %jit3A_738 : i32
        %ne3A_756 = arith.constant 0 : i32
        %ne3A_757 = arith.cmpi ne, %rem3A_755, %ne3A_756 : i32
        %and3A_758 = arith.andi %ne3A_754, %ne3A_757 : i1
        %sub3A_759 = arith.constant 1 : i32
        %sub3A_760 = arith.subi %div3A_739, %sub3A_759 : i32
        %select_n3A_761 = arith.select %and3A_758, %sub3A_760, %div3A_739 : i32
        %jit3A_762 = arith.constant 24 : i32
        %eq3A_763 = arith.constant 0 : i32
        %eq3A_764 = arith.cmpi eq, %jit3A_762, %eq3A_763 : i32
        %jit3A_765 = arith.constant 1 : i32
        %select_n3A_766 = arith.select %eq3A_764, %jit3A_765, %jit3A_762 : i32
        %rem3A_767 = arith.remsi %add3A_622, %select_n3A_766 : i32
        %ne3A_768 = arith.constant 0 : i32
        %ne3A_769 = arith.cmpi ne, %rem3A_767, %ne3A_768 : i32
        %lt3A_770 = arith.constant 0 : i32
        %lt3A_771 = arith.cmpi slt, %rem3A_767, %lt3A_770 : i32
        %lt3A_772 = arith.constant 0 : i32
        %lt3A_773 = arith.cmpi slt, %select_n3A_766, %lt3A_772 : i32
        %ne3A_774 = arith.xori %lt3A_771, %lt3A_773 : i1
        %and3A_775 = arith.andi %ne3A_774, %ne3A_769 : i1
        %add3A_776 = arith.addi %rem3A_767, %select_n3A_766 : i32
        %select_n3A_777 = arith.select %and3A_775, %add3A_776, %rem3A_767 : i32
        %mul3A_778 = arith.constant 4096 : i32
        %mul3A_779 = arith.muli %select_n3A_777, %mul3A_778 : i32
        %dma_start3A_780 = arith.constant 4 : i32
        %dma_start3A_781 = tpu.memref_slice %arg11[%dma_start3A_780] : memref<6x!tpu.dma_semaphore, #tpu.memory_space<semaphore_mem>> -> memref<1x!tpu.dma_semaphore, #tpu.memory_space<semaphore_mem>>
        %dma_start3A_782 = tpu.memref_squeeze %dma_start3A_781 : memref<1x!tpu.dma_semaphore, #tpu.memory_space<semaphore_mem>> -> memref<!tpu.dma_semaphore, #tpu.memory_space<semaphore_mem>>
        %dma_start3A_783 = arith.constant 0 : i32
        %dma_start3A_784 = tpu.memref_slice %arg0[%select_n3A_761, %mul3A_779, %dma_start3A_783] : memref<2x100000x64xf32, #tpu.memory_space<hbm>> -> memref<1x4096x64xf32, #tpu.memory_space<hbm>>
        %dma_start3A_785 = tpu.memref_squeeze %dma_start3A_784 : memref<1x4096x64xf32, #tpu.memory_space<hbm>> -> memref<4096x64xf32, #tpu.memory_space<hbm>>
        tpu.enqueue_dma source(%dma_start3A_785 : memref<4096x64xf32, #tpu.memory_space<hbm>>) target(%arg7 : memref<4096x64xf32, #tpu.memory_space<vmem>>) target_semaphore(%dma_start3A_782 : memref<!tpu.dma_semaphore, #tpu.memory_space<semaphore_mem>>)
      } else {
      }
      %add3A_628 = arith.constant 5 : i32
      %add3A_629 = arith.addi %mul3A_90, %add3A_628 : i32
      %jit3A_630 = arith.constant 24 : i32
      %div3A_631 = arith.divsi %add3A_629, %jit3A_630 : i32
      %sign3A_632 = arith.constant 0 : i32
      %sign3A_633 = arith.cmpi sgt, %add3A_629, %sign3A_632 : i32
      %sign3A_634 = arith.extui %sign3A_633 : i1 to i32
      %sign3A_635 = arith.constant 0 : i32
      %sign3A_636 = arith.cmpi slt, %add3A_629, %sign3A_635 : i32
      %sign3A_637 = arith.extui %sign3A_636 : i1 to i32
      %sign3A_638 = arith.subi %sign3A_634, %sign3A_637 : i32
      %sign3A_639 = arith.constant 0 : i32
      %sign3A_640 = arith.cmpi sgt, %jit3A_630, %sign3A_639 : i32
      %sign3A_641 = arith.extui %sign3A_640 : i1 to i32
      %sign3A_642 = arith.constant 0 : i32
      %sign3A_643 = arith.cmpi slt, %jit3A_630, %sign3A_642 : i32
      %sign3A_644 = arith.extui %sign3A_643 : i1 to i32
      %sign3A_645 = arith.subi %sign3A_641, %sign3A_644 : i32
      %ne3A_646 = arith.cmpi ne, %sign3A_638, %sign3A_645 : i32
      %rem3A_647 = arith.remsi %add3A_629, %jit3A_630 : i32
      %ne3A_648 = arith.constant 0 : i32
      %ne3A_649 = arith.cmpi ne, %rem3A_647, %ne3A_648 : i32
      %and3A_650 = arith.andi %ne3A_646, %ne3A_649 : i1
      %sub3A_651 = arith.constant 1 : i32
      %sub3A_652 = arith.subi %div3A_631, %sub3A_651 : i32
      %select_n3A_653 = arith.select %and3A_650, %sub3A_652, %div3A_631 : i32
      %jit3A_654 = arith.constant 24 : i32
      %eq3A_655 = arith.constant 0 : i32
      %eq3A_656 = arith.cmpi eq, %jit3A_654, %eq3A_655 : i32
      %jit3A_657 = arith.constant 1 : i32
      %select_n3A_658 = arith.select %eq3A_656, %jit3A_657, %jit3A_654 : i32
      %rem3A_659 = arith.remsi %add3A_629, %select_n3A_658 : i32
      %ne3A_660 = arith.constant 0 : i32
      %ne3A_661 = arith.cmpi ne, %rem3A_659, %ne3A_660 : i32
      %lt3A_662 = arith.constant 0 : i32
      %lt3A_663 = arith.cmpi slt, %rem3A_659, %lt3A_662 : i32
      %lt3A_664 = arith.constant 0 : i32
      %lt3A_665 = arith.cmpi slt, %select_n3A_658, %lt3A_664 : i32
      %ne3A_666 = arith.xori %lt3A_663, %lt3A_665 : i1
      %and3A_667 = arith.andi %ne3A_666, %ne3A_661 : i1
      %add3A_668 = arith.addi %rem3A_659, %select_n3A_658 : i32
      %select_n3A_669 = arith.select %and3A_667, %add3A_668, %rem3A_659 : i32
      %mul3A_670 = arith.constant 4096 : i32
      %mul3A_671 = arith.muli %select_n3A_669, %mul3A_670 : i32
      %dma_wait3A_672 = arith.constant 5 : i32
      %dma_wait3A_673 = tpu.memref_slice %arg11[%dma_wait3A_672] : memref<6x!tpu.dma_semaphore, #tpu.memory_space<semaphore_mem>> -> memref<1x!tpu.dma_semaphore, #tpu.memory_space<semaphore_mem>>
      %dma_wait3A_674 = tpu.memref_squeeze %dma_wait3A_673 : memref<1x!tpu.dma_semaphore, #tpu.memory_space<semaphore_mem>> -> memref<!tpu.dma_semaphore, #tpu.memory_space<semaphore_mem>>
      %dma_wait3A_675 = arith.constant 0 : i32
      %dma_wait3A_676 = tpu.memref_slice %arg0[%select_n3A_653, %mul3A_671, %dma_wait3A_675] : memref<2x100000x64xf32, #tpu.memory_space<hbm>> -> memref<1x4096x64xf32, #tpu.memory_space<hbm>>
      %dma_wait3A_677 = tpu.memref_squeeze %dma_wait3A_676 : memref<1x4096x64xf32, #tpu.memory_space<hbm>> -> memref<4096x64xf32, #tpu.memory_space<hbm>>
      tpu.wait_dma2 semaphore(%dma_wait3A_674 : memref<!tpu.dma_semaphore, #tpu.memory_space<semaphore_mem>>) src(%dma_wait3A_677 : memref<4096x64xf32, #tpu.memory_space<hbm>>) dst(%arg8 : memref<4096x64xf32, #tpu.memory_space<vmem>>)
      %jit3A_678 = arith.constant 24 : i32
      %div3A_679 = arith.divsi %add3A_629, %jit3A_678 : i32
      %sign3A_680 = arith.constant 0 : i32
      %sign3A_681 = arith.cmpi sgt, %add3A_629, %sign3A_680 : i32
      %sign3A_682 = arith.extui %sign3A_681 : i1 to i32
      %sign3A_683 = arith.constant 0 : i32
      %sign3A_684 = arith.cmpi slt, %add3A_629, %sign3A_683 : i32
      %sign3A_685 = arith.extui %sign3A_684 : i1 to i32
      %sign3A_686 = arith.subi %sign3A_682, %sign3A_685 : i32
      %sign3A_687 = arith.constant 0 : i32
      %sign3A_688 = arith.cmpi sgt, %jit3A_678, %sign3A_687 : i32
      %sign3A_689 = arith.extui %sign3A_688 : i1 to i32
      %sign3A_690 = arith.constant 0 : i32
      %sign3A_691 = arith.cmpi slt, %jit3A_678, %sign3A_690 : i32
      %sign3A_692 = arith.extui %sign3A_691 : i1 to i32
      %sign3A_693 = arith.subi %sign3A_689, %sign3A_692 : i32
      %ne3A_694 = arith.cmpi ne, %sign3A_686, %sign3A_693 : i32
      %rem3A_695 = arith.remsi %add3A_629, %jit3A_678 : i32
      %ne3A_696 = arith.constant 0 : i32
      %ne3A_697 = arith.cmpi ne, %rem3A_695, %ne3A_696 : i32
      %and3A_698 = arith.andi %ne3A_694, %ne3A_697 : i1
      %sub3A_699 = arith.constant 1 : i32
      %sub3A_700 = arith.subi %div3A_679, %sub3A_699 : i32
      %select_n3A_701 = arith.select %and3A_698, %sub3A_700, %div3A_679 : i32
      %jit3A_702 = arith.constant 24 : i32
      %eq3A_703 = arith.constant 0 : i32
      %eq3A_704 = arith.cmpi eq, %jit3A_702, %eq3A_703 : i32
      %jit3A_705 = arith.constant 1 : i32
      %select_n3A_706 = arith.select %eq3A_704, %jit3A_705, %jit3A_702 : i32
      %rem3A_707 = arith.remsi %add3A_629, %select_n3A_706 : i32
      %ne3A_708 = arith.constant 0 : i32
      %ne3A_709 = arith.cmpi ne, %rem3A_707, %ne3A_708 : i32
      %lt3A_710 = arith.constant 0 : i32
      %lt3A_711 = arith.cmpi slt, %rem3A_707, %lt3A_710 : i32
      %lt3A_712 = arith.constant 0 : i32
      %lt3A_713 = arith.cmpi slt, %select_n3A_706, %lt3A_712 : i32
      %ne3A_714 = arith.xori %lt3A_711, %lt3A_713 : i1
      %and3A_715 = arith.andi %ne3A_714, %ne3A_709 : i1
      %add3A_716 = arith.addi %rem3A_707, %select_n3A_706 : i32
      %select_n3A_717 = arith.select %and3A_715, %add3A_716, %rem3A_707 : i32
      %get3A_718 = arith.constant 0 : index
      %get3A_719 = arith.constant 0 : index
      %get3A_720 = vector.load %arg8[%get3A_718, %get3A_719] : memref<4096x64xf32, #tpu.memory_space<vmem>>, vector<4096x64xf32>
      %get3A_721 = arith.index_cast %select_n3A_701 : i32 to index
      %get3A_722 = arith.constant 0 : index
      %get3A_723 = vector.load %arg1[%get3A_721, %get3A_722] : memref<2x64xf32, #tpu.memory_space<vmem>>, vector<1x64xf32>
      %dot_general3A_724 = arith.constant dense<0.000000e+00> : vector<1x4096xf32>
      %dot_general3A_725 = tpu.matmul %get3A_723, %get3A_720, %dot_general3A_724 {dimension_numbers = #tpu.dot_dimension_numbers<[1], [1], [0], [0], [0, 0, 1, 0], [], []>, transpose_lhs_hint = false} : vector<1x64xf32>, vector<4096x64xf32>, vector<1x4096xf32> -> vector<1x4096xf32>
      %mul3A_726 = arith.constant 4096 : i32
      %mul3A_727 = arith.muli %select_n3A_717, %mul3A_726 : i32
      %swap3A_728 = arith.index_cast %select_n3A_701 : i32 to index
      %swap3A_729 = arith.index_cast %mul3A_727 : i32 to index
      %swap3A_730 = vector.load %arg2[%swap3A_728, %swap3A_729] : memref<2x102400xf32, #tpu.memory_space<vmem>>, vector<1x4096xf32>
      tpu.vector_store %arg2[%swap3A_728, %swap3A_729], %dot_general3A_725 {strides = array<i32>} : memref<2x102400xf32, #tpu.memory_space<vmem>>, vector<1x4096xf32>,
      %add3A_731 = arith.constant 6 : i32
      %add3A_732 = arith.addi %add3A_629, %add3A_731 : i32
      %lt3A_733 = arith.constant 48 : i32
      %lt3A_734 = arith.cmpi slt, %add3A_732, %lt3A_733 : i32
      %convert_element_type3A_735 = arith.extui %lt3A_734 : i1 to i32
      %cond3A_736 = arith.constant 0 : i32
      %cond3A_737 = arith.cmpi ne, %convert_element_type3A_735, %cond3A_736 : i32
      scf.if %cond3A_737 {
        %jit3A_738 = arith.constant 24 : i32
        %div3A_739 = arith.divsi %add3A_732, %jit3A_738 : i32
        %sign3A_740 = arith.constant 0 : i32
        %sign3A_741 = arith.cmpi sgt, %add3A_732, %sign3A_740 : i32
        %sign3A_742 = arith.extui %sign3A_741 : i1 to i32
        %sign3A_743 = arith.constant 0 : i32
        %sign3A_744 = arith.cmpi slt, %add3A_732, %sign3A_743 : i32
        %sign3A_745 = arith.extui %sign3A_744 : i1 to i32
        %sign3A_746 = arith.subi %sign3A_742, %sign3A_745 : i32
        %sign3A_747 = arith.constant 0 : i32
        %sign3A_748 = arith.cmpi sgt, %jit3A_738, %sign3A_747 : i32
        %sign3A_749 = arith.extui %sign3A_748 : i1 to i32
        %sign3A_750 = arith.constant 0 : i32
        %sign3A_751 = arith.cmpi slt, %jit3A_738, %sign3A_750 : i32
        %sign3A_752 = arith.extui %sign3A_751 : i1 to i32
        %sign3A_753 = arith.subi %sign3A_749, %sign3A_752 : i32
        %ne3A_754 = arith.cmpi ne, %sign3A_746, %sign3A_753 : i32
        %rem3A_755 = arith.remsi %add3A_732, %jit3A_738 : i32
        %ne3A_756 = arith.constant 0 : i32
        %ne3A_757 = arith.cmpi ne, %rem3A_755, %ne3A_756 : i32
        %and3A_758 = arith.andi %ne3A_754, %ne3A_757 : i1
        %sub3A_759 = arith.constant 1 : i32
        %sub3A_760 = arith.subi %div3A_739, %sub3A_759 : i32
        %select_n3A_761 = arith.select %and3A_758, %sub3A_760, %div3A_739 : i32
        %jit3A_762 = arith.constant 24 : i32
        %eq3A_763 = arith.constant 0 : i32
        %eq3A_764 = arith.cmpi eq, %jit3A_762, %eq3A_763 : i32
        %jit3A_765 = arith.constant 1 : i32
        %select_n3A_766 = arith.select %eq3A_764, %jit3A_765, %jit3A_762 : i32
        %rem3A_767 = arith.remsi %add3A_732, %select_n3A_766 : i32
        %ne3A_768 = arith.constant 0 : i32
        %ne3A_769 = arith.cmpi ne, %rem3A_767, %ne3A_768 : i32
        %lt3A_770 = arith.constant 0 : i32
        %lt3A_771 = arith.cmpi slt, %rem3A_767, %lt3A_770 : i32
        %lt3A_772 = arith.constant 0 : i32
        %lt3A_773 = arith.cmpi slt, %select_n3A_766, %lt3A_772 : i32
        %ne3A_774 = arith.xori %lt3A_771, %lt3A_773 : i1
        %and3A_775 = arith.andi %ne3A_774, %ne3A_769 : i1
        %add3A_776 = arith.addi %rem3A_767, %select_n3A_766 : i32
        %select_n3A_777 = arith.select %and3A_775, %add3A_776, %rem3A_767 : i32
        %mul3A_778 = arith.constant 4096 : i32
        %mul3A_779 = arith.muli %select_n3A_777, %mul3A_778 : i32
        %dma_start3A_780 = arith.constant 5 : i32
        %dma_start3A_781 = tpu.memref_slice %arg11[%dma_start3A_780] : memref<6x!tpu.dma_semaphore, #tpu.memory_space<semaphore_mem>> -> memref<1x!tpu.dma_semaphore, #tpu.memory_space<semaphore_mem>>
        %dma_start3A_782 = tpu.memref_squeeze %dma_start3A_781 : memref<1x!tpu.dma_semaphore, #tpu.memory_space<semaphore_mem>> -> memref<!tpu.dma_semaphore, #tpu.memory_space<semaphore_mem>>
        %dma_start3A_783 = arith.constant 0 : i32
        %dma_start3A_784 = tpu.memref_slice %arg0[%select_n3A_761, %mul3A_779, %dma_start3A_783] : memref<2x100000x64xf32, #tpu.memory_space<hbm>> -> memref<1x4096x64xf32, #tpu.memory_space<hbm>>
        %dma_start3A_785 = tpu.memref_squeeze %dma_start3A_784 : memref<1x4096x64xf32, #tpu.memory_space<hbm>> -> memref<4096x64xf32, #tpu.memory_space<hbm>>
        tpu.enqueue_dma source(%dma_start3A_785 : memref<4096x64xf32, #tpu.memory_space<hbm>>) target(%arg8 : memref<4096x64xf32, #tpu.memory_space<vmem>>) target_semaphore(%dma_start3A_782 : memref<!tpu.dma_semaphore, #tpu.memory_space<semaphore_mem>>) {priority = 1 : i32}
      } else {
      }
    }
    %scan3A_50 = arith.constant 8 : i32
    %dma_start3A_51 = arith.constant 0 : i32
    %dma_start3A_52 = arith.constant 98304 : i32
    %dma_start3A_53 = arith.constant 0 : i32
    %dma_start3A_54 = tpu.memref_slice %arg0[%dma_start3A_51, %dma_start3A_52, %dma_start3A_53] : memref<2x100000x64xf32, #tpu.memory_space<hbm>> -> memref<1x1696x64xf32, #tpu.memory_space<hbm>>
    %dma_start3A_55 = tpu.memref_squeeze %dma_start3A_54 : memref<1x1696x64xf32, #tpu.memory_space<hbm>> -> memref<1696x64xf32, #tpu.memory_space<hbm>>
    tpu.enqueue_dma source(%dma_start3A_55 : memref<1696x64xf32, #tpu.memory_space<hbm>>) target(%arg9 : memref<1696x64xf32, #tpu.memory_space<vmem>>) target_semaphore(%arg12 : memref<!tpu.dma_semaphore, #tpu.memory_space<semaphore_mem>>)
    %dma_start3A_56 = arith.constant 1 : i32
    %dma_start3A_57 = arith.constant 98304 : i32
    %dma_start3A_58 = arith.constant 0 : i32
    %dma_start3A_59 = tpu.memref_slice %arg0[%dma_start3A_56, %dma_start3A_57, %dma_start3A_58] : memref<2x100000x64xf32, #tpu.memory_space<hbm>> -> memref<1x1696x64xf32, #tpu.memory_space<hbm>>
    %dma_start3A_60 = tpu.memref_squeeze %dma_start3A_59 : memref<1x1696x64xf32, #tpu.memory_space<hbm>> -> memref<1696x64xf32, #tpu.memory_space<hbm>>
    tpu.enqueue_dma source(%dma_start3A_60 : memref<1696x64xf32, #tpu.memory_space<hbm>>) target(%arg10 : memref<1696x64xf32, #tpu.memory_space<vmem>>) target_semaphore(%arg12 : memref<!tpu.dma_semaphore, #tpu.memory_space<semaphore_mem>>)
    %dma_wait3A = arith.constant 0 : i32
    %dma_wait3A_61 = arith.constant 98304 : i32
    %dma_wait3A_62 = arith.constant 0 : i32
    %dma_wait3A_63 = tpu.memref_slice %arg0[%dma_wait3A, %dma_wait3A_61, %dma_wait3A_62] : memref<2x100000x64xf32, #tpu.memory_space<hbm>> -> memref<1x1696x64xf32, #tpu.memory_space<hbm>>
    %dma_wait3A_64 = tpu.memref_squeeze %dma_wait3A_63 : memref<1x1696x64xf32, #tpu.memory_space<hbm>> -> memref<1696x64xf32, #tpu.memory_space<hbm>>
    tpu.wait_dma2 semaphore(%arg12 : memref<!tpu.dma_semaphore, #tpu.memory_space<semaphore_mem>>) src(%dma_wait3A_64 : memref<1696x64xf32, #tpu.memory_space<hbm>>) dst(%arg9 : memref<1696x64xf32, #tpu.memory_space<vmem>>)
    %get3A = arith.constant 0 : index
    %get3A_65 = arith.constant 0 : index
    %get3A_66 = vector.load %arg1[%get3A, %get3A_65] : memref<2x64xf32, #tpu.memory_space<vmem>>, vector<1x64xf32>
    %get3A_67 = arith.constant 0 : index
    %get3A_68 = arith.constant 0 : index
    %get3A_69 = vector.load %arg9[%get3A_67, %get3A_68] : memref<1696x64xf32, #tpu.memory_space<vmem>>, vector<1696x64xf32>
    %dot_general3A = arith.constant dense<0.000000e+00> : vector<1x1696xf32>
    %dot_general3A_70 = tpu.matmul %get3A_66, %get3A_69, %dot_general3A {dimension_numbers = #tpu.dot_dimension_numbers<[1], [1], [0], [0], [0, 0, 1, 0], [], []>, transpose_lhs_hint = false} : vector<1x64xf32>, vector<1696x64xf32>, vector<1x1696xf32> -> vector<1x1696xf32>
    %swap3A = arith.constant 0 : index
    %swap3A_71 = arith.constant 98304 : index
    %swap3A_72 = vector.load %arg2[%swap3A, %swap3A_71] : memref<2x102400xf32, #tpu.memory_space<vmem>>, vector<1x1696xf32>
    tpu.vector_store %arg2[%swap3A, %swap3A_71], %dot_general3A_70 {strides = array<i32>} : memref<2x102400xf32, #tpu.memory_space<vmem>>, vector<1x1696xf32>,
    %dma_wait3A_73 = arith.constant 1 : i32
    %dma_wait3A_74 = arith.constant 98304 : i32
    %dma_wait3A_75 = arith.constant 0 : i32
    %dma_wait3A_76 = tpu.memref_slice %arg0[%dma_wait3A_73, %dma_wait3A_74, %dma_wait3A_75] : memref<2x100000x64xf32, #tpu.memory_space<hbm>> -> memref<1x1696x64xf32, #tpu.memory_space<hbm>>
    %dma_wait3A_77 = tpu.memref_squeeze %dma_wait3A_76 : memref<1x1696x64xf32, #tpu.memory_space<hbm>> -> memref<1696x64xf32, #tpu.memory_space<hbm>>
    tpu.wait_dma2 semaphore(%arg12 : memref<!tpu.dma_semaphore, #tpu.memory_space<semaphore_mem>>) src(%dma_wait3A_77 : memref<1696x64xf32, #tpu.memory_space<hbm>>) dst(%arg10 : memref<1696x64xf32, #tpu.memory_space<vmem>>)
    %get3A_78 = arith.constant 1 : index
    %get3A_79 = arith.constant 0 : index
    %get3A_80 = vector.load %arg1[%get3A_78, %get3A_79] : memref<2x64xf32, #tpu.memory_space<vmem>>, vector<1x64xf32>
    %get3A_81 = arith.constant 0 : index
    %get3A_82 = arith.constant 0 : index
    %get3A_83 = vector.load %arg10[%get3A_81, %get3A_82] : memref<1696x64xf32, #tpu.memory_space<vmem>>, vector<1696x64xf32>
    %dot_general3A_84 = arith.constant dense<0.000000e+00> : vector<1x1696xf32>
    %dot_general3A_85 = tpu.matmul %get3A_80, %get3A_83, %dot_general3A_84 {dimension_numbers = #tpu.dot_dimension_numbers<[1], [1], [0], [0], [0, 0, 1, 0], [], []>, transpose_lhs_hint = false} : vector<1x64xf32>, vector<1696x64xf32>, vector<1x1696xf32> -> vector<1x1696xf32>
    %swap3A_86 = arith.constant 1 : index
    %swap3A_87 = arith.constant 98304 : index
    %swap3A_88 = vector.load %arg2[%swap3A_86, %swap3A_87] : memref<2x102400xf32, #tpu.memory_space<vmem>>, vector<1x1696xf32>
    tpu.vector_store %arg2[%swap3A_86, %swap3A_87], %dot_general3A_85 {strides = array<i32>} : memref<2x102400xf32, #tpu.memory_space<vmem>>, vector<1x1696xf32>,
    return
  }
}

module attributes {stable_mosaic.version = 14 : i64} {
  func.func @_combine_body(%arg0: memref<1xf32, #tpu.memory_space<smem>>, %arg1: memref<1x128xf32, #tpu.memory_space<vmem>>, %arg2: memref<4096x128xf32, #tpu.memory_space<vmem>>, %arg3: memref<10x4096xf32, #tpu.memory_space<vmem>>, %arg4: memref<1x4096xf32, #tpu.memory_space<vmem>>) attributes {dimension_semantics = [], scalar_prefetch = 0 : i64, scratch_operands = 0 : i64, tpu.core_type = #tpu.core_type<tc>} {
    %get3A = arith.constant 0 : index
    %get3A_0 = arith.constant 0 : index
    %get3A_1 = vector.load %arg1[%get3A, %get3A_0] : memref<1x128xf32, #tpu.memory_space<vmem>>, vector<1x128xf32>
    %get3A_2 = arith.constant 0 : index
    %get3A_3 = arith.constant 0 : index
    %get3A_4 = vector.load %arg2[%get3A_2, %get3A_3] : memref<4096x128xf32, #tpu.memory_space<vmem>>, vector<4096x128xf32>
    %dot_general3A = arith.constant dense<0.000000e+00> : vector<1x4096xf32>
    %dot_general3A_5 = tpu.matmul %get3A_1, %get3A_4, %dot_general3A {dimension_numbers = #tpu.dot_dimension_numbers<[1], [1], [0], [0], [0, 0, 1, 0], [], []>, transpose_lhs_hint = false} : vector<1x128xf32>, vector<4096x128xf32>, vector<1x4096xf32> -> vector<1x4096xf32>
    %get3A_6 = arith.constant 0 : index
    %get3A_7 = arith.constant 0 : index
    %get3A_8 = vector.load %arg3[%get3A_6, %get3A_7] : memref<10x4096xf32, #tpu.memory_space<vmem>>, vector<10x4096xf32>
    %reduce_sum3A = arith.constant dense<0.000000e+00> : vector<4096xf32>
    %reduce_sum3A_9 = vector.multi_reduction <add>, %get3A_8, %reduce_sum3A [0] : vector<10x4096xf32> to vector<4096xf32>
    %broadcast_in_dim3A = vector.shape_cast %reduce_sum3A_9 : vector<4096xf32> to vector<1x4096xf32>
    %add3A = arith.addf %dot_general3A_5, %broadcast_in_dim3A : vector<1x4096xf32>
    %get3A_10 = arith.constant 0 : index
    %get3A_11 = memref.load %arg0[%get3A_10] : memref<1xf32, #tpu.memory_space<smem>>
    %add3A_12 = vector.broadcast %get3A_11 : f32 to vector<1x4096xf32>
    %add3A_13 = arith.addf %add3A, %add3A_12 : vector<1x4096xf32>
    %neg3A = arith.constant 0.000000e+00 : f32
    %neg3A_14 = vector.broadcast %neg3A : f32 to vector<1x4096xf32>
    %neg3A_15 = arith.subf %neg3A_14, %add3A_13 : vector<1x4096xf32>
    %exp3A = math.exp %neg3A_15 : vector<1x4096xf32>
    %add3A_16 = arith.constant 1.000000e+00 : f32
    %add3A_17 = vector.broadcast %add3A_16 : f32 to vector<1x4096xf32>
    %add3A_18 = arith.addf %add3A_17, %exp3A : vector<1x4096xf32>
    %div3A = arith.constant 1.000000e+00 : f32
    %div3A_19 = vector.broadcast %div3A : f32 to vector<1x4096xf32>
    %div3A_20 = arith.divf %div3A_19, %add3A_18 : vector<1x4096xf32>
    %swap3A = arith.constant 0 : index
    %swap3A_21 = arith.constant 0 : index
    %swap3A_22 = vector.load %arg4[%swap3A, %swap3A_21] : memref<1x4096xf32, #tpu.memory_space<vmem>>, vector<1x4096xf32>
    tpu.vector_store %arg4[%swap3A, %swap3A_21], %div3A_20 {strides = array<i32>} : memref<1x4096xf32, #tpu.memory_space<vmem>>, vector<1x4096xf32>,
    return
  }
}

</mosaic_0001>

<sc_bundles>
// kernel: kernel.6.cloned.1.call-start
scs
__scs_entry_jumppad:
0x0: {  	(pc) =	sbr.rel $0x88, $3  }
0x1: {  	(tag) =	ssettag $0x0;
	lr =	simm.s32 $0x1  }
0x2: {  	[smem:$0x3F97] =	sst lr;
	_ =	strace $0xD0000000  }
0x3: {  	_ = 	snop  }
0x4: {  	_ = 	snop  }
0x5: {  	_ = 	snop  }
0x6: {  	_ = 	snop  }
0x7: {  	_ = 	snop  }
__scs_overlays_trampoline_lowered:
0x8: {  	[smem:$0x3FA6] =	sst s0  }
0x9: {  	[smem:$0x3FA7] =	sst s1  }
0xa: {  	[smem:$0x3FA8] =	sst s2  }
0xb: {  	[smem:$0x3FA9] =	sst s3  }
0xc: {  	[smem:$0x3FAA] =	sst s4  }
0xd: {  	[smem:$0x3FAB] =	sst s5  }
0xe: {  	[smem:$0x3FAC] =	sst s6  }
0xf: {  	[smem:$0x3FAD] =	sst s7  }
0x10: {  	[smem:$0x3FAE] =	sst s8  }
0x11: {  	[smem:$0x3FAF] =	sst s9;
	s0 =	simm.s32 @!p0 $0x0  }
0x12: {  	s1 =	sld [smem:$0x3F95];
	s0 =	simm.s32 @p0 $0x1  }
0x13: {  	[smem:$0x3FB0] =	sst s0;
	s0 =	simm.s32 @!p1 $0x0  }
0x14: {  	s2 =	sld [smem:$0x3F94];
	s0 =	simm.s32 @p1 $0x1  }
0x15: {  	[smem:$0x3FB1] =	sst s0;
	s0 =	simm.s32 @!p2 $0x0  }
0x16: {  	s3 =	sld [smem:$0x3FDB];
	s0 =	simm.s32 @p2 $0x1  }
0x17: {  	s4 =	simm.s32 $0x1BF5;
	[smem:$0x3FB3] =	sst s0  }
0x18: {  	s0 =	sld [smem:$0x3F96];
	_ =	swait.ge [sflag:s4], $0x0  }
0x19: {  	s7 =	sld [smem:$0x3F97]  }
0x1a: {  	s8 =	sadd.s32 $0xFFFFE003, lr  }
0x1b: {  	s9 =	sadd.s32 $0xFFFFFEF7, lr;
	s5 =	simm.s32 $0xFFFFFFFF;
	p2 =	slt.u32 s8, $0xFFFFF086  }
0x1c: {  	p1 =	slt.u32 s9, $0xF7A;
	s5 =	simm.s32 @!p2 $0x0  }
0x1d: {  	s5 =	simm.s32 @p1 $0x1;
	p0 =	seq.s32 s7, s2  }
0x1e: {  	s7 =	smul.u32 @!p0 $0xF7A, s2;
	p2 =	seq.s32 @!p0 s5, $0x0  }
0x1f: {  	s9 =	smul.u32 $0xF7A, s1;
	s8 =	simm.s32 @!p0 $0x1BF5;
	p2 =	por !p2, p0  }
0x20: {  	[sflag:s8] =	ssyncset.s32 @!p0 $0xFFFFF086;
	s6 =	sadd.s32 @!p0 s3, s7;
	s7 =	simm.s32 @!p0 $0x108  }
0x21: {  	s3 =	sadd.s32 s3, s9;
	s6 =	sadd.s32 @!p0 $0x88, s6;
	s7 =	simm.s32 @p2 $0x1082  }
0x22: {  	[simem:s7], [sflag:s8] =	dma.local @!p0 [hbm:s6], $0xF7A  }
0x23: {  	s9 =	sor.u32 $0xD0000000, s2;
	s6 =	simm.s32 $0x108;
	_ =	swait.ge @!p0 [sflag:s8], $0x0  }
0x24: {  	s3 =	sadd.s32 $0x88, s3;
	s6 =	simm.s32 @!p1 $0x1082;
	[sflag:s4] =	ssyncset.s32 $0xFFFFF086  }
0x25: {  	[simem:s6], [sflag:s4] =	dma.local [hbm:s3], $0xF7A  }
0x26: {  	[smem:$0x3F97] =	sst s1;
	(tag) =	ssettag s2;
	_ =	strace s9  }
0x27: {  	s1 =	sld [smem:$0x3FA7]  }
0x28: {  	s2 =	sld [smem:$0x3FA8]  }
0x29: {  	s4 =	sld [smem:$0x3FAA]  }
0x2a: {  	p0 =	seq.s32 s5, $0x0;
	s5 =	sld [smem:$0x3FAB]  }
0x2b: {  	s6 =	sld [smem:$0x3FAC]  }
0x2c: {  	s7 =	sld [smem:$0x3FAD]  }
0x2d: {  	s3 =	simm.s32 $0x108;
	s8 =	sld [smem:$0x3FAE]  }
0x2e: {  	s3 =	simm.s32 @!p0 $0x1082;
	s9 =	sld [smem:$0x3FAF]  }
0x2f: {  	lr =	sadd.s32 s0, s3;
	s0 =	sld [smem:$0x3FA6]  }
0x30: {  	s3 =	sld [smem:$0x3FA9]  }
0x31: {  	[smem:$0x3FB2] =	sst s10  }
0x32: {  	s10 =	sld [smem:$0x3FB0];
	_ =	sdelay $0x3  }
0x33: {  	p0 =	seq.s32 s10, $0x1;
	s10 =	sld [smem:$0x3FB2];
	_ =	sdelay $0x3  }
0x34: {  	[smem:$0x3FB2] =	sst s10  }
0x35: {  	s10 =	sld [smem:$0x3FB1];
	_ =	sdelay $0x3  }
0x36: {  	p1 =	seq.s32 s10, $0x1;
	s10 =	sld [smem:$0x3FB2];
	_ =	sdelay $0x3  }
0x37: {  	[smem:$0x3FB2] =	sst s10  }
0x38: {  	s10 =	sld [smem:$0x3FB3]  }
0x39: {  	_ = 	snop;
	(pc) =	sbr.ind lr, $3  }
0x3a: {  	_ = 	snop  }
0x3b: {  	_ = 	snop  }
0x3c: {  	p2 =	seq.s32 s10, $0x1;
	s10 =	sld [smem:$0x3FB2]  }
0x3d: {  	_ =	shalt  }
0x3e: {  	_ =	shalt  }
0x3f: {  	_ =	shalt  }
0x40: {  	_ =	shalt  }
0x41: {  	_ =	shalt  }
0x42: {  	_ =	shalt  }
0x43: {  	_ =	shalt  }
0x44: {  	_ =	shalt  }
0x45: {  	_ =	shalt  }
0x46: {  	_ =	shalt  }
0x47: {  	_ =	shalt  }
0x48: {  	_ =	shalt  }
0x49: {  	_ =	shalt  }
0x4a: {  	_ =	shalt  }
0x4b: {  	_ =	shalt  }
0x4c: {  	_ =	shalt  }
0x4d: {  	_ =	shalt  }
0x4e: {  	_ =	shalt  }
0x4f: {  	_ =	shalt  }
0x50: {  	_ =	shalt  }
0x51: {  	_ =	shalt  }
0x52: {  	_ =	shalt  }
0x53: {  	_ =	shalt  }
0x54: {  	_ =	shalt  }
0x55: {  	_ =	shalt  }
0x56: {  	_ =	shalt  }
0x57: {  	_ =	shalt  }
0x58: {  	_ =	shalt  }
0x59: {  	_ =	shalt  }
0x5a: {  	_ =	shalt  }
0x5b: {  	_ =	shalt  }
0x5c: {  	_ =	shalt  }
0x5d: {  	_ =	shalt  }
0x5e: {  	_ =	shalt  }
0x5f: {  	_ =	shalt  }
0x60: {  	_ =	shalt  }
0x61: {  	_ =	shalt  }
0x62: {  	_ =	shalt  }
0x63: {  	_ =	shalt  }
0x64: {  	_ =	shalt  }
0x65: {  	_ =	shalt  }
0x66: {  	_ =	shalt  }
0x67: {  	_ =	shalt  }
0x68: {  	_ =	shalt  }
0x69: {  	_ =	shalt  }
0x6a: {  	_ =	shalt  }
0x6b: {  	_ =	shalt  }
0x6c: {  	_ =	shalt  }
0x6d: {  	_ =	shalt  }
0x6e: {  	_ =	shalt  }
0x6f: {  	_ =	shalt  }
0x70: {  	_ =	shalt  }
0x71: {  	_ =	shalt  }
0x72: {  	_ =	shalt  }
0x73: {  	_ =	shalt  }
0x74: {  	_ =	shalt  }
0x75: {  	_ =	shalt  }
0x76: {  	_ =	shalt  }
0x77: {  	_ =	shalt  }
0x78: {  	_ =	shalt  }
0x79: {  	_ =	shalt  }
0x7a: {  	_ =	shalt  }
0x7b: {  	_ =	shalt  }
0x7c: {  	_ =	shalt  }
0x7d: {  	_ =	shalt  }
0x7e: {  	_ =	shalt  }
0x7f: {  	_ =	shalt  }
0x80: {  	_ =	shalt  }
0x81: {  	_ =	shalt  }
0x82: {  	_ =	shalt  }
0x83: {  	_ =	shalt  }
0x84: {  	_ =	shalt  }
0x85: {  	_ =	shalt  }
0x86: {  	_ =	shalt  }
0x87: {  	_ =	shalt  }
.Lfunc_end0:
.L_simem_size_0:
called_computation_lowered:
.L_overlay_start_0:
0x88: {  	s2 =	sld [smem:$0x3FD9]  }
0x89: {  	s3 =	sld [smem:$0x3FFE];
	_ =	sdelay $0x1  }
0x8a: {  	s1 =	srdreg.scid  }
0x8b: {  	s0 =	sand.u32 $0x1, s1  }
0x8c: {  	s16 =	sshll.u32 s0, $0xA;
	s2 =	sadd.s32 s3, s2  }
0x8d: {  	s2 =	sadd.s32 s2, s16  }
0x8e: {  	[smem:$0x3FBE] =	sst s2  }
0x8f: {  	_ = 	snop  }
0x90: {  	(tm) =	ssettm $0x1  }
0x91: {  	s17 =	sld [smem:$0x3FFB];
	_ =	sdelay $0x3  }
0x92: {  	_ =	strace s17  }
0x93: {  	s2 =	sld [smem:$0x3FFC];
	_ =	sdelay $0x3  }
0x94: {  	_ =	strace s2  }
0x95: {  	s2 =	sld [smem:$0x3FFD];
	_ =	sdelay $0x3  }
0x96: {  	_ =	strace s2  }
0x97: {  	_ =	strace $0x8FFFFFFF  }
0x98: {  	s18 =	sld [smem:$0x3FDB];
	_ =	sdelay $0x1  }
0x99: {  	s19 =	simm.s32 $_scs_section_size  }
0x9a: {  	s4 =	simm.s32 $_size__tile_overlayer_lowered;
	s5 =	simm.s32 $_tile_overlayer_lowered  }
0x9b: {  	s22 =	simm.s32 $0x1BFF;
	s21 =	sshll.u32 s5, $0x1;
	s2 =	sadd.s32 s19, s18  }
0x9c: {  	s6 =	simm.s32 $0x0;
	s20 =	sshll.u32 s4, $0x1;
	s4 =	sadd.s32 s21, s2  }
0x9d: {  	[timem:s6], [sflag:s22] =	dma.local [hbm:s4], s20  }
0x9e: {  	_ =	swait.ge [sflag:s22], s20  }
0x9f: {  	s3 =	ssub.s32 $0x0, s20;
	[sflag:s22] =	ssyncset.done $0x0  }
0xa0: {  	[sflag:s22] =	ssyncadd.s32 s3;
	_ =	sdelay $0x1  }
0xa1: {  	s23 =	simm.s32 $0x1B8B  }
0xa2: {  	_ =	swait.ge [sflag:s23], $0x1  }
0xa3: {  	[sflag:s23] =	ssyncset.done $0x0  }
0xa4: {  	s25 =	simm.s32 $0x1B8E;
	s24 =	sld [smem:$0x3FFE];
	[sflag:s23] =	ssyncadd.s32 $0xFFFFFFFF  }
0xa5: {  	s26 =	simm.s32 $execute0_lowered;
	[smem:$0x3FD2] =	sst s25  }
0xa6: {  	s4 =	sshll.u32 s26, $0x1;
	_ =	strace $0x80000046;
	[dreg:$0x1] =	wrdreg $0xFFFFFFFF  }
0xa7: {  	s28 =	simm.s32 $_size_execute0_lowered;
	s2 =	sadd.s32 s2, s4;
	[dreg:$0x0] =	wrdreg $0x0  }
0xa8: {  	s4 =	sshll.u32 s28, $0x1;
	[dreg:$0x2] =	wrdreg s2  }
0xa9: {  	[dreg:$0x3] =	wrdreg s4  }
0xaa: {  	[dreg:$0x4] =	wrdreg $0xC0  }
0xab: {  	_ =	task [dreg:s6], $0x5FFFF  }
0xac: {  	[dreg:$0x1] =	wrdreg $0xFFFFFFFF  }
0xad: {  	[dreg:$0x0] =	wrdreg $0x60  }
0xae: {  	[dreg:$0x2] =	wrdreg s24  }
0xaf: {  	[dreg:$0x3] =	wrdreg $0x9  }
0xb0: {  	_ =	task.clear_ibuf [dreg:s6], $0x4FFFF;
	_ =	strace $0x90000046  }
0xb1: {  	s29 =	simm.s32 $0x9;
	_ =	strace $0x80000048  }
0xb2: {  	_ =	swait.ge [sflag:s29], $0x1  }
0xb3: {  	[sflag:s29] =	ssyncadd.s32 $0xFFFFFFFF  }
0xb4: {  	_ =	strace $0x90000048  }
0xb5: {  	_ =	sfence  }
0xb6: {  	s30 =	sld [smem:$0x0];
	_ =	sdelay $0x2  }
0xb7: {  	s31 =	sshll.u32 s1, $0xD;
	s1 =	sshrl.u32 s1, $0x2  }
0xb8: {  	s3 =	sand.u32 $0x4000, s31;
	s1 =	sadd.s32 s1, s30  }
0xb9: {  	s0 =	sor.u32 s3, s0;
	s1 =	sshll.u32 s1, $0x11  }
0xba: {  	s0 =	sor.u32 s1, s0  }
0xbb: {  	s0 =	sadd.s32 $0x8F2B, s0  }
0xbc: {  	[sflag:s0] =	ssyncadd.remote.s32 $0x1  }
0xbd: {  	_ =	sfence.sel $0xFFFF  }
0xbe: {  	[dreg:$0x0] =	wrdreg $0xFFFFFFFF;
	(pc) =	sbr.abs _section_cstart, $3  }
0xbf: {  	[dreg:$0x1] =	wrdreg $0xFFFFFFFF  }
0xc0: {  	_ =	task.clear_ibuf [dreg:s6], $0x2FFFF;
	_ =	strace $0x9FFFFFFF  }
0xc1: {  	(tm) =	ssettm $0x7FFFFFFF  }
tec
execute0_lowered:
.L_overlay_start_1:
0x0: {  	(tag) =	ssettag $0x1  }
0x1: {  	s0 =	rddreg [dreg:$0x0]  }
0x2: {  	s2 =	simm.s32 $0x0;
	s20 =	stileid.u32;
	s1 =	srdreg.scid  }
0x3: {  	s29 =	simm.s32 $0x1C000;
	s30 =	simm.s32 $0x0;
	[smem:$0x7FF] =	sst s2  }
0x4: {  	s3 =	sshll.u32 s20, $0x7;
	s1 =	sand.u32 $0x1, s1;
	s4 =	smul.u32 $0x18000, s20  }
0x5: {  	s7 =	sshll.u32 s20, $0x4;
	s10 =	sadd.s32 $0xF61C00, s0;
	s11 =	sadd.s32 $0xF5BC00, s0  }
0x6: {  	s25 =	sand.u32 $0xE, s20;
	p0 =	sgt.u32 s20, $0x7;
	s20 =	simm.s32 $0x80  }
0x7: {  	_ =	strace $0x80000047;
	s5 =	sadd.s32 $0xFFFFFC00, s3;
	s6 =	sshll.u32 s1, $0xE  }
0x8: {  	s7 =	sadd.s32 s7, s0;
	s1 =	ssub.s32 $0x2, s1;
	s26 =	sand.u32 $0x80, s3  }
0x9: {  	p1 =	sne.s32 s25, $0x8;
	s25 =	simm.s32 $0x19000;
	s5 =	sshrl.u32 s5, $0x3  }
0xa: {  	s4 =	sor.u32 s6, s4;
	s21 =	sshrl.u32 s1, $0x1;
	s12 =	sor.u32 s6, s26  }
0xb: {  	s13 =	sadd.s32 $0x1200, s7;
	s3 =	sor.u32 s3, s6;
	s26 =	simm.s32 $0x1F000  }
0xc: {  	s5 =	sadd.s32 s5, s0;
	s8 =	sshrl.u32 s4, $0x3;
	s4 =	sadd.s32 $0xFFF40000, s4  }
0xd: {  	s1 =	ssub.s32 s1, s21;
	s31 =	sshrl.u32 s12, $0x3;
	s3 =	sshrl.u32 s3, $0x3  }
0xe: {  	s21 =	simm.s32 $0x400;
	s17 =	sadd.s32 s8, s0;
	s0 =	sadd.s32 $0x20600, s0  }
0xf: {  	s4 =	sshrl.u32 s4, $0x3;
	s5 =	sadd.s32 $0x1A200, s5;
	s19 =	smax.u32 s1, $0x1  }
0x10: {  	[dreg:$0x2] =	wrdreg s5;
	s22 =	sadd.s32 s10, s4;
	s23 =	sadd.s32 s11, s4  }
0x11: {  	s24 =	sor.u32 $0x200, s4;
	s28 =	sor.u32 $0x400, s4;
	s14 =	sadd.s32 $0xF43C00, s17  }
0x12: {  	s4 =	sor.u32 $0x600, s4;
	s15 =	sadd.s32 $0xF43E00, s17;
	s16 =	sadd.s32 $0xF44000, s17  }
0x13: {  	s17 =	sadd.s32 $0xF44200, s17;
	s18 =	sadd.s32 s0, s3;
	[dreg:$0x3] =	wrdreg s22  }
.Ltmp0:
0x14: {  	[dreg:$0x4] =	wrdreg s23;
	s9 =	sadd.s32 s10, s24;
	(pc) =	sbr.rel .LBB2_1-.Ltmp0, $4  }
0x15: {  	s5 =	sadd.s32 s11, s24;
	s8 =	sadd.s32 s10, s28;
	s10 =	sadd.s32 s10, s4  }
0x16: {  	s22 =	simm.s32 $0x1;
	s23 =	simm.s32 $0x1000;
	[dreg:$0x5] =	wrdreg s9  }
0x17: {  	s24 =	simm.s32 $0x8000;
	[dreg:$0x6] =	wrdreg s5;
	s5 =	sadd.s32 s31, s0  }
0x18: {  	s9 =	sadd.s32 s11, s28;
	s11 =	sadd.s32 s11, s4;
	s12 =	sadd.s32 $0x1000, s5  }
.LBB2_20:
0x19: {  	v11 =	vld [tilespmem:s1+$0x1A000]  }
0x1a: {  	v12 =	vld [tilespmem:s1+$0x19000]  }
0x1b: {  	v14 =	vld [tilespmem:s1+$0x19080]  }
0x1c: {  	v15 =	vld [tilespmem:s1+$0x19300]  }
0x1d: {  	v16 =	vld [tilespmem:s1+$0x19100]  }
0x1e: {  	v17 =	vld [tilespmem:s1+$0x19280]  }
0x1f: {  	v19 =	vld [tilespmem:s1+$0x19200]  }
0x20: {  	s6 =	sor.u32 $0x180, s6;
	v20 =	vld [tilespmem:s1+$0x1C000]  }
0x21: {  	v18 =	vld [tilespmem:s6+$0x19000]  }
0x22: {  	v21 =	vld [tilespmem:s1+$0x1C080]  }
0x23: {  	v12 =	vld.idx.msk [tilespmem:v12+s2+$0x0], $0xffff  }
0x24: {  	v22 =	vld [tilespmem:s1+$0x1C100]  }
0x25: {  	s4 =	sor.u32 $0x380, s7;
	v14 =	vld.idx.msk [tilespmem:v14+s2+$0x0], $0xffff  }
0x26: {  	v13 =	vld [tilespmem:s4+$0x19000]  }
0x27: {  	v16 =	vld.idx.msk [tilespmem:v16+s2+$0x0], $0xffff  }
0x28: {  	v41 =	vld [tilespmem:s6+$0x1C000];
	v12 =	vmul.f32 v20, v12  }
0x29: {  	v18 =	vld.idx.msk [tilespmem:v18+s2+$0x0], $0xffff  }
0x2a: {  	v42 =	vld [tilespmem:s1+$0x1C200];
	v14 =	vmul.f32 v21, v14;
	v12 =	vadd.f32 $0.0e+00, v12  }
0x2b: {  	v19 =	vld.idx.msk [tilespmem:v19+s2+$0x0], $0xffff  }
0x2c: {  	v45 =	vld [tilespmem:s1+$0x1C280];
	v43 =	vmul.f32 v22, v16;
	v12 =	vadd.f32 v14, v12  }
0x2d: {  	v44 =	vld.idx.msk [tilespmem:v17+s2+$0x0], $0xffff  }
0x2e: {  	v47 =	vld [tilespmem:s1+$0x1C300];
	v46 =	vmul.f32 v41, v18;
	v12 =	vadd.f32 v43, v12  }
0x2f: {  	v15 =	vld.idx.msk [tilespmem:v15+s2+$0x0], $0xffff  }
0x30: {  	v49 =	vld [tilespmem:s4+$0x1C000];
	v48 =	vmul.f32 v42, v19;
	v12 =	vadd.f32 v46, v12  }
0x31: {  	v13 =	vld.idx.msk [tilespmem:v13+s2+$0x0], $0xffff  }
0x32: {  	v51 =	vld [tilespmem:s1+$0x1D000];
	v50 =	vmul.f32 v45, v44;
	v12 =	vadd.f32 v48, v12  }
0x33: {  	v11 =	vld.idx.msk [tilespmem:v11+s2+$0x0], $0xffff  }
0x34: {  	v10 =	vld.idx.msk [tilespmem:v10+s2+$0x0], $0xffff;
	v52 =	vmul.f32 v47, v15;
	v12 =	vadd.f32 v50, v12  }
0x35: {  	v53 =	vld [tilespmem:s1+$0x1D080]  }
0x36: {  	v9 =	vld.idx.msk [tilespmem:v9+s2+$0x0], $0xffff;
	v13 =	vmul.f32 v49, v13;
	v12 =	vadd.f32 v52, v12  }
0x37: {  	v54 =	vld [tilespmem:s1+$0x1D100]  }
0x38: {  	v8 =	vld.idx.msk [tilespmem:v8+s2+$0x0], $0xffff;
	v11 =	vmul.f32 v51, v11;
	v12 =	vadd.f32 v13, v12  }
0x39: {  	v55 =	vld [tilespmem:s5+$0x1C000]  }
0x3a: {  	v7 =	vld.idx.msk [tilespmem:v7+s2+$0x0], $0xffff;
	v10 =	vmul.f32 v53, v10;
	v11 =	vadd.f32 v11, v12  }
0x3b: {  	v56 =	vld [tilespmem:s1+$0x1D200]  }
0x3c: {  	v6 =	vld.idx.msk [tilespmem:v6+s2+$0x0], $0xffff;
	v9 =	vmul.f32 v54, v9;
	v10 =	vadd.f32 v10, v11  }
0x3d: {  	v57 =	vld [tilespmem:s1+$0x1D280]  }
0x3e: {  	v5 =	vld.idx.msk [tilespmem:v5+s2+$0x0], $0xffff;
	v8 =	vmul.f32 v55, v8;
	v9 =	vadd.f32 v9, v10  }
0x3f: {  	v58 =	vld [tilespmem:s1+$0x1D300]  }
0x40: {  	v4 =	vld.idx.msk [tilespmem:v4+s2+$0x0], $0xffff;
	v7 =	vmul.f32 v56, v7;
	v8 =	vadd.f32 v8, v9  }
0x41: {  	v59 =	vld [tilespmem:s3+$0x1C000]  }
0x42: {  	v3 =	vld.idx.msk [tilespmem:v3+s2+$0x0], $0xffff;
	v6 =	vmul.f32 v57, v6;
	v7 =	vadd.f32 v7, v8  }
0x43: {  	v60 =	vld [tilespmem:s1+$0x1E000]  }
0x44: {  	v2 =	vld.idx.msk [tilespmem:v2+s2+$0x0], $0xffff;
	v5 =	vmul.f32 v58, v5;
	v6 =	vadd.f32 v6, v7  }
0x45: {  	v61 =	vld [tilespmem:s1+$0x1E080]  }
0x46: {  	v1 =	vld.idx.msk [tilespmem:v1+s2+$0x0], $0xffff;
	v4 =	vmul.f32 v59, v4;
	v5 =	vadd.f32 v5, v6  }
0x47: {  	v62 =	vld [tilespmem:s1+$0x1E100]  }
0x48: {  	v0 =	vld.idx.msk [tilespmem:v0+s2+$0x0], $0xffff;
	v3 =	vmul.f32 v60, v3;
	v4 =	vadd.f32 v4, v5  }
0x49: {  	v63 =	vld [tilespmem:s0+$0x1C000]  }
0x4a: {  	v2 =	vmul.f32 v61, v2;
	v3 =	vadd.f32 v3, v4;
	_ =	sdelay $0x1  }
0x4b: {  	v1 =	vmul.f32 v62, v1;
	v2 =	vadd.f32 v2, v3;
	_ =	sdelay $0x1  }
0x4c: {  	v0 =	vmul.f32 v63, v0;
	v1 =	vadd.f32 v1, v2;
	_ =	sdelay $0x1  }
0x4d: {  	v0 =	vadd.f32 v0, v1  }
0x4e: {  	s31 =	sand.u32 $0x1F0, s31  }
0x4f: {  	s0 =	smov.u32 s12;
	[tilespmem:s31+$0x1F600] =	vst v0  }
.LBB2_21:
0x50: {  	[hbm4b:s0+s20] =	stream.strided.scatter [tilespmem:s26], [sflag:$0x1], $0x800, s21, s20, $0x38;
	[tilespmem:$0x1F800] =	vst v63  }
0x51: {  	_ =	swait.ge [sflag:s22], $0x800  }
0x52: {  	[sflag:s22] =	ssyncset.done $0x0  }
0x53: {  	[sflag:s22] =	ssyncadd.s32 $0xFFFFF800  }
.LBB2_22:
0x54: {  	s30 =	sadd.s32 $0x1, s30  }
0x55: {  	p2 =	sne.s32 s30, s19  }
.Ltmp1:
0x56: {  	_ = 	snop;
	(pc) =	sbr.rel @!p2 .LBB2_23-.Ltmp1, $1  }
0x57: {  	_ =	sdelay $0x3  }
.LBB2_1:
.Ltmp2:
0x58: {  	(pc) =	sbr.rel @p0 .LBB2_11-.Ltmp2, $1  }
0x59: {  	_ =	sdelay $0x3  }
0x5a: {  	s1 =	simm.s32 $0x0  }
0x5b: {  	[tilespmem:s1], [sflag:$0x1] =	stream.strided.gather [hbm4b:s13+s20], $0x19000, s21, s20, $0x38;
	[tilespmem:$0x1F800] =	vst v63  }
0x5c: {  	_ =	swait.ge [sflag:s22], $0x19000  }
0x5d: {  	[sflag:s22] =	ssyncset.done $0x0  }
0x5e: {  	[sflag:s22] =	ssyncadd.s32 $0xFFFE7000  }
0x5f: {  	[tilespmem:s25], [sflag:$0x1] =	stream.strided.gather [hbm4b:s14+s23], $0x3000, s24, s23, $0x38;
	[tilespmem:$0x1F800] =	vst v63  }
0x60: {  	_ =	swait.ge [sflag:s22], $0x3000  }
0x61: {  	s3 =	sand.u32 $0x70, s1;
	s1 =	sand.u32 $0xC00, s1;
	[sflag:s22] =	ssyncset.done $0x0  }
0x62: {  	s1 =	sor.u32 s3, s1;
	[sflag:s22] =	ssyncadd.s32 $0xFFFFD000  }
0x63: {  	v0 =	vld [tilespmem:s1+$0x19000];
	_ =	sdelay $0x1  }
0x64: {  	v1 =	vld [tilespmem:s1+$0x19080];
	_ =	sdelay $0x1  }
0x65: {  	v2 =	vld [tilespmem:s1+$0x19100];
	_ =	sdelay $0x1  }
0x66: {  	v3 =	vld [tilespmem:s1+$0x19180]  }
0x67: {  	v4 =	vld [tilespmem:s1+$0x19200]  }
0x68: {  	v0 =	vld.idx.msk [tilespmem:v0+s2+$0x0], $0xffff  }
0x69: {  	v5 =	vld [tilespmem:s1+$0x19280]  }
0x6a: {  	v1 =	vld.idx.msk [tilespmem:v1+s2+$0x0], $0xffff  }
0x6b: {  	v6 =	vld [tilespmem:s1+$0x19300]  }
0x6c: {  	v2 =	vld.idx.msk [tilespmem:v2+s2+$0x0], $0xffff  }
0x6d: {  	v7 =	vld [tilespmem:s1+$0x19380];
	v0 =	vadd.f32 $0.0e+00, v0  }
0x6e: {  	v3 =	vld.idx.msk [tilespmem:v3+s2+$0x0], $0xffff  }
0x6f: {  	v8 =	vld [tilespmem:s1+$0x1A000];
	v0 =	vadd.f32 v1, v0  }
0x70: {  	v1 =	vld.idx.msk [tilespmem:v4+s2+$0x0], $0xffff  }
0x71: {  	v53 =	vld [tilespmem:s1+$0x1A080];
	v0 =	vadd.f32 v2, v0  }
0x72: {  	v2 =	vld.idx.msk [tilespmem:v5+s2+$0x0], $0xffff  }
0x73: {  	v54 =	vld [tilespmem:s1+$0x1A100];
	v0 =	vadd.f32 v3, v0  }
0x74: {  	v3 =	vld.idx.msk [tilespmem:v6+s2+$0x0], $0xffff  }
0x75: {  	v55 =	vld [tilespmem:s1+$0x1A180];
	v0 =	vadd.f32 v1, v0  }
0x76: {  	v1 =	vld.idx.msk [tilespmem:v7+s2+$0x0], $0xffff  }
0x77: {  	v56 =	vld [tilespmem:s1+$0x1A200];
	v0 =	vadd.f32 v2, v0  }
0x78: {  	v2 =	vld.idx.msk [tilespmem:v8+s2+$0x0], $0xffff  }
0x79: {  	v57 =	vld [tilespmem:s1+$0x1A280];
	v0 =	vadd.f32 v3, v0  }
0x7a: {  	v3 =	vld.idx.msk [tilespmem:v53+s2+$0x0], $0xffff  }
0x7b: {  	v58 =	vld [tilespmem:s1+$0x1A300];
	v0 =	vadd.f32 v1, v0  }
0x7c: {  	v1 =	vld.idx.msk [tilespmem:v54+s2+$0x0], $0xffff  }
0x7d: {  	v59 =	vld [tilespmem:s1+$0x1A380];
	v0 =	vadd.f32 v2, v0  }
0x7e: {  	v2 =	vld.idx.msk [tilespmem:v55+s2+$0x0], $0xffff  }
0x7f: {  	v60 =	vld [tilespmem:s1+$0x1B000];
	v0 =	vadd.f32 v3, v0  }
0x80: {  	v3 =	vld.idx.msk [tilespmem:v56+s2+$0x0], $0xffff  }
0x81: {  	v61 =	vld [tilespmem:s1+$0x1B080];
	v0 =	vadd.f32 v1, v0  }
0x82: {  	v1 =	vld.idx.msk [tilespmem:v57+s2+$0x0], $0xffff  }
0x83: {  	v62 =	vld [tilespmem:s1+$0x1B100];
	v0 =	vadd.f32 v2, v0  }
0x84: {  	v2 =	vld.idx.msk [tilespmem:v58+s2+$0x0], $0xffff  }
0x85: {  	v63 =	vld [tilespmem:s1+$0x1B180];
	v0 =	vadd.f32 v3, v0  }
0x86: {  	v3 =	vld.idx.msk [tilespmem:v59+s2+$0x0], $0xffff  }
0x87: {  	v0 =	vadd.f32 v1, v0  }
0x88: {  	v1 =	vld.idx.msk [tilespmem:v60+s2+$0x0], $0xffff  }
0x89: {  	v0 =	vadd.f32 v2, v0  }
0x8a: {  	v2 =	vld.idx.msk [tilespmem:v61+s2+$0x0], $0xffff  }
0x8b: {  	v0 =	vadd.f32 v3, v0  }
0x8c: {  	v3 =	vld.idx.msk [tilespmem:v62+s2+$0x0], $0xffff  }
0x8d: {  	v0 =	vadd.f32 v1, v0  }
0x8e: {  	v1 =	vld.idx.msk [tilespmem:v63+s2+$0x0], $0xffff  }
0x8f: {  	v0 =	vadd.f32 v2, v0;
	_ =	sdelay $0x1  }
0x90: {  	v0 =	vadd.f32 v3, v0;
	_ =	sdelay $0x1  }
0x91: {  	s0 =	simm.s32 $0x1F000;
	s31 =	simm.s32 $0x10;
	s1 =	simm.s32 $0x80;
	v0 =	vadd.f32 v1, v0  }
0x92: {  	s4 =	sand.u32 $0x70, s31;
	s3 =	simm.s32 $0x20;
	s5 =	sand.u32 $0xC00, s1  }
.LBB2_3:
0x93: {  	p2 =	sne.s32 s3, $0x1F0;
	s4 =	sor.u32 s4, s5;
	[tilespmem:s0+$0x0] =	vst v0  }
0x94: {  	v0 =	vld [tilespmem:s4+$0x19000];
	_ =	sdelay $0x1  }
0x95: {  	v1 =	vld [tilespmem:s4+$0x19080];
	_ =	sdelay $0x1  }
0x96: {  	v2 =	vld [tilespmem:s4+$0x19100];
	_ =	sdelay $0x1  }
0x97: {  	v3 =	vld [tilespmem:s4+$0x19180]  }
0x98: {  	v4 =	vld [tilespmem:s4+$0x19200]  }
0x99: {  	v0 =	vld.idx.msk [tilespmem:v0+s2+$0x0], $0xffff  }
0x9a: {  	v5 =	vld [tilespmem:s4+$0x19280]  }
0x9b: {  	v1 =	vld.idx.msk [tilespmem:v1+s2+$0x0], $0xffff  }
0x9c: {  	v6 =	vld [tilespmem:s4+$0x19300]  }
0x9d: {  	v2 =	vld.idx.msk [tilespmem:v2+s2+$0x0], $0xffff  }
0x9e: {  	v7 =	vld [tilespmem:s4+$0x19380]  }
0x9f: {  	v0 =	vadd.f32 $0.0e+00, v0;
	v3 =	vld.idx.msk [tilespmem:v3+s2+$0x0], $0xffff  }
0xa0: {  	v8 =	vld [tilespmem:s4+$0x1A000]  }
0xa1: {  	v0 =	vadd.f32 v1, v0;
	v1 =	vld.idx.msk [tilespmem:v4+s2+$0x0], $0xffff  }
0xa2: {  	v4 =	vld [tilespmem:s4+$0x1A080]  }
0xa3: {  	v0 =	vadd.f32 v2, v0;
	v2 =	vld.idx.msk [tilespmem:v5+s2+$0x0], $0xffff  }
0xa4: {  	v5 =	vld [tilespmem:s4+$0x1A100]  }
0xa5: {  	v0 =	vadd.f32 v3, v0;
	v3 =	vld.idx.msk [tilespmem:v6+s2+$0x0], $0xffff  }
0xa6: {  	v6 =	vld [tilespmem:s4+$0x1A180]  }
0xa7: {  	v0 =	vadd.f32 v1, v0;
	v1 =	vld.idx.msk [tilespmem:v7+s2+$0x0], $0xffff  }
0xa8: {  	v7 =	vld [tilespmem:s4+$0x1A200]  }
0xa9: {  	v0 =	vadd.f32 v2, v0;
	v2 =	vld.idx.msk [tilespmem:v8+s2+$0x0], $0xffff  }
0xaa: {  	v8 =	vld [tilespmem:s4+$0x1A280]  }
0xab: {  	v0 =	vadd.f32 v3, v0;
	v3 =	vld.idx.msk [tilespmem:v4+s2+$0x0], $0xffff  }
0xac: {  	v4 =	vld [tilespmem:s4+$0x1A300]  }
0xad: {  	v0 =	vadd.f32 v1, v0;
	v1 =	vld.idx.msk [tilespmem:v5+s2+$0x0], $0xffff  }
0xae: {  	v5 =	vld [tilespmem:s4+$0x1A380]  }
0xaf: {  	v0 =	vadd.f32 v2, v0;
	v2 =	vld.idx.msk [tilespmem:v6+s2+$0x0], $0xffff  }
0xb0: {  	v6 =	vld [tilespmem:s4+$0x1B000]  }
0xb1: {  	v0 =	vadd.f32 v3, v0;
	v3 =	vld.idx.msk [tilespmem:v7+s2+$0x0], $0xffff  }
0xb2: {  	v7 =	vld [tilespmem:s4+$0x1B080]  }
0xb3: {  	v0 =	vadd.f32 v1, v0;
	v1 =	vld.idx.msk [tilespmem:v8+s2+$0x0], $0xffff  }
0xb4: {  	v8 =	vld [tilespmem:s4+$0x1B100]  }
0xb5: {  	v0 =	vadd.f32 v2, v0;
	v2 =	vld.idx.msk [tilespmem:v4+s2+$0x0], $0xffff  }
0xb6: {  	v4 =	vld [tilespmem:s4+$0x1B180]  }
0xb7: {  	v0 =	vadd.f32 v3, v0;
	v3 =	vld.idx.msk [tilespmem:v5+s2+$0x0], $0xffff;
	_ =	sdelay $0x1  }
0xb8: {  	v0 =	vadd.f32 v1, v0;
	v1 =	vld.idx.msk [tilespmem:v6+s2+$0x0], $0xffff;
	_ =	sdelay $0x1  }
0xb9: {  	v0 =	vadd.f32 v2, v0;
	v2 =	vld.idx.msk [tilespmem:v7+s2+$0x0], $0xffff;
	_ =	sdelay $0x1  }
0xba: {  	v0 =	vadd.f32 v3, v0;
	v3 =	vld.idx.msk [tilespmem:v8+s2+$0x0], $0xffff;
	_ =	sdelay $0x1  }
0xbb: {  	v0 =	vadd.f32 v1, v0;
	v1 =	vld.idx.msk [tilespmem:v4+s2+$0x0], $0xffff;
	_ =	sdelay $0x1  }
0xbc: {  	v0 =	vadd.f32 v2, v0  }
.Ltmp3:
0xbd: {  	(pc) =	sbr.rel @p2 .LBB2_3-.Ltmp3, $3  }
0xbe: {  	v0 =	vadd.f32 v3, v0;
	_ =	sdelay $0x1  }
0xbf: {  	s1 =	sadd.s32 $0x80, s1;
	s0 =	sadd.s32 $0x10, s0;
	v0 =	vadd.f32 v1, v0  }
0xc0: {  	s5 =	sand.u32 $0xC00, s1;
	s4 =	sand.u32 $0x70, s3;
	s3 =	sadd.s32 $0x10, s3  }
0xc1: {  	s1 =	sor.u32 s4, s5;
	[tilespmem:s0+$0x0] =	vst v0  }
0xc2: {  	v0 =	vld [tilespmem:s1+$0x19000];
	_ =	sdelay $0x1  }
0xc3: {  	v1 =	vld [tilespmem:s1+$0x19080];
	_ =	sdelay $0x1  }
0xc4: {  	v2 =	vld [tilespmem:s1+$0x19100];
	_ =	sdelay $0x1  }
0xc5: {  	v3 =	vld [tilespmem:s1+$0x19180]  }
0xc6: {  	v4 =	vld [tilespmem:s1+$0x19200]  }
0xc7: {  	v0 =	vld.idx.msk [tilespmem:v0+s2+$0x0], $0xffff  }
0xc8: {  	v5 =	vld [tilespmem:s1+$0x19280]  }
0xc9: {  	v1 =	vld.idx.msk [tilespmem:v1+s2+$0x0], $0xffff  }
0xca: {  	v6 =	vld [tilespmem:s1+$0x19300]  }
0xcb: {  	v2 =	vld.idx.msk [tilespmem:v2+s2+$0x0], $0xffff  }
0xcc: {  	v7 =	vld [tilespmem:s1+$0x19380];
	v0 =	vadd.f32 $0.0e+00, v0  }
0xcd: {  	v3 =	vld.idx.msk [tilespmem:v3+s2+$0x0], $0xffff  }
0xce: {  	v8 =	vld [tilespmem:s1+$0x1A000];
	v0 =	vadd.f32 v1, v0  }
0xcf: {  	v1 =	vld.idx.msk [tilespmem:v4+s2+$0x0], $0xffff  }
0xd0: {  	v37 =	vld [tilespmem:s1+$0x1A080];
	v0 =	vadd.f32 v2, v0  }
0xd1: {  	v2 =	vld.idx.msk [tilespmem:v5+s2+$0x0], $0xffff  }
0xd2: {  	v38 =	vld [tilespmem:s1+$0x1A100];
	v0 =	vadd.f32 v3, v0  }
0xd3: {  	v3 =	vld.idx.msk [tilespmem:v6+s2+$0x0], $0xffff  }
0xd4: {  	v39 =	vld [tilespmem:s1+$0x1A180];
	v0 =	vadd.f32 v1, v0  }
0xd5: {  	v1 =	vld.idx.msk [tilespmem:v7+s2+$0x0], $0xffff  }
0xd6: {  	v40 =	vld [tilespmem:s1+$0x1A200];
	v0 =	vadd.f32 v2, v0  }
0xd7: {  	v2 =	vld.idx.msk [tilespmem:v8+s2+$0x0], $0xffff  }
0xd8: {  	v41 =	vld [tilespmem:s1+$0x1A280];
	v0 =	vadd.f32 v3, v0  }
0xd9: {  	v3 =	vld.idx.msk [tilespmem:v37+s2+$0x0], $0xffff  }
0xda: {  	v42 =	vld [tilespmem:s1+$0x1A300];
	v0 =	vadd.f32 v1, v0  }
0xdb: {  	v1 =	vld.idx.msk [tilespmem:v38+s2+$0x0], $0xffff  }
0xdc: {  	v43 =	vld [tilespmem:s1+$0x1A380];
	v0 =	vadd.f32 v2, v0  }
0xdd: {  	v2 =	vld.idx.msk [tilespmem:v39+s2+$0x0], $0xffff  }
0xde: {  	v44 =	vld [tilespmem:s1+$0x1B000];
	v0 =	vadd.f32 v3, v0  }
0xdf: {  	v3 =	vld.idx.msk [tilespmem:v40+s2+$0x0], $0xffff  }
0xe0: {  	v45 =	vld [tilespmem:s1+$0x1B080];
	v0 =	vadd.f32 v1, v0  }
0xe1: {  	v1 =	vld.idx.msk [tilespmem:v41+s2+$0x0], $0xffff  }
0xe2: {  	v46 =	vld [tilespmem:s1+$0x1B100];
	v0 =	vadd.f32 v2, v0  }
0xe3: {  	v2 =	vld.idx.msk [tilespmem:v42+s2+$0x0], $0xffff  }
0xe4: {  	v47 =	vld [tilespmem:s1+$0x1B180];
	v0 =	vadd.f32 v3, v0  }
0xe5: {  	v3 =	vld.idx.msk [tilespmem:v43+s2+$0x0], $0xffff  }
0xe6: {  	v0 =	vadd.f32 v1, v0  }
0xe7: {  	v1 =	vld.idx.msk [tilespmem:v44+s2+$0x0], $0xffff  }
0xe8: {  	v0 =	vadd.f32 v2, v0  }
0xe9: {  	v2 =	vld.idx.msk [tilespmem:v45+s2+$0x0], $0xffff  }
0xea: {  	v0 =	vadd.f32 v3, v0  }
0xeb: {  	v3 =	vld.idx.msk [tilespmem:v46+s2+$0x0], $0xffff  }
0xec: {  	v0 =	vadd.f32 v1, v0  }
0xed: {  	v1 =	vld.idx.msk [tilespmem:v47+s2+$0x0], $0xffff  }
0xee: {  	v0 =	vadd.f32 v2, v0;
	_ =	sdelay $0x1  }
0xef: {  	v0 =	vadd.f32 v3, v0;
	_ =	sdelay $0x1  }
0xf0: {  	v0 =	vadd.f32 v1, v0  }
0xf1: {  	s6 =	sadd.s32 $0x10, s0  }
0xf2: {  	[tilespmem:s6+$0x0] =	vst v0  }
0xf3: {  	[tilespmem:s25], [sflag:$0x1] =	stream.strided.gather [hbm4b:s15+s23], $0x3000, s24, s23, $0x38;
	[tilespmem:$0x1F800] =	vst v63  }
0xf4: {  	s7 =	simm.s32 $0x0;
	_ =	swait.ge [sflag:s22], $0x3000  }
0xf5: {  	s28 =	sand.u32 $0x70, s7;
	s3 =	sand.u32 $0xC00, s7;
	[sflag:s22] =	ssyncset.done $0x0  }
0xf6: {  	s0 =	sor.u32 s28, s3;
	[sflag:s22] =	ssyncadd.s32 $0xFFFFD000  }
0xf7: {  	v0 =	vld [tilespmem:s0+$0x19000];
	_ =	sdelay $0x1  }
0xf8: {  	v1 =	vld [tilespmem:s0+$0x19080];
	_ =	sdelay $0x1  }
0xf9: {  	v2 =	vld [tilespmem:s0+$0x19100];
	_ =	sdelay $0x1  }
0xfa: {  	v3 =	vld [tilespmem:s0+$0x19180]  }
0xfb: {  	v48 =	vld [tilespmem:s0+$0x19200]  }
0xfc: {  	v0 =	vld.idx.msk [tilespmem:v0+s2+$0x0], $0xffff  }
0xfd: {  	v49 =	vld [tilespmem:s0+$0x19280]  }
0xfe: {  	v1 =	vld.idx.msk [tilespmem:v1+s2+$0x0], $0xffff  }
0xff: {  	s31 =	sor.u32 s7, s7;
	v50 =	vld [tilespmem:s0+$0x19300]  }
0x100: {  	s3 =	sor.u32 $0x380, s31;
	v2 =	vld.idx.msk [tilespmem:v2+s2+$0x0], $0xffff  }
0x101: {  	v51 =	vld [tilespmem:s3+$0x19000];
	v0 =	vadd.f32 $0.0e+00, v0  }
0x102: {  	v3 =	vld.idx.msk [tilespmem:v3+s2+$0x0], $0xffff  }
0x103: {  	v52 =	vld [tilespmem:s0+$0x1A000];
	v0 =	vadd.f32 v1, v0  }
0x104: {  	v1 =	vld.idx.msk [tilespmem:v48+s2+$0x0], $0xffff  }
0x105: {  	v53 =	vld [tilespmem:s0+$0x1A080];
	v0 =	vadd.f32 v2, v0  }
0x106: {  	v2 =	vld.idx.msk [tilespmem:v49+s2+$0x0], $0xffff  }
0x107: {  	v54 =	vld [tilespmem:s0+$0x1A100];
	v0 =	vadd.f32 v3, v0  }
0x108: {  	v3 =	vld.idx.msk [tilespmem:v50+s2+$0x0], $0xffff  }
0x109: {  	v55 =	vld [tilespmem:s0+$0x1A180];
	v0 =	vadd.f32 v1, v0  }
0x10a: {  	v1 =	vld.idx.msk [tilespmem:v51+s2+$0x0], $0xffff  }
0x10b: {  	v56 =	vld [tilespmem:s0+$0x1A200];
	v0 =	vadd.f32 v2, v0  }
0x10c: {  	v2 =	vld.idx.msk [tilespmem:v52+s2+$0x0], $0xffff  }
0x10d: {  	v57 =	vld [tilespmem:s0+$0x1A280];
	v0 =	vadd.f32 v3, v0  }
0x10e: {  	v3 =	vld.idx.msk [tilespmem:v53+s2+$0x0], $0xffff  }
0x10f: {  	v58 =	vld [tilespmem:s0+$0x1A300];
	v0 =	vadd.f32 v1, v0  }
0x110: {  	v1 =	vld.idx.msk [tilespmem:v54+s2+$0x0], $0xffff  }
0x111: {  	v59 =	vld [tilespmem:s0+$0x1A380];
	v0 =	vadd.f32 v2, v0  }
0x112: {  	v2 =	vld.idx.msk [tilespmem:v55+s2+$0x0], $0xffff  }
0x113: {  	v60 =	vld [tilespmem:s0+$0x1B000];
	v0 =	vadd.f32 v3, v0  }
0x114: {  	v3 =	vld.idx.msk [tilespmem:v56+s2+$0x0], $0xffff  }
0x115: {  	v61 =	vld [tilespmem:s0+$0x1B080];
	v0 =	vadd.f32 v1, v0  }
0x116: {  	v1 =	vld.idx.msk [tilespmem:v57+s2+$0x0], $0xffff  }
0x117: {  	v62 =	vld [tilespmem:s0+$0x1B100];
	v0 =	vadd.f32 v2, v0  }
0x118: {  	v2 =	vld.idx.msk [tilespmem:v58+s2+$0x0], $0xffff  }
0x119: {  	v63 =	vld [tilespmem:s0+$0x1B180];
	v0 =	vadd.f32 v3, v0  }
0x11a: {  	v3 =	vld.idx.msk [tilespmem:v59+s2+$0x0], $0xffff  }
0x11b: {  	v0 =	vadd.f32 v1, v0  }
0x11c: {  	v1 =	vld.idx.msk [tilespmem:v60+s2+$0x0], $0xffff  }
0x11d: {  	v0 =	vadd.f32 v2, v0  }
0x11e: {  	v2 =	vld.idx.msk [tilespmem:v61+s2+$0x0], $0xffff  }
0x11f: {  	v0 =	vadd.f32 v3, v0  }
0x120: {  	v3 =	vld.idx.msk [tilespmem:v62+s2+$0x0], $0xffff  }
0x121: {  	v0 =	vadd.f32 v1, v0  }
0x122: {  	v1 =	vld.idx.msk [tilespmem:v63+s2+$0x0], $0xffff  }
0x123: {  	v0 =	vadd.f32 v2, v0;
	_ =	sdelay $0x1  }
0x124: {  	v0 =	vadd.f32 v3, v0;
	_ =	sdelay $0x1  }
0x125: {  	s5 =	sand.u32 $0x1F0, s7;
	s1 =	simm.s32 $0x80;
	s0 =	simm.s32 $0x10;
	v0 =	vadd.f32 v1, v0  }
0x126: {  	s6 =	sand.u32 $0xC00, s1;
	s3 =	simm.s32 $0x20;
	s4 =	sand.u32 $0x70, s0  }
.LBB2_5:
0x127: {  	p2 =	sne.s32 s3, $0x1F0;
	s4 =	sor.u32 s4, s6;
	[tilespmem:s5+$0x1F200] =	vst v0  }
0x128: {  	v0 =	vld [tilespmem:s4+$0x19000];
	_ =	sdelay $0x1  }
0x129: {  	v1 =	vld [tilespmem:s4+$0x19080];
	_ =	sdelay $0x1  }
0x12a: {  	v2 =	vld [tilespmem:s4+$0x19100];
	_ =	sdelay $0x1  }
0x12b: {  	v3 =	vld [tilespmem:s4+$0x19180]  }
0x12c: {  	v4 =	vld [tilespmem:s4+$0x19200]  }
0x12d: {  	v0 =	vld.idx.msk [tilespmem:v0+s2+$0x0], $0xffff  }
0x12e: {  	v5 =	vld [tilespmem:s4+$0x19280]  }
0x12f: {  	v1 =	vld.idx.msk [tilespmem:v1+s2+$0x0], $0xffff  }
0x130: {  	s5 =	sor.u32 s1, s0;
	v6 =	vld [tilespmem:s4+$0x19300]  }
0x131: {  	s5 =	sor.u32 $0x380, s5;
	v2 =	vld.idx.msk [tilespmem:v2+s2+$0x0], $0xffff  }
0x132: {  	v7 =	vld [tilespmem:s5+$0x19000]  }
0x133: {  	v0 =	vadd.f32 $0.0e+00, v0;
	v3 =	vld.idx.msk [tilespmem:v3+s2+$0x0], $0xffff  }
0x134: {  	v8 =	vld [tilespmem:s4+$0x1A000]  }
0x135: {  	v0 =	vadd.f32 v1, v0;
	v1 =	vld.idx.msk [tilespmem:v4+s2+$0x0], $0xffff  }
0x136: {  	v4 =	vld [tilespmem:s4+$0x1A080]  }
0x137: {  	v0 =	vadd.f32 v2, v0;
	v2 =	vld.idx.msk [tilespmem:v5+s2+$0x0], $0xffff  }
0x138: {  	v5 =	vld [tilespmem:s4+$0x1A100]  }
0x139: {  	v0 =	vadd.f32 v3, v0;
	v3 =	vld.idx.msk [tilespmem:v6+s2+$0x0], $0xffff  }
0x13a: {  	v6 =	vld [tilespmem:s4+$0x1A180]  }
0x13b: {  	v0 =	vadd.f32 v1, v0;
	v1 =	vld.idx.msk [tilespmem:v7+s2+$0x0], $0xffff  }
0x13c: {  	v7 =	vld [tilespmem:s4+$0x1A200]  }
0x13d: {  	v0 =	vadd.f32 v2, v0;
	v2 =	vld.idx.msk [tilespmem:v8+s2+$0x0], $0xffff  }
0x13e: {  	v8 =	vld [tilespmem:s4+$0x1A280]  }
0x13f: {  	v0 =	vadd.f32 v3, v0;
	v3 =	vld.idx.msk [tilespmem:v4+s2+$0x0], $0xffff  }
0x140: {  	v4 =	vld [tilespmem:s4+$0x1A300]  }
0x141: {  	v0 =	vadd.f32 v1, v0;
	v1 =	vld.idx.msk [tilespmem:v5+s2+$0x0], $0xffff  }
0x142: {  	v5 =	vld [tilespmem:s4+$0x1A380]  }
0x143: {  	v0 =	vadd.f32 v2, v0;
	v2 =	vld.idx.msk [tilespmem:v6+s2+$0x0], $0xffff  }
0x144: {  	v6 =	vld [tilespmem:s4+$0x1B000]  }
0x145: {  	v0 =	vadd.f32 v3, v0;
	v3 =	vld.idx.msk [tilespmem:v7+s2+$0x0], $0xffff  }
0x146: {  	v7 =	vld [tilespmem:s4+$0x1B080]  }
0x147: {  	v0 =	vadd.f32 v1, v0;
	v1 =	vld.idx.msk [tilespmem:v8+s2+$0x0], $0xffff  }
0x148: {  	v8 =	vld [tilespmem:s4+$0x1B100]  }
0x149: {  	v0 =	vadd.f32 v2, v0;
	v2 =	vld.idx.msk [tilespmem:v4+s2+$0x0], $0xffff  }
0x14a: {  	v4 =	vld [tilespmem:s4+$0x1B180]  }
0x14b: {  	v0 =	vadd.f32 v3, v0;
	v3 =	vld.idx.msk [tilespmem:v5+s2+$0x0], $0xffff;
	_ =	sdelay $0x1  }
0x14c: {  	v0 =	vadd.f32 v1, v0;
	v1 =	vld.idx.msk [tilespmem:v6+s2+$0x0], $0xffff;
	_ =	sdelay $0x1  }
0x14d: {  	v0 =	vadd.f32 v2, v0;
	v2 =	vld.idx.msk [tilespmem:v7+s2+$0x0], $0xffff;
	_ =	sdelay $0x1  }
0x14e: {  	v0 =	vadd.f32 v3, v0;
	v3 =	vld.idx.msk [tilespmem:v8+s2+$0x0], $0xffff;
	_ =	sdelay $0x1  }
0x14f: {  	v0 =	vadd.f32 v1, v0;
	v1 =	vld.idx.msk [tilespmem:v4+s2+$0x0], $0xffff;
	_ =	sdelay $0x1  }
0x150: {  	v0 =	vadd.f32 v2, v0  }
.Ltmp4:
0x151: {  	(pc) =	sbr.rel @p2 .LBB2_5-.Ltmp4, $3  }
0x152: {  	v0 =	vadd.f32 v3, v0;
	_ =	sdelay $0x1  }
0x153: {  	s1 =	sadd.s32 $0x80, s1;
	s5 =	sand.u32 $0x1F0, s0;
	s0 =	smov.u32 s3;
	v0 =	vadd.f32 v1, v0  }
0x154: {  	s6 =	sand.u32 $0xC00, s1;
	s3 =	sadd.s32 $0x10, s3;
	s4 =	sand.u32 $0x70, s0  }
0x155: {  	s3 =	sor.u32 s4, s6;
	[tilespmem:s5+$0x1F200] =	vst v0  }
0x156: {  	v0 =	vld [tilespmem:s3+$0x19000];
	_ =	sdelay $0x1  }
0x157: {  	v1 =	vld [tilespmem:s3+$0x19080];
	_ =	sdelay $0x1  }
0x158: {  	v2 =	vld [tilespmem:s3+$0x19100];
	_ =	sdelay $0x1  }
0x159: {  	v3 =	vld [tilespmem:s3+$0x19180]  }
0x15a: {  	v4 =	vld [tilespmem:s3+$0x19200]  }
0x15b: {  	v0 =	vld.idx.msk [tilespmem:v0+s2+$0x0], $0xffff  }
0x15c: {  	v5 =	vld [tilespmem:s3+$0x19280]  }
0x15d: {  	v1 =	vld.idx.msk [tilespmem:v1+s2+$0x0], $0xffff  }
0x15e: {  	s1 =	sor.u32 s1, s0;
	v6 =	vld [tilespmem:s3+$0x19300]  }
0x15f: {  	s1 =	sor.u32 $0x380, s1;
	v2 =	vld.idx.msk [tilespmem:v2+s2+$0x0], $0xffff  }
0x160: {  	v7 =	vld [tilespmem:s1+$0x19000];
	v0 =	vadd.f32 $0.0e+00, v0  }
0x161: {  	v3 =	vld.idx.msk [tilespmem:v3+s2+$0x0], $0xffff  }
0x162: {  	v8 =	vld [tilespmem:s3+$0x1A000];
	v0 =	vadd.f32 v1, v0  }
0x163: {  	v1 =	vld.idx.msk [tilespmem:v4+s2+$0x0], $0xffff  }
0x164: {  	v37 =	vld [tilespmem:s3+$0x1A080];
	v0 =	vadd.f32 v2, v0  }
0x165: {  	v2 =	vld.idx.msk [tilespmem:v5+s2+$0x0], $0xffff  }
0x166: {  	v38 =	vld [tilespmem:s3+$0x1A100];
	v0 =	vadd.f32 v3, v0  }
0x167: {  	v3 =	vld.idx.msk [tilespmem:v6+s2+$0x0], $0xffff  }
0x168: {  	v39 =	vld [tilespmem:s3+$0x1A180];
	v0 =	vadd.f32 v1, v0  }
0x169: {  	v1 =	vld.idx.msk [tilespmem:v7+s2+$0x0], $0xffff  }
0x16a: {  	v40 =	vld [tilespmem:s3+$0x1A200];
	v0 =	vadd.f32 v2, v0  }
0x16b: {  	v2 =	vld.idx.msk [tilespmem:v8+s2+$0x0], $0xffff  }
0x16c: {  	v41 =	vld [tilespmem:s3+$0x1A280];
	v0 =	vadd.f32 v3, v0  }
0x16d: {  	v3 =	vld.idx.msk [tilespmem:v37+s2+$0x0], $0xffff  }
0x16e: {  	v42 =	vld [tilespmem:s3+$0x1A300];
	v0 =	vadd.f32 v1, v0  }
0x16f: {  	v1 =	vld.idx.msk [tilespmem:v38+s2+$0x0], $0xffff  }
0x170: {  	v43 =	vld [tilespmem:s3+$0x1A380];
	v0 =	vadd.f32 v2, v0  }
0x171: {  	v2 =	vld.idx.msk [tilespmem:v39+s2+$0x0], $0xffff  }
0x172: {  	v44 =	vld [tilespmem:s3+$0x1B000];
	v0 =	vadd.f32 v3, v0  }
0x173: {  	v3 =	vld.idx.msk [tilespmem:v40+s2+$0x0], $0xffff  }
0x174: {  	v45 =	vld [tilespmem:s3+$0x1B080];
	v0 =	vadd.f32 v1, v0  }
0x175: {  	v1 =	vld.idx.msk [tilespmem:v41+s2+$0x0], $0xffff  }
0x176: {  	v46 =	vld [tilespmem:s3+$0x1B100];
	v0 =	vadd.f32 v2, v0  }
0x177: {  	v2 =	vld.idx.msk [tilespmem:v42+s2+$0x0], $0xffff  }
0x178: {  	v47 =	vld [tilespmem:s3+$0x1B180];
	v0 =	vadd.f32 v3, v0  }
0x179: {  	v3 =	vld.idx.msk [tilespmem:v43+s2+$0x0], $0xffff  }
0x17a: {  	v0 =	vadd.f32 v1, v0  }
0x17b: {  	v1 =	vld.idx.msk [tilespmem:v44+s2+$0x0], $0xffff  }
0x17c: {  	v0 =	vadd.f32 v2, v0  }
0x17d: {  	v2 =	vld.idx.msk [tilespmem:v45+s2+$0x0], $0xffff  }
0x17e: {  	v0 =	vadd.f32 v3, v0  }
0x17f: {  	v3 =	vld.idx.msk [tilespmem:v46+s2+$0x0], $0xffff  }
0x180: {  	v0 =	vadd.f32 v1, v0  }
0x181: {  	v1 =	vld.idx.msk [tilespmem:v47+s2+$0x0], $0xffff  }
0x182: {  	v0 =	vadd.f32 v2, v0;
	_ =	sdelay $0x1  }
0x183: {  	v0 =	vadd.f32 v3, v0;
	_ =	sdelay $0x1  }
0x184: {  	v0 =	vadd.f32 v1, v0  }
0x185: {  	s5 =	sand.u32 $0x1F0, s0  }
0x186: {  	[tilespmem:s5+$0x1F200] =	vst v0  }
0x187: {  	[tilespmem:s25], [sflag:$0x1] =	stream.strided.gather [hbm4b:s16+s23], $0x3000, s24, s23, $0x38;
	[tilespmem:$0x1F800] =	vst v63  }
0x188: {  	s6 =	simm.s32 $0x0;
	_ =	swait.ge [sflag:s22], $0x3000  }
0x189: {  	s7 =	sand.u32 $0x70, s6;
	s28 =	sand.u32 $0xC00, s6;
	[sflag:s22] =	ssyncset.done $0x0  }
0x18a: {  	s0 =	sor.u32 s7, s28;
	[sflag:s22] =	ssyncadd.s32 $0xFFFFD000  }
0x18b: {  	v0 =	vld [tilespmem:s0+$0x19000];
	_ =	sdelay $0x1  }
0x18c: {  	v1 =	vld [tilespmem:s0+$0x19080];
	_ =	sdelay $0x1  }
0x18d: {  	v2 =	vld [tilespmem:s0+$0x19100];
	_ =	sdelay $0x1  }
0x18e: {  	v3 =	vld [tilespmem:s0+$0x19180]  }
0x18f: {  	v48 =	vld [tilespmem:s0+$0x19200]  }
0x190: {  	v0 =	vld.idx.msk [tilespmem:v0+s2+$0x0], $0xffff  }
0x191: {  	v49 =	vld [tilespmem:s0+$0x19280]  }
0x192: {  	v1 =	vld.idx.msk [tilespmem:v1+s2+$0x0], $0xffff  }
0x193: {  	s31 =	sor.u32 s6, s6;
	v50 =	vld [tilespmem:s0+$0x19300]  }
0x194: {  	s3 =	sor.u32 $0x380, s31;
	v2 =	vld.idx.msk [tilespmem:v2+s2+$0x0], $0xffff  }
0x195: {  	v51 =	vld [tilespmem:s3+$0x19000];
	v0 =	vadd.f32 $0.0e+00, v0  }
0x196: {  	v3 =	vld.idx.msk [tilespmem:v3+s2+$0x0], $0xffff  }
0x197: {  	v52 =	vld [tilespmem:s0+$0x1A000];
	v0 =	vadd.f32 v1, v0  }
0x198: {  	v1 =	vld.idx.msk [tilespmem:v48+s2+$0x0], $0xffff  }
0x199: {  	v53 =	vld [tilespmem:s0+$0x1A080];
	v0 =	vadd.f32 v2, v0  }
0x19a: {  	v2 =	vld.idx.msk [tilespmem:v49+s2+$0x0], $0xffff  }
0x19b: {  	v54 =	vld [tilespmem:s0+$0x1A100];
	v0 =	vadd.f32 v3, v0  }
0x19c: {  	v3 =	vld.idx.msk [tilespmem:v50+s2+$0x0], $0xffff  }
0x19d: {  	v55 =	vld [tilespmem:s0+$0x1A180];
	v0 =	vadd.f32 v1, v0  }
0x19e: {  	v1 =	vld.idx.msk [tilespmem:v51+s2+$0x0], $0xffff  }
0x19f: {  	v56 =	vld [tilespmem:s0+$0x1A200];
	v0 =	vadd.f32 v2, v0  }
0x1a0: {  	v2 =	vld.idx.msk [tilespmem:v52+s2+$0x0], $0xffff  }
0x1a1: {  	v57 =	vld [tilespmem:s0+$0x1A280];
	v0 =	vadd.f32 v3, v0  }
0x1a2: {  	v3 =	vld.idx.msk [tilespmem:v53+s2+$0x0], $0xffff  }
0x1a3: {  	v58 =	vld [tilespmem:s0+$0x1A300];
	v0 =	vadd.f32 v1, v0  }
0x1a4: {  	v1 =	vld.idx.msk [tilespmem:v54+s2+$0x0], $0xffff  }
0x1a5: {  	v59 =	vld [tilespmem:s0+$0x1A380];
	v0 =	vadd.f32 v2, v0  }
0x1a6: {  	v2 =	vld.idx.msk [tilespmem:v55+s2+$0x0], $0xffff  }
0x1a7: {  	v60 =	vld [tilespmem:s0+$0x1B000];
	v0 =	vadd.f32 v3, v0  }
0x1a8: {  	v3 =	vld.idx.msk [tilespmem:v56+s2+$0x0], $0xffff  }
0x1a9: {  	v61 =	vld [tilespmem:s0+$0x1B080];
	v0 =	vadd.f32 v1, v0  }
0x1aa: {  	v1 =	vld.idx.msk [tilespmem:v57+s2+$0x0], $0xffff  }
0x1ab: {  	v62 =	vld [tilespmem:s0+$0x1B100];
	v0 =	vadd.f32 v2, v0  }
0x1ac: {  	v2 =	vld.idx.msk [tilespmem:v58+s2+$0x0], $0xffff  }
0x1ad: {  	v63 =	vld [tilespmem:s0+$0x1B180];
	v0 =	vadd.f32 v3, v0  }
0x1ae: {  	v3 =	vld.idx.msk [tilespmem:v59+s2+$0x0], $0xffff  }
0x1af: {  	v0 =	vadd.f32 v1, v0  }
0x1b0: {  	v1 =	vld.idx.msk [tilespmem:v60+s2+$0x0], $0xffff  }
0x1b1: {  	v0 =	vadd.f32 v2, v0  }
0x1b2: {  	v2 =	vld.idx.msk [tilespmem:v61+s2+$0x0], $0xffff  }
0x1b3: {  	v0 =	vadd.f32 v3, v0  }
0x1b4: {  	v3 =	vld.idx.msk [tilespmem:v62+s2+$0x0], $0xffff  }
0x1b5: {  	v0 =	vadd.f32 v1, v0  }
0x1b6: {  	v1 =	vld.idx.msk [tilespmem:v63+s2+$0x0], $0xffff  }
0x1b7: {  	v0 =	vadd.f32 v2, v0;
	_ =	sdelay $0x1  }
0x1b8: {  	v0 =	vadd.f32 v3, v0;
	_ =	sdelay $0x1  }
0x1b9: {  	s1 =	simm.s32 $0x80;
	s5 =	sand.u32 $0x1F0, s6;
	s0 =	simm.s32 $0x10;
	v0 =	vadd.f32 v1, v0  }
0x1ba: {  	s6 =	sand.u32 $0xC00, s1;
	s3 =	simm.s32 $0x20;
	s4 =	sand.u32 $0x70, s0  }
.LBB2_7:
0x1bb: {  	p2 =	sne.s32 s3, $0x1F0;
	s4 =	sor.u32 s4, s6;
	[tilespmem:s5+$0x1F400] =	vst v0  }
0x1bc: {  	v0 =	vld [tilespmem:s4+$0x19000];
	_ =	sdelay $0x1  }
0x1bd: {  	v1 =	vld [tilespmem:s4+$0x19080];
	_ =	sdelay $0x1  }
0x1be: {  	v2 =	vld [tilespmem:s4+$0x19100];
	_ =	sdelay $0x1  }
0x1bf: {  	v3 =	vld [tilespmem:s4+$0x19180]  }
0x1c0: {  	v4 =	vld [tilespmem:s4+$0x19200]  }
0x1c1: {  	v0 =	vld.idx.msk [tilespmem:v0+s2+$0x0], $0xffff  }
0x1c2: {  	v5 =	vld [tilespmem:s4+$0x19280]  }
0x1c3: {  	v1 =	vld.idx.msk [tilespmem:v1+s2+$0x0], $0xffff  }
0x1c4: {  	s5 =	sor.u32 s1, s0;
	v6 =	vld [tilespmem:s4+$0x19300]  }
0x1c5: {  	s5 =	sor.u32 $0x380, s5;
	v2 =	vld.idx.msk [tilespmem:v2+s2+$0x0], $0xffff  }
0x1c6: {  	v7 =	vld [tilespmem:s5+$0x19000]  }
0x1c7: {  	v0 =	vadd.f32 $0.0e+00, v0;
	v3 =	vld.idx.msk [tilespmem:v3+s2+$0x0], $0xffff  }
0x1c8: {  	v8 =	vld [tilespmem:s4+$0x1A000]  }
0x1c9: {  	v0 =	vadd.f32 v1, v0;
	v1 =	vld.idx.msk [tilespmem:v4+s2+$0x0], $0xffff  }
0x1ca: {  	v4 =	vld [tilespmem:s4+$0x1A080]  }
0x1cb: {  	v0 =	vadd.f32 v2, v0;
	v2 =	vld.idx.msk [tilespmem:v5+s2+$0x0], $0xffff  }
0x1cc: {  	v5 =	vld [tilespmem:s4+$0x1A100]  }
0x1cd: {  	v0 =	vadd.f32 v3, v0;
	v3 =	vld.idx.msk [tilespmem:v6+s2+$0x0], $0xffff  }
0x1ce: {  	v6 =	vld [tilespmem:s4+$0x1A180]  }
0x1cf: {  	v0 =	vadd.f32 v1, v0;
	v1 =	vld.idx.msk [tilespmem:v7+s2+$0x0], $0xffff  }
0x1d0: {  	v7 =	vld [tilespmem:s4+$0x1A200]  }
0x1d1: {  	v0 =	vadd.f32 v2, v0;
	v2 =	vld.idx.msk [tilespmem:v8+s2+$0x0], $0xffff  }
0x1d2: {  	v8 =	vld [tilespmem:s4+$0x1A280]  }
0x1d3: {  	v0 =	vadd.f32 v3, v0;
	v3 =	vld.idx.msk [tilespmem:v4+s2+$0x0], $0xffff  }
0x1d4: {  	v4 =	vld [tilespmem:s4+$0x1A300]  }
0x1d5: {  	v0 =	vadd.f32 v1, v0;
	v1 =	vld.idx.msk [tilespmem:v5+s2+$0x0], $0xffff  }
0x1d6: {  	v5 =	vld [tilespmem:s4+$0x1A380]  }
0x1d7: {  	v0 =	vadd.f32 v2, v0;
	v2 =	vld.idx.msk [tilespmem:v6+s2+$0x0], $0xffff  }
0x1d8: {  	v6 =	vld [tilespmem:s4+$0x1B000]  }
0x1d9: {  	v0 =	vadd.f32 v3, v0;
	v3 =	vld.idx.msk [tilespmem:v7+s2+$0x0], $0xffff  }
0x1da: {  	v7 =	vld [tilespmem:s4+$0x1B080]  }
0x1db: {  	v0 =	vadd.f32 v1, v0;
	v1 =	vld.idx.msk [tilespmem:v8+s2+$0x0], $0xffff  }
0x1dc: {  	v8 =	vld [tilespmem:s4+$0x1B100]  }
0x1dd: {  	v0 =	vadd.f32 v2, v0;
	v2 =	vld.idx.msk [tilespmem:v4+s2+$0x0], $0xffff  }
0x1de: {  	v4 =	vld [tilespmem:s4+$0x1B180]  }
0x1df: {  	v0 =	vadd.f32 v3, v0;
	v3 =	vld.idx.msk [tilespmem:v5+s2+$0x0], $0xffff;
	_ =	sdelay $0x1  }
0x1e0: {  	v0 =	vadd.f32 v1, v0;
	v1 =	vld.idx.msk [tilespmem:v6+s2+$0x0], $0xffff;
	_ =	sdelay $0x1  }
0x1e1: {  	v0 =	vadd.f32 v2, v0;
	v2 =	vld.idx.msk [tilespmem:v7+s2+$0x0], $0xffff;
	_ =	sdelay $0x1  }
0x1e2: {  	v0 =	vadd.f32 v3, v0;
	v3 =	vld.idx.msk [tilespmem:v8+s2+$0x0], $0xffff;
	_ =	sdelay $0x1  }
0x1e3: {  	v0 =	vadd.f32 v1, v0;
	v1 =	vld.idx.msk [tilespmem:v4+s2+$0x0], $0xffff;
	_ =	sdelay $0x1  }
0x1e4: {  	v0 =	vadd.f32 v2, v0  }
.Ltmp5:
0x1e5: {  	(pc) =	sbr.rel @p2 .LBB2_7-.Ltmp5, $3  }
0x1e6: {  	v0 =	vadd.f32 v3, v0;
	_ =	sdelay $0x1  }
0x1e7: {  	s1 =	sadd.s32 $0x80, s1;
	s5 =	sand.u32 $0x1F0, s0;
	s0 =	smov.u32 s3;
	v0 =	vadd.f32 v1, v0  }
0x1e8: {  	s6 =	sand.u32 $0xC00, s1;
	s3 =	sadd.s32 $0x10, s3;
	s4 =	sand.u32 $0x70, s0  }
0x1e9: {  	s3 =	sor.u32 s4, s6;
	[tilespmem:s5+$0x1F400] =	vst v0  }
0x1ea: {  	v0 =	vld [tilespmem:s3+$0x19000];
	_ =	sdelay $0x1  }
0x1eb: {  	v1 =	vld [tilespmem:s3+$0x19080];
	_ =	sdelay $0x1  }
0x1ec: {  	v2 =	vld [tilespmem:s3+$0x19100];
	_ =	sdelay $0x1  }
0x1ed: {  	v3 =	vld [tilespmem:s3+$0x19180]  }
0x1ee: {  	v4 =	vld [tilespmem:s3+$0x19200]  }
0x1ef: {  	v0 =	vld.idx.msk [tilespmem:v0+s2+$0x0], $0xffff  }
0x1f0: {  	v5 =	vld [tilespmem:s3+$0x19280]  }
0x1f1: {  	v1 =	vld.idx.msk [tilespmem:v1+s2+$0x0], $0xffff  }
0x1f2: {  	s1 =	sor.u32 s1, s0;
	v6 =	vld [tilespmem:s3+$0x19300]  }
0x1f3: {  	s1 =	sor.u32 $0x380, s1;
	v2 =	vld.idx.msk [tilespmem:v2+s2+$0x0], $0xffff  }
0x1f4: {  	v7 =	vld [tilespmem:s1+$0x19000];
	v0 =	vadd.f32 $0.0e+00, v0  }
0x1f5: {  	v3 =	vld.idx.msk [tilespmem:v3+s2+$0x0], $0xffff  }
0x1f6: {  	v8 =	vld [tilespmem:s3+$0x1A000];
	v0 =	vadd.f32 v1, v0  }
0x1f7: {  	v1 =	vld.idx.msk [tilespmem:v4+s2+$0x0], $0xffff  }
0x1f8: {  	v37 =	vld [tilespmem:s3+$0x1A080];
	v0 =	vadd.f32 v2, v0  }
0x1f9: {  	v2 =	vld.idx.msk [tilespmem:v5+s2+$0x0], $0xffff  }
0x1fa: {  	v38 =	vld [tilespmem:s3+$0x1A100];
	v0 =	vadd.f32 v3, v0  }
0x1fb: {  	v3 =	vld.idx.msk [tilespmem:v6+s2+$0x0], $0xffff  }
0x1fc: {  	v39 =	vld [tilespmem:s3+$0x1A180];
	v0 =	vadd.f32 v1, v0  }
0x1fd: {  	v1 =	vld.idx.msk [tilespmem:v7+s2+$0x0], $0xffff  }
0x1fe: {  	v40 =	vld [tilespmem:s3+$0x1A200];
	v0 =	vadd.f32 v2, v0  }
0x1ff: {  	v2 =	vld.idx.msk [tilespmem:v8+s2+$0x0], $0xffff  }
0x200: {  	v41 =	vld [tilespmem:s3+$0x1A280];
	v0 =	vadd.f32 v3, v0  }
0x201: {  	v3 =	vld.idx.msk [tilespmem:v37+s2+$0x0], $0xffff  }
0x202: {  	v42 =	vld [tilespmem:s3+$0x1A300];
	v0 =	vadd.f32 v1, v0  }
0x203: {  	v1 =	vld.idx.msk [tilespmem:v38+s2+$0x0], $0xffff  }
0x204: {  	v43 =	vld [tilespmem:s3+$0x1A380];
	v0 =	vadd.f32 v2, v0  }
0x205: {  	v2 =	vld.idx.msk [tilespmem:v39+s2+$0x0], $0xffff  }
0x206: {  	v44 =	vld [tilespmem:s3+$0x1B000];
	v0 =	vadd.f32 v3, v0  }
0x207: {  	v3 =	vld.idx.msk [tilespmem:v40+s2+$0x0], $0xffff  }
0x208: {  	v45 =	vld [tilespmem:s3+$0x1B080];
	v0 =	vadd.f32 v1, v0  }
0x209: {  	v1 =	vld.idx.msk [tilespmem:v41+s2+$0x0], $0xffff  }
0x20a: {  	v46 =	vld [tilespmem:s3+$0x1B100];
	v0 =	vadd.f32 v2, v0  }
0x20b: {  	v2 =	vld.idx.msk [tilespmem:v42+s2+$0x0], $0xffff  }
0x20c: {  	v47 =	vld [tilespmem:s3+$0x1B180];
	v0 =	vadd.f32 v3, v0  }
0x20d: {  	v3 =	vld.idx.msk [tilespmem:v43+s2+$0x0], $0xffff  }
0x20e: {  	v0 =	vadd.f32 v1, v0  }
0x20f: {  	v1 =	vld.idx.msk [tilespmem:v44+s2+$0x0], $0xffff  }
0x210: {  	v0 =	vadd.f32 v2, v0  }
0x211: {  	v2 =	vld.idx.msk [tilespmem:v45+s2+$0x0], $0xffff  }
0x212: {  	v0 =	vadd.f32 v3, v0  }
0x213: {  	v3 =	vld.idx.msk [tilespmem:v46+s2+$0x0], $0xffff  }
0x214: {  	v0 =	vadd.f32 v1, v0  }
0x215: {  	v1 =	vld.idx.msk [tilespmem:v47+s2+$0x0], $0xffff  }
0x216: {  	v0 =	vadd.f32 v2, v0;
	_ =	sdelay $0x1  }
0x217: {  	v0 =	vadd.f32 v3, v0;
	_ =	sdelay $0x1  }
0x218: {  	v0 =	vadd.f32 v1, v0  }
0x219: {  	s5 =	sand.u32 $0x1F0, s0  }
0x21a: {  	[tilespmem:s5+$0x1F400] =	vst v0  }
0x21b: {  	[tilespmem:s25], [sflag:$0x1] =	stream.strided.gather [hbm4b:s17+s23], $0x3000, s24, s23, $0x38;
	[tilespmem:$0x1F800] =	vst v63  }
0x21c: {  	s6 =	simm.s32 $0x0;
	_ =	swait.ge [sflag:s22], $0x3000  }
0x21d: {  	s7 =	sand.u32 $0x70, s6;
	s28 =	sand.u32 $0xC00, s6;
	[sflag:s22] =	ssyncset.done $0x0  }
0x21e: {  	s0 =	sor.u32 s7, s28;
	[sflag:s22] =	ssyncadd.s32 $0xFFFFD000  }
0x21f: {  	v0 =	vld [tilespmem:s0+$0x19000];
	_ =	sdelay $0x1  }
0x220: {  	v1 =	vld [tilespmem:s0+$0x19080];
	_ =	sdelay $0x1  }
0x221: {  	v2 =	vld [tilespmem:s0+$0x19100];
	_ =	sdelay $0x1  }
0x222: {  	v3 =	vld [tilespmem:s0+$0x19180]  }
0x223: {  	v48 =	vld [tilespmem:s0+$0x19200]  }
0x224: {  	v0 =	vld.idx.msk [tilespmem:v0+s2+$0x0], $0xffff  }
0x225: {  	v49 =	vld [tilespmem:s0+$0x19280]  }
0x226: {  	v1 =	vld.idx.msk [tilespmem:v1+s2+$0x0], $0xffff  }
0x227: {  	s31 =	sor.u32 s6, s6;
	v50 =	vld [tilespmem:s0+$0x19300]  }
0x228: {  	s3 =	sor.u32 $0x380, s31;
	v2 =	vld.idx.msk [tilespmem:v2+s2+$0x0], $0xffff  }
0x229: {  	v51 =	vld [tilespmem:s3+$0x19000];
	v0 =	vadd.f32 $0.0e+00, v0  }
0x22a: {  	v3 =	vld.idx.msk [tilespmem:v3+s2+$0x0], $0xffff  }
0x22b: {  	v52 =	vld [tilespmem:s0+$0x1A000];
	v0 =	vadd.f32 v1, v0  }
0x22c: {  	v1 =	vld.idx.msk [tilespmem:v48+s2+$0x0], $0xffff  }
0x22d: {  	v53 =	vld [tilespmem:s0+$0x1A080];
	v0 =	vadd.f32 v2, v0  }
0x22e: {  	v2 =	vld.idx.msk [tilespmem:v49+s2+$0x0], $0xffff  }
0x22f: {  	v54 =	vld [tilespmem:s0+$0x1A100];
	v0 =	vadd.f32 v3, v0  }
0x230: {  	v3 =	vld.idx.msk [tilespmem:v50+s2+$0x0], $0xffff  }
0x231: {  	v55 =	vld [tilespmem:s0+$0x1A180];
	v0 =	vadd.f32 v1, v0  }
0x232: {  	v1 =	vld.idx.msk [tilespmem:v51+s2+$0x0], $0xffff  }
0x233: {  	v56 =	vld [tilespmem:s0+$0x1A200];
	v0 =	vadd.f32 v2, v0  }
0x234: {  	v2 =	vld.idx.msk [tilespmem:v52+s2+$0x0], $0xffff  }
0x235: {  	v57 =	vld [tilespmem:s0+$0x1A280];
	v0 =	vadd.f32 v3, v0  }
0x236: {  	v3 =	vld.idx.msk [tilespmem:v53+s2+$0x0], $0xffff  }
0x237: {  	v58 =	vld [tilespmem:s0+$0x1A300];
	v0 =	vadd.f32 v1, v0  }
0x238: {  	v1 =	vld.idx.msk [tilespmem:v54+s2+$0x0], $0xffff  }
0x239: {  	v59 =	vld [tilespmem:s0+$0x1A380];
	v0 =	vadd.f32 v2, v0  }
0x23a: {  	v2 =	vld.idx.msk [tilespmem:v55+s2+$0x0], $0xffff  }
0x23b: {  	v60 =	vld [tilespmem:s0+$0x1B000];
	v0 =	vadd.f32 v3, v0  }
0x23c: {  	v3 =	vld.idx.msk [tilespmem:v56+s2+$0x0], $0xffff  }
0x23d: {  	v61 =	vld [tilespmem:s0+$0x1B080];
	v0 =	vadd.f32 v1, v0  }
0x23e: {  	v1 =	vld.idx.msk [tilespmem:v57+s2+$0x0], $0xffff  }
0x23f: {  	v62 =	vld [tilespmem:s0+$0x1B100];
	v0 =	vadd.f32 v2, v0  }
0x240: {  	v2 =	vld.idx.msk [tilespmem:v58+s2+$0x0], $0xffff  }
0x241: {  	v63 =	vld [tilespmem:s0+$0x1B180];
	v0 =	vadd.f32 v3, v0  }
0x242: {  	v3 =	vld.idx.msk [tilespmem:v59+s2+$0x0], $0xffff  }
0x243: {  	v0 =	vadd.f32 v1, v0  }
0x244: {  	v1 =	vld.idx.msk [tilespmem:v60+s2+$0x0], $0xffff  }
0x245: {  	v0 =	vadd.f32 v2, v0  }
0x246: {  	v2 =	vld.idx.msk [tilespmem:v61+s2+$0x0], $0xffff  }
0x247: {  	v0 =	vadd.f32 v3, v0  }
0x248: {  	v3 =	vld.idx.msk [tilespmem:v62+s2+$0x0], $0xffff  }
0x249: {  	v0 =	vadd.f32 v1, v0  }
0x24a: {  	v1 =	vld.idx.msk [tilespmem:v63+s2+$0x0], $0xffff  }
0x24b: {  	v0 =	vadd.f32 v2, v0;
	_ =	sdelay $0x1  }
0x24c: {  	v0 =	vadd.f32 v3, v0;
	_ =	sdelay $0x1  }
0x24d: {  	s1 =	simm.s32 $0x80;
	s5 =	sand.u32 $0x1F0, s6;
	s0 =	simm.s32 $0x10;
	v0 =	vadd.f32 v1, v0  }
0x24e: {  	s6 =	sand.u32 $0xC00, s1;
	s3 =	simm.s32 $0x20;
	s4 =	sand.u32 $0x70, s0  }
.LBB2_9:
0x24f: {  	p2 =	seq.s32 s3, $0x1F0;
	s4 =	sor.u32 s4, s6;
	[tilespmem:s5+$0x1F600] =	vst v0  }
0x250: {  	v0 =	vld [tilespmem:s4+$0x19000];
	_ =	sdelay $0x1  }
0x251: {  	v1 =	vld [tilespmem:s4+$0x19080];
	_ =	sdelay $0x1  }
0x252: {  	v2 =	vld [tilespmem:s4+$0x19100];
	_ =	sdelay $0x1  }
0x253: {  	v3 =	vld [tilespmem:s4+$0x19180]  }
0x254: {  	v4 =	vld [tilespmem:s4+$0x19200]  }
0x255: {  	v0 =	vld.idx.msk [tilespmem:v0+s2+$0x0], $0xffff  }
0x256: {  	v5 =	vld [tilespmem:s4+$0x19280]  }
0x257: {  	v1 =	vld.idx.msk [tilespmem:v1+s2+$0x0], $0xffff  }
0x258: {  	s5 =	sor.u32 s1, s0;
	v6 =	vld [tilespmem:s4+$0x19300]  }
0x259: {  	s5 =	sor.u32 $0x380, s5;
	v2 =	vld.idx.msk [tilespmem:v2+s2+$0x0], $0xffff  }
0x25a: {  	v7 =	vld [tilespmem:s5+$0x19000]  }
0x25b: {  	v0 =	vadd.f32 $0.0e+00, v0;
	v3 =	vld.idx.msk [tilespmem:v3+s2+$0x0], $0xffff  }
0x25c: {  	v8 =	vld [tilespmem:s4+$0x1A000]  }
0x25d: {  	v0 =	vadd.f32 v1, v0;
	v1 =	vld.idx.msk [tilespmem:v4+s2+$0x0], $0xffff  }
0x25e: {  	v4 =	vld [tilespmem:s4+$0x1A080]  }
0x25f: {  	v0 =	vadd.f32 v2, v0;
	v2 =	vld.idx.msk [tilespmem:v5+s2+$0x0], $0xffff  }
0x260: {  	v5 =	vld [tilespmem:s4+$0x1A100]  }
0x261: {  	v0 =	vadd.f32 v3, v0;
	v3 =	vld.idx.msk [tilespmem:v6+s2+$0x0], $0xffff  }
0x262: {  	v6 =	vld [tilespmem:s4+$0x1A180]  }
0x263: {  	v0 =	vadd.f32 v1, v0;
	v1 =	vld.idx.msk [tilespmem:v7+s2+$0x0], $0xffff  }
0x264: {  	v7 =	vld [tilespmem:s4+$0x1A200]  }
0x265: {  	v0 =	vadd.f32 v2, v0;
	v2 =	vld.idx.msk [tilespmem:v8+s2+$0x0], $0xffff  }
0x266: {  	v8 =	vld [tilespmem:s4+$0x1A280]  }
0x267: {  	v0 =	vadd.f32 v3, v0;
	v3 =	vld.idx.msk [tilespmem:v4+s2+$0x0], $0xffff  }
0x268: {  	v4 =	vld [tilespmem:s4+$0x1A300]  }
0x269: {  	v0 =	vadd.f32 v1, v0;
	v1 =	vld.idx.msk [tilespmem:v5+s2+$0x0], $0xffff  }
0x26a: {  	v5 =	vld [tilespmem:s4+$0x1A380]  }
0x26b: {  	v0 =	vadd.f32 v2, v0;
	v2 =	vld.idx.msk [tilespmem:v6+s2+$0x0], $0xffff  }
0x26c: {  	v6 =	vld [tilespmem:s4+$0x1B000]  }
0x26d: {  	v0 =	vadd.f32 v3, v0;
	v3 =	vld.idx.msk [tilespmem:v7+s2+$0x0], $0xffff  }
0x26e: {  	v7 =	vld [tilespmem:s4+$0x1B080]  }
0x26f: {  	v0 =	vadd.f32 v1, v0;
	v1 =	vld.idx.msk [tilespmem:v8+s2+$0x0], $0xffff  }
0x270: {  	v8 =	vld [tilespmem:s4+$0x1B100]  }
0x271: {  	v0 =	vadd.f32 v2, v0;
	v2 =	vld.idx.msk [tilespmem:v4+s2+$0x0], $0xffff  }
0x272: {  	v4 =	vld [tilespmem:s4+$0x1B180]  }
0x273: {  	v0 =	vadd.f32 v3, v0;
	v3 =	vld.idx.msk [tilespmem:v5+s2+$0x0], $0xffff;
	_ =	sdelay $0x1  }
0x274: {  	v0 =	vadd.f32 v1, v0;
	v1 =	vld.idx.msk [tilespmem:v6+s2+$0x0], $0xffff;
	_ =	sdelay $0x1  }
0x275: {  	v0 =	vadd.f32 v2, v0;
	v2 =	vld.idx.msk [tilespmem:v7+s2+$0x0], $0xffff;
	_ =	sdelay $0x1  }
0x276: {  	v0 =	vadd.f32 v3, v0;
	v3 =	vld.idx.msk [tilespmem:v8+s2+$0x0], $0xffff;
	_ =	sdelay $0x1  }
0x277: {  	v0 =	vadd.f32 v1, v0;
	v1 =	vld.idx.msk [tilespmem:v4+s2+$0x0], $0xffff;
	_ =	sdelay $0x1  }
0x278: {  	v0 =	vadd.f32 v2, v0  }
.Ltmp6:
0x279: {  	(pc) =	sbr.rel @!p2 .LBB2_9-.Ltmp6, $3  }
0x27a: {  	v0 =	vadd.f32 v3, v0;
	_ =	sdelay $0x1  }
0x27b: {  	s1 =	sadd.s32 $0x80, s1;
	s5 =	sand.u32 $0x1F0, s0;
	s0 =	smov.u32 s3;
	v0 =	vadd.f32 v1, v0  }
0x27c: {  	s6 =	sand.u32 $0xC00, s1;
	s3 =	sadd.s32 $0x10, s3;
	s4 =	sand.u32 $0x70, s0  }
0x27d: {  	s3 =	sor.u32 s4, s6;
	[tilespmem:s5+$0x1F600] =	vst v0  }
0x27e: {  	v0 =	vld [tilespmem:s3+$0x19000];
	_ =	sdelay $0x1  }
0x27f: {  	v1 =	vld [tilespmem:s3+$0x19080];
	_ =	sdelay $0x1  }
0x280: {  	v2 =	vld [tilespmem:s3+$0x19100];
	_ =	sdelay $0x1  }
0x281: {  	v3 =	vld [tilespmem:s3+$0x19180]  }
0x282: {  	v4 =	vld [tilespmem:s3+$0x19200]  }
0x283: {  	v0 =	vld.idx.msk [tilespmem:v0+s2+$0x0], $0xffff  }
0x284: {  	v5 =	vld [tilespmem:s3+$0x19280]  }
0x285: {  	v1 =	vld.idx.msk [tilespmem:v1+s2+$0x0], $0xffff  }
0x286: {  	s1 =	sor.u32 s1, s0;
	v6 =	vld [tilespmem:s3+$0x19300]  }
0x287: {  	s1 =	sor.u32 $0x380, s1;
	v2 =	vld.idx.msk [tilespmem:v2+s2+$0x0], $0xffff  }
0x288: {  	v7 =	vld [tilespmem:s1+$0x19000];
	v0 =	vadd.f32 $0.0e+00, v0  }
0x289: {  	v3 =	vld.idx.msk [tilespmem:v3+s2+$0x0], $0xffff  }
0x28a: {  	v8 =	vld [tilespmem:s3+$0x1A000];
	v0 =	vadd.f32 v1, v0  }
0x28b: {  	v37 =	vld.idx.msk [tilespmem:v4+s2+$0x0], $0xffff  }
0x28c: {  	v38 =	vld [tilespmem:s3+$0x1A080];
	v0 =	vadd.f32 v2, v0  }
0x28d: {  	v39 =	vld.idx.msk [tilespmem:v5+s2+$0x0], $0xffff  }
0x28e: {  	v40 =	vld [tilespmem:s3+$0x1A100];
	v0 =	vadd.f32 v3, v0  }
0x28f: {  	v41 =	vld.idx.msk [tilespmem:v6+s2+$0x0], $0xffff  }
0x290: {  	v42 =	vld [tilespmem:s3+$0x1A180];
	v0 =	vadd.f32 v37, v0  }
0x291: {  	v43 =	vld.idx.msk [tilespmem:v7+s2+$0x0], $0xffff  }
0x292: {  	v44 =	vld [tilespmem:s3+$0x1A200];
	v0 =	vadd.f32 v39, v0  }
0x293: {  	v45 =	vld.idx.msk [tilespmem:v8+s2+$0x0], $0xffff  }
0x294: {  	v46 =	vld [tilespmem:s3+$0x1A280];
	v0 =	vadd.f32 v41, v0  }
0x295: {  	v47 =	vld.idx.msk [tilespmem:v38+s2+$0x0], $0xffff  }
0x296: {  	v48 =	vld [tilespmem:s3+$0x1A300];
	v0 =	vadd.f32 v43, v0  }
0x297: {  	v49 =	vld.idx.msk [tilespmem:v40+s2+$0x0], $0xffff  }
0x298: {  	v50 =	vld [tilespmem:s3+$0x1A380];
	v0 =	vadd.f32 v45, v0  }
0x299: {  	v51 =	vld.idx.msk [tilespmem:v42+s2+$0x0], $0xffff  }
0x29a: {  	v52 =	vld [tilespmem:s3+$0x1B000];
	v0 =	vadd.f32 v47, v0  }
0x29b: {  	v53 =	vld.idx.msk [tilespmem:v44+s2+$0x0], $0xffff  }
0x29c: {  	v54 =	vld [tilespmem:s3+$0x1B080];
	v0 =	vadd.f32 v49, v0  }
0x29d: {  	v55 =	vld.idx.msk [tilespmem:v46+s2+$0x0], $0xffff  }
0x29e: {  	v56 =	vld [tilespmem:s3+$0x1B100];
	v0 =	vadd.f32 v51, v0  }
0x29f: {  	v57 =	vld.idx.msk [tilespmem:v48+s2+$0x0], $0xffff  }
0x2a0: {  	v58 =	vld [tilespmem:s3+$0x1B180];
	v0 =	vadd.f32 v53, v0  }
0x2a1: {  	v59 =	vld.idx.msk [tilespmem:v50+s2+$0x0], $0xffff  }
0x2a2: {  	v0 =	vadd.f32 v55, v0  }
0x2a3: {  	v60 =	vld.idx.msk [tilespmem:v52+s2+$0x0], $0xffff  }
0x2a4: {  	v0 =	vadd.f32 v57, v0  }
0x2a5: {  	v61 =	vld.idx.msk [tilespmem:v54+s2+$0x0], $0xffff  }
0x2a6: {  	v0 =	vadd.f32 v59, v0  }
0x2a7: {  	v62 =	vld.idx.msk [tilespmem:v56+s2+$0x0], $0xffff  }
0x2a8: {  	v0 =	vadd.f32 v60, v0  }
0x2a9: {  	v63 =	vld.idx.msk [tilespmem:v58+s2+$0x0], $0xffff  }
0x2aa: {  	v0 =	vadd.f32 v61, v0;
	_ =	sdelay $0x1  }
.Ltmp7:
0x2ab: {  	v0 =	vadd.f32 v62, v0;
	(pc) =	sbr.rel .LBB2_21-.Ltmp7, $4  }
0x2ac: {  	_ = 	snop  }
0x2ad: {  	v0 =	vadd.f32 v63, v0  }
0x2ae: {  	s31 =	sand.u32 $0x1F0, s0  }
0x2af: {  	s0 =	smov.u32 s18;
	[tilespmem:s31+$0x1F600] =	vst v0  }
.LBB2_11:
.Ltmp8:
0x2b0: {  	(pc) =	sbr.rel @p1 .LBB2_22-.Ltmp8, $1  }
0x2b1: {  	_ =	sdelay $0x3  }
0x2b2: {  	s3 =	simm.s32 $0x0;
	s0 =	rddreg [dreg:$0x2];
	s1 =	simm.s32 $0x100  }
0x2b3: {  	[tilespmem:s3], [sflag:$0x1] =	stream.strided.gather [hbm4b:s0+s20], $0x19000, s1, s20, $0x38;
	[tilespmem:$0x1F800] =	vst v63  }
0x2b4: {  	_ =	swait.ge [sflag:s22], $0x19000  }
0x2b5: {  	[sflag:s22] =	ssyncset.done $0x0  }
0x2b6: {  	s1 =	rddreg [dreg:$0x3];
	[sflag:s22] =	ssyncadd.s32 $0xFFFE7000  }
0x2b7: {  	[tilespmem:s25], [sflag:$0x1] =	stream.strided.gather [hbm4b:s1+s23], $0x3000, s24, s23, $0x38;
	[tilespmem:$0x1F800] =	vst v63  }
0x2b8: {  	_ =	swait.ge [sflag:s22], $0x3000  }
0x2b9: {  	[sflag:s22] =	ssyncset.done $0x0  }
0x2ba: {  	s4 =	rddreg [dreg:$0x4];
	[sflag:s22] =	ssyncadd.s32 $0xFFFFD000  }
0x2bb: {  	[tilespmem:s29], [sflag:$0x1] =	stream.strided.gather [hbm4b:s4+s23], $0x3000, s24, s23, $0x38;
	[tilespmem:$0x1F800] =	vst v63  }
0x2bc: {  	s5 =	sand.u32 $0xFFFFFC00, s3;
	_ =	swait.ge [sflag:s22], $0x3000  }
0x2bd: {  	s6 =	sand.u32 $0x70, s3;
	s4 =	sadd.s32 $0x0, s5;
	[sflag:s22] =	ssyncset.done $0x0  }
0x2be: {  	s5 =	sand.u32 $0xC00, s3;
	s0 =	sor.u32 $0x2180, s4;
	[sflag:s22] =	ssyncadd.s32 $0xFFFFD000  }
0x2bf: {  	s1 =	sor.u32 s6, s5;
	v0 =	vld [tilespmem:s0+$0x19000]  }
0x2c0: {  	v1 =	vld [tilespmem:s1+$0x1B100]  }
0x2c1: {  	s7 =	sor.u32 s3, s3;
	v2 =	vld [tilespmem:s1+$0x1B080]  }
0x2c2: {  	s3 =	sor.u32 $0x1380, s7;
	v3 =	vld [tilespmem:s1+$0x1B000]  }
0x2c3: {  	v4 =	vld [tilespmem:s3+$0x19000]  }
0x2c4: {  	v5 =	vld [tilespmem:s1+$0x1A300]  }
0x2c5: {  	v6 =	vld [tilespmem:s1+$0x1A280]  }
0x2c6: {  	s6 =	sor.u32 $0x1180, s4;
	v7 =	vld [tilespmem:s1+$0x1A200]  }
0x2c7: {  	v8 =	vld [tilespmem:s6+$0x19000]  }
0x2c8: {  	v9 =	vld [tilespmem:s1+$0x1A100]  }
0x2c9: {  	v10 =	vld [tilespmem:s1+$0x1A080]  }
0x2ca: {  	v11 =	vld [tilespmem:s1+$0x1A000]  }
0x2cb: {  	s5 =	sor.u32 $0x380, s7;
	v12 =	vld [tilespmem:s1+$0x19000]  }
0x2cc: {  	v13 =	vld [tilespmem:s5+$0x19000]  }
0x2cd: {  	v14 =	vld [tilespmem:s1+$0x19080]  }
0x2ce: {  	v15 =	vld [tilespmem:s1+$0x19300]  }
0x2cf: {  	v16 =	vld [tilespmem:s1+$0x19100]  }
0x2d0: {  	s4 =	sor.u32 $0x180, s4;
	v17 =	vld [tilespmem:s1+$0x19280]  }
0x2d1: {  	v18 =	vld [tilespmem:s4+$0x19000]  }
0x2d2: {  	v19 =	vld [tilespmem:s1+$0x19200]  }
0x2d3: {  	v20 =	vld [tilespmem:s1+$0x1C000]  }
0x2d4: {  	v12 =	vld.idx.msk [tilespmem:v12+s2+$0x0], $0xffff  }
0x2d5: {  	v21 =	vld [tilespmem:s1+$0x1C080]  }
0x2d6: {  	v14 =	vld.idx.msk [tilespmem:v14+s2+$0x0], $0xffff  }
0x2d7: {  	v22 =	vld [tilespmem:s1+$0x1C100]  }
0x2d8: {  	v16 =	vld.idx.msk [tilespmem:v16+s2+$0x0], $0xffff  }
0x2d9: {  	v48 =	vld [tilespmem:s4+$0x1C000];
	v12 =	vmul.f32 v20, v12  }
0x2da: {  	v18 =	vld.idx.msk [tilespmem:v18+s2+$0x0], $0xffff  }
0x2db: {  	v49 =	vld [tilespmem:s1+$0x1C200];
	v14 =	vmul.f32 v21, v14;
	v12 =	vadd.f32 $0.0e+00, v12  }
0x2dc: {  	v19 =	vld.idx.msk [tilespmem:v19+s2+$0x0], $0xffff  }
0x2dd: {  	v52 =	vld [tilespmem:s1+$0x1C280];
	v50 =	vmul.f32 v22, v16;
	v12 =	vadd.f32 v14, v12  }
0x2de: {  	v51 =	vld.idx.msk [tilespmem:v17+s2+$0x0], $0xffff  }
0x2df: {  	v54 =	vld [tilespmem:s1+$0x1C300];
	v53 =	vmul.f32 v48, v18;
	v12 =	vadd.f32 v50, v12  }
0x2e0: {  	v15 =	vld.idx.msk [tilespmem:v15+s2+$0x0], $0xffff  }
0x2e1: {  	v56 =	vld [tilespmem:s5+$0x1C000];
	v55 =	vmul.f32 v49, v19;
	v12 =	vadd.f32 v53, v12  }
0x2e2: {  	v13 =	vld.idx.msk [tilespmem:v13+s2+$0x0], $0xffff  }
0x2e3: {  	v58 =	vld [tilespmem:s1+$0x1D000];
	v57 =	vmul.f32 v52, v51;
	v12 =	vadd.f32 v55, v12  }
0x2e4: {  	v11 =	vld.idx.msk [tilespmem:v11+s2+$0x0], $0xffff  }
0x2e5: {  	v60 =	vld [tilespmem:s1+$0x1D080];
	v59 =	vmul.f32 v54, v15;
	v12 =	vadd.f32 v57, v12  }
0x2e6: {  	v10 =	vld.idx.msk [tilespmem:v10+s2+$0x0], $0xffff  }
0x2e7: {  	v61 =	vld [tilespmem:s1+$0x1D100];
	v13 =	vmul.f32 v56, v13;
	v12 =	vadd.f32 v59, v12  }
0x2e8: {  	v9 =	vld.idx.msk [tilespmem:v9+s2+$0x0], $0xffff  }
0x2e9: {  	v62 =	vld [tilespmem:s6+$0x1C000];
	v11 =	vmul.f32 v58, v11;
	v12 =	vadd.f32 v13, v12  }
0x2ea: {  	v8 =	vld.idx.msk [tilespmem:v8+s2+$0x0], $0xffff  }
0x2eb: {  	v63 =	vld [tilespmem:s1+$0x1D200];
	v10 =	vmul.f32 v60, v10;
	v11 =	vadd.f32 v11, v12  }
0x2ec: {  	v7 =	vld.idx.msk [tilespmem:v7+s2+$0x0], $0xffff  }
0x2ed: {  	v6 =	vld.idx.msk [tilespmem:v6+s2+$0x0], $0xffff;
	v9 =	vmul.f32 v61, v9;
	v10 =	vadd.f32 v10, v11  }
0x2ee: {  	v11 =	vld [tilespmem:s1+$0x1D280]  }
0x2ef: {  	v5 =	vld.idx.msk [tilespmem:v5+s2+$0x0], $0xffff;
	v8 =	vmul.f32 v62, v8;
	v9 =	vadd.f32 v9, v10  }
0x2f0: {  	v10 =	vld [tilespmem:s1+$0x1D300]  }
0x2f1: {  	v4 =	vld.idx.msk [tilespmem:v4+s2+$0x0], $0xffff;
	v7 =	vmul.f32 v63, v7;
	v8 =	vadd.f32 v8, v9  }
0x2f2: {  	v9 =	vld [tilespmem:s3+$0x1C000]  }
0x2f3: {  	v3 =	vld.idx.msk [tilespmem:v3+s2+$0x0], $0xffff;
	v6 =	vmul.f32 v11, v6;
	v7 =	vadd.f32 v7, v8  }
0x2f4: {  	v8 =	vld [tilespmem:s1+$0x1E000]  }
0x2f5: {  	v2 =	vld.idx.msk [tilespmem:v2+s2+$0x0], $0xffff;
	v5 =	vmul.f32 v10, v5;
	v6 =	vadd.f32 v6, v7  }
0x2f6: {  	v7 =	vld [tilespmem:s1+$0x1E080]  }
0x2f7: {  	v1 =	vld.idx.msk [tilespmem:v1+s2+$0x0], $0xffff;
	v4 =	vmul.f32 v9, v4;
	v5 =	vadd.f32 v5, v6  }
0x2f8: {  	v6 =	vld [tilespmem:s1+$0x1E100]  }
0x2f9: {  	v0 =	vld.idx.msk [tilespmem:v0+s2+$0x0], $0xffff;
	v3 =	vmul.f32 v8, v3;
	v4 =	vadd.f32 v4, v5  }
0x2fa: {  	v5 =	vld [tilespmem:s0+$0x1C000]  }
0x2fb: {  	v2 =	vmul.f32 v7, v2;
	v3 =	vadd.f32 v3, v4;
	_ =	sdelay $0x1  }
0x2fc: {  	v1 =	vmul.f32 v6, v1;
	v2 =	vadd.f32 v2, v3;
	_ =	sdelay $0x1  }
0x2fd: {  	v0 =	vmul.f32 v5, v0;
	v1 =	vadd.f32 v1, v2  }
0x2fe: {  	s28 =	simm.s32 $0x80  }
0x2ff: {  	s4 =	sand.u32 $0xFFFFFC00, s28;
	v0 =	vadd.f32 v0, v1  }
0x300: {  	s31 =	simm.s32 $0x1F000;
	s6 =	sadd.s32 $0x10, s4;
	s3 =	simm.s32 $0x10  }
0x301: {  	s7 =	sand.u32 $0xC00, s28;
	s5 =	sand.u32 $0x70, s3;
	s0 =	sor.u32 $0x2180, s6;
	[tilespmem:s31+$0x0] =	vst v0  }
0x302: {  	s1 =	sor.u32 s5, s7;
	v0 =	vld [tilespmem:s0+$0x19000]  }
0x303: {  	v1 =	vld [tilespmem:s1+$0x1B100]  }
0x304: {  	s7 =	sor.u32 s3, s28;
	v2 =	vld [tilespmem:s1+$0x1B080]  }
0x305: {  	s3 =	sor.u32 $0x1380, s7;
	v3 =	vld [tilespmem:s1+$0x1B000]  }
0x306: {  	v4 =	vld [tilespmem:s3+$0x19000]  }
0x307: {  	v5 =	vld [tilespmem:s1+$0x1A300]  }
0x308: {  	v6 =	vld [tilespmem:s1+$0x1A280]  }
0x309: {  	s5 =	sor.u32 $0x1180, s6;
	v7 =	vld [tilespmem:s1+$0x1A200]  }
0x30a: {  	v8 =	vld [tilespmem:s5+$0x19000]  }
0x30b: {  	v9 =	vld [tilespmem:s1+$0x1A100]  }
0x30c: {  	s4 =	simm.s32 $0x20;
	v10 =	vld [tilespmem:s1+$0x1A080]  }
.LBB2_13:
0x30d: {  	p2 =	sne.s32 s4, $0x1F0;
	v11 =	vld [tilespmem:s1+$0x1A000]  }
0x30e: {  	s7 =	sor.u32 $0x380, s7;
	v12 =	vld [tilespmem:s1+$0x19000]  }
0x30f: {  	v13 =	vld [tilespmem:s7+$0x19000]  }
0x310: {  	v14 =	vld [tilespmem:s1+$0x19080]  }
0x311: {  	v15 =	vld [tilespmem:s1+$0x19300]  }
0x312: {  	v16 =	vld [tilespmem:s1+$0x19100]  }
0x313: {  	s6 =	sor.u32 $0x180, s6;
	v17 =	vld [tilespmem:s1+$0x19280]  }
0x314: {  	v18 =	vld [tilespmem:s6+$0x19000]  }
0x315: {  	v19 =	vld [tilespmem:s1+$0x19200]  }
0x316: {  	v12 =	vld.idx.msk [tilespmem:v12+s2+$0x0], $0xffff  }
0x317: {  	v20 =	vld [tilespmem:s1+$0x1C000]  }
0x318: {  	v14 =	vld.idx.msk [tilespmem:v14+s2+$0x0], $0xffff  }
0x319: {  	v21 =	vld [tilespmem:s1+$0x1C080]  }
0x31a: {  	v16 =	vld.idx.msk [tilespmem:v16+s2+$0x0], $0xffff  }
0x31b: {  	v22 =	vld [tilespmem:s1+$0x1C100]  }
0x31c: {  	v12 =	vmul.f32 v20, v12;
	v18 =	vld.idx.msk [tilespmem:v18+s2+$0x0], $0xffff  }
0x31d: {  	v20 =	vld [tilespmem:s6+$0x1C000]  }
0x31e: {  	v12 =	vadd.f32 $0.0e+00, v12;
	v14 =	vmul.f32 v21, v14;
	v19 =	vld.idx.msk [tilespmem:v19+s2+$0x0], $0xffff  }
0x31f: {  	v21 =	vld [tilespmem:s1+$0x1C200]  }
0x320: {  	v12 =	vadd.f32 v14, v12;
	v14 =	vmul.f32 v22, v16;
	v16 =	vld.idx.msk [tilespmem:v17+s2+$0x0], $0xffff  }
0x321: {  	v17 =	vld [tilespmem:s1+$0x1C280]  }
0x322: {  	v12 =	vadd.f32 v14, v12;
	v14 =	vmul.f32 v20, v18;
	v15 =	vld.idx.msk [tilespmem:v15+s2+$0x0], $0xffff  }
0x323: {  	v18 =	vld [tilespmem:s1+$0x1C300]  }
0x324: {  	v12 =	vadd.f32 v14, v12;
	v14 =	vmul.f32 v21, v19;
	v13 =	vld.idx.msk [tilespmem:v13+s2+$0x0], $0xffff  }
0x325: {  	v19 =	vld [tilespmem:s7+$0x1C000]  }
0x326: {  	v12 =	vadd.f32 v14, v12;
	v14 =	vmul.f32 v17, v16;
	v11 =	vld.idx.msk [tilespmem:v11+s2+$0x0], $0xffff  }
0x327: {  	v16 =	vld [tilespmem:s1+$0x1D000]  }
0x328: {  	v12 =	vadd.f32 v14, v12;
	v14 =	vmul.f32 v18, v15;
	v10 =	vld.idx.msk [tilespmem:v10+s2+$0x0], $0xffff  }
0x329: {  	v15 =	vld [tilespmem:s1+$0x1D080]  }
0x32a: {  	v12 =	vadd.f32 v14, v12;
	v13 =	vmul.f32 v19, v13;
	v9 =	vld.idx.msk [tilespmem:v9+s2+$0x0], $0xffff  }
0x32b: {  	v14 =	vld [tilespmem:s1+$0x1D100]  }
0x32c: {  	v12 =	vadd.f32 v13, v12;
	v11 =	vmul.f32 v16, v11;
	v8 =	vld.idx.msk [tilespmem:v8+s2+$0x0], $0xffff  }
0x32d: {  	v13 =	vld [tilespmem:s5+$0x1C000]  }
0x32e: {  	v11 =	vadd.f32 v11, v12;
	v10 =	vmul.f32 v15, v10;
	v7 =	vld.idx.msk [tilespmem:v7+s2+$0x0], $0xffff  }
0x32f: {  	v12 =	vld [tilespmem:s1+$0x1D200]  }
0x330: {  	v10 =	vadd.f32 v10, v11;
	v9 =	vmul.f32 v14, v9;
	v6 =	vld.idx.msk [tilespmem:v6+s2+$0x0], $0xffff  }
0x331: {  	v11 =	vld [tilespmem:s1+$0x1D280]  }
0x332: {  	v9 =	vadd.f32 v9, v10;
	v8 =	vmul.f32 v13, v8;
	v5 =	vld.idx.msk [tilespmem:v5+s2+$0x0], $0xffff  }
0x333: {  	v10 =	vld [tilespmem:s1+$0x1D300]  }
0x334: {  	v8 =	vadd.f32 v8, v9;
	v7 =	vmul.f32 v12, v7;
	v4 =	vld.idx.msk [tilespmem:v4+s2+$0x0], $0xffff  }
0x335: {  	v9 =	vld [tilespmem:s3+$0x1C000]  }
0x336: {  	v7 =	vadd.f32 v7, v8;
	v6 =	vmul.f32 v11, v6;
	v3 =	vld.idx.msk [tilespmem:v3+s2+$0x0], $0xffff  }
0x337: {  	v8 =	vld [tilespmem:s1+$0x1E000]  }
0x338: {  	v6 =	vadd.f32 v6, v7;
	v5 =	vmul.f32 v10, v5;
	v2 =	vld.idx.msk [tilespmem:v2+s2+$0x0], $0xffff  }
0x339: {  	v7 =	vld [tilespmem:s1+$0x1E080]  }
0x33a: {  	v5 =	vadd.f32 v5, v6;
	v4 =	vmul.f32 v9, v4;
	v1 =	vld.idx.msk [tilespmem:v1+s2+$0x0], $0xffff  }
0x33b: {  	v6 =	vld [tilespmem:s1+$0x1E100]  }
0x33c: {  	v4 =	vadd.f32 v4, v5;
	v3 =	vmul.f32 v8, v3;
	v0 =	vld.idx.msk [tilespmem:v0+s2+$0x0], $0xffff  }
0x33d: {  	v5 =	vld [tilespmem:s0+$0x1C000]  }
0x33e: {  	v3 =	vadd.f32 v3, v4;
	v2 =	vmul.f32 v7, v2;
	_ =	sdelay $0x1  }
0x33f: {  	v2 =	vadd.f32 v2, v3;
	v1 =	vmul.f32 v6, v1;
	_ =	sdelay $0x1  }
0x340: {  	v1 =	vadd.f32 v1, v2;
	v0 =	vmul.f32 v5, v0  }
0x341: {  	s28 =	sadd.s32 $0x80, s28  }
0x342: {  	s0 =	sand.u32 $0xFFFFFC00, s28;
	v0 =	vadd.f32 v0, v1  }
0x343: {  	s31 =	sadd.s32 $0x10, s31;
	s6 =	sadd.s32 s0, s4  }
0x344: {  	s3 =	sand.u32 $0xC00, s28;
	s1 =	sand.u32 $0x70, s4;
	s0 =	sor.u32 $0x2180, s6;
	[tilespmem:s31+$0x0] =	vst v0  }
0x345: {  	s1 =	sor.u32 s1, s3;
	v0 =	vld [tilespmem:s0+$0x19000]  }
0x346: {  	v1 =	vld [tilespmem:s1+$0x1B100]  }
0x347: {  	s7 =	sor.u32 s4, s28;
	v2 =	vld [tilespmem:s1+$0x1B080]  }
0x348: {  	s3 =	sor.u32 $0x1380, s7;
	v3 =	vld [tilespmem:s1+$0x1B000]  }
0x349: {  	v4 =	vld [tilespmem:s3+$0x19000]  }
0x34a: {  	v5 =	vld [tilespmem:s1+$0x1A300]  }
.Ltmp9:
0x34b: {  	v6 =	vld [tilespmem:s1+$0x1A280];
	(pc) =	sbr.rel @p2 .LBB2_13-.Ltmp9, $4  }
0x34c: {  	s5 =	sor.u32 $0x1180, s6;
	v7 =	vld [tilespmem:s1+$0x1A200]  }
0x34d: {  	v8 =	vld [tilespmem:s5+$0x19000]  }
0x34e: {  	v9 =	vld [tilespmem:s1+$0x1A100]  }
0x34f: {  	s4 =	sadd.s32 $0x10, s4;
	v10 =	vld [tilespmem:s1+$0x1A080]  }
0x350: {  	v11 =	vld [tilespmem:s1+$0x1A000]  }
0x351: {  	v12 =	vld [tilespmem:s1+$0x19000]  }
0x352: {  	v14 =	vld [tilespmem:s1+$0x19080]  }
0x353: {  	v15 =	vld [tilespmem:s1+$0x19300]  }
0x354: {  	v16 =	vld [tilespmem:s1+$0x19100]  }
0x355: {  	v17 =	vld [tilespmem:s1+$0x19280]  }
0x356: {  	v19 =	vld [tilespmem:s1+$0x19200]  }
0x357: {  	s6 =	sor.u32 $0x180, s6;
	v20 =	vld [tilespmem:s1+$0x1C000]  }
0x358: {  	v18 =	vld [tilespmem:s6+$0x19000]  }
0x359: {  	v21 =	vld [tilespmem:s1+$0x1C080]  }
0x35a: {  	v12 =	vld.idx.msk [tilespmem:v12+s2+$0x0], $0xffff  }
0x35b: {  	v22 =	vld [tilespmem:s1+$0x1C100]  }
0x35c: {  	s4 =	sor.u32 $0x380, s7;
	v14 =	vld.idx.msk [tilespmem:v14+s2+$0x0], $0xffff  }
0x35d: {  	v13 =	vld [tilespmem:s4+$0x19000]  }
0x35e: {  	v16 =	vld.idx.msk [tilespmem:v16+s2+$0x0], $0xffff  }
0x35f: {  	v48 =	vld [tilespmem:s6+$0x1C000];
	v12 =	vmul.f32 v20, v12  }
0x360: {  	v18 =	vld.idx.msk [tilespmem:v18+s2+$0x0], $0xffff  }
0x361: {  	v49 =	vld [tilespmem:s1+$0x1C200];
	v14 =	vmul.f32 v21, v14;
	v12 =	vadd.f32 $0.0e+00, v12  }
0x362: {  	v19 =	vld.idx.msk [tilespmem:v19+s2+$0x0], $0xffff  }
0x363: {  	v52 =	vld [tilespmem:s1+$0x1C280];
	v50 =	vmul.f32 v22, v16;
	v12 =	vadd.f32 v14, v12  }
0x364: {  	v51 =	vld.idx.msk [tilespmem:v17+s2+$0x0], $0xffff  }
0x365: {  	v54 =	vld [tilespmem:s1+$0x1C300];
	v53 =	vmul.f32 v48, v18;
	v12 =	vadd.f32 v50, v12  }
0x366: {  	v15 =	vld.idx.msk [tilespmem:v15+s2+$0x0], $0xffff  }
0x367: {  	v56 =	vld [tilespmem:s4+$0x1C000];
	v55 =	vmul.f32 v49, v19;
	v12 =	vadd.f32 v53, v12  }
0x368: {  	v13 =	vld.idx.msk [tilespmem:v13+s2+$0x0], $0xffff  }
0x369: {  	v58 =	vld [tilespmem:s1+$0x1D000];
	v57 =	vmul.f32 v52, v51;
	v12 =	vadd.f32 v55, v12  }
0x36a: {  	v11 =	vld.idx.msk [tilespmem:v11+s2+$0x0], $0xffff  }
0x36b: {  	v60 =	vld [tilespmem:s1+$0x1D080];
	v59 =	vmul.f32 v54, v15;
	v12 =	vadd.f32 v57, v12  }
0x36c: {  	v10 =	vld.idx.msk [tilespmem:v10+s2+$0x0], $0xffff  }
0x36d: {  	v61 =	vld [tilespmem:s1+$0x1D100];
	v13 =	vmul.f32 v56, v13;
	v12 =	vadd.f32 v59, v12  }
0x36e: {  	v9 =	vld.idx.msk [tilespmem:v9+s2+$0x0], $0xffff  }
0x36f: {  	v62 =	vld [tilespmem:s5+$0x1C000];
	v11 =	vmul.f32 v58, v11;
	v12 =	vadd.f32 v13, v12  }
0x370: {  	v8 =	vld.idx.msk [tilespmem:v8+s2+$0x0], $0xffff  }
0x371: {  	v63 =	vld [tilespmem:s1+$0x1D200];
	v10 =	vmul.f32 v60, v10;
	v11 =	vadd.f32 v11, v12  }
0x372: {  	v7 =	vld.idx.msk [tilespmem:v7+s2+$0x0], $0xffff  }
0x373: {  	v6 =	vld.idx.msk [tilespmem:v6+s2+$0x0], $0xffff;
	v9 =	vmul.f32 v61, v9;
	v10 =	vadd.f32 v10, v11  }
0x374: {  	v11 =	vld [tilespmem:s1+$0x1D280]  }
0x375: {  	v5 =	vld.idx.msk [tilespmem:v5+s2+$0x0], $0xffff;
	v8 =	vmul.f32 v62, v8;
	v9 =	vadd.f32 v9, v10  }
0x376: {  	v10 =	vld [tilespmem:s1+$0x1D300]  }
0x377: {  	v4 =	vld.idx.msk [tilespmem:v4+s2+$0x0], $0xffff;
	v7 =	vmul.f32 v63, v7;
	v8 =	vadd.f32 v8, v9  }
0x378: {  	v9 =	vld [tilespmem:s3+$0x1C000]  }
0x379: {  	v3 =	vld.idx.msk [tilespmem:v3+s2+$0x0], $0xffff;
	v6 =	vmul.f32 v11, v6;
	v7 =	vadd.f32 v7, v8  }
0x37a: {  	v8 =	vld [tilespmem:s1+$0x1E000]  }
0x37b: {  	v2 =	vld.idx.msk [tilespmem:v2+s2+$0x0], $0xffff;
	v5 =	vmul.f32 v10, v5;
	v6 =	vadd.f32 v6, v7  }
0x37c: {  	v7 =	vld [tilespmem:s1+$0x1E080]  }
0x37d: {  	v1 =	vld.idx.msk [tilespmem:v1+s2+$0x0], $0xffff;
	v4 =	vmul.f32 v9, v4;
	v5 =	vadd.f32 v5, v6  }
0x37e: {  	v6 =	vld [tilespmem:s1+$0x1E100]  }
0x37f: {  	v0 =	vld.idx.msk [tilespmem:v0+s2+$0x0], $0xffff;
	v3 =	vmul.f32 v8, v3;
	v4 =	vadd.f32 v4, v5  }
0x380: {  	v5 =	vld [tilespmem:s0+$0x1C000]  }
0x381: {  	v2 =	vmul.f32 v7, v2;
	v3 =	vadd.f32 v3, v4;
	_ =	sdelay $0x1  }
0x382: {  	v1 =	vmul.f32 v6, v1;
	v2 =	vadd.f32 v2, v3;
	_ =	sdelay $0x1  }
0x383: {  	v0 =	vmul.f32 v5, v0;
	v1 =	vadd.f32 v1, v2;
	_ =	sdelay $0x1  }
0x384: {  	v0 =	vadd.f32 v0, v1  }
0x385: {  	s7 =	sadd.s32 $0x10, s31  }
0x386: {  	s1 =	rddreg [dreg:$0x5];
	[tilespmem:s7+$0x0] =	vst v0  }
0x387: {  	[tilespmem:s25], [sflag:$0x1] =	stream.strided.gather [hbm4b:s1+s23], $0x3000, s24, s23, $0x38;
	[tilespmem:$0x1F800] =	vst v63  }
0x388: {  	_ =	swait.ge [sflag:s22], $0x3000  }
0x389: {  	[sflag:s22] =	ssyncset.done $0x0  }
0x38a: {  	s28 =	simm.s32 $0x0;
	s3 =	rddreg [dreg:$0x6];
	[sflag:s22] =	ssyncadd.s32 $0xFFFFD000  }
0x38b: {  	[tilespmem:s29], [sflag:$0x1] =	stream.strided.gather [hbm4b:s3+s23], $0x3000, s24, s23, $0x38;
	[tilespmem:$0x1F800] =	vst v63  }
0x38c: {  	s4 =	sand.u32 $0xFFFFFC00, s28;
	_ =	swait.ge [sflag:s22], $0x3000  }
0x38d: {  	s5 =	sand.u32 $0x70, s28;
	s6 =	sadd.s32 $0x0, s4;
	[sflag:s22] =	ssyncset.done $0x0  }
0x38e: {  	s0 =	sor.u32 $0x2180, s6;
	s7 =	sand.u32 $0xC00, s28;
	[sflag:s22] =	ssyncadd.s32 $0xFFFFD000  }
0x38f: {  	s1 =	sor.u32 s5, s7;
	v0 =	vld [tilespmem:s0+$0x19000]  }
0x390: {  	v1 =	vld [tilespmem:s1+$0x1B100]  }
0x391: {  	s7 =	sor.u32 s28, s28;
	v2 =	vld [tilespmem:s1+$0x1B080]  }
0x392: {  	s3 =	sor.u32 $0x1380, s7;
	v3 =	vld [tilespmem:s1+$0x1B000]  }
0x393: {  	v4 =	vld [tilespmem:s3+$0x19000]  }
0x394: {  	v5 =	vld [tilespmem:s1+$0x1A300]  }
0x395: {  	v6 =	vld [tilespmem:s1+$0x1A280]  }
0x396: {  	s5 =	sor.u32 $0x1180, s6;
	v7 =	vld [tilespmem:s1+$0x1A200]  }
0x397: {  	v8 =	vld [tilespmem:s5+$0x19000]  }
0x398: {  	v9 =	vld [tilespmem:s1+$0x1A100]  }
0x399: {  	s31 =	simm.s32 $0x0;
	s4 =	simm.s32 $0x10;
	v10 =	vld [tilespmem:s1+$0x1A080]  }
.LBB2_15:
0x39a: {  	p2 =	sne.s32 s4, $0x1F0;
	v11 =	vld [tilespmem:s1+$0x1A000]  }
0x39b: {  	s7 =	sor.u32 $0x380, s7;
	v12 =	vld [tilespmem:s1+$0x19000]  }
0x39c: {  	v13 =	vld [tilespmem:s7+$0x19000]  }
0x39d: {  	v14 =	vld [tilespmem:s1+$0x19080]  }
0x39e: {  	v15 =	vld [tilespmem:s1+$0x19300]  }
0x39f: {  	v16 =	vld [tilespmem:s1+$0x19100]  }
0x3a0: {  	s6 =	sor.u32 $0x180, s6;
	v17 =	vld [tilespmem:s1+$0x19280]  }
0x3a1: {  	v18 =	vld [tilespmem:s6+$0x19000]  }
0x3a2: {  	v19 =	vld [tilespmem:s1+$0x19200]  }
0x3a3: {  	v12 =	vld.idx.msk [tilespmem:v12+s2+$0x0], $0xffff  }
0x3a4: {  	v20 =	vld [tilespmem:s1+$0x1C000]  }
0x3a5: {  	v14 =	vld.idx.msk [tilespmem:v14+s2+$0x0], $0xffff  }
0x3a6: {  	v21 =	vld [tilespmem:s1+$0x1C080]  }
0x3a7: {  	v16 =	vld.idx.msk [tilespmem:v16+s2+$0x0], $0xffff  }
0x3a8: {  	v22 =	vld [tilespmem:s1+$0x1C100]  }
0x3a9: {  	v12 =	vmul.f32 v20, v12;
	v18 =	vld.idx.msk [tilespmem:v18+s2+$0x0], $0xffff  }
0x3aa: {  	v20 =	vld [tilespmem:s6+$0x1C000]  }
0x3ab: {  	v12 =	vadd.f32 $0.0e+00, v12;
	v14 =	vmul.f32 v21, v14;
	v19 =	vld.idx.msk [tilespmem:v19+s2+$0x0], $0xffff  }
0x3ac: {  	v21 =	vld [tilespmem:s1+$0x1C200]  }
0x3ad: {  	v12 =	vadd.f32 v14, v12;
	v14 =	vmul.f32 v22, v16;
	v16 =	vld.idx.msk [tilespmem:v17+s2+$0x0], $0xffff  }
0x3ae: {  	v17 =	vld [tilespmem:s1+$0x1C280]  }
0x3af: {  	v12 =	vadd.f32 v14, v12;
	v14 =	vmul.f32 v20, v18;
	v15 =	vld.idx.msk [tilespmem:v15+s2+$0x0], $0xffff  }
0x3b0: {  	v18 =	vld [tilespmem:s1+$0x1C300]  }
0x3b1: {  	v12 =	vadd.f32 v14, v12;
	v14 =	vmul.f32 v21, v19;
	v13 =	vld.idx.msk [tilespmem:v13+s2+$0x0], $0xffff  }
0x3b2: {  	v19 =	vld [tilespmem:s7+$0x1C000]  }
0x3b3: {  	v12 =	vadd.f32 v14, v12;
	v14 =	vmul.f32 v17, v16;
	v11 =	vld.idx.msk [tilespmem:v11+s2+$0x0], $0xffff  }
0x3b4: {  	v16 =	vld [tilespmem:s1+$0x1D000]  }
0x3b5: {  	v12 =	vadd.f32 v14, v12;
	v14 =	vmul.f32 v18, v15;
	v10 =	vld.idx.msk [tilespmem:v10+s2+$0x0], $0xffff  }
0x3b6: {  	v15 =	vld [tilespmem:s1+$0x1D080]  }
0x3b7: {  	v12 =	vadd.f32 v14, v12;
	v13 =	vmul.f32 v19, v13;
	v9 =	vld.idx.msk [tilespmem:v9+s2+$0x0], $0xffff  }
0x3b8: {  	v14 =	vld [tilespmem:s1+$0x1D100]  }
0x3b9: {  	v12 =	vadd.f32 v13, v12;
	v11 =	vmul.f32 v16, v11;
	v8 =	vld.idx.msk [tilespmem:v8+s2+$0x0], $0xffff  }
0x3ba: {  	v13 =	vld [tilespmem:s5+$0x1C000]  }
0x3bb: {  	v11 =	vadd.f32 v11, v12;
	v10 =	vmul.f32 v15, v10;
	v7 =	vld.idx.msk [tilespmem:v7+s2+$0x0], $0xffff  }
0x3bc: {  	v12 =	vld [tilespmem:s1+$0x1D200]  }
0x3bd: {  	v10 =	vadd.f32 v10, v11;
	v9 =	vmul.f32 v14, v9;
	v6 =	vld.idx.msk [tilespmem:v6+s2+$0x0], $0xffff  }
0x3be: {  	v11 =	vld [tilespmem:s1+$0x1D280]  }
0x3bf: {  	v9 =	vadd.f32 v9, v10;
	v8 =	vmul.f32 v13, v8;
	v5 =	vld.idx.msk [tilespmem:v5+s2+$0x0], $0xffff  }
0x3c0: {  	v10 =	vld [tilespmem:s1+$0x1D300]  }
0x3c1: {  	v8 =	vadd.f32 v8, v9;
	v7 =	vmul.f32 v12, v7;
	v4 =	vld.idx.msk [tilespmem:v4+s2+$0x0], $0xffff  }
0x3c2: {  	v9 =	vld [tilespmem:s3+$0x1C000]  }
0x3c3: {  	v7 =	vadd.f32 v7, v8;
	v6 =	vmul.f32 v11, v6;
	v3 =	vld.idx.msk [tilespmem:v3+s2+$0x0], $0xffff  }
0x3c4: {  	v8 =	vld [tilespmem:s1+$0x1E000]  }
0x3c5: {  	v6 =	vadd.f32 v6, v7;
	v5 =	vmul.f32 v10, v5;
	v2 =	vld.idx.msk [tilespmem:v2+s2+$0x0], $0xffff  }
0x3c6: {  	v7 =	vld [tilespmem:s1+$0x1E080]  }
0x3c7: {  	v5 =	vadd.f32 v5, v6;
	v4 =	vmul.f32 v9, v4;
	v1 =	vld.idx.msk [tilespmem:v1+s2+$0x0], $0xffff  }
0x3c8: {  	v6 =	vld [tilespmem:s1+$0x1E100]  }
0x3c9: {  	v4 =	vadd.f32 v4, v5;
	v3 =	vmul.f32 v8, v3;
	v0 =	vld.idx.msk [tilespmem:v0+s2+$0x0], $0xffff  }
0x3ca: {  	v5 =	vld [tilespmem:s0+$0x1C000]  }
0x3cb: {  	v3 =	vadd.f32 v3, v4;
	v2 =	vmul.f32 v7, v2;
	_ =	sdelay $0x1  }
0x3cc: {  	v2 =	vadd.f32 v2, v3;
	v1 =	vmul.f32 v6, v1;
	_ =	sdelay $0x1  }
0x3cd: {  	v1 =	vadd.f32 v1, v2;
	v0 =	vmul.f32 v5, v0  }
0x3ce: {  	s28 =	sadd.s32 $0x80, s28  }
0x3cf: {  	s0 =	sand.u32 $0xFFFFFC00, s28;
	v0 =	vadd.f32 v0, v1  }
0x3d0: {  	s1 =	sand.u32 $0x1F0, s31;
	s31 =	smov.u32 s4;
	s6 =	sadd.s32 s0, s4  }
0x3d1: {  	s5 =	sand.u32 $0xC00, s28;
	s3 =	sand.u32 $0x70, s4;
	s0 =	sor.u32 $0x2180, s6;
	[tilespmem:s1+$0x1F200] =	vst v0  }
0x3d2: {  	s1 =	sor.u32 s3, s5;
	v0 =	vld [tilespmem:s0+$0x19000]  }
0x3d3: {  	v1 =	vld [tilespmem:s1+$0x1B100]  }
0x3d4: {  	s7 =	sor.u32 s4, s28;
	v2 =	vld [tilespmem:s1+$0x1B080]  }
0x3d5: {  	s3 =	sor.u32 $0x1380, s7;
	v3 =	vld [tilespmem:s1+$0x1B000]  }
0x3d6: {  	v4 =	vld [tilespmem:s3+$0x19000]  }
0x3d7: {  	v5 =	vld [tilespmem:s1+$0x1A300]  }
.Ltmp10:
0x3d8: {  	v6 =	vld [tilespmem:s1+$0x1A280];
	(pc) =	sbr.rel @p2 .LBB2_15-.Ltmp10, $4  }
0x3d9: {  	s5 =	sor.u32 $0x1180, s6;
	v7 =	vld [tilespmem:s1+$0x1A200]  }
0x3da: {  	v8 =	vld [tilespmem:s5+$0x19000]  }
0x3db: {  	v9 =	vld [tilespmem:s1+$0x1A100]  }
0x3dc: {  	s4 =	sadd.s32 $0x10, s4;
	v10 =	vld [tilespmem:s1+$0x1A080]  }
0x3dd: {  	v11 =	vld [tilespmem:s1+$0x1A000]  }
0x3de: {  	v12 =	vld [tilespmem:s1+$0x19000]  }
0x3df: {  	v14 =	vld [tilespmem:s1+$0x19080]  }
0x3e0: {  	v15 =	vld [tilespmem:s1+$0x19300]  }
0x3e1: {  	v16 =	vld [tilespmem:s1+$0x19100]  }
0x3e2: {  	v17 =	vld [tilespmem:s1+$0x19280]  }
0x3e3: {  	v19 =	vld [tilespmem:s1+$0x19200]  }
0x3e4: {  	s6 =	sor.u32 $0x180, s6;
	v20 =	vld [tilespmem:s1+$0x1C000]  }
0x3e5: {  	v18 =	vld [tilespmem:s6+$0x19000]  }
0x3e6: {  	v21 =	vld [tilespmem:s1+$0x1C080]  }
0x3e7: {  	v12 =	vld.idx.msk [tilespmem:v12+s2+$0x0], $0xffff  }
0x3e8: {  	v22 =	vld [tilespmem:s1+$0x1C100]  }
0x3e9: {  	s4 =	sor.u32 $0x380, s7;
	v14 =	vld.idx.msk [tilespmem:v14+s2+$0x0], $0xffff  }
0x3ea: {  	v13 =	vld [tilespmem:s4+$0x19000]  }
0x3eb: {  	v16 =	vld.idx.msk [tilespmem:v16+s2+$0x0], $0xffff  }
0x3ec: {  	v48 =	vld [tilespmem:s6+$0x1C000];
	v12 =	vmul.f32 v20, v12  }
0x3ed: {  	v18 =	vld.idx.msk [tilespmem:v18+s2+$0x0], $0xffff  }
0x3ee: {  	v49 =	vld [tilespmem:s1+$0x1C200];
	v14 =	vmul.f32 v21, v14;
	v12 =	vadd.f32 $0.0e+00, v12  }
0x3ef: {  	v19 =	vld.idx.msk [tilespmem:v19+s2+$0x0], $0xffff  }
0x3f0: {  	v52 =	vld [tilespmem:s1+$0x1C280];
	v50 =	vmul.f32 v22, v16;
	v12 =	vadd.f32 v14, v12  }
0x3f1: {  	v51 =	vld.idx.msk [tilespmem:v17+s2+$0x0], $0xffff  }
0x3f2: {  	v54 =	vld [tilespmem:s1+$0x1C300];
	v53 =	vmul.f32 v48, v18;
	v12 =	vadd.f32 v50, v12  }
0x3f3: {  	v15 =	vld.idx.msk [tilespmem:v15+s2+$0x0], $0xffff  }
0x3f4: {  	v56 =	vld [tilespmem:s4+$0x1C000];
	v55 =	vmul.f32 v49, v19;
	v12 =	vadd.f32 v53, v12  }
0x3f5: {  	v13 =	vld.idx.msk [tilespmem:v13+s2+$0x0], $0xffff  }
0x3f6: {  	v58 =	vld [tilespmem:s1+$0x1D000];
	v57 =	vmul.f32 v52, v51;
	v12 =	vadd.f32 v55, v12  }
0x3f7: {  	v11 =	vld.idx.msk [tilespmem:v11+s2+$0x0], $0xffff  }
0x3f8: {  	v60 =	vld [tilespmem:s1+$0x1D080];
	v59 =	vmul.f32 v54, v15;
	v12 =	vadd.f32 v57, v12  }
0x3f9: {  	v10 =	vld.idx.msk [tilespmem:v10+s2+$0x0], $0xffff  }
0x3fa: {  	v61 =	vld [tilespmem:s1+$0x1D100];
	v13 =	vmul.f32 v56, v13;
	v12 =	vadd.f32 v59, v12  }
0x3fb: {  	v9 =	vld.idx.msk [tilespmem:v9+s2+$0x0], $0xffff  }
0x3fc: {  	v62 =	vld [tilespmem:s5+$0x1C000];
	v11 =	vmul.f32 v58, v11;
	v12 =	vadd.f32 v13, v12  }
0x3fd: {  	v8 =	vld.idx.msk [tilespmem:v8+s2+$0x0], $0xffff  }
0x3fe: {  	v63 =	vld [tilespmem:s1+$0x1D200];
	v10 =	vmul.f32 v60, v10;
	v11 =	vadd.f32 v11, v12  }
0x3ff: {  	v7 =	vld.idx.msk [tilespmem:v7+s2+$0x0], $0xffff  }
0x400: {  	v6 =	vld.idx.msk [tilespmem:v6+s2+$0x0], $0xffff;
	v9 =	vmul.f32 v61, v9;
	v10 =	vadd.f32 v10, v11  }
0x401: {  	v11 =	vld [tilespmem:s1+$0x1D280]  }
0x402: {  	v5 =	vld.idx.msk [tilespmem:v5+s2+$0x0], $0xffff;
	v8 =	vmul.f32 v62, v8;
	v9 =	vadd.f32 v9, v10  }
0x403: {  	v10 =	vld [tilespmem:s1+$0x1D300]  }
0x404: {  	v4 =	vld.idx.msk [tilespmem:v4+s2+$0x0], $0xffff;
	v7 =	vmul.f32 v63, v7;
	v8 =	vadd.f32 v8, v9  }
0x405: {  	v9 =	vld [tilespmem:s3+$0x1C000]  }
0x406: {  	v3 =	vld.idx.msk [tilespmem:v3+s2+$0x0], $0xffff;
	v6 =	vmul.f32 v11, v6;
	v7 =	vadd.f32 v7, v8  }
0x407: {  	v8 =	vld [tilespmem:s1+$0x1E000]  }
0x408: {  	v2 =	vld.idx.msk [tilespmem:v2+s2+$0x0], $0xffff;
	v5 =	vmul.f32 v10, v5;
	v6 =	vadd.f32 v6, v7  }
0x409: {  	v7 =	vld [tilespmem:s1+$0x1E080]  }
0x40a: {  	v1 =	vld.idx.msk [tilespmem:v1+s2+$0x0], $0xffff;
	v4 =	vmul.f32 v9, v4;
	v5 =	vadd.f32 v5, v6  }
0x40b: {  	v6 =	vld [tilespmem:s1+$0x1E100]  }
0x40c: {  	v0 =	vld.idx.msk [tilespmem:v0+s2+$0x0], $0xffff;
	v3 =	vmul.f32 v8, v3;
	v4 =	vadd.f32 v4, v5  }
0x40d: {  	v5 =	vld [tilespmem:s0+$0x1C000]  }
0x40e: {  	v2 =	vmul.f32 v7, v2;
	v3 =	vadd.f32 v3, v4;
	_ =	sdelay $0x1  }
0x40f: {  	v1 =	vmul.f32 v6, v1;
	v2 =	vadd.f32 v2, v3;
	_ =	sdelay $0x1  }
0x410: {  	v0 =	vmul.f32 v5, v0;
	v1 =	vadd.f32 v1, v2;
	_ =	sdelay $0x1  }
0x411: {  	v0 =	vadd.f32 v0, v1  }
0x412: {  	s3 =	sand.u32 $0x1F0, s31  }
0x413: {  	[tilespmem:s3+$0x1F200] =	vst v0  }
0x414: {  	[tilespmem:s25], [sflag:$0x1] =	stream.strided.gather [hbm4b:s8+s23], $0x3000, s24, s23, $0x38;
	[tilespmem:$0x1F800] =	vst v63  }
0x415: {  	_ =	swait.ge [sflag:s22], $0x3000  }
0x416: {  	[sflag:s22] =	ssyncset.done $0x0  }
0x417: {  	s28 =	simm.s32 $0x0;
	[sflag:s22] =	ssyncadd.s32 $0xFFFFD000  }
0x418: {  	[tilespmem:s29], [sflag:$0x1] =	stream.strided.gather [hbm4b:s9+s23], $0x3000, s24, s23, $0x38;
	[tilespmem:$0x1F800] =	vst v63  }
0x419: {  	s4 =	sand.u32 $0xFFFFFC00, s28;
	_ =	swait.ge [sflag:s22], $0x3000  }
0x41a: {  	s5 =	sand.u32 $0x70, s28;
	s6 =	sadd.s32 $0x0, s4;
	[sflag:s22] =	ssyncset.done $0x0  }
0x41b: {  	s7 =	sand.u32 $0xC00, s28;
	s0 =	sor.u32 $0x2180, s6;
	[sflag:s22] =	ssyncadd.s32 $0xFFFFD000  }
0x41c: {  	s1 =	sor.u32 s5, s7;
	v0 =	vld [tilespmem:s0+$0x19000]  }
0x41d: {  	v1 =	vld [tilespmem:s1+$0x1B100]  }
0x41e: {  	s7 =	sor.u32 s28, s28;
	v2 =	vld [tilespmem:s1+$0x1B080]  }
0x41f: {  	s3 =	sor.u32 $0x1380, s7;
	v3 =	vld [tilespmem:s1+$0x1B000]  }
0x420: {  	v4 =	vld [tilespmem:s3+$0x19000]  }
0x421: {  	v5 =	vld [tilespmem:s1+$0x1A300]  }
0x422: {  	v6 =	vld [tilespmem:s1+$0x1A280]  }
0x423: {  	s5 =	sor.u32 $0x1180, s6;
	v7 =	vld [tilespmem:s1+$0x1A200]  }
0x424: {  	v8 =	vld [tilespmem:s5+$0x19000]  }
0x425: {  	v9 =	vld [tilespmem:s1+$0x1A100]  }
0x426: {  	s4 =	simm.s32 $0x10;
	s31 =	simm.s32 $0x0;
	v10 =	vld [tilespmem:s1+$0x1A080]  }
.LBB2_17:
0x427: {  	p2 =	sne.s32 s4, $0x1F0;
	v11 =	vld [tilespmem:s1+$0x1A000]  }
0x428: {  	s7 =	sor.u32 $0x380, s7;
	v12 =	vld [tilespmem:s1+$0x19000]  }
0x429: {  	v13 =	vld [tilespmem:s7+$0x19000]  }
0x42a: {  	v14 =	vld [tilespmem:s1+$0x19080]  }
0x42b: {  	v15 =	vld [tilespmem:s1+$0x19300]  }
0x42c: {  	v16 =	vld [tilespmem:s1+$0x19100]  }
0x42d: {  	s6 =	sor.u32 $0x180, s6;
	v17 =	vld [tilespmem:s1+$0x19280]  }
0x42e: {  	v18 =	vld [tilespmem:s6+$0x19000]  }
0x42f: {  	v19 =	vld [tilespmem:s1+$0x19200]  }
0x430: {  	v12 =	vld.idx.msk [tilespmem:v12+s2+$0x0], $0xffff  }
0x431: {  	v20 =	vld [tilespmem:s1+$0x1C000]  }
0x432: {  	v14 =	vld.idx.msk [tilespmem:v14+s2+$0x0], $0xffff  }
0x433: {  	v21 =	vld [tilespmem:s1+$0x1C080]  }
0x434: {  	v16 =	vld.idx.msk [tilespmem:v16+s2+$0x0], $0xffff  }
0x435: {  	v22 =	vld [tilespmem:s1+$0x1C100]  }
0x436: {  	v12 =	vmul.f32 v20, v12;
	v18 =	vld.idx.msk [tilespmem:v18+s2+$0x0], $0xffff  }
0x437: {  	v20 =	vld [tilespmem:s6+$0x1C000]  }
0x438: {  	v12 =	vadd.f32 $0.0e+00, v12;
	v14 =	vmul.f32 v21, v14;
	v19 =	vld.idx.msk [tilespmem:v19+s2+$0x0], $0xffff  }
0x439: {  	v21 =	vld [tilespmem:s1+$0x1C200]  }
0x43a: {  	v12 =	vadd.f32 v14, v12;
	v14 =	vmul.f32 v22, v16;
	v16 =	vld.idx.msk [tilespmem:v17+s2+$0x0], $0xffff  }
0x43b: {  	v17 =	vld [tilespmem:s1+$0x1C280]  }
0x43c: {  	v12 =	vadd.f32 v14, v12;
	v14 =	vmul.f32 v20, v18;
	v15 =	vld.idx.msk [tilespmem:v15+s2+$0x0], $0xffff  }
0x43d: {  	v18 =	vld [tilespmem:s1+$0x1C300]  }
0x43e: {  	v12 =	vadd.f32 v14, v12;
	v14 =	vmul.f32 v21, v19;
	v13 =	vld.idx.msk [tilespmem:v13+s2+$0x0], $0xffff  }
0x43f: {  	v19 =	vld [tilespmem:s7+$0x1C000]  }
0x440: {  	v12 =	vadd.f32 v14, v12;
	v14 =	vmul.f32 v17, v16;
	v11 =	vld.idx.msk [tilespmem:v11+s2+$0x0], $0xffff  }
0x441: {  	v16 =	vld [tilespmem:s1+$0x1D000]  }
0x442: {  	v12 =	vadd.f32 v14, v12;
	v14 =	vmul.f32 v18, v15;
	v10 =	vld.idx.msk [tilespmem:v10+s2+$0x0], $0xffff  }
0x443: {  	v15 =	vld [tilespmem:s1+$0x1D080]  }
0x444: {  	v12 =	vadd.f32 v14, v12;
	v13 =	vmul.f32 v19, v13;
	v9 =	vld.idx.msk [tilespmem:v9+s2+$0x0], $0xffff  }
0x445: {  	v14 =	vld [tilespmem:s1+$0x1D100]  }
0x446: {  	v12 =	vadd.f32 v13, v12;
	v11 =	vmul.f32 v16, v11;
	v8 =	vld.idx.msk [tilespmem:v8+s2+$0x0], $0xffff  }
0x447: {  	v13 =	vld [tilespmem:s5+$0x1C000]  }
0x448: {  	v11 =	vadd.f32 v11, v12;
	v10 =	vmul.f32 v15, v10;
	v7 =	vld.idx.msk [tilespmem:v7+s2+$0x0], $0xffff  }
0x449: {  	v12 =	vld [tilespmem:s1+$0x1D200]  }
0x44a: {  	v10 =	vadd.f32 v10, v11;
	v9 =	vmul.f32 v14, v9;
	v6 =	vld.idx.msk [tilespmem:v6+s2+$0x0], $0xffff  }
0x44b: {  	v11 =	vld [tilespmem:s1+$0x1D280]  }
0x44c: {  	v9 =	vadd.f32 v9, v10;
	v8 =	vmul.f32 v13, v8;
	v5 =	vld.idx.msk [tilespmem:v5+s2+$0x0], $0xffff  }
0x44d: {  	v10 =	vld [tilespmem:s1+$0x1D300]  }
0x44e: {  	v8 =	vadd.f32 v8, v9;
	v7 =	vmul.f32 v12, v7;
	v4 =	vld.idx.msk [tilespmem:v4+s2+$0x0], $0xffff  }
0x44f: {  	v9 =	vld [tilespmem:s3+$0x1C000]  }
0x450: {  	v7 =	vadd.f32 v7, v8;
	v6 =	vmul.f32 v11, v6;
	v3 =	vld.idx.msk [tilespmem:v3+s2+$0x0], $0xffff  }
0x451: {  	v8 =	vld [tilespmem:s1+$0x1E000]  }
0x452: {  	v6 =	vadd.f32 v6, v7;
	v5 =	vmul.f32 v10, v5;
	v2 =	vld.idx.msk [tilespmem:v2+s2+$0x0], $0xffff  }
0x453: {  	v7 =	vld [tilespmem:s1+$0x1E080]  }
0x454: {  	v5 =	vadd.f32 v5, v6;
	v4 =	vmul.f32 v9, v4;
	v1 =	vld.idx.msk [tilespmem:v1+s2+$0x0], $0xffff  }
0x455: {  	v6 =	vld [tilespmem:s1+$0x1E100]  }
0x456: {  	v4 =	vadd.f32 v4, v5;
	v3 =	vmul.f32 v8, v3;
	v0 =	vld.idx.msk [tilespmem:v0+s2+$0x0], $0xffff  }
0x457: {  	v5 =	vld [tilespmem:s0+$0x1C000]  }
0x458: {  	v3 =	vadd.f32 v3, v4;
	v2 =	vmul.f32 v7, v2;
	_ =	sdelay $0x1  }
0x459: {  	v2 =	vadd.f32 v2, v3;
	v1 =	vmul.f32 v6, v1;
	_ =	sdelay $0x1  }
0x45a: {  	v1 =	vadd.f32 v1, v2;
	v0 =	vmul.f32 v5, v0  }
0x45b: {  	s28 =	sadd.s32 $0x80, s28  }
0x45c: {  	s0 =	sand.u32 $0xFFFFFC00, s28;
	v0 =	vadd.f32 v0, v1  }
0x45d: {  	s1 =	sand.u32 $0x1F0, s31;
	s31 =	smov.u32 s4;
	s6 =	sadd.s32 s0, s4  }
0x45e: {  	s5 =	sand.u32 $0xC00, s28;
	s3 =	sand.u32 $0x70, s4;
	s0 =	sor.u32 $0x2180, s6;
	[tilespmem:s1+$0x1F400] =	vst v0  }
0x45f: {  	s1 =	sor.u32 s3, s5;
	v0 =	vld [tilespmem:s0+$0x19000]  }
0x460: {  	v1 =	vld [tilespmem:s1+$0x1B100]  }
0x461: {  	s7 =	sor.u32 s4, s28;
	v2 =	vld [tilespmem:s1+$0x1B080]  }
0x462: {  	s3 =	sor.u32 $0x1380, s7;
	v3 =	vld [tilespmem:s1+$0x1B000]  }
0x463: {  	v4 =	vld [tilespmem:s3+$0x19000]  }
0x464: {  	v5 =	vld [tilespmem:s1+$0x1A300]  }
.Ltmp11:
0x465: {  	v6 =	vld [tilespmem:s1+$0x1A280];
	(pc) =	sbr.rel @p2 .LBB2_17-.Ltmp11, $4  }
0x466: {  	s5 =	sor.u32 $0x1180, s6;
	v7 =	vld [tilespmem:s1+$0x1A200]  }
0x467: {  	v8 =	vld [tilespmem:s5+$0x19000]  }
0x468: {  	v9 =	vld [tilespmem:s1+$0x1A100]  }
0x469: {  	s4 =	sadd.s32 $0x10, s4;
	v10 =	vld [tilespmem:s1+$0x1A080]  }
0x46a: {  	v11 =	vld [tilespmem:s1+$0x1A000]  }
0x46b: {  	v12 =	vld [tilespmem:s1+$0x19000]  }
0x46c: {  	v14 =	vld [tilespmem:s1+$0x19080]  }
0x46d: {  	v15 =	vld [tilespmem:s1+$0x19300]  }
0x46e: {  	v16 =	vld [tilespmem:s1+$0x19100]  }
0x46f: {  	v17 =	vld [tilespmem:s1+$0x19280]  }
0x470: {  	v19 =	vld [tilespmem:s1+$0x19200]  }
0x471: {  	s6 =	sor.u32 $0x180, s6;
	v20 =	vld [tilespmem:s1+$0x1C000]  }
0x472: {  	v18 =	vld [tilespmem:s6+$0x19000]  }
0x473: {  	v21 =	vld [tilespmem:s1+$0x1C080]  }
0x474: {  	v12 =	vld.idx.msk [tilespmem:v12+s2+$0x0], $0xffff  }
0x475: {  	v22 =	vld [tilespmem:s1+$0x1C100]  }
0x476: {  	s4 =	sor.u32 $0x380, s7;
	v14 =	vld.idx.msk [tilespmem:v14+s2+$0x0], $0xffff  }
0x477: {  	v13 =	vld [tilespmem:s4+$0x19000]  }
0x478: {  	v16 =	vld.idx.msk [tilespmem:v16+s2+$0x0], $0xffff  }
0x479: {  	v48 =	vld [tilespmem:s6+$0x1C000];
	v12 =	vmul.f32 v20, v12  }
0x47a: {  	v18 =	vld.idx.msk [tilespmem:v18+s2+$0x0], $0xffff  }
0x47b: {  	v49 =	vld [tilespmem:s1+$0x1C200];
	v14 =	vmul.f32 v21, v14;
	v12 =	vadd.f32 $0.0e+00, v12  }
0x47c: {  	v19 =	vld.idx.msk [tilespmem:v19+s2+$0x0], $0xffff  }
0x47d: {  	v52 =	vld [tilespmem:s1+$0x1C280];
	v50 =	vmul.f32 v22, v16;
	v12 =	vadd.f32 v14, v12  }
0x47e: {  	v51 =	vld.idx.msk [tilespmem:v17+s2+$0x0], $0xffff  }
0x47f: {  	v54 =	vld [tilespmem:s1+$0x1C300];
	v53 =	vmul.f32 v48, v18;
	v12 =	vadd.f32 v50, v12  }
0x480: {  	v15 =	vld.idx.msk [tilespmem:v15+s2+$0x0], $0xffff  }
0x481: {  	v56 =	vld [tilespmem:s4+$0x1C000];
	v55 =	vmul.f32 v49, v19;
	v12 =	vadd.f32 v53, v12  }
0x482: {  	v13 =	vld.idx.msk [tilespmem:v13+s2+$0x0], $0xffff  }
0x483: {  	v58 =	vld [tilespmem:s1+$0x1D000];
	v57 =	vmul.f32 v52, v51;
	v12 =	vadd.f32 v55, v12  }
0x484: {  	v11 =	vld.idx.msk [tilespmem:v11+s2+$0x0], $0xffff  }
0x485: {  	v60 =	vld [tilespmem:s1+$0x1D080];
	v59 =	vmul.f32 v54, v15;
	v12 =	vadd.f32 v57, v12  }
0x486: {  	v10 =	vld.idx.msk [tilespmem:v10+s2+$0x0], $0xffff  }
0x487: {  	v61 =	vld [tilespmem:s1+$0x1D100];
	v13 =	vmul.f32 v56, v13;
	v12 =	vadd.f32 v59, v12  }
0x488: {  	v9 =	vld.idx.msk [tilespmem:v9+s2+$0x0], $0xffff  }
0x489: {  	v62 =	vld [tilespmem:s5+$0x1C000];
	v11 =	vmul.f32 v58, v11;
	v12 =	vadd.f32 v13, v12  }
0x48a: {  	v8 =	vld.idx.msk [tilespmem:v8+s2+$0x0], $0xffff  }
0x48b: {  	v63 =	vld [tilespmem:s1+$0x1D200];
	v10 =	vmul.f32 v60, v10;
	v11 =	vadd.f32 v11, v12  }
0x48c: {  	v7 =	vld.idx.msk [tilespmem:v7+s2+$0x0], $0xffff  }
0x48d: {  	v6 =	vld.idx.msk [tilespmem:v6+s2+$0x0], $0xffff;
	v9 =	vmul.f32 v61, v9;
	v10 =	vadd.f32 v10, v11  }
0x48e: {  	v11 =	vld [tilespmem:s1+$0x1D280]  }
0x48f: {  	v5 =	vld.idx.msk [tilespmem:v5+s2+$0x0], $0xffff;
	v8 =	vmul.f32 v62, v8;
	v9 =	vadd.f32 v9, v10  }
0x490: {  	v10 =	vld [tilespmem:s1+$0x1D300]  }
0x491: {  	v4 =	vld.idx.msk [tilespmem:v4+s2+$0x0], $0xffff;
	v7 =	vmul.f32 v63, v7;
	v8 =	vadd.f32 v8, v9  }
0x492: {  	v9 =	vld [tilespmem:s3+$0x1C000]  }
0x493: {  	v3 =	vld.idx.msk [tilespmem:v3+s2+$0x0], $0xffff;
	v6 =	vmul.f32 v11, v6;
	v7 =	vadd.f32 v7, v8  }
0x494: {  	v8 =	vld [tilespmem:s1+$0x1E000]  }
0x495: {  	v2 =	vld.idx.msk [tilespmem:v2+s2+$0x0], $0xffff;
	v5 =	vmul.f32 v10, v5;
	v6 =	vadd.f32 v6, v7  }
0x496: {  	v7 =	vld [tilespmem:s1+$0x1E080]  }
0x497: {  	v1 =	vld.idx.msk [tilespmem:v1+s2+$0x0], $0xffff;
	v4 =	vmul.f32 v9, v4;
	v5 =	vadd.f32 v5, v6  }
0x498: {  	v6 =	vld [tilespmem:s1+$0x1E100]  }
0x499: {  	v0 =	vld.idx.msk [tilespmem:v0+s2+$0x0], $0xffff;
	v3 =	vmul.f32 v8, v3;
	v4 =	vadd.f32 v4, v5  }
0x49a: {  	v5 =	vld [tilespmem:s0+$0x1C000]  }
0x49b: {  	v2 =	vmul.f32 v7, v2;
	v3 =	vadd.f32 v3, v4;
	_ =	sdelay $0x1  }
0x49c: {  	v1 =	vmul.f32 v6, v1;
	v2 =	vadd.f32 v2, v3;
	_ =	sdelay $0x1  }
0x49d: {  	v0 =	vmul.f32 v5, v0;
	v1 =	vadd.f32 v1, v2;
	_ =	sdelay $0x1  }
0x49e: {  	v0 =	vadd.f32 v0, v1  }
0x49f: {  	s3 =	sand.u32 $0x1F0, s31  }
0x4a0: {  	[tilespmem:s3+$0x1F400] =	vst v0  }
0x4a1: {  	[tilespmem:s25], [sflag:$0x1] =	stream.strided.gather [hbm4b:s10+s23], $0x3000, s24, s23, $0x38;
	[tilespmem:$0x1F800] =	vst v63  }
0x4a2: {  	_ =	swait.ge [sflag:s22], $0x3000  }
0x4a3: {  	[sflag:s22] =	ssyncset.done $0x0  }
0x4a4: {  	s28 =	simm.s32 $0x0;
	[sflag:s22] =	ssyncadd.s32 $0xFFFFD000  }
0x4a5: {  	[tilespmem:s29], [sflag:$0x1] =	stream.strided.gather [hbm4b:s11+s23], $0x3000, s24, s23, $0x38;
	[tilespmem:$0x1F800] =	vst v63  }
0x4a6: {  	s4 =	sand.u32 $0xFFFFFC00, s28;
	_ =	swait.ge [sflag:s22], $0x3000  }
0x4a7: {  	s5 =	sand.u32 $0x70, s28;
	s6 =	sadd.s32 $0x0, s4;
	[sflag:s22] =	ssyncset.done $0x0  }
0x4a8: {  	s7 =	sand.u32 $0xC00, s28;
	s0 =	sor.u32 $0x2180, s6;
	[sflag:s22] =	ssyncadd.s32 $0xFFFFD000  }
0x4a9: {  	s1 =	sor.u32 s5, s7;
	v0 =	vld [tilespmem:s0+$0x19000]  }
0x4aa: {  	v1 =	vld [tilespmem:s1+$0x1B100]  }
0x4ab: {  	s7 =	sor.u32 s28, s28;
	v2 =	vld [tilespmem:s1+$0x1B080]  }
0x4ac: {  	s3 =	sor.u32 $0x1380, s7;
	v3 =	vld [tilespmem:s1+$0x1B000]  }
0x4ad: {  	v4 =	vld [tilespmem:s3+$0x19000]  }
0x4ae: {  	v5 =	vld [tilespmem:s1+$0x1A300]  }
0x4af: {  	v6 =	vld [tilespmem:s1+$0x1A280]  }
0x4b0: {  	s5 =	sor.u32 $0x1180, s6;
	v7 =	vld [tilespmem:s1+$0x1A200]  }
0x4b1: {  	v8 =	vld [tilespmem:s5+$0x19000]  }
0x4b2: {  	v9 =	vld [tilespmem:s1+$0x1A100]  }
0x4b3: {  	s4 =	simm.s32 $0x10;
	s31 =	simm.s32 $0x0;
	v10 =	vld [tilespmem:s1+$0x1A080]  }
.LBB2_19:
0x4b4: {  	p2 =	sne.s32 s4, $0x1F0;
	v11 =	vld [tilespmem:s1+$0x1A000]  }
0x4b5: {  	s7 =	sor.u32 $0x380, s7;
	v12 =	vld [tilespmem:s1+$0x19000]  }
0x4b6: {  	v13 =	vld [tilespmem:s7+$0x19000]  }
0x4b7: {  	v14 =	vld [tilespmem:s1+$0x19080]  }
0x4b8: {  	v15 =	vld [tilespmem:s1+$0x19300]  }
0x4b9: {  	v16 =	vld [tilespmem:s1+$0x19100]  }
0x4ba: {  	s6 =	sor.u32 $0x180, s6;
	v17 =	vld [tilespmem:s1+$0x19280]  }
0x4bb: {  	v18 =	vld [tilespmem:s6+$0x19000]  }
0x4bc: {  	v19 =	vld [tilespmem:s1+$0x19200]  }
0x4bd: {  	v12 =	vld.idx.msk [tilespmem:v12+s2+$0x0], $0xffff  }
0x4be: {  	v20 =	vld [tilespmem:s1+$0x1C000]  }
0x4bf: {  	v14 =	vld.idx.msk [tilespmem:v14+s2+$0x0], $0xffff  }
0x4c0: {  	v21 =	vld [tilespmem:s1+$0x1C080]  }
0x4c1: {  	v16 =	vld.idx.msk [tilespmem:v16+s2+$0x0], $0xffff  }
0x4c2: {  	v22 =	vld [tilespmem:s1+$0x1C100]  }
0x4c3: {  	v12 =	vmul.f32 v20, v12;
	v18 =	vld.idx.msk [tilespmem:v18+s2+$0x0], $0xffff  }
0x4c4: {  	v20 =	vld [tilespmem:s6+$0x1C000]  }
0x4c5: {  	v12 =	vadd.f32 $0.0e+00, v12;
	v14 =	vmul.f32 v21, v14;
	v19 =	vld.idx.msk [tilespmem:v19+s2+$0x0], $0xffff  }
0x4c6: {  	v21 =	vld [tilespmem:s1+$0x1C200]  }
0x4c7: {  	v12 =	vadd.f32 v14, v12;
	v14 =	vmul.f32 v22, v16;
	v16 =	vld.idx.msk [tilespmem:v17+s2+$0x0], $0xffff  }
0x4c8: {  	v17 =	vld [tilespmem:s1+$0x1C280]  }
0x4c9: {  	v12 =	vadd.f32 v14, v12;
	v14 =	vmul.f32 v20, v18;
	v15 =	vld.idx.msk [tilespmem:v15+s2+$0x0], $0xffff  }
0x4ca: {  	v18 =	vld [tilespmem:s1+$0x1C300]  }
0x4cb: {  	v12 =	vadd.f32 v14, v12;
	v14 =	vmul.f32 v21, v19;
	v13 =	vld.idx.msk [tilespmem:v13+s2+$0x0], $0xffff  }
0x4cc: {  	v19 =	vld [tilespmem:s7+$0x1C000]  }
0x4cd: {  	v12 =	vadd.f32 v14, v12;
	v14 =	vmul.f32 v17, v16;
	v11 =	vld.idx.msk [tilespmem:v11+s2+$0x0], $0xffff  }
0x4ce: {  	v16 =	vld [tilespmem:s1+$0x1D000]  }
0x4cf: {  	v12 =	vadd.f32 v14, v12;
	v14 =	vmul.f32 v18, v15;
	v10 =	vld.idx.msk [tilespmem:v10+s2+$0x0], $0xffff  }
0x4d0: {  	v15 =	vld [tilespmem:s1+$0x1D080]  }
0x4d1: {  	v12 =	vadd.f32 v14, v12;
	v13 =	vmul.f32 v19, v13;
	v9 =	vld.idx.msk [tilespmem:v9+s2+$0x0], $0xffff  }
0x4d2: {  	v14 =	vld [tilespmem:s1+$0x1D100]  }
0x4d3: {  	v12 =	vadd.f32 v13, v12;
	v11 =	vmul.f32 v16, v11;
	v8 =	vld.idx.msk [tilespmem:v8+s2+$0x0], $0xffff  }
0x4d4: {  	v13 =	vld [tilespmem:s5+$0x1C000]  }
0x4d5: {  	v11 =	vadd.f32 v11, v12;
	v10 =	vmul.f32 v15, v10;
	v7 =	vld.idx.msk [tilespmem:v7+s2+$0x0], $0xffff  }
0x4d6: {  	v12 =	vld [tilespmem:s1+$0x1D200]  }
0x4d7: {  	v10 =	vadd.f32 v10, v11;
	v9 =	vmul.f32 v14, v9;
	v6 =	vld.idx.msk [tilespmem:v6+s2+$0x0], $0xffff  }
0x4d8: {  	v11 =	vld [tilespmem:s1+$0x1D280]  }
0x4d9: {  	v9 =	vadd.f32 v9, v10;
	v8 =	vmul.f32 v13, v8;
	v5 =	vld.idx.msk [tilespmem:v5+s2+$0x0], $0xffff  }
0x4da: {  	v10 =	vld [tilespmem:s1+$0x1D300]  }
0x4db: {  	v8 =	vadd.f32 v8, v9;
	v7 =	vmul.f32 v12, v7;
	v4 =	vld.idx.msk [tilespmem:v4+s2+$0x0], $0xffff  }
0x4dc: {  	v9 =	vld [tilespmem:s3+$0x1C000]  }
0x4dd: {  	v7 =	vadd.f32 v7, v8;
	v6 =	vmul.f32 v11, v6;
	v3 =	vld.idx.msk [tilespmem:v3+s2+$0x0], $0xffff  }
0x4de: {  	v8 =	vld [tilespmem:s1+$0x1E000]  }
0x4df: {  	v6 =	vadd.f32 v6, v7;
	v5 =	vmul.f32 v10, v5;
	v2 =	vld.idx.msk [tilespmem:v2+s2+$0x0], $0xffff  }
0x4e0: {  	v7 =	vld [tilespmem:s1+$0x1E080]  }
0x4e1: {  	v5 =	vadd.f32 v5, v6;
	v4 =	vmul.f32 v9, v4;
	v1 =	vld.idx.msk [tilespmem:v1+s2+$0x0], $0xffff  }
0x4e2: {  	v6 =	vld [tilespmem:s1+$0x1E100]  }
0x4e3: {  	v4 =	vadd.f32 v4, v5;
	v3 =	vmul.f32 v8, v3;
	v0 =	vld.idx.msk [tilespmem:v0+s2+$0x0], $0xffff  }
0x4e4: {  	v5 =	vld [tilespmem:s0+$0x1C000]  }
0x4e5: {  	v3 =	vadd.f32 v3, v4;
	v2 =	vmul.f32 v7, v2;
	_ =	sdelay $0x1  }
0x4e6: {  	v2 =	vadd.f32 v2, v3;
	v1 =	vmul.f32 v6, v1;
	_ =	sdelay $0x1  }
0x4e7: {  	v1 =	vadd.f32 v1, v2;
	v0 =	vmul.f32 v5, v0  }
0x4e8: {  	s28 =	sadd.s32 $0x80, s28  }
0x4e9: {  	s0 =	sand.u32 $0xFFFFFC00, s28;
	v0 =	vadd.f32 v0, v1  }
0x4ea: {  	s1 =	sand.u32 $0x1F0, s31;
	s31 =	smov.u32 s4;
	s6 =	sadd.s32 s0, s4  }
0x4eb: {  	s5 =	sand.u32 $0xC00, s28;
	s3 =	sand.u32 $0x70, s4;
	s0 =	sor.u32 $0x2180, s6;
	[tilespmem:s1+$0x1F600] =	vst v0  }
0x4ec: {  	s1 =	sor.u32 s3, s5;
	v0 =	vld [tilespmem:s0+$0x19000]  }
0x4ed: {  	v1 =	vld [tilespmem:s1+$0x1B100]  }
0x4ee: {  	s7 =	sor.u32 s4, s28;
	v2 =	vld [tilespmem:s1+$0x1B080]  }
0x4ef: {  	s3 =	sor.u32 $0x1380, s7;
	v3 =	vld [tilespmem:s1+$0x1B000]  }
0x4f0: {  	v4 =	vld [tilespmem:s3+$0x19000]  }
0x4f1: {  	v5 =	vld [tilespmem:s1+$0x1A300]  }
.Ltmp12:
0x4f2: {  	v6 =	vld [tilespmem:s1+$0x1A280];
	(pc) =	sbr.rel @p2 .LBB2_19-.Ltmp12, $4  }
0x4f3: {  	s5 =	sor.u32 $0x1180, s6;
	v7 =	vld [tilespmem:s1+$0x1A200]  }
0x4f4: {  	v8 =	vld [tilespmem:s5+$0x19000]  }
0x4f5: {  	v9 =	vld [tilespmem:s1+$0x1A100]  }
0x4f6: {  	s4 =	sadd.s32 $0x10, s4;
	v10 =	vld [tilespmem:s1+$0x1A080]  }
.Ltmp13:
0x4f7: {  	_ = 	snop;
	(pc) =	sbr.rel .LBB2_20-.Ltmp13, $1  }
0x4f8: {  	_ =	sdelay $0x3  }
.LBB2_23:
0x4f9: {  	_ =	sfence.sel $0x180000  }
0x4fa: {  	[bflag:$0x0] =	sbarrier.arrive $0xFFFF  }
0x4fb: {  	_ =	strace $0x90000047  }
0x4fc: {  	s0 =	stileid.u32;
	[bflag:$0x2] =	sbarrier.arrive $0xFFFF  }
0x4fd: {  	p0 =	sne.s32 s0, $0x0;
	s0 =	rddreg [dreg:$0x1]  }
0x4fe: {  	s0 =	sadd.s32 @!p0 $0x100000, s0  }
0x4ff: {  	[sflag:s0] =	ssyncadd.tile.s32 @!p0 $0x1;
	_ =	shalt  }
.Lfunc_end2:
_tile_overlayer_lowered:
.L_overlay_start_2:
0x500: {  	(tag) =	ssettag $0x2  }
0x501: {  	s0 =	rddreg [dreg:$0x0];
	s2 =	stileid.u32  }
0x502: {  	s1 =	rddreg [dreg:$0x1];
	p0 =	sne.s32 s2, $0x0  }
0x503: {  	s3 =	rddreg [dreg:$0x2];
	[bflag:$0x3] =	sbarrier.arrive $0xFFFF;
	s2 =	simm.s32 @!p0 $0x1C01  }
0x504: {  	[timem:s3], [sflag:s2] =	dma.local @!p0 [hbm:s0], s1  }
0x505: {  	s0 =	simm.s32 @!p0 $0x1  }
0x506: {  	_ =	swait.ge @!p0 [sflag:s0], s1  }
0x507: {  	s1 =	ssub.s32 @!p0 $0x0, s1;
	[sflag:s0] =	ssyncset.done @!p0 $0x0  }
0x508: {  	[sflag:s0] =	ssyncadd.s32 @!p0 s1  }
0x509: {  	[bflag:$0x3] =	sbarrier.arrive $0xFFFF  }
0x50a: {  	_ =	shalt  }

</sc_bundles>
